<compile_context>
chip_gen: v7x
topology: tpu7x:2x2x1
jax: 0.10.2.dev20260603
libtpu: 0.0.44.dev20260713+nightly
codegen_flags: <defaults>
</compile_context>

<pallas_src>
import functools

import jax
import jax.numpy as jnp
from jax import lax
from jax.experimental import pallas as pl
from jax.experimental.pallas import tpu as pltpu
from jax.experimental.pallas import tpu_sc as plsc

N_EXPERTS = 64
TOPK = 8
LANES = 16
NUM_WORKERS = 32
ROW_BLOCK = 512


def _logits_body(w_ref, hs_ref, out_ref):
    out_ref[...] = lax.dot_general(
        w_ref[...], hs_ref[...],
        dimension_numbers=(((1,), (1,)), ((), ())),
        preferred_element_type=jnp.float32)


def _compute_logits_t(hs, w, chunk, row0):
    n, h = hs.shape
    blocks = chunk // ROW_BLOCK
    base = row0 // ROW_BLOCK
    return pl.pallas_call(
        _logits_body,
        grid=(blocks,),
        in_specs=[
            pl.BlockSpec((N_EXPERTS, h), lambda i: (0, 0)),
            pl.BlockSpec((ROW_BLOCK, h), lambda i: (base + i, 0)),
        ],
        out_specs=pl.BlockSpec((N_EXPERTS, ROW_BLOCK), lambda i: (0, i)),
        out_shape=jax.ShapeDtypeStruct((N_EXPERTS, chunk), jnp.float32),
        compiler_params=pltpu.CompilerParams(
            dimension_semantics=("parallel",)),
    )(w, hs)


def _comb(a, b):
    av, ai = a
    bv, bi = b
    take_a = av >= bv
    return jnp.where(take_a, av, bv), jnp.where(take_a, ai, bi)


def _tree_max(pairs):
    while len(pairs) > 1:
        nxt = [_comb(pairs[k], pairs[k + 1])
               for k in range(0, len(pairs) - 1, 2)]
        if len(pairs) % 2:
            nxt.append(pairs[-1])
        pairs = nxt
    return pairs[0]


def _make_route(n_rows):
    rows_per_w = n_rows // NUM_WORKERS
    groups = rows_per_w // LANES
    mesh = plsc.VectorSubcoreMesh(core_axis_name="c", subcore_axis_name="s")

    @functools.partial(
        pl.kernel,
        out_type=[
            jax.ShapeDtypeStruct((n_rows * TOPK,), jnp.float32),
            jax.ShapeDtypeStruct((n_rows * TOPK,), jnp.int32),
        ],
        mesh=mesh,
        scratch_types=[
            pltpu.VMEM((N_EXPERTS, rows_per_w), jnp.float32),
            pltpu.VMEM((rows_per_w * TOPK,), jnp.float32),
            pltpu.VMEM((rows_per_w * TOPK,), jnp.int32),
        ],
        compiler_params=pltpu.CompilerParams(needs_layout_passes=False),
    )
    def route(logits_hbm, w_out, e_out, slab, w_buf, e_buf):
        wid = lax.axis_index("s") * 2 + lax.axis_index("c")
        base = wid * rows_per_w
        pltpu.sync_copy(logits_hbm.at[:, pl.ds(base, rows_per_w)], slab)

        n_blk = N_EXPERTS // TOPK
        neg_inf = jnp.full((LANES,), -jnp.inf, jnp.float32)

        def group_body(g, carry):
            rows = g * LANES + lax.iota(jnp.int32, LANES)
            bm = []
            bi = []
            for b in range(n_blk):
                leaves = []
                for e in range(b * 8, b * 8 + 8):
                    col = jnp.full((LANES,), e, jnp.int32)
                    v = slab[e, pl.ds(g * LANES, LANES)]
                    leaves.append((v, col))
                v, i = _tree_max(leaves)
                bm.append(v)
                bi.append(i)
            sel_v = []
            sel_i = []
            for j in range(TOPK):
                gv, gi = _tree_max(list(zip(bm, bi)))
                sel_v.append(gv)
                sel_i.append(gi)
                if j == TOPK - 1:
                    break
                plsc.store_scatter(slab, [gi, rows], neg_inf)
                blk8 = gi & ~jnp.int32(7)
                leaves = []
                for t in range(8):
                    idx = blk8 + t
                    v = plsc.load_gather(slab, [idx, rows])
                    leaves.append((v, idx))
                nv, ni = _tree_max(leaves)
                for b in range(n_blk):
                    is_b = blk8 == (b * 8)
                    bm[b] = jnp.where(is_b, nv, bm[b])
                    bi[b] = jnp.where(is_b, ni, bi[b])
            es = [jnp.exp(v - sel_v[0]) for v in sel_v]
            s = es[0]
            for j in range(1, TOPK):
                s = s + es[j]
            rcp = 1.0 / s
            out_off = rows * TOPK
            for j in range(TOPK):
                plsc.store_scatter(w_buf, [out_off + j], es[j] * rcp)
                plsc.store_scatter(e_buf, [out_off + j], sel_i[j])
            return carry

        lax.fori_loop(0, groups, group_body, 0)
        pltpu.sync_copy(w_buf,
                        w_out.at[pl.ds(base * TOPK, rows_per_w * TOPK)])
        pltpu.sync_copy(e_buf,
                        e_out.at[pl.ds(base * TOPK, rows_per_w * TOPK)])

    return route


CHUNK_SIZES = (8192, 8192)


@jax.jit
def kernel(hidden_states, W):
    routes = {c: _make_route(c) for c in set(CHUNK_SIZES)}
    logits = []
    row0 = 0
    for chunk in CHUNK_SIZES:
        logits.append(_compute_logits_t(hidden_states, W, chunk, row0))
        row0 += chunk
    ws = []
    es = []
    for chunk, logits_t in zip(CHUNK_SIZES, logits):
        w_c, e_c = routes[chunk](logits_t)
        ws.append(w_c.reshape(chunk, TOPK))
        es.append(e_c.reshape(chunk, TOPK))
    return jnp.concatenate(ws, 0), jnp.concatenate(es, 0)

# --- scband reference (transcript-rebuilt; emitter-appended) ---
"""Pipeline reference for scband-gate-45853070852657 (READ-ONLY COPY).

The authoritative reference and input builder live on the scoring server;
editing this copy changes nothing except your own understanding.
"""

import jax, jax.numpy as jnp
import numpy as np

TOP_K = 8
NORM_TOPK_PROB = True

def setup_inputs(seed: int = 0) -> dict:
    key = jax.random.key(seed)
    k1, k2 = jax.random.split(key)
    hidden_states = jax.random.normal(k1, (16384, 4096), dtype=jnp.float32)
    # nn.Linear(hidden_size=4096, n_routed_experts=64, bias=False): weight shape [64, 4096]
    W = jax.random.normal(k2, (64, 4096), dtype=jnp.float32) * 0.02
    return {"hidden_states": hidden_states, "W": W}

def reference(hidden_states, W):
    logits = hidden_states @ W.T
    probs = jax.nn.softmax(logits, axis=-1)
    routing_weights, selected_experts = jax.lax.top_k(probs, TOP_K)
    if NORM_TOPK_PROB:
        routing_weights = routing_weights / (jnp.sum(routing_weights, axis=-1, keepdims=True) + 1e-20)
    return (routing_weights, selected_experts)

if __name__ == "__main__":
    import jax
    _d = setup_inputs()
    print(jax.jit(kernel)(*tuple(_d.values())))

</pallas_src>

<mosaic_0001>
#map = affine_map<(d0, d1) -> (0, 0)>
#map1 = affine_map<(d0, d1) -> (0)>
module attributes {stable_mosaic.version = 14 : i64} {
  func.func @route(%arg0: i32, %arg1: i32, %arg2: memref<64x8192xf32, #tpu.memory_space<hbm>>, %arg3: memref<65536xf32, #tpu.memory_space<hbm>>, %arg4: memref<65536xi32, #tpu.memory_space<hbm>>, %arg5: memref<64x256xf32, #tpu.memory_space<vmem>>, %arg6: memref<2048xf32, #tpu.memory_space<vmem>>, %arg7: memref<2048xi32, #tpu.memory_space<vmem>>) attributes {dimension_semantics = [#tpu.dimension_semantics<core_parallel>, #tpu.dimension_semantics<subcore_parallel>], iteration_bounds = array<i64: 2, 16>, scalar_prefetch = 0 : i64, scratch_operands = 3 : i64, tpu.core_type = #tpu.core_type<sc_vector_subcore>, window_params = [{transform_indices = #map}, {transform_indices = #map1}, {transform_indices = #map1}]} {
    %mul3A = arith.constant 2 : i32
    %mul3A_0 = arith.muli %arg1, %mul3A : i32
    %add3A = arith.addi %mul3A_0, %arg0 : i32
    %mul3A_1 = arith.constant 256 : i32
    %mul3A_2 = arith.muli %add3A, %mul3A_1 : i32
    "tpu.region"() ({
      %run_scoped3A = tpu.sem_alloc : memref<!tpu.dma_semaphore, #tpu.memory_space<semaphore_mem>>
      %dma_start3A = arith.constant 0 : i32
      %dma_start3A_13 = tpu.memref_slice %arg2[%dma_start3A, %mul3A_2] : memref<64x8192xf32, #tpu.memory_space<hbm>> -> memref<64x256xf32, #tpu.memory_space<hbm>>
      %dma_start3A_14 = arith.constant 0 : i32
      %dma_start3A_15 = tpu.memref_slice %arg2[%dma_start3A_14, %mul3A_2] : memref<64x8192xf32, #tpu.memory_space<hbm>> -> memref<64x256xf32, #tpu.memory_space<hbm>>
      tpu.enqueue_dma source(%dma_start3A_15 : memref<64x256xf32, #tpu.memory_space<hbm>>) target(%arg5 : memref<64x256xf32, #tpu.memory_space<vmem>>) target_semaphore(%run_scoped3A : memref<!tpu.dma_semaphore, #tpu.memory_space<semaphore_mem>>)
      %dma_wait3A = arith.constant 0 : i32
      %dma_wait3A_16 = tpu.memref_slice %arg2[%dma_wait3A, %mul3A_2] : memref<64x8192xf32, #tpu.memory_space<hbm>> -> memref<64x256xf32, #tpu.memory_space<hbm>>
      %dma_wait3A_17 = arith.constant 0 : i32
      %dma_wait3A_18 = tpu.memref_slice %arg2[%dma_wait3A_17, %mul3A_2] : memref<64x8192xf32, #tpu.memory_space<hbm>> -> memref<64x256xf32, #tpu.memory_space<hbm>>
      tpu.wait_dma2 semaphore(%run_scoped3A : memref<!tpu.dma_semaphore, #tpu.memory_space<semaphore_mem>>) src(%dma_wait3A_18 : memref<64x256xf32, #tpu.memory_space<hbm>>) dst(%arg5 : memref<64x256xf32, #tpu.memory_space<vmem>>)
      tpu.yield
    }) : () -> ()
    %broadcast_in_dim3A = arith.constant 0xFF800000 : f32
    %broadcast_in_dim3A_3 = vector.broadcast %broadcast_in_dim3A : f32 to vector<16xf32>
    %scan3A = arith.constant 0 : i32
    %scan3A_4 = arith.constant 0 : i32
    %scan3A_5 = arith.constant 16 : i32
    %scan3A_6 = arith.addi %scan3A_4, %scan3A_5 : i32
    %scan3A_7 = arith.constant 1 : i32
    scf.for %scan3A_13 = %scan3A_4 to %scan3A_6 step %scan3A_7  : i32 {
      %mul3A_14 = arith.constant 16 : i32
      %mul3A_15 = arith.muli %scan3A_13, %mul3A_14 : i32
      %iota3A = tpu.iota {dimensions = array<i32: 0>} : vector<16xi32>
      %add3A_16 = vector.broadcast %mul3A_15 : i32 to vector<16xi32>
      %add3A_17 = arith.addi %add3A_16, %iota3A : vector<16xi32>
      %broadcast_in_dim3A_18 = arith.constant 0 : i32
      %broadcast_in_dim3A_19 = vector.broadcast %broadcast_in_dim3A_18 : i32 to vector<16xi32>
      %mul3A_20 = arith.constant 16 : i32
      %mul3A_21 = arith.muli %scan3A_13, %mul3A_20 : i32
      %get3A = arith.constant 0 : i32
      %get3A_22 = arith.index_cast %get3A : i32 to index
      %get3A_23 = arith.index_cast %mul3A_21 : i32 to index
      %get3A_24 = tpu.vector_load %arg5[%get3A_22, %get3A_23] {strides = array<i32>} : memref<64x256xf32, #tpu.memory_space<vmem>>, vector<16xf32>,
      %broadcast_in_dim3A_25 = arith.constant 1 : i32
      %broadcast_in_dim3A_26 = vector.broadcast %broadcast_in_dim3A_25 : i32 to vector<16xi32>
      %mul3A_27 = arith.constant 16 : i32
      %mul3A_28 = arith.muli %scan3A_13, %mul3A_27 : i32
      %get3A_29 = arith.constant 1 : i32
      %get3A_30 = arith.index_cast %get3A_29 : i32 to index
      %get3A_31 = arith.index_cast %mul3A_28 : i32 to index
      %get3A_32 = tpu.vector_load %arg5[%get3A_30, %get3A_31] {strides = array<i32>} : memref<64x256xf32, #tpu.memory_space<vmem>>, vector<16xf32>,
      %broadcast_in_dim3A_33 = arith.constant 2 : i32
      %broadcast_in_dim3A_34 = vector.broadcast %broadcast_in_dim3A_33 : i32 to vector<16xi32>
      %mul3A_35 = arith.constant 16 : i32
      %mul3A_36 = arith.muli %scan3A_13, %mul3A_35 : i32
      %get3A_37 = arith.constant 2 : i32
      %get3A_38 = arith.index_cast %get3A_37 : i32 to index
      %get3A_39 = arith.index_cast %mul3A_36 : i32 to index
      %get3A_40 = tpu.vector_load %arg5[%get3A_38, %get3A_39] {strides = array<i32>} : memref<64x256xf32, #tpu.memory_space<vmem>>, vector<16xf32>,
      %broadcast_in_dim3A_41 = arith.constant 3 : i32
      %broadcast_in_dim3A_42 = vector.broadcast %broadcast_in_dim3A_41 : i32 to vector<16xi32>
      %mul3A_43 = arith.constant 16 : i32
      %mul3A_44 = arith.muli %scan3A_13, %mul3A_43 : i32
      %get3A_45 = arith.constant 3 : i32
      %get3A_46 = arith.index_cast %get3A_45 : i32 to index
      %get3A_47 = arith.index_cast %mul3A_44 : i32 to index
      %get3A_48 = tpu.vector_load %arg5[%get3A_46, %get3A_47] {strides = array<i32>} : memref<64x256xf32, #tpu.memory_space<vmem>>, vector<16xf32>,
      %broadcast_in_dim3A_49 = arith.constant 4 : i32
      %broadcast_in_dim3A_50 = vector.broadcast %broadcast_in_dim3A_49 : i32 to vector<16xi32>
      %mul3A_51 = arith.constant 16 : i32
      %mul3A_52 = arith.muli %scan3A_13, %mul3A_51 : i32
      %get3A_53 = arith.constant 4 : i32
      %get3A_54 = arith.index_cast %get3A_53 : i32 to index
      %get3A_55 = arith.index_cast %mul3A_52 : i32 to index
      %get3A_56 = tpu.vector_load %arg5[%get3A_54, %get3A_55] {strides = array<i32>} : memref<64x256xf32, #tpu.memory_space<vmem>>, vector<16xf32>,
      %broadcast_in_dim3A_57 = arith.constant 5 : i32
      %broadcast_in_dim3A_58 = vector.broadcast %broadcast_in_dim3A_57 : i32 to vector<16xi32>
      %mul3A_59 = arith.constant 16 : i32
      %mul3A_60 = arith.muli %scan3A_13, %mul3A_59 : i32
      %get3A_61 = arith.constant 5 : i32
      %get3A_62 = arith.index_cast %get3A_61 : i32 to index
      %get3A_63 = arith.index_cast %mul3A_60 : i32 to index
      %get3A_64 = tpu.vector_load %arg5[%get3A_62, %get3A_63] {strides = array<i32>} : memref<64x256xf32, #tpu.memory_space<vmem>>, vector<16xf32>,
      %broadcast_in_dim3A_65 = arith.constant 6 : i32
      %broadcast_in_dim3A_66 = vector.broadcast %broadcast_in_dim3A_65 : i32 to vector<16xi32>
      %mul3A_67 = arith.constant 16 : i32
      %mul3A_68 = arith.muli %scan3A_13, %mul3A_67 : i32
      %get3A_69 = arith.constant 6 : i32
      %get3A_70 = arith.index_cast %get3A_69 : i32 to index
      %get3A_71 = arith.index_cast %mul3A_68 : i32 to index
      %get3A_72 = tpu.vector_load %arg5[%get3A_70, %get3A_71] {strides = array<i32>} : memref<64x256xf32, #tpu.memory_space<vmem>>, vector<16xf32>,
      %broadcast_in_dim3A_73 = arith.constant 7 : i32
      %broadcast_in_dim3A_74 = vector.broadcast %broadcast_in_dim3A_73 : i32 to vector<16xi32>
      %mul3A_75 = arith.constant 16 : i32
      %mul3A_76 = arith.muli %scan3A_13, %mul3A_75 : i32
      %get3A_77 = arith.constant 7 : i32
      %get3A_78 = arith.index_cast %get3A_77 : i32 to index
      %get3A_79 = arith.index_cast %mul3A_76 : i32 to index
      %get3A_80 = tpu.vector_load %arg5[%get3A_78, %get3A_79] {strides = array<i32>} : memref<64x256xf32, #tpu.memory_space<vmem>>, vector<16xf32>,
      %ge3A = arith.cmpf oge, %get3A_24, %get3A_32 : vector<16xf32>
      %select_n3A = arith.select %ge3A, %get3A_24, %get3A_32 : vector<16xi1>, vector<16xf32>
      %select_n3A_81 = arith.select %ge3A, %broadcast_in_dim3A_19, %broadcast_in_dim3A_26 : vector<16xi1>, vector<16xi32>
      %ge3A_82 = arith.cmpf oge, %get3A_40, %get3A_48 : vector<16xf32>
      %select_n3A_83 = arith.select %ge3A_82, %get3A_40, %get3A_48 : vector<16xi1>, vector<16xf32>
      %select_n3A_84 = arith.select %ge3A_82, %broadcast_in_dim3A_34, %broadcast_in_dim3A_42 : vector<16xi1>, vector<16xi32>
      %ge3A_85 = arith.cmpf oge, %get3A_56, %get3A_64 : vector<16xf32>
      %select_n3A_86 = arith.select %ge3A_85, %get3A_56, %get3A_64 : vector<16xi1>, vector<16xf32>
      %select_n3A_87 = arith.select %ge3A_85, %broadcast_in_dim3A_50, %broadcast_in_dim3A_58 : vector<16xi1>, vector<16xi32>
      %ge3A_88 = arith.cmpf oge, %get3A_72, %get3A_80 : vector<16xf32>
      %select_n3A_89 = arith.select %ge3A_88, %get3A_72, %get3A_80 : vector<16xi1>, vector<16xf32>
      %select_n3A_90 = arith.select %ge3A_88, %broadcast_in_dim3A_66, %broadcast_in_dim3A_74 : vector<16xi1>, vector<16xi32>
      %ge3A_91 = arith.cmpf oge, %select_n3A, %select_n3A_83 : vector<16xf32>
      %select_n3A_92 = arith.select %ge3A_91, %select_n3A, %select_n3A_83 : vector<16xi1>, vector<16xf32>
      %select_n3A_93 = arith.select %ge3A_91, %select_n3A_81, %select_n3A_84 : vector<16xi1>, vector<16xi32>
      %ge3A_94 = arith.cmpf oge, %select_n3A_86, %select_n3A_89 : vector<16xf32>
      %select_n3A_95 = arith.select %ge3A_94, %select_n3A_86, %select_n3A_89 : vector<16xi1>, vector<16xf32>
      %select_n3A_96 = arith.select %ge3A_94, %select_n3A_87, %select_n3A_90 : vector<16xi1>, vector<16xi32>
      %ge3A_97 = arith.cmpf oge, %select_n3A_92, %select_n3A_95 : vector<16xf32>
      %select_n3A_98 = arith.select %ge3A_97, %select_n3A_92, %select_n3A_95 : vector<16xi1>, vector<16xf32>
      %select_n3A_99 = arith.select %ge3A_97, %select_n3A_93, %select_n3A_96 : vector<16xi1>, vector<16xi32>
      %broadcast_in_dim3A_100 = arith.constant 8 : i32
      %broadcast_in_dim3A_101 = vector.broadcast %broadcast_in_dim3A_100 : i32 to vector<16xi32>
      %mul3A_102 = arith.constant 16 : i32
      %mul3A_103 = arith.muli %scan3A_13, %mul3A_102 : i32
      %get3A_104 = arith.constant 8 : i32
      %get3A_105 = arith.index_cast %get3A_104 : i32 to index
      %get3A_106 = arith.index_cast %mul3A_103 : i32 to index
      %get3A_107 = tpu.vector_load %arg5[%get3A_105, %get3A_106] {strides = array<i32>} : memref<64x256xf32, #tpu.memory_space<vmem>>, vector<16xf32>,
      %broadcast_in_dim3A_108 = arith.constant 9 : i32
      %broadcast_in_dim3A_109 = vector.broadcast %broadcast_in_dim3A_108 : i32 to vector<16xi32>
      %mul3A_110 = arith.constant 16 : i32
      %mul3A_111 = arith.muli %scan3A_13, %mul3A_110 : i32
      %get3A_112 = arith.constant 9 : i32
      %get3A_113 = arith.index_cast %get3A_112 : i32 to index
      %get3A_114 = arith.index_cast %mul3A_111 : i32 to index
      %get3A_115 = tpu.vector_load %arg5[%get3A_113, %get3A_114] {strides = array<i32>} : memref<64x256xf32, #tpu.memory_space<vmem>>, vector<16xf32>,
      %broadcast_in_dim3A_116 = arith.constant 10 : i32
      %broadcast_in_dim3A_117 = vector.broadcast %broadcast_in_dim3A_116 : i32 to vector<16xi32>
      %mul3A_118 = arith.constant 16 : i32
      %mul3A_119 = arith.muli %scan3A_13, %mul3A_118 : i32
      %get3A_120 = arith.constant 10 : i32
      %get3A_121 = arith.index_cast %get3A_120 : i32 to index
      %get3A_122 = arith.index_cast %mul3A_119 : i32 to index
      %get3A_123 = tpu.vector_load %arg5[%get3A_121, %get3A_122] {strides = array<i32>} : memref<64x256xf32, #tpu.memory_space<vmem>>, vector<16xf32>,
      %broadcast_in_dim3A_124 = arith.constant 11 : i32
      %broadcast_in_dim3A_125 = vector.broadcast %broadcast_in_dim3A_124 : i32 to vector<16xi32>
      %mul3A_126 = arith.constant 16 : i32
      %mul3A_127 = arith.muli %scan3A_13, %mul3A_126 : i32
      %get3A_128 = arith.constant 11 : i32
      %get3A_129 = arith.index_cast %get3A_128 : i32 to index
      %get3A_130 = arith.index_cast %mul3A_127 : i32 to index
      %get3A_131 = tpu.vector_load %arg5[%get3A_129, %get3A_130] {strides = array<i32>} : memref<64x256xf32, #tpu.memory_space<vmem>>, vector<16xf32>,
      %broadcast_in_dim3A_132 = arith.constant 12 : i32
      %broadcast_in_dim3A_133 = vector.broadcast %broadcast_in_dim3A_132 : i32 to vector<16xi32>
      %mul3A_134 = arith.constant 16 : i32
      %mul3A_135 = arith.muli %scan3A_13, %mul3A_134 : i32
      %get3A_136 = arith.constant 12 : i32
      %get3A_137 = arith.index_cast %get3A_136 : i32 to index
      %get3A_138 = arith.index_cast %mul3A_135 : i32 to index
      %get3A_139 = tpu.vector_load %arg5[%get3A_137, %get3A_138] {strides = array<i32>} : memref<64x256xf32, #tpu.memory_space<vmem>>, vector<16xf32>,
      %broadcast_in_dim3A_140 = arith.constant 13 : i32
      %broadcast_in_dim3A_141 = vector.broadcast %broadcast_in_dim3A_140 : i32 to vector<16xi32>
      %mul3A_142 = arith.constant 16 : i32
      %mul3A_143 = arith.muli %scan3A_13, %mul3A_142 : i32
      %get3A_144 = arith.constant 13 : i32
      %get3A_145 = arith.index_cast %get3A_144 : i32 to index
      %get3A_146 = arith.index_cast %mul3A_143 : i32 to index
      %get3A_147 = tpu.vector_load %arg5[%get3A_145, %get3A_146] {strides = array<i32>} : memref<64x256xf32, #tpu.memory_space<vmem>>, vector<16xf32>,
      %broadcast_in_dim3A_148 = arith.constant 14 : i32
      %broadcast_in_dim3A_149 = vector.broadcast %broadcast_in_dim3A_148 : i32 to vector<16xi32>
      %mul3A_150 = arith.constant 16 : i32
      %mul3A_151 = arith.muli %scan3A_13, %mul3A_150 : i32
      %get3A_152 = arith.constant 14 : i32
      %get3A_153 = arith.index_cast %get3A_152 : i32 to index
      %get3A_154 = arith.index_cast %mul3A_151 : i32 to index
      %get3A_155 = tpu.vector_load %arg5[%get3A_153, %get3A_154] {strides = array<i32>} : memref<64x256xf32, #tpu.memory_space<vmem>>, vector<16xf32>,
      %broadcast_in_dim3A_156 = arith.constant 15 : i32
      %broadcast_in_dim3A_157 = vector.broadcast %broadcast_in_dim3A_156 : i32 to vector<16xi32>
      %mul3A_158 = arith.constant 16 : i32
      %mul3A_159 = arith.muli %scan3A_13, %mul3A_158 : i32
      %get3A_160 = arith.constant 15 : i32
      %get3A_161 = arith.index_cast %get3A_160 : i32 to index
      %get3A_162 = arith.index_cast %mul3A_159 : i32 to index
      %get3A_163 = tpu.vector_load %arg5[%get3A_161, %get3A_162] {strides = array<i32>} : memref<64x256xf32, #tpu.memory_space<vmem>>, vector<16xf32>,
      %ge3A_164 = arith.cmpf oge, %get3A_107, %get3A_115 : vector<16xf32>
      %select_n3A_165 = arith.select %ge3A_164, %get3A_107, %get3A_115 : vector<16xi1>, vector<16xf32>
      %select_n3A_166 = arith.select %ge3A_164, %broadcast_in_dim3A_101, %broadcast_in_dim3A_109 : vector<16xi1>, vector<16xi32>
      %ge3A_167 = arith.cmpf oge, %get3A_123, %get3A_131 : vector<16xf32>
      %select_n3A_168 = arith.select %ge3A_167, %get3A_123, %get3A_131 : vector<16xi1>, vector<16xf32>
      %select_n3A_169 = arith.select %ge3A_167, %broadcast_in_dim3A_117, %broadcast_in_dim3A_125 : vector<16xi1>, vector<16xi32>
      %ge3A_170 = arith.cmpf oge, %get3A_139, %get3A_147 : vector<16xf32>
      %select_n3A_171 = arith.select %ge3A_170, %get3A_139, %get3A_147 : vector<16xi1>, vector<16xf32>
      %select_n3A_172 = arith.select %ge3A_170, %broadcast_in_dim3A_133, %broadcast_in_dim3A_141 : vector<16xi1>, vector<16xi32>
      %ge3A_173 = arith.cmpf oge, %get3A_155, %get3A_163 : vector<16xf32>
      %select_n3A_174 = arith.select %ge3A_173, %get3A_155, %get3A_163 : vector<16xi1>, vector<16xf32>
      %select_n3A_175 = arith.select %ge3A_173, %broadcast_in_dim3A_149, %broadcast_in_dim3A_157 : vector<16xi1>, vector<16xi32>
      %ge3A_176 = arith.cmpf oge, %select_n3A_165, %select_n3A_168 : vector<16xf32>
      %select_n3A_177 = arith.select %ge3A_176, %select_n3A_165, %select_n3A_168 : vector<16xi1>, vector<16xf32>
      %select_n3A_178 = arith.select %ge3A_176, %select_n3A_166, %select_n3A_169 : vector<16xi1>, vector<16xi32>
      %ge3A_179 = arith.cmpf oge, %select_n3A_171, %select_n3A_174 : vector<16xf32>
      %select_n3A_180 = arith.select %ge3A_179, %select_n3A_171, %select_n3A_174 : vector<16xi1>, vector<16xf32>
      %select_n3A_181 = arith.select %ge3A_179, %select_n3A_172, %select_n3A_175 : vector<16xi1>, vector<16xi32>
      %ge3A_182 = arith.cmpf oge, %select_n3A_177, %select_n3A_180 : vector<16xf32>
      %select_n3A_183 = arith.select %ge3A_182, %select_n3A_177, %select_n3A_180 : vector<16xi1>, vector<16xf32>
      %select_n3A_184 = arith.select %ge3A_182, %select_n3A_178, %select_n3A_181 : vector<16xi1>, vector<16xi32>
      %broadcast_in_dim3A_185 = arith.constant 16 : i32
      %broadcast_in_dim3A_186 = vector.broadcast %broadcast_in_dim3A_185 : i32 to vector<16xi32>
      %mul3A_187 = arith.constant 16 : i32
      %mul3A_188 = arith.muli %scan3A_13, %mul3A_187 : i32
      %get3A_189 = arith.constant 16 : i32
      %get3A_190 = arith.index_cast %get3A_189 : i32 to index
      %get3A_191 = arith.index_cast %mul3A_188 : i32 to index
      %get3A_192 = tpu.vector_load %arg5[%get3A_190, %get3A_191] {strides = array<i32>} : memref<64x256xf32, #tpu.memory_space<vmem>>, vector<16xf32>,
      %broadcast_in_dim3A_193 = arith.constant 17 : i32
      %broadcast_in_dim3A_194 = vector.broadcast %broadcast_in_dim3A_193 : i32 to vector<16xi32>
      %mul3A_195 = arith.constant 16 : i32
      %mul3A_196 = arith.muli %scan3A_13, %mul3A_195 : i32
      %get3A_197 = arith.constant 17 : i32
      %get3A_198 = arith.index_cast %get3A_197 : i32 to index
      %get3A_199 = arith.index_cast %mul3A_196 : i32 to index
      %get3A_200 = tpu.vector_load %arg5[%get3A_198, %get3A_199] {strides = array<i32>} : memref<64x256xf32, #tpu.memory_space<vmem>>, vector<16xf32>,
      %broadcast_in_dim3A_201 = arith.constant 18 : i32
      %broadcast_in_dim3A_202 = vector.broadcast %broadcast_in_dim3A_201 : i32 to vector<16xi32>
      %mul3A_203 = arith.constant 16 : i32
      %mul3A_204 = arith.muli %scan3A_13, %mul3A_203 : i32
      %get3A_205 = arith.constant 18 : i32
      %get3A_206 = arith.index_cast %get3A_205 : i32 to index
      %get3A_207 = arith.index_cast %mul3A_204 : i32 to index
      %get3A_208 = tpu.vector_load %arg5[%get3A_206, %get3A_207] {strides = array<i32>} : memref<64x256xf32, #tpu.memory_space<vmem>>, vector<16xf32>,
      %broadcast_in_dim3A_209 = arith.constant 19 : i32
      %broadcast_in_dim3A_210 = vector.broadcast %broadcast_in_dim3A_209 : i32 to vector<16xi32>
      %mul3A_211 = arith.constant 16 : i32
      %mul3A_212 = arith.muli %scan3A_13, %mul3A_211 : i32
      %get3A_213 = arith.constant 19 : i32
      %get3A_214 = arith.index_cast %get3A_213 : i32 to index
      %get3A_215 = arith.index_cast %mul3A_212 : i32 to index
      %get3A_216 = tpu.vector_load %arg5[%get3A_214, %get3A_215] {strides = array<i32>} : memref<64x256xf32, #tpu.memory_space<vmem>>, vector<16xf32>,
      %broadcast_in_dim3A_217 = arith.constant 20 : i32
      %broadcast_in_dim3A_218 = vector.broadcast %broadcast_in_dim3A_217 : i32 to vector<16xi32>
      %mul3A_219 = arith.constant 16 : i32
      %mul3A_220 = arith.muli %scan3A_13, %mul3A_219 : i32
      %get3A_221 = arith.constant 20 : i32
      %get3A_222 = arith.index_cast %get3A_221 : i32 to index
      %get3A_223 = arith.index_cast %mul3A_220 : i32 to index
      %get3A_224 = tpu.vector_load %arg5[%get3A_222, %get3A_223] {strides = array<i32>} : memref<64x256xf32, #tpu.memory_space<vmem>>, vector<16xf32>,
      %broadcast_in_dim3A_225 = arith.constant 21 : i32
      %broadcast_in_dim3A_226 = vector.broadcast %broadcast_in_dim3A_225 : i32 to vector<16xi32>
      %mul3A_227 = arith.constant 16 : i32
      %mul3A_228 = arith.muli %scan3A_13, %mul3A_227 : i32
      %get3A_229 = arith.constant 21 : i32
      %get3A_230 = arith.index_cast %get3A_229 : i32 to index
      %get3A_231 = arith.index_cast %mul3A_228 : i32 to index
      %get3A_232 = tpu.vector_load %arg5[%get3A_230, %get3A_231] {strides = array<i32>} : memref<64x256xf32, #tpu.memory_space<vmem>>, vector<16xf32>,
      %broadcast_in_dim3A_233 = arith.constant 22 : i32
      %broadcast_in_dim3A_234 = vector.broadcast %broadcast_in_dim3A_233 : i32 to vector<16xi32>
      %mul3A_235 = arith.constant 16 : i32
      %mul3A_236 = arith.muli %scan3A_13, %mul3A_235 : i32
      %get3A_237 = arith.constant 22 : i32
      %get3A_238 = arith.index_cast %get3A_237 : i32 to index
      %get3A_239 = arith.index_cast %mul3A_236 : i32 to index
      %get3A_240 = tpu.vector_load %arg5[%get3A_238, %get3A_239] {strides = array<i32>} : memref<64x256xf32, #tpu.memory_space<vmem>>, vector<16xf32>,
      %broadcast_in_dim3A_241 = arith.constant 23 : i32
      %broadcast_in_dim3A_242 = vector.broadcast %broadcast_in_dim3A_241 : i32 to vector<16xi32>
      %mul3A_243 = arith.constant 16 : i32
      %mul3A_244 = arith.muli %scan3A_13, %mul3A_243 : i32
      %get3A_245 = arith.constant 23 : i32
      %get3A_246 = arith.index_cast %get3A_245 : i32 to index
      %get3A_247 = arith.index_cast %mul3A_244 : i32 to index
      %get3A_248 = tpu.vector_load %arg5[%get3A_246, %get3A_247] {strides = array<i32>} : memref<64x256xf32, #tpu.memory_space<vmem>>, vector<16xf32>,
      %ge3A_249 = arith.cmpf oge, %get3A_192, %get3A_200 : vector<16xf32>
      %select_n3A_250 = arith.select %ge3A_249, %get3A_192, %get3A_200 : vector<16xi1>, vector<16xf32>
      %select_n3A_251 = arith.select %ge3A_249, %broadcast_in_dim3A_186, %broadcast_in_dim3A_194 : vector<16xi1>, vector<16xi32>
      %ge3A_252 = arith.cmpf oge, %get3A_208, %get3A_216 : vector<16xf32>
      %select_n3A_253 = arith.select %ge3A_252, %get3A_208, %get3A_216 : vector<16xi1>, vector<16xf32>
      %select_n3A_254 = arith.select %ge3A_252, %broadcast_in_dim3A_202, %broadcast_in_dim3A_210 : vector<16xi1>, vector<16xi32>
      %ge3A_255 = arith.cmpf oge, %get3A_224, %get3A_232 : vector<16xf32>
      %select_n3A_256 = arith.select %ge3A_255, %get3A_224, %get3A_232 : vector<16xi1>, vector<16xf32>
      %select_n3A_257 = arith.select %ge3A_255, %broadcast_in_dim3A_218, %broadcast_in_dim3A_226 : vector<16xi1>, vector<16xi32>
      %ge3A_258 = arith.cmpf oge, %get3A_240, %get3A_248 : vector<16xf32>
      %select_n3A_259 = arith.select %ge3A_258, %get3A_240, %get3A_248 : vector<16xi1>, vector<16xf32>
      %select_n3A_260 = arith.select %ge3A_258, %broadcast_in_dim3A_234, %broadcast_in_dim3A_242 : vector<16xi1>, vector<16xi32>
      %ge3A_261 = arith.cmpf oge, %select_n3A_250, %select_n3A_253 : vector<16xf32>
      %select_n3A_262 = arith.select %ge3A_261, %select_n3A_250, %select_n3A_253 : vector<16xi1>, vector<16xf32>
      %select_n3A_263 = arith.select %ge3A_261, %select_n3A_251, %select_n3A_254 : vector<16xi1>, vector<16xi32>
      %ge3A_264 = arith.cmpf oge, %select_n3A_256, %select_n3A_259 : vector<16xf32>
      %select_n3A_265 = arith.select %ge3A_264, %select_n3A_256, %select_n3A_259 : vector<16xi1>, vector<16xf32>
      %select_n3A_266 = arith.select %ge3A_264, %select_n3A_257, %select_n3A_260 : vector<16xi1>, vector<16xi32>
      %ge3A_267 = arith.cmpf oge, %select_n3A_262, %select_n3A_265 : vector<16xf32>
      %select_n3A_268 = arith.select %ge3A_267, %select_n3A_262, %select_n3A_265 : vector<16xi1>, vector<16xf32>
      %select_n3A_269 = arith.select %ge3A_267, %select_n3A_263, %select_n3A_266 : vector<16xi1>, vector<16xi32>
      %broadcast_in_dim3A_270 = arith.constant 24 : i32
      %broadcast_in_dim3A_271 = vector.broadcast %broadcast_in_dim3A_270 : i32 to vector<16xi32>
      %mul3A_272 = arith.constant 16 : i32
      %mul3A_273 = arith.muli %scan3A_13, %mul3A_272 : i32
      %get3A_274 = arith.constant 24 : i32
      %get3A_275 = arith.index_cast %get3A_274 : i32 to index
      %get3A_276 = arith.index_cast %mul3A_273 : i32 to index
      %get3A_277 = tpu.vector_load %arg5[%get3A_275, %get3A_276] {strides = array<i32>} : memref<64x256xf32, #tpu.memory_space<vmem>>, vector<16xf32>,
      %broadcast_in_dim3A_278 = arith.constant 25 : i32
      %broadcast_in_dim3A_279 = vector.broadcast %broadcast_in_dim3A_278 : i32 to vector<16xi32>
      %mul3A_280 = arith.constant 16 : i32
      %mul3A_281 = arith.muli %scan3A_13, %mul3A_280 : i32
      %get3A_282 = arith.constant 25 : i32
      %get3A_283 = arith.index_cast %get3A_282 : i32 to index
      %get3A_284 = arith.index_cast %mul3A_281 : i32 to index
      %get3A_285 = tpu.vector_load %arg5[%get3A_283, %get3A_284] {strides = array<i32>} : memref<64x256xf32, #tpu.memory_space<vmem>>, vector<16xf32>,
      %broadcast_in_dim3A_286 = arith.constant 26 : i32
      %broadcast_in_dim3A_287 = vector.broadcast %broadcast_in_dim3A_286 : i32 to vector<16xi32>
      %mul3A_288 = arith.constant 16 : i32
      %mul3A_289 = arith.muli %scan3A_13, %mul3A_288 : i32
      %get3A_290 = arith.constant 26 : i32
      %get3A_291 = arith.index_cast %get3A_290 : i32 to index
      %get3A_292 = arith.index_cast %mul3A_289 : i32 to index
      %get3A_293 = tpu.vector_load %arg5[%get3A_291, %get3A_292] {strides = array<i32>} : memref<64x256xf32, #tpu.memory_space<vmem>>, vector<16xf32>,
      %broadcast_in_dim3A_294 = arith.constant 27 : i32
      %broadcast_in_dim3A_295 = vector.broadcast %broadcast_in_dim3A_294 : i32 to vector<16xi32>
      %mul3A_296 = arith.constant 16 : i32
      %mul3A_297 = arith.muli %scan3A_13, %mul3A_296 : i32
      %get3A_298 = arith.constant 27 : i32
      %get3A_299 = arith.index_cast %get3A_298 : i32 to index
      %get3A_300 = arith.index_cast %mul3A_297 : i32 to index
      %get3A_301 = tpu.vector_load %arg5[%get3A_299, %get3A_300] {strides = array<i32>} : memref<64x256xf32, #tpu.memory_space<vmem>>, vector<16xf32>,
      %broadcast_in_dim3A_302 = arith.constant 28 : i32
      %broadcast_in_dim3A_303 = vector.broadcast %broadcast_in_dim3A_302 : i32 to vector<16xi32>
      %mul3A_304 = arith.constant 16 : i32
      %mul3A_305 = arith.muli %scan3A_13, %mul3A_304 : i32
      %get3A_306 = arith.constant 28 : i32
      %get3A_307 = arith.index_cast %get3A_306 : i32 to index
      %get3A_308 = arith.index_cast %mul3A_305 : i32 to index
      %get3A_309 = tpu.vector_load %arg5[%get3A_307, %get3A_308] {strides = array<i32>} : memref<64x256xf32, #tpu.memory_space<vmem>>, vector<16xf32>,
      %broadcast_in_dim3A_310 = arith.constant 29 : i32
      %broadcast_in_dim3A_311 = vector.broadcast %broadcast_in_dim3A_310 : i32 to vector<16xi32>
      %mul3A_312 = arith.constant 16 : i32
      %mul3A_313 = arith.muli %scan3A_13, %mul3A_312 : i32
      %get3A_314 = arith.constant 29 : i32
      %get3A_315 = arith.index_cast %get3A_314 : i32 to index
      %get3A_316 = arith.index_cast %mul3A_313 : i32 to index
      %get3A_317 = tpu.vector_load %arg5[%get3A_315, %get3A_316] {strides = array<i32>} : memref<64x256xf32, #tpu.memory_space<vmem>>, vector<16xf32>,
      %broadcast_in_dim3A_318 = arith.constant 30 : i32
      %broadcast_in_dim3A_319 = vector.broadcast %broadcast_in_dim3A_318 : i32 to vector<16xi32>
      %mul3A_320 = arith.constant 16 : i32
      %mul3A_321 = arith.muli %scan3A_13, %mul3A_320 : i32
      %get3A_322 = arith.constant 30 : i32
      %get3A_323 = arith.index_cast %get3A_322 : i32 to index
      %get3A_324 = arith.index_cast %mul3A_321 : i32 to index
      %get3A_325 = tpu.vector_load %arg5[%get3A_323, %get3A_324] {strides = array<i32>} : memref<64x256xf32, #tpu.memory_space<vmem>>, vector<16xf32>,
      %broadcast_in_dim3A_326 = arith.constant 31 : i32
      %broadcast_in_dim3A_327 = vector.broadcast %broadcast_in_dim3A_326 : i32 to vector<16xi32>
      %mul3A_328 = arith.constant 16 : i32
      %mul3A_329 = arith.muli %scan3A_13, %mul3A_328 : i32
      %get3A_330 = arith.constant 31 : i32
      %get3A_331 = arith.index_cast %get3A_330 : i32 to index
      %get3A_332 = arith.index_cast %mul3A_329 : i32 to index
      %get3A_333 = tpu.vector_load %arg5[%get3A_331, %get3A_332] {strides = array<i32>} : memref<64x256xf32, #tpu.memory_space<vmem>>, vector<16xf32>,
      %ge3A_334 = arith.cmpf oge, %get3A_277, %get3A_285 : vector<16xf32>
      %select_n3A_335 = arith.select %ge3A_334, %get3A_277, %get3A_285 : vector<16xi1>, vector<16xf32>
      %select_n3A_336 = arith.select %ge3A_334, %broadcast_in_dim3A_271, %broadcast_in_dim3A_279 : vector<16xi1>, vector<16xi32>
      %ge3A_337 = arith.cmpf oge, %get3A_293, %get3A_301 : vector<16xf32>
      %select_n3A_338 = arith.select %ge3A_337, %get3A_293, %get3A_301 : vector<16xi1>, vector<16xf32>
      %select_n3A_339 = arith.select %ge3A_337, %broadcast_in_dim3A_287, %broadcast_in_dim3A_295 : vector<16xi1>, vector<16xi32>
      %ge3A_340 = arith.cmpf oge, %get3A_309, %get3A_317 : vector<16xf32>
      %select_n3A_341 = arith.select %ge3A_340, %get3A_309, %get3A_317 : vector<16xi1>, vector<16xf32>
      %select_n3A_342 = arith.select %ge3A_340, %broadcast_in_dim3A_303, %broadcast_in_dim3A_311 : vector<16xi1>, vector<16xi32>
      %ge3A_343 = arith.cmpf oge, %get3A_325, %get3A_333 : vector<16xf32>
      %select_n3A_344 = arith.select %ge3A_343, %get3A_325, %get3A_333 : vector<16xi1>, vector<16xf32>
      %select_n3A_345 = arith.select %ge3A_343, %broadcast_in_dim3A_319, %broadcast_in_dim3A_327 : vector<16xi1>, vector<16xi32>
      %ge3A_346 = arith.cmpf oge, %select_n3A_335, %select_n3A_338 : vector<16xf32>
      %select_n3A_347 = arith.select %ge3A_346, %select_n3A_335, %select_n3A_338 : vector<16xi1>, vector<16xf32>
      %select_n3A_348 = arith.select %ge3A_346, %select_n3A_336, %select_n3A_339 : vector<16xi1>, vector<16xi32>
      %ge3A_349 = arith.cmpf oge, %select_n3A_341, %select_n3A_344 : vector<16xf32>
      %select_n3A_350 = arith.select %ge3A_349, %select_n3A_341, %select_n3A_344 : vector<16xi1>, vector<16xf32>
      %select_n3A_351 = arith.select %ge3A_349, %select_n3A_342, %select_n3A_345 : vector<16xi1>, vector<16xi32>
      %ge3A_352 = arith.cmpf oge, %select_n3A_347, %select_n3A_350 : vector<16xf32>
      %select_n3A_353 = arith.select %ge3A_352, %select_n3A_347, %select_n3A_350 : vector<16xi1>, vector<16xf32>
      %select_n3A_354 = arith.select %ge3A_352, %select_n3A_348, %select_n3A_351 : vector<16xi1>, vector<16xi32>
      %broadcast_in_dim3A_355 = arith.constant 32 : i32
      %broadcast_in_dim3A_356 = vector.broadcast %broadcast_in_dim3A_355 : i32 to vector<16xi32>
      %mul3A_357 = arith.constant 16 : i32
      %mul3A_358 = arith.muli %scan3A_13, %mul3A_357 : i32
      %get3A_359 = arith.constant 32 : i32
      %get3A_360 = arith.index_cast %get3A_359 : i32 to index
      %get3A_361 = arith.index_cast %mul3A_358 : i32 to index
      %get3A_362 = tpu.vector_load %arg5[%get3A_360, %get3A_361] {strides = array<i32>} : memref<64x256xf32, #tpu.memory_space<vmem>>, vector<16xf32>,
      %broadcast_in_dim3A_363 = arith.constant 33 : i32
      %broadcast_in_dim3A_364 = vector.broadcast %broadcast_in_dim3A_363 : i32 to vector<16xi32>
      %mul3A_365 = arith.constant 16 : i32
      %mul3A_366 = arith.muli %scan3A_13, %mul3A_365 : i32
      %get3A_367 = arith.constant 33 : i32
      %get3A_368 = arith.index_cast %get3A_367 : i32 to index
      %get3A_369 = arith.index_cast %mul3A_366 : i32 to index
      %get3A_370 = tpu.vector_load %arg5[%get3A_368, %get3A_369] {strides = array<i32>} : memref<64x256xf32, #tpu.memory_space<vmem>>, vector<16xf32>,
      %broadcast_in_dim3A_371 = arith.constant 34 : i32
      %broadcast_in_dim3A_372 = vector.broadcast %broadcast_in_dim3A_371 : i32 to vector<16xi32>
      %mul3A_373 = arith.constant 16 : i32
      %mul3A_374 = arith.muli %scan3A_13, %mul3A_373 : i32
      %get3A_375 = arith.constant 34 : i32
      %get3A_376 = arith.index_cast %get3A_375 : i32 to index
      %get3A_377 = arith.index_cast %mul3A_374 : i32 to index
      %get3A_378 = tpu.vector_load %arg5[%get3A_376, %get3A_377] {strides = array<i32>} : memref<64x256xf32, #tpu.memory_space<vmem>>, vector<16xf32>,
      %broadcast_in_dim3A_379 = arith.constant 35 : i32
      %broadcast_in_dim3A_380 = vector.broadcast %broadcast_in_dim3A_379 : i32 to vector<16xi32>
      %mul3A_381 = arith.constant 16 : i32
      %mul3A_382 = arith.muli %scan3A_13, %mul3A_381 : i32
      %get3A_383 = arith.constant 35 : i32
      %get3A_384 = arith.index_cast %get3A_383 : i32 to index
      %get3A_385 = arith.index_cast %mul3A_382 : i32 to index
      %get3A_386 = tpu.vector_load %arg5[%get3A_384, %get3A_385] {strides = array<i32>} : memref<64x256xf32, #tpu.memory_space<vmem>>, vector<16xf32>,
      %broadcast_in_dim3A_387 = arith.constant 36 : i32
      %broadcast_in_dim3A_388 = vector.broadcast %broadcast_in_dim3A_387 : i32 to vector<16xi32>
      %mul3A_389 = arith.constant 16 : i32
      %mul3A_390 = arith.muli %scan3A_13, %mul3A_389 : i32
      %get3A_391 = arith.constant 36 : i32
      %get3A_392 = arith.index_cast %get3A_391 : i32 to index
      %get3A_393 = arith.index_cast %mul3A_390 : i32 to index
      %get3A_394 = tpu.vector_load %arg5[%get3A_392, %get3A_393] {strides = array<i32>} : memref<64x256xf32, #tpu.memory_space<vmem>>, vector<16xf32>,
      %broadcast_in_dim3A_395 = arith.constant 37 : i32
      %broadcast_in_dim3A_396 = vector.broadcast %broadcast_in_dim3A_395 : i32 to vector<16xi32>
      %mul3A_397 = arith.constant 16 : i32
      %mul3A_398 = arith.muli %scan3A_13, %mul3A_397 : i32
      %get3A_399 = arith.constant 37 : i32
      %get3A_400 = arith.index_cast %get3A_399 : i32 to index
      %get3A_401 = arith.index_cast %mul3A_398 : i32 to index
      %get3A_402 = tpu.vector_load %arg5[%get3A_400, %get3A_401] {strides = array<i32>} : memref<64x256xf32, #tpu.memory_space<vmem>>, vector<16xf32>,
      %broadcast_in_dim3A_403 = arith.constant 38 : i32
      %broadcast_in_dim3A_404 = vector.broadcast %broadcast_in_dim3A_403 : i32 to vector<16xi32>
      %mul3A_405 = arith.constant 16 : i32
      %mul3A_406 = arith.muli %scan3A_13, %mul3A_405 : i32
      %get3A_407 = arith.constant 38 : i32
      %get3A_408 = arith.index_cast %get3A_407 : i32 to index
      %get3A_409 = arith.index_cast %mul3A_406 : i32 to index
      %get3A_410 = tpu.vector_load %arg5[%get3A_408, %get3A_409] {strides = array<i32>} : memref<64x256xf32, #tpu.memory_space<vmem>>, vector<16xf32>,
      %broadcast_in_dim3A_411 = arith.constant 39 : i32
      %broadcast_in_dim3A_412 = vector.broadcast %broadcast_in_dim3A_411 : i32 to vector<16xi32>
      %mul3A_413 = arith.constant 16 : i32
      %mul3A_414 = arith.muli %scan3A_13, %mul3A_413 : i32
      %get3A_415 = arith.constant 39 : i32
      %get3A_416 = arith.index_cast %get3A_415 : i32 to index
      %get3A_417 = arith.index_cast %mul3A_414 : i32 to index
      %get3A_418 = tpu.vector_load %arg5[%get3A_416, %get3A_417] {strides = array<i32>} : memref<64x256xf32, #tpu.memory_space<vmem>>, vector<16xf32>,
      %ge3A_419 = arith.cmpf oge, %get3A_362, %get3A_370 : vector<16xf32>
      %select_n3A_420 = arith.select %ge3A_419, %get3A_362, %get3A_370 : vector<16xi1>, vector<16xf32>
      %select_n3A_421 = arith.select %ge3A_419, %broadcast_in_dim3A_356, %broadcast_in_dim3A_364 : vector<16xi1>, vector<16xi32>
      %ge3A_422 = arith.cmpf oge, %get3A_378, %get3A_386 : vector<16xf32>
      %select_n3A_423 = arith.select %ge3A_422, %get3A_378, %get3A_386 : vector<16xi1>, vector<16xf32>
      %select_n3A_424 = arith.select %ge3A_422, %broadcast_in_dim3A_372, %broadcast_in_dim3A_380 : vector<16xi1>, vector<16xi32>
      %ge3A_425 = arith.cmpf oge, %get3A_394, %get3A_402 : vector<16xf32>
      %select_n3A_426 = arith.select %ge3A_425, %get3A_394, %get3A_402 : vector<16xi1>, vector<16xf32>
      %select_n3A_427 = arith.select %ge3A_425, %broadcast_in_dim3A_388, %broadcast_in_dim3A_396 : vector<16xi1>, vector<16xi32>
      %ge3A_428 = arith.cmpf oge, %get3A_410, %get3A_418 : vector<16xf32>
      %select_n3A_429 = arith.select %ge3A_428, %get3A_410, %get3A_418 : vector<16xi1>, vector<16xf32>
      %select_n3A_430 = arith.select %ge3A_428, %broadcast_in_dim3A_404, %broadcast_in_dim3A_412 : vector<16xi1>, vector<16xi32>
      %ge3A_431 = arith.cmpf oge, %select_n3A_420, %select_n3A_423 : vector<16xf32>
      %select_n3A_432 = arith.select %ge3A_431, %select_n3A_420, %select_n3A_423 : vector<16xi1>, vector<16xf32>
      %select_n3A_433 = arith.select %ge3A_431, %select_n3A_421, %select_n3A_424 : vector<16xi1>, vector<16xi32>
      %ge3A_434 = arith.cmpf oge, %select_n3A_426, %select_n3A_429 : vector<16xf32>
      %select_n3A_435 = arith.select %ge3A_434, %select_n3A_426, %select_n3A_429 : vector<16xi1>, vector<16xf32>
      %select_n3A_436 = arith.select %ge3A_434, %select_n3A_427, %select_n3A_430 : vector<16xi1>, vector<16xi32>
      %ge3A_437 = arith.cmpf oge, %select_n3A_432, %select_n3A_435 : vector<16xf32>
      %select_n3A_438 = arith.select %ge3A_437, %select_n3A_432, %select_n3A_435 : vector<16xi1>, vector<16xf32>
      %select_n3A_439 = arith.select %ge3A_437, %select_n3A_433, %select_n3A_436 : vector<16xi1>, vector<16xi32>
      %broadcast_in_dim3A_440 = arith.constant 40 : i32
      %broadcast_in_dim3A_441 = vector.broadcast %broadcast_in_dim3A_440 : i32 to vector<16xi32>
      %mul3A_442 = arith.constant 16 : i32
      %mul3A_443 = arith.muli %scan3A_13, %mul3A_442 : i32
      %get3A_444 = arith.constant 40 : i32
      %get3A_445 = arith.index_cast %get3A_444 : i32 to index
      %get3A_446 = arith.index_cast %mul3A_443 : i32 to index
      %get3A_447 = tpu.vector_load %arg5[%get3A_445, %get3A_446] {strides = array<i32>} : memref<64x256xf32, #tpu.memory_space<vmem>>, vector<16xf32>,
      %broadcast_in_dim3A_448 = arith.constant 41 : i32
      %broadcast_in_dim3A_449 = vector.broadcast %broadcast_in_dim3A_448 : i32 to vector<16xi32>
      %mul3A_450 = arith.constant 16 : i32
      %mul3A_451 = arith.muli %scan3A_13, %mul3A_450 : i32
      %get3A_452 = arith.constant 41 : i32
      %get3A_453 = arith.index_cast %get3A_452 : i32 to index
      %get3A_454 = arith.index_cast %mul3A_451 : i32 to index
      %get3A_455 = tpu.vector_load %arg5[%get3A_453, %get3A_454] {strides = array<i32>} : memref<64x256xf32, #tpu.memory_space<vmem>>, vector<16xf32>,
      %broadcast_in_dim3A_456 = arith.constant 42 : i32
      %broadcast_in_dim3A_457 = vector.broadcast %broadcast_in_dim3A_456 : i32 to vector<16xi32>
      %mul3A_458 = arith.constant 16 : i32
      %mul3A_459 = arith.muli %scan3A_13, %mul3A_458 : i32
      %get3A_460 = arith.constant 42 : i32
      %get3A_461 = arith.index_cast %get3A_460 : i32 to index
      %get3A_462 = arith.index_cast %mul3A_459 : i32 to index
      %get3A_463 = tpu.vector_load %arg5[%get3A_461, %get3A_462] {strides = array<i32>} : memref<64x256xf32, #tpu.memory_space<vmem>>, vector<16xf32>,
      %broadcast_in_dim3A_464 = arith.constant 43 : i32
      %broadcast_in_dim3A_465 = vector.broadcast %broadcast_in_dim3A_464 : i32 to vector<16xi32>
      %mul3A_466 = arith.constant 16 : i32
      %mul3A_467 = arith.muli %scan3A_13, %mul3A_466 : i32
      %get3A_468 = arith.constant 43 : i32
      %get3A_469 = arith.index_cast %get3A_468 : i32 to index
      %get3A_470 = arith.index_cast %mul3A_467 : i32 to index
      %get3A_471 = tpu.vector_load %arg5[%get3A_469, %get3A_470] {strides = array<i32>} : memref<64x256xf32, #tpu.memory_space<vmem>>, vector<16xf32>,
      %broadcast_in_dim3A_472 = arith.constant 44 : i32
      %broadcast_in_dim3A_473 = vector.broadcast %broadcast_in_dim3A_472 : i32 to vector<16xi32>
      %mul3A_474 = arith.constant 16 : i32
      %mul3A_475 = arith.muli %scan3A_13, %mul3A_474 : i32
      %get3A_476 = arith.constant 44 : i32
      %get3A_477 = arith.index_cast %get3A_476 : i32 to index
      %get3A_478 = arith.index_cast %mul3A_475 : i32 to index
      %get3A_479 = tpu.vector_load %arg5[%get3A_477, %get3A_478] {strides = array<i32>} : memref<64x256xf32, #tpu.memory_space<vmem>>, vector<16xf32>,
      %broadcast_in_dim3A_480 = arith.constant 45 : i32
      %broadcast_in_dim3A_481 = vector.broadcast %broadcast_in_dim3A_480 : i32 to vector<16xi32>
      %mul3A_482 = arith.constant 16 : i32
      %mul3A_483 = arith.muli %scan3A_13, %mul3A_482 : i32
      %get3A_484 = arith.constant 45 : i32
      %get3A_485 = arith.index_cast %get3A_484 : i32 to index
      %get3A_486 = arith.index_cast %mul3A_483 : i32 to index
      %get3A_487 = tpu.vector_load %arg5[%get3A_485, %get3A_486] {strides = array<i32>} : memref<64x256xf32, #tpu.memory_space<vmem>>, vector<16xf32>,
      %broadcast_in_dim3A_488 = arith.constant 46 : i32
      %broadcast_in_dim3A_489 = vector.broadcast %broadcast_in_dim3A_488 : i32 to vector<16xi32>
      %mul3A_490 = arith.constant 16 : i32
      %mul3A_491 = arith.muli %scan3A_13, %mul3A_490 : i32
      %get3A_492 = arith.constant 46 : i32
      %get3A_493 = arith.index_cast %get3A_492 : i32 to index
      %get3A_494 = arith.index_cast %mul3A_491 : i32 to index
      %get3A_495 = tpu.vector_load %arg5[%get3A_493, %get3A_494] {strides = array<i32>} : memref<64x256xf32, #tpu.memory_space<vmem>>, vector<16xf32>,
      %broadcast_in_dim3A_496 = arith.constant 47 : i32
      %broadcast_in_dim3A_497 = vector.broadcast %broadcast_in_dim3A_496 : i32 to vector<16xi32>
      %mul3A_498 = arith.constant 16 : i32
      %mul3A_499 = arith.muli %scan3A_13, %mul3A_498 : i32
      %get3A_500 = arith.constant 47 : i32
      %get3A_501 = arith.index_cast %get3A_500 : i32 to index
      %get3A_502 = arith.index_cast %mul3A_499 : i32 to index
      %get3A_503 = tpu.vector_load %arg5[%get3A_501, %get3A_502] {strides = array<i32>} : memref<64x256xf32, #tpu.memory_space<vmem>>, vector<16xf32>,
      %ge3A_504 = arith.cmpf oge, %get3A_447, %get3A_455 : vector<16xf32>
      %select_n3A_505 = arith.select %ge3A_504, %get3A_447, %get3A_455 : vector<16xi1>, vector<16xf32>
      %select_n3A_506 = arith.select %ge3A_504, %broadcast_in_dim3A_441, %broadcast_in_dim3A_449 : vector<16xi1>, vector<16xi32>
      %ge3A_507 = arith.cmpf oge, %get3A_463, %get3A_471 : vector<16xf32>
      %select_n3A_508 = arith.select %ge3A_507, %get3A_463, %get3A_471 : vector<16xi1>, vector<16xf32>
      %select_n3A_509 = arith.select %ge3A_507, %broadcast_in_dim3A_457, %broadcast_in_dim3A_465 : vector<16xi1>, vector<16xi32>
      %ge3A_510 = arith.cmpf oge, %get3A_479, %get3A_487 : vector<16xf32>
      %select_n3A_511 = arith.select %ge3A_510, %get3A_479, %get3A_487 : vector<16xi1>, vector<16xf32>
      %select_n3A_512 = arith.select %ge3A_510, %broadcast_in_dim3A_473, %broadcast_in_dim3A_481 : vector<16xi1>, vector<16xi32>
      %ge3A_513 = arith.cmpf oge, %get3A_495, %get3A_503 : vector<16xf32>
      %select_n3A_514 = arith.select %ge3A_513, %get3A_495, %get3A_503 : vector<16xi1>, vector<16xf32>
      %select_n3A_515 = arith.select %ge3A_513, %broadcast_in_dim3A_489, %broadcast_in_dim3A_497 : vector<16xi1>, vector<16xi32>
      %ge3A_516 = arith.cmpf oge, %select_n3A_505, %select_n3A_508 : vector<16xf32>
      %select_n3A_517 = arith.select %ge3A_516, %select_n3A_505, %select_n3A_508 : vector<16xi1>, vector<16xf32>
      %select_n3A_518 = arith.select %ge3A_516, %select_n3A_506, %select_n3A_509 : vector<16xi1>, vector<16xi32>
      %ge3A_519 = arith.cmpf oge, %select_n3A_511, %select_n3A_514 : vector<16xf32>
      %select_n3A_520 = arith.select %ge3A_519, %select_n3A_511, %select_n3A_514 : vector<16xi1>, vector<16xf32>
      %select_n3A_521 = arith.select %ge3A_519, %select_n3A_512, %select_n3A_515 : vector<16xi1>, vector<16xi32>
      %ge3A_522 = arith.cmpf oge, %select_n3A_517, %select_n3A_520 : vector<16xf32>
      %select_n3A_523 = arith.select %ge3A_522, %select_n3A_517, %select_n3A_520 : vector<16xi1>, vector<16xf32>
      %select_n3A_524 = arith.select %ge3A_522, %select_n3A_518, %select_n3A_521 : vector<16xi1>, vector<16xi32>
      %broadcast_in_dim3A_525 = arith.constant 48 : i32
      %broadcast_in_dim3A_526 = vector.broadcast %broadcast_in_dim3A_525 : i32 to vector<16xi32>
      %mul3A_527 = arith.constant 16 : i32
      %mul3A_528 = arith.muli %scan3A_13, %mul3A_527 : i32
      %get3A_529 = arith.constant 48 : i32
      %get3A_530 = arith.index_cast %get3A_529 : i32 to index
      %get3A_531 = arith.index_cast %mul3A_528 : i32 to index
      %get3A_532 = tpu.vector_load %arg5[%get3A_530, %get3A_531] {strides = array<i32>} : memref<64x256xf32, #tpu.memory_space<vmem>>, vector<16xf32>,
      %broadcast_in_dim3A_533 = arith.constant 49 : i32
      %broadcast_in_dim3A_534 = vector.broadcast %broadcast_in_dim3A_533 : i32 to vector<16xi32>
      %mul3A_535 = arith.constant 16 : i32
      %mul3A_536 = arith.muli %scan3A_13, %mul3A_535 : i32
      %get3A_537 = arith.constant 49 : i32
      %get3A_538 = arith.index_cast %get3A_537 : i32 to index
      %get3A_539 = arith.index_cast %mul3A_536 : i32 to index
      %get3A_540 = tpu.vector_load %arg5[%get3A_538, %get3A_539] {strides = array<i32>} : memref<64x256xf32, #tpu.memory_space<vmem>>, vector<16xf32>,
      %broadcast_in_dim3A_541 = arith.constant 50 : i32
      %broadcast_in_dim3A_542 = vector.broadcast %broadcast_in_dim3A_541 : i32 to vector<16xi32>
      %mul3A_543 = arith.constant 16 : i32
      %mul3A_544 = arith.muli %scan3A_13, %mul3A_543 : i32
      %get3A_545 = arith.constant 50 : i32
      %get3A_546 = arith.index_cast %get3A_545 : i32 to index
      %get3A_547 = arith.index_cast %mul3A_544 : i32 to index
      %get3A_548 = tpu.vector_load %arg5[%get3A_546, %get3A_547] {strides = array<i32>} : memref<64x256xf32, #tpu.memory_space<vmem>>, vector<16xf32>,
      %broadcast_in_dim3A_549 = arith.constant 51 : i32
      %broadcast_in_dim3A_550 = vector.broadcast %broadcast_in_dim3A_549 : i32 to vector<16xi32>
      %mul3A_551 = arith.constant 16 : i32
      %mul3A_552 = arith.muli %scan3A_13, %mul3A_551 : i32
      %get3A_553 = arith.constant 51 : i32
      %get3A_554 = arith.index_cast %get3A_553 : i32 to index
      %get3A_555 = arith.index_cast %mul3A_552 : i32 to index
      %get3A_556 = tpu.vector_load %arg5[%get3A_554, %get3A_555] {strides = array<i32>} : memref<64x256xf32, #tpu.memory_space<vmem>>, vector<16xf32>,
      %broadcast_in_dim3A_557 = arith.constant 52 : i32
      %broadcast_in_dim3A_558 = vector.broadcast %broadcast_in_dim3A_557 : i32 to vector<16xi32>
      %mul3A_559 = arith.constant 16 : i32
      %mul3A_560 = arith.muli %scan3A_13, %mul3A_559 : i32
      %get3A_561 = arith.constant 52 : i32
      %get3A_562 = arith.index_cast %get3A_561 : i32 to index
      %get3A_563 = arith.index_cast %mul3A_560 : i32 to index
      %get3A_564 = tpu.vector_load %arg5[%get3A_562, %get3A_563] {strides = array<i32>} : memref<64x256xf32, #tpu.memory_space<vmem>>, vector<16xf32>,
      %broadcast_in_dim3A_565 = arith.constant 53 : i32
      %broadcast_in_dim3A_566 = vector.broadcast %broadcast_in_dim3A_565 : i32 to vector<16xi32>
      %mul3A_567 = arith.constant 16 : i32
      %mul3A_568 = arith.muli %scan3A_13, %mul3A_567 : i32
      %get3A_569 = arith.constant 53 : i32
      %get3A_570 = arith.index_cast %get3A_569 : i32 to index
      %get3A_571 = arith.index_cast %mul3A_568 : i32 to index
      %get3A_572 = tpu.vector_load %arg5[%get3A_570, %get3A_571] {strides = array<i32>} : memref<64x256xf32, #tpu.memory_space<vmem>>, vector<16xf32>,
      %broadcast_in_dim3A_573 = arith.constant 54 : i32
      %broadcast_in_dim3A_574 = vector.broadcast %broadcast_in_dim3A_573 : i32 to vector<16xi32>
      %mul3A_575 = arith.constant 16 : i32
      %mul3A_576 = arith.muli %scan3A_13, %mul3A_575 : i32
      %get3A_577 = arith.constant 54 : i32
      %get3A_578 = arith.index_cast %get3A_577 : i32 to index
      %get3A_579 = arith.index_cast %mul3A_576 : i32 to index
      %get3A_580 = tpu.vector_load %arg5[%get3A_578, %get3A_579] {strides = array<i32>} : memref<64x256xf32, #tpu.memory_space<vmem>>, vector<16xf32>,
      %broadcast_in_dim3A_581 = arith.constant 55 : i32
      %broadcast_in_dim3A_582 = vector.broadcast %broadcast_in_dim3A_581 : i32 to vector<16xi32>
      %mul3A_583 = arith.constant 16 : i32
      %mul3A_584 = arith.muli %scan3A_13, %mul3A_583 : i32
      %get3A_585 = arith.constant 55 : i32
      %get3A_586 = arith.index_cast %get3A_585 : i32 to index
      %get3A_587 = arith.index_cast %mul3A_584 : i32 to index
      %get3A_588 = tpu.vector_load %arg5[%get3A_586, %get3A_587] {strides = array<i32>} : memref<64x256xf32, #tpu.memory_space<vmem>>, vector<16xf32>,
      %ge3A_589 = arith.cmpf oge, %get3A_532, %get3A_540 : vector<16xf32>
      %select_n3A_590 = arith.select %ge3A_589, %get3A_532, %get3A_540 : vector<16xi1>, vector<16xf32>
      %select_n3A_591 = arith.select %ge3A_589, %broadcast_in_dim3A_526, %broadcast_in_dim3A_534 : vector<16xi1>, vector<16xi32>
      %ge3A_592 = arith.cmpf oge, %get3A_548, %get3A_556 : vector<16xf32>
      %select_n3A_593 = arith.select %ge3A_592, %get3A_548, %get3A_556 : vector<16xi1>, vector<16xf32>
      %select_n3A_594 = arith.select %ge3A_592, %broadcast_in_dim3A_542, %broadcast_in_dim3A_550 : vector<16xi1>, vector<16xi32>
      %ge3A_595 = arith.cmpf oge, %get3A_564, %get3A_572 : vector<16xf32>
      %select_n3A_596 = arith.select %ge3A_595, %get3A_564, %get3A_572 : vector<16xi1>, vector<16xf32>
      %select_n3A_597 = arith.select %ge3A_595, %broadcast_in_dim3A_558, %broadcast_in_dim3A_566 : vector<16xi1>, vector<16xi32>
      %ge3A_598 = arith.cmpf oge, %get3A_580, %get3A_588 : vector<16xf32>
      %select_n3A_599 = arith.select %ge3A_598, %get3A_580, %get3A_588 : vector<16xi1>, vector<16xf32>
      %select_n3A_600 = arith.select %ge3A_598, %broadcast_in_dim3A_574, %broadcast_in_dim3A_582 : vector<16xi1>, vector<16xi32>
      %ge3A_601 = arith.cmpf oge, %select_n3A_590, %select_n3A_593 : vector<16xf32>
      %select_n3A_602 = arith.select %ge3A_601, %select_n3A_590, %select_n3A_593 : vector<16xi1>, vector<16xf32>
      %select_n3A_603 = arith.select %ge3A_601, %select_n3A_591, %select_n3A_594 : vector<16xi1>, vector<16xi32>
      %ge3A_604 = arith.cmpf oge, %select_n3A_596, %select_n3A_599 : vector<16xf32>
      %select_n3A_605 = arith.select %ge3A_604, %select_n3A_596, %select_n3A_599 : vector<16xi1>, vector<16xf32>
      %select_n3A_606 = arith.select %ge3A_604, %select_n3A_597, %select_n3A_600 : vector<16xi1>, vector<16xi32>
      %ge3A_607 = arith.cmpf oge, %select_n3A_602, %select_n3A_605 : vector<16xf32>
      %select_n3A_608 = arith.select %ge3A_607, %select_n3A_602, %select_n3A_605 : vector<16xi1>, vector<16xf32>
      %select_n3A_609 = arith.select %ge3A_607, %select_n3A_603, %select_n3A_606 : vector<16xi1>, vector<16xi32>
      %broadcast_in_dim3A_610 = arith.constant 56 : i32
      %broadcast_in_dim3A_611 = vector.broadcast %broadcast_in_dim3A_610 : i32 to vector<16xi32>
      %mul3A_612 = arith.constant 16 : i32
      %mul3A_613 = arith.muli %scan3A_13, %mul3A_612 : i32
      %get3A_614 = arith.constant 56 : i32
      %get3A_615 = arith.index_cast %get3A_614 : i32 to index
      %get3A_616 = arith.index_cast %mul3A_613 : i32 to index
      %get3A_617 = tpu.vector_load %arg5[%get3A_615, %get3A_616] {strides = array<i32>} : memref<64x256xf32, #tpu.memory_space<vmem>>, vector<16xf32>,
      %broadcast_in_dim3A_618 = arith.constant 57 : i32
      %broadcast_in_dim3A_619 = vector.broadcast %broadcast_in_dim3A_618 : i32 to vector<16xi32>
      %mul3A_620 = arith.constant 16 : i32
      %mul3A_621 = arith.muli %scan3A_13, %mul3A_620 : i32
      %get3A_622 = arith.constant 57 : i32
      %get3A_623 = arith.index_cast %get3A_622 : i32 to index
      %get3A_624 = arith.index_cast %mul3A_621 : i32 to index
      %get3A_625 = tpu.vector_load %arg5[%get3A_623, %get3A_624] {strides = array<i32>} : memref<64x256xf32, #tpu.memory_space<vmem>>, vector<16xf32>,
      %broadcast_in_dim3A_626 = arith.constant 58 : i32
      %broadcast_in_dim3A_627 = vector.broadcast %broadcast_in_dim3A_626 : i32 to vector<16xi32>
      %mul3A_628 = arith.constant 16 : i32
      %mul3A_629 = arith.muli %scan3A_13, %mul3A_628 : i32
      %get3A_630 = arith.constant 58 : i32
      %get3A_631 = arith.index_cast %get3A_630 : i32 to index
      %get3A_632 = arith.index_cast %mul3A_629 : i32 to index
      %get3A_633 = tpu.vector_load %arg5[%get3A_631, %get3A_632] {strides = array<i32>} : memref<64x256xf32, #tpu.memory_space<vmem>>, vector<16xf32>,
      %broadcast_in_dim3A_634 = arith.constant 59 : i32
      %broadcast_in_dim3A_635 = vector.broadcast %broadcast_in_dim3A_634 : i32 to vector<16xi32>
      %mul3A_636 = arith.constant 16 : i32
      %mul3A_637 = arith.muli %scan3A_13, %mul3A_636 : i32
      %get3A_638 = arith.constant 59 : i32
      %get3A_639 = arith.index_cast %get3A_638 : i32 to index
      %get3A_640 = arith.index_cast %mul3A_637 : i32 to index
      %get3A_641 = tpu.vector_load %arg5[%get3A_639, %get3A_640] {strides = array<i32>} : memref<64x256xf32, #tpu.memory_space<vmem>>, vector<16xf32>,
      %broadcast_in_dim3A_642 = arith.constant 60 : i32
      %broadcast_in_dim3A_643 = vector.broadcast %broadcast_in_dim3A_642 : i32 to vector<16xi32>
      %mul3A_644 = arith.constant 16 : i32
      %mul3A_645 = arith.muli %scan3A_13, %mul3A_644 : i32
      %get3A_646 = arith.constant 60 : i32
      %get3A_647 = arith.index_cast %get3A_646 : i32 to index
      %get3A_648 = arith.index_cast %mul3A_645 : i32 to index
      %get3A_649 = tpu.vector_load %arg5[%get3A_647, %get3A_648] {strides = array<i32>} : memref<64x256xf32, #tpu.memory_space<vmem>>, vector<16xf32>,
      %broadcast_in_dim3A_650 = arith.constant 61 : i32
      %broadcast_in_dim3A_651 = vector.broadcast %broadcast_in_dim3A_650 : i32 to vector<16xi32>
      %mul3A_652 = arith.constant 16 : i32
      %mul3A_653 = arith.muli %scan3A_13, %mul3A_652 : i32
      %get3A_654 = arith.constant 61 : i32
      %get3A_655 = arith.index_cast %get3A_654 : i32 to index
      %get3A_656 = arith.index_cast %mul3A_653 : i32 to index
      %get3A_657 = tpu.vector_load %arg5[%get3A_655, %get3A_656] {strides = array<i32>} : memref<64x256xf32, #tpu.memory_space<vmem>>, vector<16xf32>,
      %broadcast_in_dim3A_658 = arith.constant 62 : i32
      %broadcast_in_dim3A_659 = vector.broadcast %broadcast_in_dim3A_658 : i32 to vector<16xi32>
      %mul3A_660 = arith.constant 16 : i32
      %mul3A_661 = arith.muli %scan3A_13, %mul3A_660 : i32
      %get3A_662 = arith.constant 62 : i32
      %get3A_663 = arith.index_cast %get3A_662 : i32 to index
      %get3A_664 = arith.index_cast %mul3A_661 : i32 to index
      %get3A_665 = tpu.vector_load %arg5[%get3A_663, %get3A_664] {strides = array<i32>} : memref<64x256xf32, #tpu.memory_space<vmem>>, vector<16xf32>,
      %broadcast_in_dim3A_666 = arith.constant 63 : i32
      %broadcast_in_dim3A_667 = vector.broadcast %broadcast_in_dim3A_666 : i32 to vector<16xi32>
      %mul3A_668 = arith.constant 16 : i32
      %mul3A_669 = arith.muli %scan3A_13, %mul3A_668 : i32
      %get3A_670 = arith.constant 63 : i32
      %get3A_671 = arith.index_cast %get3A_670 : i32 to index
      %get3A_672 = arith.index_cast %mul3A_669 : i32 to index
      %get3A_673 = tpu.vector_load %arg5[%get3A_671, %get3A_672] {strides = array<i32>} : memref<64x256xf32, #tpu.memory_space<vmem>>, vector<16xf32>,
      %ge3A_674 = arith.cmpf oge, %get3A_617, %get3A_625 : vector<16xf32>
      %select_n3A_675 = arith.select %ge3A_674, %get3A_617, %get3A_625 : vector<16xi1>, vector<16xf32>
      %select_n3A_676 = arith.select %ge3A_674, %broadcast_in_dim3A_611, %broadcast_in_dim3A_619 : vector<16xi1>, vector<16xi32>
      %ge3A_677 = arith.cmpf oge, %get3A_633, %get3A_641 : vector<16xf32>
      %select_n3A_678 = arith.select %ge3A_677, %get3A_633, %get3A_641 : vector<16xi1>, vector<16xf32>
      %select_n3A_679 = arith.select %ge3A_677, %broadcast_in_dim3A_627, %broadcast_in_dim3A_635 : vector<16xi1>, vector<16xi32>
      %ge3A_680 = arith.cmpf oge, %get3A_649, %get3A_657 : vector<16xf32>
      %select_n3A_681 = arith.select %ge3A_680, %get3A_649, %get3A_657 : vector<16xi1>, vector<16xf32>
      %select_n3A_682 = arith.select %ge3A_680, %broadcast_in_dim3A_643, %broadcast_in_dim3A_651 : vector<16xi1>, vector<16xi32>
      %ge3A_683 = arith.cmpf oge, %get3A_665, %get3A_673 : vector<16xf32>
      %select_n3A_684 = arith.select %ge3A_683, %get3A_665, %get3A_673 : vector<16xi1>, vector<16xf32>
      %select_n3A_685 = arith.select %ge3A_683, %broadcast_in_dim3A_659, %broadcast_in_dim3A_667 : vector<16xi1>, vector<16xi32>
      %ge3A_686 = arith.cmpf oge, %select_n3A_675, %select_n3A_678 : vector<16xf32>
      %select_n3A_687 = arith.select %ge3A_686, %select_n3A_675, %select_n3A_678 : vector<16xi1>, vector<16xf32>
      %select_n3A_688 = arith.select %ge3A_686, %select_n3A_676, %select_n3A_679 : vector<16xi1>, vector<16xi32>
      %ge3A_689 = arith.cmpf oge, %select_n3A_681, %select_n3A_684 : vector<16xf32>
      %select_n3A_690 = arith.select %ge3A_689, %select_n3A_681, %select_n3A_684 : vector<16xi1>, vector<16xf32>
      %select_n3A_691 = arith.select %ge3A_689, %select_n3A_682, %select_n3A_685 : vector<16xi1>, vector<16xi32>
      %ge3A_692 = arith.cmpf oge, %select_n3A_687, %select_n3A_690 : vector<16xf32>
      %select_n3A_693 = arith.select %ge3A_692, %select_n3A_687, %select_n3A_690 : vector<16xi1>, vector<16xf32>
      %select_n3A_694 = arith.select %ge3A_692, %select_n3A_688, %select_n3A_691 : vector<16xi1>, vector<16xi32>
      %ge3A_695 = arith.cmpf oge, %select_n3A_98, %select_n3A_183 : vector<16xf32>
      %select_n3A_696 = arith.select %ge3A_695, %select_n3A_98, %select_n3A_183 : vector<16xi1>, vector<16xf32>
      %select_n3A_697 = arith.select %ge3A_695, %select_n3A_99, %select_n3A_184 : vector<16xi1>, vector<16xi32>
      %ge3A_698 = arith.cmpf oge, %select_n3A_268, %select_n3A_353 : vector<16xf32>
      %select_n3A_699 = arith.select %ge3A_698, %select_n3A_268, %select_n3A_353 : vector<16xi1>, vector<16xf32>
      %select_n3A_700 = arith.select %ge3A_698, %select_n3A_269, %select_n3A_354 : vector<16xi1>, vector<16xi32>
      %ge3A_701 = arith.cmpf oge, %select_n3A_438, %select_n3A_523 : vector<16xf32>
      %select_n3A_702 = arith.select %ge3A_701, %select_n3A_438, %select_n3A_523 : vector<16xi1>, vector<16xf32>
      %select_n3A_703 = arith.select %ge3A_701, %select_n3A_439, %select_n3A_524 : vector<16xi1>, vector<16xi32>
      %ge3A_704 = arith.cmpf oge, %select_n3A_608, %select_n3A_693 : vector<16xf32>
      %select_n3A_705 = arith.select %ge3A_704, %select_n3A_608, %select_n3A_693 : vector<16xi1>, vector<16xf32>
      %select_n3A_706 = arith.select %ge3A_704, %select_n3A_609, %select_n3A_694 : vector<16xi1>, vector<16xi32>
      %ge3A_707 = arith.cmpf oge, %select_n3A_696, %select_n3A_699 : vector<16xf32>
      %select_n3A_708 = arith.select %ge3A_707, %select_n3A_696, %select_n3A_699 : vector<16xi1>, vector<16xf32>
      %select_n3A_709 = arith.select %ge3A_707, %select_n3A_697, %select_n3A_700 : vector<16xi1>, vector<16xi32>
      %ge3A_710 = arith.cmpf oge, %select_n3A_702, %select_n3A_705 : vector<16xf32>
      %select_n3A_711 = arith.select %ge3A_710, %select_n3A_702, %select_n3A_705 : vector<16xi1>, vector<16xf32>
      %select_n3A_712 = arith.select %ge3A_710, %select_n3A_703, %select_n3A_706 : vector<16xi1>, vector<16xi32>
      %ge3A_713 = arith.cmpf oge, %select_n3A_708, %select_n3A_711 : vector<16xf32>
      %select_n3A_714 = arith.select %ge3A_713, %select_n3A_708, %select_n3A_711 : vector<16xi1>, vector<16xf32>
      %select_n3A_715 = arith.select %ge3A_713, %select_n3A_709, %select_n3A_712 : vector<16xi1>, vector<16xi32>
      tpu.vector_store_idx %arg5[%select_n3A_715, %add3A_17], %broadcast_in_dim3A_3 : memref<64x256xf32, #tpu.memory_space<vmem>>[vector<16xi32>, vector<16xi32>], vector<16xf32>,
      %not3A = arith.constant 7 : i32
      %not3A_716 = arith.constant -1 : i32
      %not3A_717 = arith.xori %not3A, %not3A_716 : i32
      %and3A = vector.broadcast %not3A_717 : i32 to vector<16xi32>
      %and3A_718 = arith.andi %select_n3A_715, %and3A : vector<16xi32>
      %add3A_719 = arith.constant 0 : i32
      %add3A_720 = vector.broadcast %add3A_719 : i32 to vector<16xi32>
      %add3A_721 = arith.addi %and3A_718, %add3A_720 : vector<16xi32>
      %gather3A = tpu.vector_load_idx %arg5[%add3A_721, %add3A_17] : memref<64x256xf32, #tpu.memory_space<vmem>>[vector<16xi32>, vector<16xi32>], vector<16xf32>,
      %add3A_722 = arith.constant 1 : i32
      %add3A_723 = vector.broadcast %add3A_722 : i32 to vector<16xi32>
      %add3A_724 = arith.addi %and3A_718, %add3A_723 : vector<16xi32>
      %gather3A_725 = tpu.vector_load_idx %arg5[%add3A_724, %add3A_17] : memref<64x256xf32, #tpu.memory_space<vmem>>[vector<16xi32>, vector<16xi32>], vector<16xf32>,
      %add3A_726 = arith.constant 2 : i32
      %add3A_727 = vector.broadcast %add3A_726 : i32 to vector<16xi32>
      %add3A_728 = arith.addi %and3A_718, %add3A_727 : vector<16xi32>
      %gather3A_729 = tpu.vector_load_idx %arg5[%add3A_728, %add3A_17] : memref<64x256xf32, #tpu.memory_space<vmem>>[vector<16xi32>, vector<16xi32>], vector<16xf32>,
      %add3A_730 = arith.constant 3 : i32
      %add3A_731 = vector.broadcast %add3A_730 : i32 to vector<16xi32>
      %add3A_732 = arith.addi %and3A_718, %add3A_731 : vector<16xi32>
      %gather3A_733 = tpu.vector_load_idx %arg5[%add3A_732, %add3A_17] : memref<64x256xf32, #tpu.memory_space<vmem>>[vector<16xi32>, vector<16xi32>], vector<16xf32>,
      %add3A_734 = arith.constant 4 : i32
      %add3A_735 = vector.broadcast %add3A_734 : i32 to vector<16xi32>
      %add3A_736 = arith.addi %and3A_718, %add3A_735 : vector<16xi32>
      %gather3A_737 = tpu.vector_load_idx %arg5[%add3A_736, %add3A_17] : memref<64x256xf32, #tpu.memory_space<vmem>>[vector<16xi32>, vector<16xi32>], vector<16xf32>,
      %add3A_738 = arith.constant 5 : i32
      %add3A_739 = vector.broadcast %add3A_738 : i32 to vector<16xi32>
      %add3A_740 = arith.addi %and3A_718, %add3A_739 : vector<16xi32>
      %gather3A_741 = tpu.vector_load_idx %arg5[%add3A_740, %add3A_17] : memref<64x256xf32, #tpu.memory_space<vmem>>[vector<16xi32>, vector<16xi32>], vector<16xf32>,
      %add3A_742 = arith.constant 6 : i32
      %add3A_743 = vector.broadcast %add3A_742 : i32 to vector<16xi32>
      %add3A_744 = arith.addi %and3A_718, %add3A_743 : vector<16xi32>
      %gather3A_745 = tpu.vector_load_idx %arg5[%add3A_744, %add3A_17] : memref<64x256xf32, #tpu.memory_space<vmem>>[vector<16xi32>, vector<16xi32>], vector<16xf32>,
      %add3A_746 = arith.constant 7 : i32
      %add3A_747 = vector.broadcast %add3A_746 : i32 to vector<16xi32>
      %add3A_748 = arith.addi %and3A_718, %add3A_747 : vector<16xi32>
      %gather3A_749 = tpu.vector_load_idx %arg5[%add3A_748, %add3A_17] : memref<64x256xf32, #tpu.memory_space<vmem>>[vector<16xi32>, vector<16xi32>], vector<16xf32>,
      %ge3A_750 = arith.cmpf oge, %gather3A, %gather3A_725 : vector<16xf32>
      %select_n3A_751 = arith.select %ge3A_750, %gather3A, %gather3A_725 : vector<16xi1>, vector<16xf32>
      %select_n3A_752 = arith.select %ge3A_750, %add3A_721, %add3A_724 : vector<16xi1>, vector<16xi32>
      %ge3A_753 = arith.cmpf oge, %gather3A_729, %gather3A_733 : vector<16xf32>
      %select_n3A_754 = arith.select %ge3A_753, %gather3A_729, %gather3A_733 : vector<16xi1>, vector<16xf32>
      %select_n3A_755 = arith.select %ge3A_753, %add3A_728, %add3A_732 : vector<16xi1>, vector<16xi32>
      %ge3A_756 = arith.cmpf oge, %gather3A_737, %gather3A_741 : vector<16xf32>
      %select_n3A_757 = arith.select %ge3A_756, %gather3A_737, %gather3A_741 : vector<16xi1>, vector<16xf32>
      %select_n3A_758 = arith.select %ge3A_756, %add3A_736, %add3A_740 : vector<16xi1>, vector<16xi32>
      %ge3A_759 = arith.cmpf oge, %gather3A_745, %gather3A_749 : vector<16xf32>
      %select_n3A_760 = arith.select %ge3A_759, %gather3A_745, %gather3A_749 : vector<16xi1>, vector<16xf32>
      %select_n3A_761 = arith.select %ge3A_759, %add3A_744, %add3A_748 : vector<16xi1>, vector<16xi32>
      %ge3A_762 = arith.cmpf oge, %select_n3A_751, %select_n3A_754 : vector<16xf32>
      %select_n3A_763 = arith.select %ge3A_762, %select_n3A_751, %select_n3A_754 : vector<16xi1>, vector<16xf32>
      %select_n3A_764 = arith.select %ge3A_762, %select_n3A_752, %select_n3A_755 : vector<16xi1>, vector<16xi32>
      %ge3A_765 = arith.cmpf oge, %select_n3A_757, %select_n3A_760 : vector<16xf32>
      %select_n3A_766 = arith.select %ge3A_765, %select_n3A_757, %select_n3A_760 : vector<16xi1>, vector<16xf32>
      %select_n3A_767 = arith.select %ge3A_765, %select_n3A_758, %select_n3A_761 : vector<16xi1>, vector<16xi32>
      %ge3A_768 = arith.cmpf oge, %select_n3A_763, %select_n3A_766 : vector<16xf32>
      %select_n3A_769 = arith.select %ge3A_768, %select_n3A_763, %select_n3A_766 : vector<16xi1>, vector<16xf32>
      %select_n3A_770 = arith.select %ge3A_768, %select_n3A_764, %select_n3A_767 : vector<16xi1>, vector<16xi32>
      %eq3A = arith.constant 0 : i32
      %eq3A_771 = vector.broadcast %eq3A : i32 to vector<16xi32>
      %eq3A_772 = arith.cmpi eq, %and3A_718, %eq3A_771 : vector<16xi32>
      %select_n3A_773 = arith.select %eq3A_772, %select_n3A_769, %select_n3A_98 : vector<16xi1>, vector<16xf32>
      %select_n3A_774 = arith.select %eq3A_772, %select_n3A_770, %select_n3A_99 : vector<16xi1>, vector<16xi32>
      %eq3A_775 = arith.constant 8 : i32
      %eq3A_776 = vector.broadcast %eq3A_775 : i32 to vector<16xi32>
      %eq3A_777 = arith.cmpi eq, %and3A_718, %eq3A_776 : vector<16xi32>
      %select_n3A_778 = arith.select %eq3A_777, %select_n3A_769, %select_n3A_183 : vector<16xi1>, vector<16xf32>
      %select_n3A_779 = arith.select %eq3A_777, %select_n3A_770, %select_n3A_184 : vector<16xi1>, vector<16xi32>
      %eq3A_780 = arith.constant 16 : i32
      %eq3A_781 = vector.broadcast %eq3A_780 : i32 to vector<16xi32>
      %eq3A_782 = arith.cmpi eq, %and3A_718, %eq3A_781 : vector<16xi32>
      %select_n3A_783 = arith.select %eq3A_782, %select_n3A_769, %select_n3A_268 : vector<16xi1>, vector<16xf32>
      %select_n3A_784 = arith.select %eq3A_782, %select_n3A_770, %select_n3A_269 : vector<16xi1>, vector<16xi32>
      %eq3A_785 = arith.constant 24 : i32
      %eq3A_786 = vector.broadcast %eq3A_785 : i32 to vector<16xi32>
      %eq3A_787 = arith.cmpi eq, %and3A_718, %eq3A_786 : vector<16xi32>
      %select_n3A_788 = arith.select %eq3A_787, %select_n3A_769, %select_n3A_353 : vector<16xi1>, vector<16xf32>
      %select_n3A_789 = arith.select %eq3A_787, %select_n3A_770, %select_n3A_354 : vector<16xi1>, vector<16xi32>
      %eq3A_790 = arith.constant 32 : i32
      %eq3A_791 = vector.broadcast %eq3A_790 : i32 to vector<16xi32>
      %eq3A_792 = arith.cmpi eq, %and3A_718, %eq3A_791 : vector<16xi32>
      %select_n3A_793 = arith.select %eq3A_792, %select_n3A_769, %select_n3A_438 : vector<16xi1>, vector<16xf32>
      %select_n3A_794 = arith.select %eq3A_792, %select_n3A_770, %select_n3A_439 : vector<16xi1>, vector<16xi32>
      %eq3A_795 = arith.constant 40 : i32
      %eq3A_796 = vector.broadcast %eq3A_795 : i32 to vector<16xi32>
      %eq3A_797 = arith.cmpi eq, %and3A_718, %eq3A_796 : vector<16xi32>
      %select_n3A_798 = arith.select %eq3A_797, %select_n3A_769, %select_n3A_523 : vector<16xi1>, vector<16xf32>
      %select_n3A_799 = arith.select %eq3A_797, %select_n3A_770, %select_n3A_524 : vector<16xi1>, vector<16xi32>
      %eq3A_800 = arith.constant 48 : i32
      %eq3A_801 = vector.broadcast %eq3A_800 : i32 to vector<16xi32>
      %eq3A_802 = arith.cmpi eq, %and3A_718, %eq3A_801 : vector<16xi32>
      %select_n3A_803 = arith.select %eq3A_802, %select_n3A_769, %select_n3A_608 : vector<16xi1>, vector<16xf32>
      %select_n3A_804 = arith.select %eq3A_802, %select_n3A_770, %select_n3A_609 : vector<16xi1>, vector<16xi32>
      %eq3A_805 = arith.constant 56 : i32
      %eq3A_806 = vector.broadcast %eq3A_805 : i32 to vector<16xi32>
      %eq3A_807 = arith.cmpi eq, %and3A_718, %eq3A_806 : vector<16xi32>
      %select_n3A_808 = arith.select %eq3A_807, %select_n3A_769, %select_n3A_693 : vector<16xi1>, vector<16xf32>
      %select_n3A_809 = arith.select %eq3A_807, %select_n3A_770, %select_n3A_694 : vector<16xi1>, vector<16xi32>
      %ge3A_810 = arith.cmpf oge, %select_n3A_773, %select_n3A_778 : vector<16xf32>
      %select_n3A_811 = arith.select %ge3A_810, %select_n3A_773, %select_n3A_778 : vector<16xi1>, vector<16xf32>
      %select_n3A_812 = arith.select %ge3A_810, %select_n3A_774, %select_n3A_779 : vector<16xi1>, vector<16xi32>
      %ge3A_813 = arith.cmpf oge, %select_n3A_783, %select_n3A_788 : vector<16xf32>
      %select_n3A_814 = arith.select %ge3A_813, %select_n3A_783, %select_n3A_788 : vector<16xi1>, vector<16xf32>
      %select_n3A_815 = arith.select %ge3A_813, %select_n3A_784, %select_n3A_789 : vector<16xi1>, vector<16xi32>
      %ge3A_816 = arith.cmpf oge, %select_n3A_793, %select_n3A_798 : vector<16xf32>
      %select_n3A_817 = arith.select %ge3A_816, %select_n3A_793, %select_n3A_798 : vector<16xi1>, vector<16xf32>
      %select_n3A_818 = arith.select %ge3A_816, %select_n3A_794, %select_n3A_799 : vector<16xi1>, vector<16xi32>
      %ge3A_819 = arith.cmpf oge, %select_n3A_803, %select_n3A_808 : vector<16xf32>
      %select_n3A_820 = arith.select %ge3A_819, %select_n3A_803, %select_n3A_808 : vector<16xi1>, vector<16xf32>
      %select_n3A_821 = arith.select %ge3A_819, %select_n3A_804, %select_n3A_809 : vector<16xi1>, vector<16xi32>
      %ge3A_822 = arith.cmpf oge, %select_n3A_811, %select_n3A_814 : vector<16xf32>
      %select_n3A_823 = arith.select %ge3A_822, %select_n3A_811, %select_n3A_814 : vector<16xi1>, vector<16xf32>
      %select_n3A_824 = arith.select %ge3A_822, %select_n3A_812, %select_n3A_815 : vector<16xi1>, vector<16xi32>
      %ge3A_825 = arith.cmpf oge, %select_n3A_817, %select_n3A_820 : vector<16xf32>
      %select_n3A_826 = arith.select %ge3A_825, %select_n3A_817, %select_n3A_820 : vector<16xi1>, vector<16xf32>
      %select_n3A_827 = arith.select %ge3A_825, %select_n3A_818, %select_n3A_821 : vector<16xi1>, vector<16xi32>
      %ge3A_828 = arith.cmpf oge, %select_n3A_823, %select_n3A_826 : vector<16xf32>
      %select_n3A_829 = arith.select %ge3A_828, %select_n3A_823, %select_n3A_826 : vector<16xi1>, vector<16xf32>
      %select_n3A_830 = arith.select %ge3A_828, %select_n3A_824, %select_n3A_827 : vector<16xi1>, vector<16xi32>
      tpu.vector_store_idx %arg5[%select_n3A_830, %add3A_17], %broadcast_in_dim3A_3 : memref<64x256xf32, #tpu.memory_space<vmem>>[vector<16xi32>, vector<16xi32>], vector<16xf32>,
      %not3A_831 = arith.constant 7 : i32
      %not3A_832 = arith.constant -1 : i32
      %not3A_833 = arith.xori %not3A_831, %not3A_832 : i32
      %and3A_834 = vector.broadcast %not3A_833 : i32 to vector<16xi32>
      %and3A_835 = arith.andi %select_n3A_830, %and3A_834 : vector<16xi32>
      %add3A_836 = arith.constant 0 : i32
      %add3A_837 = vector.broadcast %add3A_836 : i32 to vector<16xi32>
      %add3A_838 = arith.addi %and3A_835, %add3A_837 : vector<16xi32>
      %gather3A_839 = tpu.vector_load_idx %arg5[%add3A_838, %add3A_17] : memref<64x256xf32, #tpu.memory_space<vmem>>[vector<16xi32>, vector<16xi32>], vector<16xf32>,
      %add3A_840 = arith.constant 1 : i32
      %add3A_841 = vector.broadcast %add3A_840 : i32 to vector<16xi32>
      %add3A_842 = arith.addi %and3A_835, %add3A_841 : vector<16xi32>
      %gather3A_843 = tpu.vector_load_idx %arg5[%add3A_842, %add3A_17] : memref<64x256xf32, #tpu.memory_space<vmem>>[vector<16xi32>, vector<16xi32>], vector<16xf32>,
      %add3A_844 = arith.constant 2 : i32
      %add3A_845 = vector.broadcast %add3A_844 : i32 to vector<16xi32>
      %add3A_846 = arith.addi %and3A_835, %add3A_845 : vector<16xi32>
      %gather3A_847 = tpu.vector_load_idx %arg5[%add3A_846, %add3A_17] : memref<64x256xf32, #tpu.memory_space<vmem>>[vector<16xi32>, vector<16xi32>], vector<16xf32>,
      %add3A_848 = arith.constant 3 : i32
      %add3A_849 = vector.broadcast %add3A_848 : i32 to vector<16xi32>
      %add3A_850 = arith.addi %and3A_835, %add3A_849 : vector<16xi32>
      %gather3A_851 = tpu.vector_load_idx %arg5[%add3A_850, %add3A_17] : memref<64x256xf32, #tpu.memory_space<vmem>>[vector<16xi32>, vector<16xi32>], vector<16xf32>,
      %add3A_852 = arith.constant 4 : i32
      %add3A_853 = vector.broadcast %add3A_852 : i32 to vector<16xi32>
      %add3A_854 = arith.addi %and3A_835, %add3A_853 : vector<16xi32>
      %gather3A_855 = tpu.vector_load_idx %arg5[%add3A_854, %add3A_17] : memref<64x256xf32, #tpu.memory_space<vmem>>[vector<16xi32>, vector<16xi32>], vector<16xf32>,
      %add3A_856 = arith.constant 5 : i32
      %add3A_857 = vector.broadcast %add3A_856 : i32 to vector<16xi32>
      %add3A_858 = arith.addi %and3A_835, %add3A_857 : vector<16xi32>
      %gather3A_859 = tpu.vector_load_idx %arg5[%add3A_858, %add3A_17] : memref<64x256xf32, #tpu.memory_space<vmem>>[vector<16xi32>, vector<16xi32>], vector<16xf32>,
      %add3A_860 = arith.constant 6 : i32
      %add3A_861 = vector.broadcast %add3A_860 : i32 to vector<16xi32>
      %add3A_862 = arith.addi %and3A_835, %add3A_861 : vector<16xi32>
      %gather3A_863 = tpu.vector_load_idx %arg5[%add3A_862, %add3A_17] : memref<64x256xf32, #tpu.memory_space<vmem>>[vector<16xi32>, vector<16xi32>], vector<16xf32>,
      %add3A_864 = arith.constant 7 : i32
      %add3A_865 = vector.broadcast %add3A_864 : i32 to vector<16xi32>
      %add3A_866 = arith.addi %and3A_835, %add3A_865 : vector<16xi32>
      %gather3A_867 = tpu.vector_load_idx %arg5[%add3A_866, %add3A_17] : memref<64x256xf32, #tpu.memory_space<vmem>>[vector<16xi32>, vector<16xi32>], vector<16xf32>,
      %ge3A_868 = arith.cmpf oge, %gather3A_839, %gather3A_843 : vector<16xf32>
      %select_n3A_869 = arith.select %ge3A_868, %gather3A_839, %gather3A_843 : vector<16xi1>, vector<16xf32>
      %select_n3A_870 = arith.select %ge3A_868, %add3A_838, %add3A_842 : vector<16xi1>, vector<16xi32>
      %ge3A_871 = arith.cmpf oge, %gather3A_847, %gather3A_851 : vector<16xf32>
      %select_n3A_872 = arith.select %ge3A_871, %gather3A_847, %gather3A_851 : vector<16xi1>, vector<16xf32>
      %select_n3A_873 = arith.select %ge3A_871, %add3A_846, %add3A_850 : vector<16xi1>, vector<16xi32>
      %ge3A_874 = arith.cmpf oge, %gather3A_855, %gather3A_859 : vector<16xf32>
      %select_n3A_875 = arith.select %ge3A_874, %gather3A_855, %gather3A_859 : vector<16xi1>, vector<16xf32>
      %select_n3A_876 = arith.select %ge3A_874, %add3A_854, %add3A_858 : vector<16xi1>, vector<16xi32>
      %ge3A_877 = arith.cmpf oge, %gather3A_863, %gather3A_867 : vector<16xf32>
      %select_n3A_878 = arith.select %ge3A_877, %gather3A_863, %gather3A_867 : vector<16xi1>, vector<16xf32>
      %select_n3A_879 = arith.select %ge3A_877, %add3A_862, %add3A_866 : vector<16xi1>, vector<16xi32>
      %ge3A_880 = arith.cmpf oge, %select_n3A_869, %select_n3A_872 : vector<16xf32>
      %select_n3A_881 = arith.select %ge3A_880, %select_n3A_869, %select_n3A_872 : vector<16xi1>, vector<16xf32>
      %select_n3A_882 = arith.select %ge3A_880, %select_n3A_870, %select_n3A_873 : vector<16xi1>, vector<16xi32>
      %ge3A_883 = arith.cmpf oge, %select_n3A_875, %select_n3A_878 : vector<16xf32>
      %select_n3A_884 = arith.select %ge3A_883, %select_n3A_875, %select_n3A_878 : vector<16xi1>, vector<16xf32>
      %select_n3A_885 = arith.select %ge3A_883, %select_n3A_876, %select_n3A_879 : vector<16xi1>, vector<16xi32>
      %ge3A_886 = arith.cmpf oge, %select_n3A_881, %select_n3A_884 : vector<16xf32>
      %select_n3A_887 = arith.select %ge3A_886, %select_n3A_881, %select_n3A_884 : vector<16xi1>, vector<16xf32>
      %select_n3A_888 = arith.select %ge3A_886, %select_n3A_882, %select_n3A_885 : vector<16xi1>, vector<16xi32>
      %eq3A_889 = arith.constant 0 : i32
      %eq3A_890 = vector.broadcast %eq3A_889 : i32 to vector<16xi32>
      %eq3A_891 = arith.cmpi eq, %and3A_835, %eq3A_890 : vector<16xi32>
      %select_n3A_892 = arith.select %eq3A_891, %select_n3A_887, %select_n3A_773 : vector<16xi1>, vector<16xf32>
      %select_n3A_893 = arith.select %eq3A_891, %select_n3A_888, %select_n3A_774 : vector<16xi1>, vector<16xi32>
      %eq3A_894 = arith.constant 8 : i32
      %eq3A_895 = vector.broadcast %eq3A_894 : i32 to vector<16xi32>
      %eq3A_896 = arith.cmpi eq, %and3A_835, %eq3A_895 : vector<16xi32>
      %select_n3A_897 = arith.select %eq3A_896, %select_n3A_887, %select_n3A_778 : vector<16xi1>, vector<16xf32>
      %select_n3A_898 = arith.select %eq3A_896, %select_n3A_888, %select_n3A_779 : vector<16xi1>, vector<16xi32>
      %eq3A_899 = arith.constant 16 : i32
      %eq3A_900 = vector.broadcast %eq3A_899 : i32 to vector<16xi32>
      %eq3A_901 = arith.cmpi eq, %and3A_835, %eq3A_900 : vector<16xi32>
      %select_n3A_902 = arith.select %eq3A_901, %select_n3A_887, %select_n3A_783 : vector<16xi1>, vector<16xf32>
      %select_n3A_903 = arith.select %eq3A_901, %select_n3A_888, %select_n3A_784 : vector<16xi1>, vector<16xi32>
      %eq3A_904 = arith.constant 24 : i32
      %eq3A_905 = vector.broadcast %eq3A_904 : i32 to vector<16xi32>
      %eq3A_906 = arith.cmpi eq, %and3A_835, %eq3A_905 : vector<16xi32>
      %select_n3A_907 = arith.select %eq3A_906, %select_n3A_887, %select_n3A_788 : vector<16xi1>, vector<16xf32>
      %select_n3A_908 = arith.select %eq3A_906, %select_n3A_888, %select_n3A_789 : vector<16xi1>, vector<16xi32>
      %eq3A_909 = arith.constant 32 : i32
      %eq3A_910 = vector.broadcast %eq3A_909 : i32 to vector<16xi32>
      %eq3A_911 = arith.cmpi eq, %and3A_835, %eq3A_910 : vector<16xi32>
      %select_n3A_912 = arith.select %eq3A_911, %select_n3A_887, %select_n3A_793 : vector<16xi1>, vector<16xf32>
      %select_n3A_913 = arith.select %eq3A_911, %select_n3A_888, %select_n3A_794 : vector<16xi1>, vector<16xi32>
      %eq3A_914 = arith.constant 40 : i32
      %eq3A_915 = vector.broadcast %eq3A_914 : i32 to vector<16xi32>
      %eq3A_916 = arith.cmpi eq, %and3A_835, %eq3A_915 : vector<16xi32>
      %select_n3A_917 = arith.select %eq3A_916, %select_n3A_887, %select_n3A_798 : vector<16xi1>, vector<16xf32>
      %select_n3A_918 = arith.select %eq3A_916, %select_n3A_888, %select_n3A_799 : vector<16xi1>, vector<16xi32>
      %eq3A_919 = arith.constant 48 : i32
      %eq3A_920 = vector.broadcast %eq3A_919 : i32 to vector<16xi32>
      %eq3A_921 = arith.cmpi eq, %and3A_835, %eq3A_920 : vector<16xi32>
      %select_n3A_922 = arith.select %eq3A_921, %select_n3A_887, %select_n3A_803 : vector<16xi1>, vector<16xf32>
      %select_n3A_923 = arith.select %eq3A_921, %select_n3A_888, %select_n3A_804 : vector<16xi1>, vector<16xi32>
      %eq3A_924 = arith.constant 56 : i32
      %eq3A_925 = vector.broadcast %eq3A_924 : i32 to vector<16xi32>
      %eq3A_926 = arith.cmpi eq, %and3A_835, %eq3A_925 : vector<16xi32>
      %select_n3A_927 = arith.select %eq3A_926, %select_n3A_887, %select_n3A_808 : vector<16xi1>, vector<16xf32>
      %select_n3A_928 = arith.select %eq3A_926, %select_n3A_888, %select_n3A_809 : vector<16xi1>, vector<16xi32>
      %ge3A_929 = arith.cmpf oge, %select_n3A_892, %select_n3A_897 : vector<16xf32>
      %select_n3A_930 = arith.select %ge3A_929, %select_n3A_892, %select_n3A_897 : vector<16xi1>, vector<16xf32>
      %select_n3A_931 = arith.select %ge3A_929, %select_n3A_893, %select_n3A_898 : vector<16xi1>, vector<16xi32>
      %ge3A_932 = arith.cmpf oge, %select_n3A_902, %select_n3A_907 : vector<16xf32>
      %select_n3A_933 = arith.select %ge3A_932, %select_n3A_902, %select_n3A_907 : vector<16xi1>, vector<16xf32>
      %select_n3A_934 = arith.select %ge3A_932, %select_n3A_903, %select_n3A_908 : vector<16xi1>, vector<16xi32>
      %ge3A_935 = arith.cmpf oge, %select_n3A_912, %select_n3A_917 : vector<16xf32>
      %select_n3A_936 = arith.select %ge3A_935, %select_n3A_912, %select_n3A_917 : vector<16xi1>, vector<16xf32>
      %select_n3A_937 = arith.select %ge3A_935, %select_n3A_913, %select_n3A_918 : vector<16xi1>, vector<16xi32>
      %ge3A_938 = arith.cmpf oge, %select_n3A_922, %select_n3A_927 : vector<16xf32>
      %select_n3A_939 = arith.select %ge3A_938, %select_n3A_922, %select_n3A_927 : vector<16xi1>, vector<16xf32>
      %select_n3A_940 = arith.select %ge3A_938, %select_n3A_923, %select_n3A_928 : vector<16xi1>, vector<16xi32>
      %ge3A_941 = arith.cmpf oge, %select_n3A_930, %select_n3A_933 : vector<16xf32>
      %select_n3A_942 = arith.select %ge3A_941, %select_n3A_930, %select_n3A_933 : vector<16xi1>, vector<16xf32>
      %select_n3A_943 = arith.select %ge3A_941, %select_n3A_931, %select_n3A_934 : vector<16xi1>, vector<16xi32>
      %ge3A_944 = arith.cmpf oge, %select_n3A_936, %select_n3A_939 : vector<16xf32>
      %select_n3A_945 = arith.select %ge3A_944, %select_n3A_936, %select_n3A_939 : vector<16xi1>, vector<16xf32>
      %select_n3A_946 = arith.select %ge3A_944, %select_n3A_937, %select_n3A_940 : vector<16xi1>, vector<16xi32>
      %ge3A_947 = arith.cmpf oge, %select_n3A_942, %select_n3A_945 : vector<16xf32>
      %select_n3A_948 = arith.select %ge3A_947, %select_n3A_942, %select_n3A_945 : vector<16xi1>, vector<16xf32>
      %select_n3A_949 = arith.select %ge3A_947, %select_n3A_943, %select_n3A_946 : vector<16xi1>, vector<16xi32>
      tpu.vector_store_idx %arg5[%select_n3A_949, %add3A_17], %broadcast_in_dim3A_3 : memref<64x256xf32, #tpu.memory_space<vmem>>[vector<16xi32>, vector<16xi32>], vector<16xf32>,
      %not3A_950 = arith.constant 7 : i32
      %not3A_951 = arith.constant -1 : i32
      %not3A_952 = arith.xori %not3A_950, %not3A_951 : i32
      %and3A_953 = vector.broadcast %not3A_952 : i32 to vector<16xi32>
      %and3A_954 = arith.andi %select_n3A_949, %and3A_953 : vector<16xi32>
      %add3A_955 = arith.constant 0 : i32
      %add3A_956 = vector.broadcast %add3A_955 : i32 to vector<16xi32>
      %add3A_957 = arith.addi %and3A_954, %add3A_956 : vector<16xi32>
      %gather3A_958 = tpu.vector_load_idx %arg5[%add3A_957, %add3A_17] : memref<64x256xf32, #tpu.memory_space<vmem>>[vector<16xi32>, vector<16xi32>], vector<16xf32>,
      %add3A_959 = arith.constant 1 : i32
      %add3A_960 = vector.broadcast %add3A_959 : i32 to vector<16xi32>
      %add3A_961 = arith.addi %and3A_954, %add3A_960 : vector<16xi32>
      %gather3A_962 = tpu.vector_load_idx %arg5[%add3A_961, %add3A_17] : memref<64x256xf32, #tpu.memory_space<vmem>>[vector<16xi32>, vector<16xi32>], vector<16xf32>,
      %add3A_963 = arith.constant 2 : i32
      %add3A_964 = vector.broadcast %add3A_963 : i32 to vector<16xi32>
      %add3A_965 = arith.addi %and3A_954, %add3A_964 : vector<16xi32>
      %gather3A_966 = tpu.vector_load_idx %arg5[%add3A_965, %add3A_17] : memref<64x256xf32, #tpu.memory_space<vmem>>[vector<16xi32>, vector<16xi32>], vector<16xf32>,
      %add3A_967 = arith.constant 3 : i32
      %add3A_968 = vector.broadcast %add3A_967 : i32 to vector<16xi32>
      %add3A_969 = arith.addi %and3A_954, %add3A_968 : vector<16xi32>
      %gather3A_970 = tpu.vector_load_idx %arg5[%add3A_969, %add3A_17] : memref<64x256xf32, #tpu.memory_space<vmem>>[vector<16xi32>, vector<16xi32>], vector<16xf32>,
      %add3A_971 = arith.constant 4 : i32
      %add3A_972 = vector.broadcast %add3A_971 : i32 to vector<16xi32>
      %add3A_973 = arith.addi %and3A_954, %add3A_972 : vector<16xi32>
      %gather3A_974 = tpu.vector_load_idx %arg5[%add3A_973, %add3A_17] : memref<64x256xf32, #tpu.memory_space<vmem>>[vector<16xi32>, vector<16xi32>], vector<16xf32>,
      %add3A_975 = arith.constant 5 : i32
      %add3A_976 = vector.broadcast %add3A_975 : i32 to vector<16xi32>
      %add3A_977 = arith.addi %and3A_954, %add3A_976 : vector<16xi32>
      %gather3A_978 = tpu.vector_load_idx %arg5[%add3A_977, %add3A_17] : memref<64x256xf32, #tpu.memory_space<vmem>>[vector<16xi32>, vector<16xi32>], vector<16xf32>,
      %add3A_979 = arith.constant 6 : i32
      %add3A_980 = vector.broadcast %add3A_979 : i32 to vector<16xi32>
      %add3A_981 = arith.addi %and3A_954, %add3A_980 : vector<16xi32>
      %gather3A_982 = tpu.vector_load_idx %arg5[%add3A_981, %add3A_17] : memref<64x256xf32, #tpu.memory_space<vmem>>[vector<16xi32>, vector<16xi32>], vector<16xf32>,
      %add3A_983 = arith.constant 7 : i32
      %add3A_984 = vector.broadcast %add3A_983 : i32 to vector<16xi32>
      %add3A_985 = arith.addi %and3A_954, %add3A_984 : vector<16xi32>
      %gather3A_986 = tpu.vector_load_idx %arg5[%add3A_985, %add3A_17] : memref<64x256xf32, #tpu.memory_space<vmem>>[vector<16xi32>, vector<16xi32>], vector<16xf32>,
      %ge3A_987 = arith.cmpf oge, %gather3A_958, %gather3A_962 : vector<16xf32>
      %select_n3A_988 = arith.select %ge3A_987, %gather3A_958, %gather3A_962 : vector<16xi1>, vector<16xf32>
      %select_n3A_989 = arith.select %ge3A_987, %add3A_957, %add3A_961 : vector<16xi1>, vector<16xi32>
      %ge3A_990 = arith.cmpf oge, %gather3A_966, %gather3A_970 : vector<16xf32>
      %select_n3A_991 = arith.select %ge3A_990, %gather3A_966, %gather3A_970 : vector<16xi1>, vector<16xf32>
      %select_n3A_992 = arith.select %ge3A_990, %add3A_965, %add3A_969 : vector<16xi1>, vector<16xi32>
      %ge3A_993 = arith.cmpf oge, %gather3A_974, %gather3A_978 : vector<16xf32>
      %select_n3A_994 = arith.select %ge3A_993, %gather3A_974, %gather3A_978 : vector<16xi1>, vector<16xf32>
      %select_n3A_995 = arith.select %ge3A_993, %add3A_973, %add3A_977 : vector<16xi1>, vector<16xi32>
      %ge3A_996 = arith.cmpf oge, %gather3A_982, %gather3A_986 : vector<16xf32>
      %select_n3A_997 = arith.select %ge3A_996, %gather3A_982, %gather3A_986 : vector<16xi1>, vector<16xf32>
      %select_n3A_998 = arith.select %ge3A_996, %add3A_981, %add3A_985 : vector<16xi1>, vector<16xi32>
      %ge3A_999 = arith.cmpf oge, %select_n3A_988, %select_n3A_991 : vector<16xf32>
      %select_n3A_1000 = arith.select %ge3A_999, %select_n3A_988, %select_n3A_991 : vector<16xi1>, vector<16xf32>
      %select_n3A_1001 = arith.select %ge3A_999, %select_n3A_989, %select_n3A_992 : vector<16xi1>, vector<16xi32>
      %ge3A_1002 = arith.cmpf oge, %select_n3A_994, %select_n3A_997 : vector<16xf32>
      %select_n3A_1003 = arith.select %ge3A_1002, %select_n3A_994, %select_n3A_997 : vector<16xi1>, vector<16xf32>
      %select_n3A_1004 = arith.select %ge3A_1002, %select_n3A_995, %select_n3A_998 : vector<16xi1>, vector<16xi32>
      %ge3A_1005 = arith.cmpf oge, %select_n3A_1000, %select_n3A_1003 : vector<16xf32>
      %select_n3A_1006 = arith.select %ge3A_1005, %select_n3A_1000, %select_n3A_1003 : vector<16xi1>, vector<16xf32>
      %select_n3A_1007 = arith.select %ge3A_1005, %select_n3A_1001, %select_n3A_1004 : vector<16xi1>, vector<16xi32>
      %eq3A_1008 = arith.constant 0 : i32
      %eq3A_1009 = vector.broadcast %eq3A_1008 : i32 to vector<16xi32>
      %eq3A_1010 = arith.cmpi eq, %and3A_954, %eq3A_1009 : vector<16xi32>
      %select_n3A_1011 = arith.select %eq3A_1010, %select_n3A_1006, %select_n3A_892 : vector<16xi1>, vector<16xf32>
      %select_n3A_1012 = arith.select %eq3A_1010, %select_n3A_1007, %select_n3A_893 : vector<16xi1>, vector<16xi32>
      %eq3A_1013 = arith.constant 8 : i32
      %eq3A_1014 = vector.broadcast %eq3A_1013 : i32 to vector<16xi32>
      %eq3A_1015 = arith.cmpi eq, %and3A_954, %eq3A_1014 : vector<16xi32>
      %select_n3A_1016 = arith.select %eq3A_1015, %select_n3A_1006, %select_n3A_897 : vector<16xi1>, vector<16xf32>
      %select_n3A_1017 = arith.select %eq3A_1015, %select_n3A_1007, %select_n3A_898 : vector<16xi1>, vector<16xi32>
      %eq3A_1018 = arith.constant 16 : i32
      %eq3A_1019 = vector.broadcast %eq3A_1018 : i32 to vector<16xi32>
      %eq3A_1020 = arith.cmpi eq, %and3A_954, %eq3A_1019 : vector<16xi32>
      %select_n3A_1021 = arith.select %eq3A_1020, %select_n3A_1006, %select_n3A_902 : vector<16xi1>, vector<16xf32>
      %select_n3A_1022 = arith.select %eq3A_1020, %select_n3A_1007, %select_n3A_903 : vector<16xi1>, vector<16xi32>
      %eq3A_1023 = arith.constant 24 : i32
      %eq3A_1024 = vector.broadcast %eq3A_1023 : i32 to vector<16xi32>
      %eq3A_1025 = arith.cmpi eq, %and3A_954, %eq3A_1024 : vector<16xi32>
      %select_n3A_1026 = arith.select %eq3A_1025, %select_n3A_1006, %select_n3A_907 : vector<16xi1>, vector<16xf32>
      %select_n3A_1027 = arith.select %eq3A_1025, %select_n3A_1007, %select_n3A_908 : vector<16xi1>, vector<16xi32>
      %eq3A_1028 = arith.constant 32 : i32
      %eq3A_1029 = vector.broadcast %eq3A_1028 : i32 to vector<16xi32>
      %eq3A_1030 = arith.cmpi eq, %and3A_954, %eq3A_1029 : vector<16xi32>
      %select_n3A_1031 = arith.select %eq3A_1030, %select_n3A_1006, %select_n3A_912 : vector<16xi1>, vector<16xf32>
      %select_n3A_1032 = arith.select %eq3A_1030, %select_n3A_1007, %select_n3A_913 : vector<16xi1>, vector<16xi32>
      %eq3A_1033 = arith.constant 40 : i32
      %eq3A_1034 = vector.broadcast %eq3A_1033 : i32 to vector<16xi32>
      %eq3A_1035 = arith.cmpi eq, %and3A_954, %eq3A_1034 : vector<16xi32>
      %select_n3A_1036 = arith.select %eq3A_1035, %select_n3A_1006, %select_n3A_917 : vector<16xi1>, vector<16xf32>
      %select_n3A_1037 = arith.select %eq3A_1035, %select_n3A_1007, %select_n3A_918 : vector<16xi1>, vector<16xi32>
      %eq3A_1038 = arith.constant 48 : i32
      %eq3A_1039 = vector.broadcast %eq3A_1038 : i32 to vector<16xi32>
      %eq3A_1040 = arith.cmpi eq, %and3A_954, %eq3A_1039 : vector<16xi32>
      %select_n3A_1041 = arith.select %eq3A_1040, %select_n3A_1006, %select_n3A_922 : vector<16xi1>, vector<16xf32>
      %select_n3A_1042 = arith.select %eq3A_1040, %select_n3A_1007, %select_n3A_923 : vector<16xi1>, vector<16xi32>
      %eq3A_1043 = arith.constant 56 : i32
      %eq3A_1044 = vector.broadcast %eq3A_1043 : i32 to vector<16xi32>
      %eq3A_1045 = arith.cmpi eq, %and3A_954, %eq3A_1044 : vector<16xi32>
      %select_n3A_1046 = arith.select %eq3A_1045, %select_n3A_1006, %select_n3A_927 : vector<16xi1>, vector<16xf32>
      %select_n3A_1047 = arith.select %eq3A_1045, %select_n3A_1007, %select_n3A_928 : vector<16xi1>, vector<16xi32>
      %ge3A_1048 = arith.cmpf oge, %select_n3A_1011, %select_n3A_1016 : vector<16xf32>
      %select_n3A_1049 = arith.select %ge3A_1048, %select_n3A_1011, %select_n3A_1016 : vector<16xi1>, vector<16xf32>
      %select_n3A_1050 = arith.select %ge3A_1048, %select_n3A_1012, %select_n3A_1017 : vector<16xi1>, vector<16xi32>
      %ge3A_1051 = arith.cmpf oge, %select_n3A_1021, %select_n3A_1026 : vector<16xf32>
      %select_n3A_1052 = arith.select %ge3A_1051, %select_n3A_1021, %select_n3A_1026 : vector<16xi1>, vector<16xf32>
      %select_n3A_1053 = arith.select %ge3A_1051, %select_n3A_1022, %select_n3A_1027 : vector<16xi1>, vector<16xi32>
      %ge3A_1054 = arith.cmpf oge, %select_n3A_1031, %select_n3A_1036 : vector<16xf32>
      %select_n3A_1055 = arith.select %ge3A_1054, %select_n3A_1031, %select_n3A_1036 : vector<16xi1>, vector<16xf32>
      %select_n3A_1056 = arith.select %ge3A_1054, %select_n3A_1032, %select_n3A_1037 : vector<16xi1>, vector<16xi32>
      %ge3A_1057 = arith.cmpf oge, %select_n3A_1041, %select_n3A_1046 : vector<16xf32>
      %select_n3A_1058 = arith.select %ge3A_1057, %select_n3A_1041, %select_n3A_1046 : vector<16xi1>, vector<16xf32>
      %select_n3A_1059 = arith.select %ge3A_1057, %select_n3A_1042, %select_n3A_1047 : vector<16xi1>, vector<16xi32>
      %ge3A_1060 = arith.cmpf oge, %select_n3A_1049, %select_n3A_1052 : vector<16xf32>
      %select_n3A_1061 = arith.select %ge3A_1060, %select_n3A_1049, %select_n3A_1052 : vector<16xi1>, vector<16xf32>
      %select_n3A_1062 = arith.select %ge3A_1060, %select_n3A_1050, %select_n3A_1053 : vector<16xi1>, vector<16xi32>
      %ge3A_1063 = arith.cmpf oge, %select_n3A_1055, %select_n3A_1058 : vector<16xf32>
      %select_n3A_1064 = arith.select %ge3A_1063, %select_n3A_1055, %select_n3A_1058 : vector<16xi1>, vector<16xf32>
      %select_n3A_1065 = arith.select %ge3A_1063, %select_n3A_1056, %select_n3A_1059 : vector<16xi1>, vector<16xi32>
      %ge3A_1066 = arith.cmpf oge, %select_n3A_1061, %select_n3A_1064 : vector<16xf32>
      %select_n3A_1067 = arith.select %ge3A_1066, %select_n3A_1061, %select_n3A_1064 : vector<16xi1>, vector<16xf32>
      %select_n3A_1068 = arith.select %ge3A_1066, %select_n3A_1062, %select_n3A_1065 : vector<16xi1>, vector<16xi32>
      tpu.vector_store_idx %arg5[%select_n3A_1068, %add3A_17], %broadcast_in_dim3A_3 : memref<64x256xf32, #tpu.memory_space<vmem>>[vector<16xi32>, vector<16xi32>], vector<16xf32>,
      %not3A_1069 = arith.constant 7 : i32
      %not3A_1070 = arith.constant -1 : i32
      %not3A_1071 = arith.xori %not3A_1069, %not3A_1070 : i32
      %and3A_1072 = vector.broadcast %not3A_1071 : i32 to vector<16xi32>
      %and3A_1073 = arith.andi %select_n3A_1068, %and3A_1072 : vector<16xi32>
      %add3A_1074 = arith.constant 0 : i32
      %add3A_1075 = vector.broadcast %add3A_1074 : i32 to vector<16xi32>
      %add3A_1076 = arith.addi %and3A_1073, %add3A_1075 : vector<16xi32>
      %gather3A_1077 = tpu.vector_load_idx %arg5[%add3A_1076, %add3A_17] : memref<64x256xf32, #tpu.memory_space<vmem>>[vector<16xi32>, vector<16xi32>], vector<16xf32>,
      %add3A_1078 = arith.constant 1 : i32
      %add3A_1079 = vector.broadcast %add3A_1078 : i32 to vector<16xi32>
      %add3A_1080 = arith.addi %and3A_1073, %add3A_1079 : vector<16xi32>
      %gather3A_1081 = tpu.vector_load_idx %arg5[%add3A_1080, %add3A_17] : memref<64x256xf32, #tpu.memory_space<vmem>>[vector<16xi32>, vector<16xi32>], vector<16xf32>,
      %add3A_1082 = arith.constant 2 : i32
      %add3A_1083 = vector.broadcast %add3A_1082 : i32 to vector<16xi32>
      %add3A_1084 = arith.addi %and3A_1073, %add3A_1083 : vector<16xi32>
      %gather3A_1085 = tpu.vector_load_idx %arg5[%add3A_1084, %add3A_17] : memref<64x256xf32, #tpu.memory_space<vmem>>[vector<16xi32>, vector<16xi32>], vector<16xf32>,
      %add3A_1086 = arith.constant 3 : i32
      %add3A_1087 = vector.broadcast %add3A_1086 : i32 to vector<16xi32>
      %add3A_1088 = arith.addi %and3A_1073, %add3A_1087 : vector<16xi32>
      %gather3A_1089 = tpu.vector_load_idx %arg5[%add3A_1088, %add3A_17] : memref<64x256xf32, #tpu.memory_space<vmem>>[vector<16xi32>, vector<16xi32>], vector<16xf32>,
      %add3A_1090 = arith.constant 4 : i32
      %add3A_1091 = vector.broadcast %add3A_1090 : i32 to vector<16xi32>
      %add3A_1092 = arith.addi %and3A_1073, %add3A_1091 : vector<16xi32>
      %gather3A_1093 = tpu.vector_load_idx %arg5[%add3A_1092, %add3A_17] : memref<64x256xf32, #tpu.memory_space<vmem>>[vector<16xi32>, vector<16xi32>], vector<16xf32>,
      %add3A_1094 = arith.constant 5 : i32
      %add3A_1095 = vector.broadcast %add3A_1094 : i32 to vector<16xi32>
      %add3A_1096 = arith.addi %and3A_1073, %add3A_1095 : vector<16xi32>
      %gather3A_1097 = tpu.vector_load_idx %arg5[%add3A_1096, %add3A_17] : memref<64x256xf32, #tpu.memory_space<vmem>>[vector<16xi32>, vector<16xi32>], vector<16xf32>,
      %add3A_1098 = arith.constant 6 : i32
      %add3A_1099 = vector.broadcast %add3A_1098 : i32 to vector<16xi32>
      %add3A_1100 = arith.addi %and3A_1073, %add3A_1099 : vector<16xi32>
      %gather3A_1101 = tpu.vector_load_idx %arg5[%add3A_1100, %add3A_17] : memref<64x256xf32, #tpu.memory_space<vmem>>[vector<16xi32>, vector<16xi32>], vector<16xf32>,
      %add3A_1102 = arith.constant 7 : i32
      %add3A_1103 = vector.broadcast %add3A_1102 : i32 to vector<16xi32>
      %add3A_1104 = arith.addi %and3A_1073, %add3A_1103 : vector<16xi32>
      %gather3A_1105 = tpu.vector_load_idx %arg5[%add3A_1104, %add3A_17] : memref<64x256xf32, #tpu.memory_space<vmem>>[vector<16xi32>, vector<16xi32>], vector<16xf32>,
      %ge3A_1106 = arith.cmpf oge, %gather3A_1077, %gather3A_1081 : vector<16xf32>
      %select_n3A_1107 = arith.select %ge3A_1106, %gather3A_1077, %gather3A_1081 : vector<16xi1>, vector<16xf32>
      %select_n3A_1108 = arith.select %ge3A_1106, %add3A_1076, %add3A_1080 : vector<16xi1>, vector<16xi32>
      %ge3A_1109 = arith.cmpf oge, %gather3A_1085, %gather3A_1089 : vector<16xf32>
      %select_n3A_1110 = arith.select %ge3A_1109, %gather3A_1085, %gather3A_1089 : vector<16xi1>, vector<16xf32>
      %select_n3A_1111 = arith.select %ge3A_1109, %add3A_1084, %add3A_1088 : vector<16xi1>, vector<16xi32>
      %ge3A_1112 = arith.cmpf oge, %gather3A_1093, %gather3A_1097 : vector<16xf32>
      %select_n3A_1113 = arith.select %ge3A_1112, %gather3A_1093, %gather3A_1097 : vector<16xi1>, vector<16xf32>
      %select_n3A_1114 = arith.select %ge3A_1112, %add3A_1092, %add3A_1096 : vector<16xi1>, vector<16xi32>
      %ge3A_1115 = arith.cmpf oge, %gather3A_1101, %gather3A_1105 : vector<16xf32>
      %select_n3A_1116 = arith.select %ge3A_1115, %gather3A_1101, %gather3A_1105 : vector<16xi1>, vector<16xf32>
      %select_n3A_1117 = arith.select %ge3A_1115, %add3A_1100, %add3A_1104 : vector<16xi1>, vector<16xi32>
      %ge3A_1118 = arith.cmpf oge, %select_n3A_1107, %select_n3A_1110 : vector<16xf32>
      %select_n3A_1119 = arith.select %ge3A_1118, %select_n3A_1107, %select_n3A_1110 : vector<16xi1>, vector<16xf32>
      %select_n3A_1120 = arith.select %ge3A_1118, %select_n3A_1108, %select_n3A_1111 : vector<16xi1>, vector<16xi32>
      %ge3A_1121 = arith.cmpf oge, %select_n3A_1113, %select_n3A_1116 : vector<16xf32>
      %select_n3A_1122 = arith.select %ge3A_1121, %select_n3A_1113, %select_n3A_1116 : vector<16xi1>, vector<16xf32>
      %select_n3A_1123 = arith.select %ge3A_1121, %select_n3A_1114, %select_n3A_1117 : vector<16xi1>, vector<16xi32>
      %ge3A_1124 = arith.cmpf oge, %select_n3A_1119, %select_n3A_1122 : vector<16xf32>
      %select_n3A_1125 = arith.select %ge3A_1124, %select_n3A_1119, %select_n3A_1122 : vector<16xi1>, vector<16xf32>
      %select_n3A_1126 = arith.select %ge3A_1124, %select_n3A_1120, %select_n3A_1123 : vector<16xi1>, vector<16xi32>
      %eq3A_1127 = arith.constant 0 : i32
      %eq3A_1128 = vector.broadcast %eq3A_1127 : i32 to vector<16xi32>
      %eq3A_1129 = arith.cmpi eq, %and3A_1073, %eq3A_1128 : vector<16xi32>
      %select_n3A_1130 = arith.select %eq3A_1129, %select_n3A_1125, %select_n3A_1011 : vector<16xi1>, vector<16xf32>
      %select_n3A_1131 = arith.select %eq3A_1129, %select_n3A_1126, %select_n3A_1012 : vector<16xi1>, vector<16xi32>
      %eq3A_1132 = arith.constant 8 : i32
      %eq3A_1133 = vector.broadcast %eq3A_1132 : i32 to vector<16xi32>
      %eq3A_1134 = arith.cmpi eq, %and3A_1073, %eq3A_1133 : vector<16xi32>
      %select_n3A_1135 = arith.select %eq3A_1134, %select_n3A_1125, %select_n3A_1016 : vector<16xi1>, vector<16xf32>
      %select_n3A_1136 = arith.select %eq3A_1134, %select_n3A_1126, %select_n3A_1017 : vector<16xi1>, vector<16xi32>
      %eq3A_1137 = arith.constant 16 : i32
      %eq3A_1138 = vector.broadcast %eq3A_1137 : i32 to vector<16xi32>
      %eq3A_1139 = arith.cmpi eq, %and3A_1073, %eq3A_1138 : vector<16xi32>
      %select_n3A_1140 = arith.select %eq3A_1139, %select_n3A_1125, %select_n3A_1021 : vector<16xi1>, vector<16xf32>
      %select_n3A_1141 = arith.select %eq3A_1139, %select_n3A_1126, %select_n3A_1022 : vector<16xi1>, vector<16xi32>
      %eq3A_1142 = arith.constant 24 : i32
      %eq3A_1143 = vector.broadcast %eq3A_1142 : i32 to vector<16xi32>
      %eq3A_1144 = arith.cmpi eq, %and3A_1073, %eq3A_1143 : vector<16xi32>
      %select_n3A_1145 = arith.select %eq3A_1144, %select_n3A_1125, %select_n3A_1026 : vector<16xi1>, vector<16xf32>
      %select_n3A_1146 = arith.select %eq3A_1144, %select_n3A_1126, %select_n3A_1027 : vector<16xi1>, vector<16xi32>
      %eq3A_1147 = arith.constant 32 : i32
      %eq3A_1148 = vector.broadcast %eq3A_1147 : i32 to vector<16xi32>
      %eq3A_1149 = arith.cmpi eq, %and3A_1073, %eq3A_1148 : vector<16xi32>
      %select_n3A_1150 = arith.select %eq3A_1149, %select_n3A_1125, %select_n3A_1031 : vector<16xi1>, vector<16xf32>
      %select_n3A_1151 = arith.select %eq3A_1149, %select_n3A_1126, %select_n3A_1032 : vector<16xi1>, vector<16xi32>
      %eq3A_1152 = arith.constant 40 : i32
      %eq3A_1153 = vector.broadcast %eq3A_1152 : i32 to vector<16xi32>
      %eq3A_1154 = arith.cmpi eq, %and3A_1073, %eq3A_1153 : vector<16xi32>
      %select_n3A_1155 = arith.select %eq3A_1154, %select_n3A_1125, %select_n3A_1036 : vector<16xi1>, vector<16xf32>
      %select_n3A_1156 = arith.select %eq3A_1154, %select_n3A_1126, %select_n3A_1037 : vector<16xi1>, vector<16xi32>
      %eq3A_1157 = arith.constant 48 : i32
      %eq3A_1158 = vector.broadcast %eq3A_1157 : i32 to vector<16xi32>
      %eq3A_1159 = arith.cmpi eq, %and3A_1073, %eq3A_1158 : vector<16xi32>
      %select_n3A_1160 = arith.select %eq3A_1159, %select_n3A_1125, %select_n3A_1041 : vector<16xi1>, vector<16xf32>
      %select_n3A_1161 = arith.select %eq3A_1159, %select_n3A_1126, %select_n3A_1042 : vector<16xi1>, vector<16xi32>
      %eq3A_1162 = arith.constant 56 : i32
      %eq3A_1163 = vector.broadcast %eq3A_1162 : i32 to vector<16xi32>
      %eq3A_1164 = arith.cmpi eq, %and3A_1073, %eq3A_1163 : vector<16xi32>
      %select_n3A_1165 = arith.select %eq3A_1164, %select_n3A_1125, %select_n3A_1046 : vector<16xi1>, vector<16xf32>
      %select_n3A_1166 = arith.select %eq3A_1164, %select_n3A_1126, %select_n3A_1047 : vector<16xi1>, vector<16xi32>
      %ge3A_1167 = arith.cmpf oge, %select_n3A_1130, %select_n3A_1135 : vector<16xf32>
      %select_n3A_1168 = arith.select %ge3A_1167, %select_n3A_1130, %select_n3A_1135 : vector<16xi1>, vector<16xf32>
      %select_n3A_1169 = arith.select %ge3A_1167, %select_n3A_1131, %select_n3A_1136 : vector<16xi1>, vector<16xi32>
      %ge3A_1170 = arith.cmpf oge, %select_n3A_1140, %select_n3A_1145 : vector<16xf32>
      %select_n3A_1171 = arith.select %ge3A_1170, %select_n3A_1140, %select_n3A_1145 : vector<16xi1>, vector<16xf32>
      %select_n3A_1172 = arith.select %ge3A_1170, %select_n3A_1141, %select_n3A_1146 : vector<16xi1>, vector<16xi32>
      %ge3A_1173 = arith.cmpf oge, %select_n3A_1150, %select_n3A_1155 : vector<16xf32>
      %select_n3A_1174 = arith.select %ge3A_1173, %select_n3A_1150, %select_n3A_1155 : vector<16xi1>, vector<16xf32>
      %select_n3A_1175 = arith.select %ge3A_1173, %select_n3A_1151, %select_n3A_1156 : vector<16xi1>, vector<16xi32>
      %ge3A_1176 = arith.cmpf oge, %select_n3A_1160, %select_n3A_1165 : vector<16xf32>
      %select_n3A_1177 = arith.select %ge3A_1176, %select_n3A_1160, %select_n3A_1165 : vector<16xi1>, vector<16xf32>
      %select_n3A_1178 = arith.select %ge3A_1176, %select_n3A_1161, %select_n3A_1166 : vector<16xi1>, vector<16xi32>
      %ge3A_1179 = arith.cmpf oge, %select_n3A_1168, %select_n3A_1171 : vector<16xf32>
      %select_n3A_1180 = arith.select %ge3A_1179, %select_n3A_1168, %select_n3A_1171 : vector<16xi1>, vector<16xf32>
      %select_n3A_1181 = arith.select %ge3A_1179, %select_n3A_1169, %select_n3A_1172 : vector<16xi1>, vector<16xi32>
      %ge3A_1182 = arith.cmpf oge, %select_n3A_1174, %select_n3A_1177 : vector<16xf32>
      %select_n3A_1183 = arith.select %ge3A_1182, %select_n3A_1174, %select_n3A_1177 : vector<16xi1>, vector<16xf32>
      %select_n3A_1184 = arith.select %ge3A_1182, %select_n3A_1175, %select_n3A_1178 : vector<16xi1>, vector<16xi32>
      %ge3A_1185 = arith.cmpf oge, %select_n3A_1180, %select_n3A_1183 : vector<16xf32>
      %select_n3A_1186 = arith.select %ge3A_1185, %select_n3A_1180, %select_n3A_1183 : vector<16xi1>, vector<16xf32>
      %select_n3A_1187 = arith.select %ge3A_1185, %select_n3A_1181, %select_n3A_1184 : vector<16xi1>, vector<16xi32>
      tpu.vector_store_idx %arg5[%select_n3A_1187, %add3A_17], %broadcast_in_dim3A_3 : memref<64x256xf32, #tpu.memory_space<vmem>>[vector<16xi32>, vector<16xi32>], vector<16xf32>,
      %not3A_1188 = arith.constant 7 : i32
      %not3A_1189 = arith.constant -1 : i32
      %not3A_1190 = arith.xori %not3A_1188, %not3A_1189 : i32
      %and3A_1191 = vector.broadcast %not3A_1190 : i32 to vector<16xi32>
      %and3A_1192 = arith.andi %select_n3A_1187, %and3A_1191 : vector<16xi32>
      %add3A_1193 = arith.constant 0 : i32
      %add3A_1194 = vector.broadcast %add3A_1193 : i32 to vector<16xi32>
      %add3A_1195 = arith.addi %and3A_1192, %add3A_1194 : vector<16xi32>
      %gather3A_1196 = tpu.vector_load_idx %arg5[%add3A_1195, %add3A_17] : memref<64x256xf32, #tpu.memory_space<vmem>>[vector<16xi32>, vector<16xi32>], vector<16xf32>,
      %add3A_1197 = arith.constant 1 : i32
      %add3A_1198 = vector.broadcast %add3A_1197 : i32 to vector<16xi32>
      %add3A_1199 = arith.addi %and3A_1192, %add3A_1198 : vector<16xi32>
      %gather3A_1200 = tpu.vector_load_idx %arg5[%add3A_1199, %add3A_17] : memref<64x256xf32, #tpu.memory_space<vmem>>[vector<16xi32>, vector<16xi32>], vector<16xf32>,
      %add3A_1201 = arith.constant 2 : i32
      %add3A_1202 = vector.broadcast %add3A_1201 : i32 to vector<16xi32>
      %add3A_1203 = arith.addi %and3A_1192, %add3A_1202 : vector<16xi32>
      %gather3A_1204 = tpu.vector_load_idx %arg5[%add3A_1203, %add3A_17] : memref<64x256xf32, #tpu.memory_space<vmem>>[vector<16xi32>, vector<16xi32>], vector<16xf32>,
      %add3A_1205 = arith.constant 3 : i32
      %add3A_1206 = vector.broadcast %add3A_1205 : i32 to vector<16xi32>
      %add3A_1207 = arith.addi %and3A_1192, %add3A_1206 : vector<16xi32>
      %gather3A_1208 = tpu.vector_load_idx %arg5[%add3A_1207, %add3A_17] : memref<64x256xf32, #tpu.memory_space<vmem>>[vector<16xi32>, vector<16xi32>], vector<16xf32>,
      %add3A_1209 = arith.constant 4 : i32
      %add3A_1210 = vector.broadcast %add3A_1209 : i32 to vector<16xi32>
      %add3A_1211 = arith.addi %and3A_1192, %add3A_1210 : vector<16xi32>
      %gather3A_1212 = tpu.vector_load_idx %arg5[%add3A_1211, %add3A_17] : memref<64x256xf32, #tpu.memory_space<vmem>>[vector<16xi32>, vector<16xi32>], vector<16xf32>,
      %add3A_1213 = arith.constant 5 : i32
      %add3A_1214 = vector.broadcast %add3A_1213 : i32 to vector<16xi32>
      %add3A_1215 = arith.addi %and3A_1192, %add3A_1214 : vector<16xi32>
      %gather3A_1216 = tpu.vector_load_idx %arg5[%add3A_1215, %add3A_17] : memref<64x256xf32, #tpu.memory_space<vmem>>[vector<16xi32>, vector<16xi32>], vector<16xf32>,
      %add3A_1217 = arith.constant 6 : i32
      %add3A_1218 = vector.broadcast %add3A_1217 : i32 to vector<16xi32>
      %add3A_1219 = arith.addi %and3A_1192, %add3A_1218 : vector<16xi32>
      %gather3A_1220 = tpu.vector_load_idx %arg5[%add3A_1219, %add3A_17] : memref<64x256xf32, #tpu.memory_space<vmem>>[vector<16xi32>, vector<16xi32>], vector<16xf32>,
      %add3A_1221 = arith.constant 7 : i32
      %add3A_1222 = vector.broadcast %add3A_1221 : i32 to vector<16xi32>
      %add3A_1223 = arith.addi %and3A_1192, %add3A_1222 : vector<16xi32>
      %gather3A_1224 = tpu.vector_load_idx %arg5[%add3A_1223, %add3A_17] : memref<64x256xf32, #tpu.memory_space<vmem>>[vector<16xi32>, vector<16xi32>], vector<16xf32>,
      %ge3A_1225 = arith.cmpf oge, %gather3A_1196, %gather3A_1200 : vector<16xf32>
      %select_n3A_1226 = arith.select %ge3A_1225, %gather3A_1196, %gather3A_1200 : vector<16xi1>, vector<16xf32>
      %select_n3A_1227 = arith.select %ge3A_1225, %add3A_1195, %add3A_1199 : vector<16xi1>, vector<16xi32>
      %ge3A_1228 = arith.cmpf oge, %gather3A_1204, %gather3A_1208 : vector<16xf32>
      %select_n3A_1229 = arith.select %ge3A_1228, %gather3A_1204, %gather3A_1208 : vector<16xi1>, vector<16xf32>
      %select_n3A_1230 = arith.select %ge3A_1228, %add3A_1203, %add3A_1207 : vector<16xi1>, vector<16xi32>
      %ge3A_1231 = arith.cmpf oge, %gather3A_1212, %gather3A_1216 : vector<16xf32>
      %select_n3A_1232 = arith.select %ge3A_1231, %gather3A_1212, %gather3A_1216 : vector<16xi1>, vector<16xf32>
      %select_n3A_1233 = arith.select %ge3A_1231, %add3A_1211, %add3A_1215 : vector<16xi1>, vector<16xi32>
      %ge3A_1234 = arith.cmpf oge, %gather3A_1220, %gather3A_1224 : vector<16xf32>
      %select_n3A_1235 = arith.select %ge3A_1234, %gather3A_1220, %gather3A_1224 : vector<16xi1>, vector<16xf32>
      %select_n3A_1236 = arith.select %ge3A_1234, %add3A_1219, %add3A_1223 : vector<16xi1>, vector<16xi32>
      %ge3A_1237 = arith.cmpf oge, %select_n3A_1226, %select_n3A_1229 : vector<16xf32>
      %select_n3A_1238 = arith.select %ge3A_1237, %select_n3A_1226, %select_n3A_1229 : vector<16xi1>, vector<16xf32>
      %select_n3A_1239 = arith.select %ge3A_1237, %select_n3A_1227, %select_n3A_1230 : vector<16xi1>, vector<16xi32>
      %ge3A_1240 = arith.cmpf oge, %select_n3A_1232, %select_n3A_1235 : vector<16xf32>
      %select_n3A_1241 = arith.select %ge3A_1240, %select_n3A_1232, %select_n3A_1235 : vector<16xi1>, vector<16xf32>
      %select_n3A_1242 = arith.select %ge3A_1240, %select_n3A_1233, %select_n3A_1236 : vector<16xi1>, vector<16xi32>
      %ge3A_1243 = arith.cmpf oge, %select_n3A_1238, %select_n3A_1241 : vector<16xf32>
      %select_n3A_1244 = arith.select %ge3A_1243, %select_n3A_1238, %select_n3A_1241 : vector<16xi1>, vector<16xf32>
      %select_n3A_1245 = arith.select %ge3A_1243, %select_n3A_1239, %select_n3A_1242 : vector<16xi1>, vector<16xi32>
      %eq3A_1246 = arith.constant 0 : i32
      %eq3A_1247 = vector.broadcast %eq3A_1246 : i32 to vector<16xi32>
      %eq3A_1248 = arith.cmpi eq, %and3A_1192, %eq3A_1247 : vector<16xi32>
      %select_n3A_1249 = arith.select %eq3A_1248, %select_n3A_1244, %select_n3A_1130 : vector<16xi1>, vector<16xf32>
      %select_n3A_1250 = arith.select %eq3A_1248, %select_n3A_1245, %select_n3A_1131 : vector<16xi1>, vector<16xi32>
      %eq3A_1251 = arith.constant 8 : i32
      %eq3A_1252 = vector.broadcast %eq3A_1251 : i32 to vector<16xi32>
      %eq3A_1253 = arith.cmpi eq, %and3A_1192, %eq3A_1252 : vector<16xi32>
      %select_n3A_1254 = arith.select %eq3A_1253, %select_n3A_1244, %select_n3A_1135 : vector<16xi1>, vector<16xf32>
      %select_n3A_1255 = arith.select %eq3A_1253, %select_n3A_1245, %select_n3A_1136 : vector<16xi1>, vector<16xi32>
      %eq3A_1256 = arith.constant 16 : i32
      %eq3A_1257 = vector.broadcast %eq3A_1256 : i32 to vector<16xi32>
      %eq3A_1258 = arith.cmpi eq, %and3A_1192, %eq3A_1257 : vector<16xi32>
      %select_n3A_1259 = arith.select %eq3A_1258, %select_n3A_1244, %select_n3A_1140 : vector<16xi1>, vector<16xf32>
      %select_n3A_1260 = arith.select %eq3A_1258, %select_n3A_1245, %select_n3A_1141 : vector<16xi1>, vector<16xi32>
      %eq3A_1261 = arith.constant 24 : i32
      %eq3A_1262 = vector.broadcast %eq3A_1261 : i32 to vector<16xi32>
      %eq3A_1263 = arith.cmpi eq, %and3A_1192, %eq3A_1262 : vector<16xi32>
      %select_n3A_1264 = arith.select %eq3A_1263, %select_n3A_1244, %select_n3A_1145 : vector<16xi1>, vector<16xf32>
      %select_n3A_1265 = arith.select %eq3A_1263, %select_n3A_1245, %select_n3A_1146 : vector<16xi1>, vector<16xi32>
      %eq3A_1266 = arith.constant 32 : i32
      %eq3A_1267 = vector.broadcast %eq3A_1266 : i32 to vector<16xi32>
      %eq3A_1268 = arith.cmpi eq, %and3A_1192, %eq3A_1267 : vector<16xi32>
      %select_n3A_1269 = arith.select %eq3A_1268, %select_n3A_1244, %select_n3A_1150 : vector<16xi1>, vector<16xf32>
      %select_n3A_1270 = arith.select %eq3A_1268, %select_n3A_1245, %select_n3A_1151 : vector<16xi1>, vector<16xi32>
      %eq3A_1271 = arith.constant 40 : i32
      %eq3A_1272 = vector.broadcast %eq3A_1271 : i32 to vector<16xi32>
      %eq3A_1273 = arith.cmpi eq, %and3A_1192, %eq3A_1272 : vector<16xi32>
      %select_n3A_1274 = arith.select %eq3A_1273, %select_n3A_1244, %select_n3A_1155 : vector<16xi1>, vector<16xf32>
      %select_n3A_1275 = arith.select %eq3A_1273, %select_n3A_1245, %select_n3A_1156 : vector<16xi1>, vector<16xi32>
      %eq3A_1276 = arith.constant 48 : i32
      %eq3A_1277 = vector.broadcast %eq3A_1276 : i32 to vector<16xi32>
      %eq3A_1278 = arith.cmpi eq, %and3A_1192, %eq3A_1277 : vector<16xi32>
      %select_n3A_1279 = arith.select %eq3A_1278, %select_n3A_1244, %select_n3A_1160 : vector<16xi1>, vector<16xf32>
      %select_n3A_1280 = arith.select %eq3A_1278, %select_n3A_1245, %select_n3A_1161 : vector<16xi1>, vector<16xi32>
      %eq3A_1281 = arith.constant 56 : i32
      %eq3A_1282 = vector.broadcast %eq3A_1281 : i32 to vector<16xi32>
      %eq3A_1283 = arith.cmpi eq, %and3A_1192, %eq3A_1282 : vector<16xi32>
      %select_n3A_1284 = arith.select %eq3A_1283, %select_n3A_1244, %select_n3A_1165 : vector<16xi1>, vector<16xf32>
      %select_n3A_1285 = arith.select %eq3A_1283, %select_n3A_1245, %select_n3A_1166 : vector<16xi1>, vector<16xi32>
      %ge3A_1286 = arith.cmpf oge, %select_n3A_1249, %select_n3A_1254 : vector<16xf32>
      %select_n3A_1287 = arith.select %ge3A_1286, %select_n3A_1249, %select_n3A_1254 : vector<16xi1>, vector<16xf32>
      %select_n3A_1288 = arith.select %ge3A_1286, %select_n3A_1250, %select_n3A_1255 : vector<16xi1>, vector<16xi32>
      %ge3A_1289 = arith.cmpf oge, %select_n3A_1259, %select_n3A_1264 : vector<16xf32>
      %select_n3A_1290 = arith.select %ge3A_1289, %select_n3A_1259, %select_n3A_1264 : vector<16xi1>, vector<16xf32>
      %select_n3A_1291 = arith.select %ge3A_1289, %select_n3A_1260, %select_n3A_1265 : vector<16xi1>, vector<16xi32>
      %ge3A_1292 = arith.cmpf oge, %select_n3A_1269, %select_n3A_1274 : vector<16xf32>
      %select_n3A_1293 = arith.select %ge3A_1292, %select_n3A_1269, %select_n3A_1274 : vector<16xi1>, vector<16xf32>
      %select_n3A_1294 = arith.select %ge3A_1292, %select_n3A_1270, %select_n3A_1275 : vector<16xi1>, vector<16xi32>
      %ge3A_1295 = arith.cmpf oge, %select_n3A_1279, %select_n3A_1284 : vector<16xf32>
      %select_n3A_1296 = arith.select %ge3A_1295, %select_n3A_1279, %select_n3A_1284 : vector<16xi1>, vector<16xf32>
      %select_n3A_1297 = arith.select %ge3A_1295, %select_n3A_1280, %select_n3A_1285 : vector<16xi1>, vector<16xi32>
      %ge3A_1298 = arith.cmpf oge, %select_n3A_1287, %select_n3A_1290 : vector<16xf32>
      %select_n3A_1299 = arith.select %ge3A_1298, %select_n3A_1287, %select_n3A_1290 : vector<16xi1>, vector<16xf32>
      %select_n3A_1300 = arith.select %ge3A_1298, %select_n3A_1288, %select_n3A_1291 : vector<16xi1>, vector<16xi32>
      %ge3A_1301 = arith.cmpf oge, %select_n3A_1293, %select_n3A_1296 : vector<16xf32>
      %select_n3A_1302 = arith.select %ge3A_1301, %select_n3A_1293, %select_n3A_1296 : vector<16xi1>, vector<16xf32>
      %select_n3A_1303 = arith.select %ge3A_1301, %select_n3A_1294, %select_n3A_1297 : vector<16xi1>, vector<16xi32>
      %ge3A_1304 = arith.cmpf oge, %select_n3A_1299, %select_n3A_1302 : vector<16xf32>
      %select_n3A_1305 = arith.select %ge3A_1304, %select_n3A_1299, %select_n3A_1302 : vector<16xi1>, vector<16xf32>
      %select_n3A_1306 = arith.select %ge3A_1304, %select_n3A_1300, %select_n3A_1303 : vector<16xi1>, vector<16xi32>
      tpu.vector_store_idx %arg5[%select_n3A_1306, %add3A_17], %broadcast_in_dim3A_3 : memref<64x256xf32, #tpu.memory_space<vmem>>[vector<16xi32>, vector<16xi32>], vector<16xf32>,
      %not3A_1307 = arith.constant 7 : i32
      %not3A_1308 = arith.constant -1 : i32
      %not3A_1309 = arith.xori %not3A_1307, %not3A_1308 : i32
      %and3A_1310 = vector.broadcast %not3A_1309 : i32 to vector<16xi32>
      %and3A_1311 = arith.andi %select_n3A_1306, %and3A_1310 : vector<16xi32>
      %add3A_1312 = arith.constant 0 : i32
      %add3A_1313 = vector.broadcast %add3A_1312 : i32 to vector<16xi32>
      %add3A_1314 = arith.addi %and3A_1311, %add3A_1313 : vector<16xi32>
      %gather3A_1315 = tpu.vector_load_idx %arg5[%add3A_1314, %add3A_17] : memref<64x256xf32, #tpu.memory_space<vmem>>[vector<16xi32>, vector<16xi32>], vector<16xf32>,
      %add3A_1316 = arith.constant 1 : i32
      %add3A_1317 = vector.broadcast %add3A_1316 : i32 to vector<16xi32>
      %add3A_1318 = arith.addi %and3A_1311, %add3A_1317 : vector<16xi32>
      %gather3A_1319 = tpu.vector_load_idx %arg5[%add3A_1318, %add3A_17] : memref<64x256xf32, #tpu.memory_space<vmem>>[vector<16xi32>, vector<16xi32>], vector<16xf32>,
      %add3A_1320 = arith.constant 2 : i32
      %add3A_1321 = vector.broadcast %add3A_1320 : i32 to vector<16xi32>
      %add3A_1322 = arith.addi %and3A_1311, %add3A_1321 : vector<16xi32>
      %gather3A_1323 = tpu.vector_load_idx %arg5[%add3A_1322, %add3A_17] : memref<64x256xf32, #tpu.memory_space<vmem>>[vector<16xi32>, vector<16xi32>], vector<16xf32>,
      %add3A_1324 = arith.constant 3 : i32
      %add3A_1325 = vector.broadcast %add3A_1324 : i32 to vector<16xi32>
      %add3A_1326 = arith.addi %and3A_1311, %add3A_1325 : vector<16xi32>
      %gather3A_1327 = tpu.vector_load_idx %arg5[%add3A_1326, %add3A_17] : memref<64x256xf32, #tpu.memory_space<vmem>>[vector<16xi32>, vector<16xi32>], vector<16xf32>,
      %add3A_1328 = arith.constant 4 : i32
      %add3A_1329 = vector.broadcast %add3A_1328 : i32 to vector<16xi32>
      %add3A_1330 = arith.addi %and3A_1311, %add3A_1329 : vector<16xi32>
      %gather3A_1331 = tpu.vector_load_idx %arg5[%add3A_1330, %add3A_17] : memref<64x256xf32, #tpu.memory_space<vmem>>[vector<16xi32>, vector<16xi32>], vector<16xf32>,
      %add3A_1332 = arith.constant 5 : i32
      %add3A_1333 = vector.broadcast %add3A_1332 : i32 to vector<16xi32>
      %add3A_1334 = arith.addi %and3A_1311, %add3A_1333 : vector<16xi32>
      %gather3A_1335 = tpu.vector_load_idx %arg5[%add3A_1334, %add3A_17] : memref<64x256xf32, #tpu.memory_space<vmem>>[vector<16xi32>, vector<16xi32>], vector<16xf32>,
      %add3A_1336 = arith.constant 6 : i32
      %add3A_1337 = vector.broadcast %add3A_1336 : i32 to vector<16xi32>
      %add3A_1338 = arith.addi %and3A_1311, %add3A_1337 : vector<16xi32>
      %gather3A_1339 = tpu.vector_load_idx %arg5[%add3A_1338, %add3A_17] : memref<64x256xf32, #tpu.memory_space<vmem>>[vector<16xi32>, vector<16xi32>], vector<16xf32>,
      %add3A_1340 = arith.constant 7 : i32
      %add3A_1341 = vector.broadcast %add3A_1340 : i32 to vector<16xi32>
      %add3A_1342 = arith.addi %and3A_1311, %add3A_1341 : vector<16xi32>
      %gather3A_1343 = tpu.vector_load_idx %arg5[%add3A_1342, %add3A_17] : memref<64x256xf32, #tpu.memory_space<vmem>>[vector<16xi32>, vector<16xi32>], vector<16xf32>,
      %ge3A_1344 = arith.cmpf oge, %gather3A_1315, %gather3A_1319 : vector<16xf32>
      %select_n3A_1345 = arith.select %ge3A_1344, %gather3A_1315, %gather3A_1319 : vector<16xi1>, vector<16xf32>
      %select_n3A_1346 = arith.select %ge3A_1344, %add3A_1314, %add3A_1318 : vector<16xi1>, vector<16xi32>
      %ge3A_1347 = arith.cmpf oge, %gather3A_1323, %gather3A_1327 : vector<16xf32>
      %select_n3A_1348 = arith.select %ge3A_1347, %gather3A_1323, %gather3A_1327 : vector<16xi1>, vector<16xf32>
      %select_n3A_1349 = arith.select %ge3A_1347, %add3A_1322, %add3A_1326 : vector<16xi1>, vector<16xi32>
      %ge3A_1350 = arith.cmpf oge, %gather3A_1331, %gather3A_1335 : vector<16xf32>
      %select_n3A_1351 = arith.select %ge3A_1350, %gather3A_1331, %gather3A_1335 : vector<16xi1>, vector<16xf32>
      %select_n3A_1352 = arith.select %ge3A_1350, %add3A_1330, %add3A_1334 : vector<16xi1>, vector<16xi32>
      %ge3A_1353 = arith.cmpf oge, %gather3A_1339, %gather3A_1343 : vector<16xf32>
      %select_n3A_1354 = arith.select %ge3A_1353, %gather3A_1339, %gather3A_1343 : vector<16xi1>, vector<16xf32>
      %select_n3A_1355 = arith.select %ge3A_1353, %add3A_1338, %add3A_1342 : vector<16xi1>, vector<16xi32>
      %ge3A_1356 = arith.cmpf oge, %select_n3A_1345, %select_n3A_1348 : vector<16xf32>
      %select_n3A_1357 = arith.select %ge3A_1356, %select_n3A_1345, %select_n3A_1348 : vector<16xi1>, vector<16xf32>
      %select_n3A_1358 = arith.select %ge3A_1356, %select_n3A_1346, %select_n3A_1349 : vector<16xi1>, vector<16xi32>
      %ge3A_1359 = arith.cmpf oge, %select_n3A_1351, %select_n3A_1354 : vector<16xf32>
      %select_n3A_1360 = arith.select %ge3A_1359, %select_n3A_1351, %select_n3A_1354 : vector<16xi1>, vector<16xf32>
      %select_n3A_1361 = arith.select %ge3A_1359, %select_n3A_1352, %select_n3A_1355 : vector<16xi1>, vector<16xi32>
      %ge3A_1362 = arith.cmpf oge, %select_n3A_1357, %select_n3A_1360 : vector<16xf32>
      %select_n3A_1363 = arith.select %ge3A_1362, %select_n3A_1357, %select_n3A_1360 : vector<16xi1>, vector<16xf32>
      %select_n3A_1364 = arith.select %ge3A_1362, %select_n3A_1358, %select_n3A_1361 : vector<16xi1>, vector<16xi32>
      %eq3A_1365 = arith.constant 0 : i32
      %eq3A_1366 = vector.broadcast %eq3A_1365 : i32 to vector<16xi32>
      %eq3A_1367 = arith.cmpi eq, %and3A_1311, %eq3A_1366 : vector<16xi32>
      %select_n3A_1368 = arith.select %eq3A_1367, %select_n3A_1363, %select_n3A_1249 : vector<16xi1>, vector<16xf32>
      %select_n3A_1369 = arith.select %eq3A_1367, %select_n3A_1364, %select_n3A_1250 : vector<16xi1>, vector<16xi32>
      %eq3A_1370 = arith.constant 8 : i32
      %eq3A_1371 = vector.broadcast %eq3A_1370 : i32 to vector<16xi32>
      %eq3A_1372 = arith.cmpi eq, %and3A_1311, %eq3A_1371 : vector<16xi32>
      %select_n3A_1373 = arith.select %eq3A_1372, %select_n3A_1363, %select_n3A_1254 : vector<16xi1>, vector<16xf32>
      %select_n3A_1374 = arith.select %eq3A_1372, %select_n3A_1364, %select_n3A_1255 : vector<16xi1>, vector<16xi32>
      %eq3A_1375 = arith.constant 16 : i32
      %eq3A_1376 = vector.broadcast %eq3A_1375 : i32 to vector<16xi32>
      %eq3A_1377 = arith.cmpi eq, %and3A_1311, %eq3A_1376 : vector<16xi32>
      %select_n3A_1378 = arith.select %eq3A_1377, %select_n3A_1363, %select_n3A_1259 : vector<16xi1>, vector<16xf32>
      %select_n3A_1379 = arith.select %eq3A_1377, %select_n3A_1364, %select_n3A_1260 : vector<16xi1>, vector<16xi32>
      %eq3A_1380 = arith.constant 24 : i32
      %eq3A_1381 = vector.broadcast %eq3A_1380 : i32 to vector<16xi32>
      %eq3A_1382 = arith.cmpi eq, %and3A_1311, %eq3A_1381 : vector<16xi32>
      %select_n3A_1383 = arith.select %eq3A_1382, %select_n3A_1363, %select_n3A_1264 : vector<16xi1>, vector<16xf32>
      %select_n3A_1384 = arith.select %eq3A_1382, %select_n3A_1364, %select_n3A_1265 : vector<16xi1>, vector<16xi32>
      %eq3A_1385 = arith.constant 32 : i32
      %eq3A_1386 = vector.broadcast %eq3A_1385 : i32 to vector<16xi32>
      %eq3A_1387 = arith.cmpi eq, %and3A_1311, %eq3A_1386 : vector<16xi32>
      %select_n3A_1388 = arith.select %eq3A_1387, %select_n3A_1363, %select_n3A_1269 : vector<16xi1>, vector<16xf32>
      %select_n3A_1389 = arith.select %eq3A_1387, %select_n3A_1364, %select_n3A_1270 : vector<16xi1>, vector<16xi32>
      %eq3A_1390 = arith.constant 40 : i32
      %eq3A_1391 = vector.broadcast %eq3A_1390 : i32 to vector<16xi32>
      %eq3A_1392 = arith.cmpi eq, %and3A_1311, %eq3A_1391 : vector<16xi32>
      %select_n3A_1393 = arith.select %eq3A_1392, %select_n3A_1363, %select_n3A_1274 : vector<16xi1>, vector<16xf32>
      %select_n3A_1394 = arith.select %eq3A_1392, %select_n3A_1364, %select_n3A_1275 : vector<16xi1>, vector<16xi32>
      %eq3A_1395 = arith.constant 48 : i32
      %eq3A_1396 = vector.broadcast %eq3A_1395 : i32 to vector<16xi32>
      %eq3A_1397 = arith.cmpi eq, %and3A_1311, %eq3A_1396 : vector<16xi32>
      %select_n3A_1398 = arith.select %eq3A_1397, %select_n3A_1363, %select_n3A_1279 : vector<16xi1>, vector<16xf32>
      %select_n3A_1399 = arith.select %eq3A_1397, %select_n3A_1364, %select_n3A_1280 : vector<16xi1>, vector<16xi32>
      %eq3A_1400 = arith.constant 56 : i32
      %eq3A_1401 = vector.broadcast %eq3A_1400 : i32 to vector<16xi32>
      %eq3A_1402 = arith.cmpi eq, %and3A_1311, %eq3A_1401 : vector<16xi32>
      %select_n3A_1403 = arith.select %eq3A_1402, %select_n3A_1363, %select_n3A_1284 : vector<16xi1>, vector<16xf32>
      %select_n3A_1404 = arith.select %eq3A_1402, %select_n3A_1364, %select_n3A_1285 : vector<16xi1>, vector<16xi32>
      %ge3A_1405 = arith.cmpf oge, %select_n3A_1368, %select_n3A_1373 : vector<16xf32>
      %select_n3A_1406 = arith.select %ge3A_1405, %select_n3A_1368, %select_n3A_1373 : vector<16xi1>, vector<16xf32>
      %select_n3A_1407 = arith.select %ge3A_1405, %select_n3A_1369, %select_n3A_1374 : vector<16xi1>, vector<16xi32>
      %ge3A_1408 = arith.cmpf oge, %select_n3A_1378, %select_n3A_1383 : vector<16xf32>
      %select_n3A_1409 = arith.select %ge3A_1408, %select_n3A_1378, %select_n3A_1383 : vector<16xi1>, vector<16xf32>
      %select_n3A_1410 = arith.select %ge3A_1408, %select_n3A_1379, %select_n3A_1384 : vector<16xi1>, vector<16xi32>
      %ge3A_1411 = arith.cmpf oge, %select_n3A_1388, %select_n3A_1393 : vector<16xf32>
      %select_n3A_1412 = arith.select %ge3A_1411, %select_n3A_1388, %select_n3A_1393 : vector<16xi1>, vector<16xf32>
      %select_n3A_1413 = arith.select %ge3A_1411, %select_n3A_1389, %select_n3A_1394 : vector<16xi1>, vector<16xi32>
      %ge3A_1414 = arith.cmpf oge, %select_n3A_1398, %select_n3A_1403 : vector<16xf32>
      %select_n3A_1415 = arith.select %ge3A_1414, %select_n3A_1398, %select_n3A_1403 : vector<16xi1>, vector<16xf32>
      %select_n3A_1416 = arith.select %ge3A_1414, %select_n3A_1399, %select_n3A_1404 : vector<16xi1>, vector<16xi32>
      %ge3A_1417 = arith.cmpf oge, %select_n3A_1406, %select_n3A_1409 : vector<16xf32>
      %select_n3A_1418 = arith.select %ge3A_1417, %select_n3A_1406, %select_n3A_1409 : vector<16xi1>, vector<16xf32>
      %select_n3A_1419 = arith.select %ge3A_1417, %select_n3A_1407, %select_n3A_1410 : vector<16xi1>, vector<16xi32>
      %ge3A_1420 = arith.cmpf oge, %select_n3A_1412, %select_n3A_1415 : vector<16xf32>
      %select_n3A_1421 = arith.select %ge3A_1420, %select_n3A_1412, %select_n3A_1415 : vector<16xi1>, vector<16xf32>
      %select_n3A_1422 = arith.select %ge3A_1420, %select_n3A_1413, %select_n3A_1416 : vector<16xi1>, vector<16xi32>
      %ge3A_1423 = arith.cmpf oge, %select_n3A_1418, %select_n3A_1421 : vector<16xf32>
      %select_n3A_1424 = arith.select %ge3A_1423, %select_n3A_1418, %select_n3A_1421 : vector<16xi1>, vector<16xf32>
      %select_n3A_1425 = arith.select %ge3A_1423, %select_n3A_1419, %select_n3A_1422 : vector<16xi1>, vector<16xi32>
      tpu.vector_store_idx %arg5[%select_n3A_1425, %add3A_17], %broadcast_in_dim3A_3 : memref<64x256xf32, #tpu.memory_space<vmem>>[vector<16xi32>, vector<16xi32>], vector<16xf32>,
      %not3A_1426 = arith.constant 7 : i32
      %not3A_1427 = arith.constant -1 : i32
      %not3A_1428 = arith.xori %not3A_1426, %not3A_1427 : i32
      %and3A_1429 = vector.broadcast %not3A_1428 : i32 to vector<16xi32>
      %and3A_1430 = arith.andi %select_n3A_1425, %and3A_1429 : vector<16xi32>
      %add3A_1431 = arith.constant 0 : i32
      %add3A_1432 = vector.broadcast %add3A_1431 : i32 to vector<16xi32>
      %add3A_1433 = arith.addi %and3A_1430, %add3A_1432 : vector<16xi32>
      %gather3A_1434 = tpu.vector_load_idx %arg5[%add3A_1433, %add3A_17] : memref<64x256xf32, #tpu.memory_space<vmem>>[vector<16xi32>, vector<16xi32>], vector<16xf32>,
      %add3A_1435 = arith.constant 1 : i32
      %add3A_1436 = vector.broadcast %add3A_1435 : i32 to vector<16xi32>
      %add3A_1437 = arith.addi %and3A_1430, %add3A_1436 : vector<16xi32>
      %gather3A_1438 = tpu.vector_load_idx %arg5[%add3A_1437, %add3A_17] : memref<64x256xf32, #tpu.memory_space<vmem>>[vector<16xi32>, vector<16xi32>], vector<16xf32>,
      %add3A_1439 = arith.constant 2 : i32
      %add3A_1440 = vector.broadcast %add3A_1439 : i32 to vector<16xi32>
      %add3A_1441 = arith.addi %and3A_1430, %add3A_1440 : vector<16xi32>
      %gather3A_1442 = tpu.vector_load_idx %arg5[%add3A_1441, %add3A_17] : memref<64x256xf32, #tpu.memory_space<vmem>>[vector<16xi32>, vector<16xi32>], vector<16xf32>,
      %add3A_1443 = arith.constant 3 : i32
      %add3A_1444 = vector.broadcast %add3A_1443 : i32 to vector<16xi32>
      %add3A_1445 = arith.addi %and3A_1430, %add3A_1444 : vector<16xi32>
      %gather3A_1446 = tpu.vector_load_idx %arg5[%add3A_1445, %add3A_17] : memref<64x256xf32, #tpu.memory_space<vmem>>[vector<16xi32>, vector<16xi32>], vector<16xf32>,
      %add3A_1447 = arith.constant 4 : i32
      %add3A_1448 = vector.broadcast %add3A_1447 : i32 to vector<16xi32>
      %add3A_1449 = arith.addi %and3A_1430, %add3A_1448 : vector<16xi32>
      %gather3A_1450 = tpu.vector_load_idx %arg5[%add3A_1449, %add3A_17] : memref<64x256xf32, #tpu.memory_space<vmem>>[vector<16xi32>, vector<16xi32>], vector<16xf32>,
      %add3A_1451 = arith.constant 5 : i32
      %add3A_1452 = vector.broadcast %add3A_1451 : i32 to vector<16xi32>
      %add3A_1453 = arith.addi %and3A_1430, %add3A_1452 : vector<16xi32>
      %gather3A_1454 = tpu.vector_load_idx %arg5[%add3A_1453, %add3A_17] : memref<64x256xf32, #tpu.memory_space<vmem>>[vector<16xi32>, vector<16xi32>], vector<16xf32>,
      %add3A_1455 = arith.constant 6 : i32
      %add3A_1456 = vector.broadcast %add3A_1455 : i32 to vector<16xi32>
      %add3A_1457 = arith.addi %and3A_1430, %add3A_1456 : vector<16xi32>
      %gather3A_1458 = tpu.vector_load_idx %arg5[%add3A_1457, %add3A_17] : memref<64x256xf32, #tpu.memory_space<vmem>>[vector<16xi32>, vector<16xi32>], vector<16xf32>,
      %add3A_1459 = arith.constant 7 : i32
      %add3A_1460 = vector.broadcast %add3A_1459 : i32 to vector<16xi32>
      %add3A_1461 = arith.addi %and3A_1430, %add3A_1460 : vector<16xi32>
      %gather3A_1462 = tpu.vector_load_idx %arg5[%add3A_1461, %add3A_17] : memref<64x256xf32, #tpu.memory_space<vmem>>[vector<16xi32>, vector<16xi32>], vector<16xf32>,
      %ge3A_1463 = arith.cmpf oge, %gather3A_1434, %gather3A_1438 : vector<16xf32>
      %select_n3A_1464 = arith.select %ge3A_1463, %gather3A_1434, %gather3A_1438 : vector<16xi1>, vector<16xf32>
      %select_n3A_1465 = arith.select %ge3A_1463, %add3A_1433, %add3A_1437 : vector<16xi1>, vector<16xi32>
      %ge3A_1466 = arith.cmpf oge, %gather3A_1442, %gather3A_1446 : vector<16xf32>
      %select_n3A_1467 = arith.select %ge3A_1466, %gather3A_1442, %gather3A_1446 : vector<16xi1>, vector<16xf32>
      %select_n3A_1468 = arith.select %ge3A_1466, %add3A_1441, %add3A_1445 : vector<16xi1>, vector<16xi32>
      %ge3A_1469 = arith.cmpf oge, %gather3A_1450, %gather3A_1454 : vector<16xf32>
      %select_n3A_1470 = arith.select %ge3A_1469, %gather3A_1450, %gather3A_1454 : vector<16xi1>, vector<16xf32>
      %select_n3A_1471 = arith.select %ge3A_1469, %add3A_1449, %add3A_1453 : vector<16xi1>, vector<16xi32>
      %ge3A_1472 = arith.cmpf oge, %gather3A_1458, %gather3A_1462 : vector<16xf32>
      %select_n3A_1473 = arith.select %ge3A_1472, %gather3A_1458, %gather3A_1462 : vector<16xi1>, vector<16xf32>
      %select_n3A_1474 = arith.select %ge3A_1472, %add3A_1457, %add3A_1461 : vector<16xi1>, vector<16xi32>
      %ge3A_1475 = arith.cmpf oge, %select_n3A_1464, %select_n3A_1467 : vector<16xf32>
      %select_n3A_1476 = arith.select %ge3A_1475, %select_n3A_1464, %select_n3A_1467 : vector<16xi1>, vector<16xf32>
      %select_n3A_1477 = arith.select %ge3A_1475, %select_n3A_1465, %select_n3A_1468 : vector<16xi1>, vector<16xi32>
      %ge3A_1478 = arith.cmpf oge, %select_n3A_1470, %select_n3A_1473 : vector<16xf32>
      %select_n3A_1479 = arith.select %ge3A_1478, %select_n3A_1470, %select_n3A_1473 : vector<16xi1>, vector<16xf32>
      %select_n3A_1480 = arith.select %ge3A_1478, %select_n3A_1471, %select_n3A_1474 : vector<16xi1>, vector<16xi32>
      %ge3A_1481 = arith.cmpf oge, %select_n3A_1476, %select_n3A_1479 : vector<16xf32>
      %select_n3A_1482 = arith.select %ge3A_1481, %select_n3A_1476, %select_n3A_1479 : vector<16xi1>, vector<16xf32>
      %select_n3A_1483 = arith.select %ge3A_1481, %select_n3A_1477, %select_n3A_1480 : vector<16xi1>, vector<16xi32>
      %eq3A_1484 = arith.constant 0 : i32
      %eq3A_1485 = vector.broadcast %eq3A_1484 : i32 to vector<16xi32>
      %eq3A_1486 = arith.cmpi eq, %and3A_1430, %eq3A_1485 : vector<16xi32>
      %select_n3A_1487 = arith.select %eq3A_1486, %select_n3A_1482, %select_n3A_1368 : vector<16xi1>, vector<16xf32>
      %select_n3A_1488 = arith.select %eq3A_1486, %select_n3A_1483, %select_n3A_1369 : vector<16xi1>, vector<16xi32>
      %eq3A_1489 = arith.constant 8 : i32
      %eq3A_1490 = vector.broadcast %eq3A_1489 : i32 to vector<16xi32>
      %eq3A_1491 = arith.cmpi eq, %and3A_1430, %eq3A_1490 : vector<16xi32>
      %select_n3A_1492 = arith.select %eq3A_1491, %select_n3A_1482, %select_n3A_1373 : vector<16xi1>, vector<16xf32>
      %select_n3A_1493 = arith.select %eq3A_1491, %select_n3A_1483, %select_n3A_1374 : vector<16xi1>, vector<16xi32>
      %eq3A_1494 = arith.constant 16 : i32
      %eq3A_1495 = vector.broadcast %eq3A_1494 : i32 to vector<16xi32>
      %eq3A_1496 = arith.cmpi eq, %and3A_1430, %eq3A_1495 : vector<16xi32>
      %select_n3A_1497 = arith.select %eq3A_1496, %select_n3A_1482, %select_n3A_1378 : vector<16xi1>, vector<16xf32>
      %select_n3A_1498 = arith.select %eq3A_1496, %select_n3A_1483, %select_n3A_1379 : vector<16xi1>, vector<16xi32>
      %eq3A_1499 = arith.constant 24 : i32
      %eq3A_1500 = vector.broadcast %eq3A_1499 : i32 to vector<16xi32>
      %eq3A_1501 = arith.cmpi eq, %and3A_1430, %eq3A_1500 : vector<16xi32>
      %select_n3A_1502 = arith.select %eq3A_1501, %select_n3A_1482, %select_n3A_1383 : vector<16xi1>, vector<16xf32>
      %select_n3A_1503 = arith.select %eq3A_1501, %select_n3A_1483, %select_n3A_1384 : vector<16xi1>, vector<16xi32>
      %eq3A_1504 = arith.constant 32 : i32
      %eq3A_1505 = vector.broadcast %eq3A_1504 : i32 to vector<16xi32>
      %eq3A_1506 = arith.cmpi eq, %and3A_1430, %eq3A_1505 : vector<16xi32>
      %select_n3A_1507 = arith.select %eq3A_1506, %select_n3A_1482, %select_n3A_1388 : vector<16xi1>, vector<16xf32>
      %select_n3A_1508 = arith.select %eq3A_1506, %select_n3A_1483, %select_n3A_1389 : vector<16xi1>, vector<16xi32>
      %eq3A_1509 = arith.constant 40 : i32
      %eq3A_1510 = vector.broadcast %eq3A_1509 : i32 to vector<16xi32>
      %eq3A_1511 = arith.cmpi eq, %and3A_1430, %eq3A_1510 : vector<16xi32>
      %select_n3A_1512 = arith.select %eq3A_1511, %select_n3A_1482, %select_n3A_1393 : vector<16xi1>, vector<16xf32>
      %select_n3A_1513 = arith.select %eq3A_1511, %select_n3A_1483, %select_n3A_1394 : vector<16xi1>, vector<16xi32>
      %eq3A_1514 = arith.constant 48 : i32
      %eq3A_1515 = vector.broadcast %eq3A_1514 : i32 to vector<16xi32>
      %eq3A_1516 = arith.cmpi eq, %and3A_1430, %eq3A_1515 : vector<16xi32>
      %select_n3A_1517 = arith.select %eq3A_1516, %select_n3A_1482, %select_n3A_1398 : vector<16xi1>, vector<16xf32>
      %select_n3A_1518 = arith.select %eq3A_1516, %select_n3A_1483, %select_n3A_1399 : vector<16xi1>, vector<16xi32>
      %eq3A_1519 = arith.constant 56 : i32
      %eq3A_1520 = vector.broadcast %eq3A_1519 : i32 to vector<16xi32>
      %eq3A_1521 = arith.cmpi eq, %and3A_1430, %eq3A_1520 : vector<16xi32>
      %select_n3A_1522 = arith.select %eq3A_1521, %select_n3A_1482, %select_n3A_1403 : vector<16xi1>, vector<16xf32>
      %select_n3A_1523 = arith.select %eq3A_1521, %select_n3A_1483, %select_n3A_1404 : vector<16xi1>, vector<16xi32>
      %ge3A_1524 = arith.cmpf oge, %select_n3A_1487, %select_n3A_1492 : vector<16xf32>
      %select_n3A_1525 = arith.select %ge3A_1524, %select_n3A_1487, %select_n3A_1492 : vector<16xi1>, vector<16xf32>
      %select_n3A_1526 = arith.select %ge3A_1524, %select_n3A_1488, %select_n3A_1493 : vector<16xi1>, vector<16xi32>
      %ge3A_1527 = arith.cmpf oge, %select_n3A_1497, %select_n3A_1502 : vector<16xf32>
      %select_n3A_1528 = arith.select %ge3A_1527, %select_n3A_1497, %select_n3A_1502 : vector<16xi1>, vector<16xf32>
      %select_n3A_1529 = arith.select %ge3A_1527, %select_n3A_1498, %select_n3A_1503 : vector<16xi1>, vector<16xi32>
      %ge3A_1530 = arith.cmpf oge, %select_n3A_1507, %select_n3A_1512 : vector<16xf32>
      %select_n3A_1531 = arith.select %ge3A_1530, %select_n3A_1507, %select_n3A_1512 : vector<16xi1>, vector<16xf32>
      %select_n3A_1532 = arith.select %ge3A_1530, %select_n3A_1508, %select_n3A_1513 : vector<16xi1>, vector<16xi32>
      %ge3A_1533 = arith.cmpf oge, %select_n3A_1517, %select_n3A_1522 : vector<16xf32>
      %select_n3A_1534 = arith.select %ge3A_1533, %select_n3A_1517, %select_n3A_1522 : vector<16xi1>, vector<16xf32>
      %select_n3A_1535 = arith.select %ge3A_1533, %select_n3A_1518, %select_n3A_1523 : vector<16xi1>, vector<16xi32>
      %ge3A_1536 = arith.cmpf oge, %select_n3A_1525, %select_n3A_1528 : vector<16xf32>
      %select_n3A_1537 = arith.select %ge3A_1536, %select_n3A_1525, %select_n3A_1528 : vector<16xi1>, vector<16xf32>
      %select_n3A_1538 = arith.select %ge3A_1536, %select_n3A_1526, %select_n3A_1529 : vector<16xi1>, vector<16xi32>
      %ge3A_1539 = arith.cmpf oge, %select_n3A_1531, %select_n3A_1534 : vector<16xf32>
      %select_n3A_1540 = arith.select %ge3A_1539, %select_n3A_1531, %select_n3A_1534 : vector<16xi1>, vector<16xf32>
      %select_n3A_1541 = arith.select %ge3A_1539, %select_n3A_1532, %select_n3A_1535 : vector<16xi1>, vector<16xi32>
      %ge3A_1542 = arith.cmpf oge, %select_n3A_1537, %select_n3A_1540 : vector<16xf32>
      %select_n3A_1543 = arith.select %ge3A_1542, %select_n3A_1537, %select_n3A_1540 : vector<16xi1>, vector<16xf32>
      %select_n3A_1544 = arith.select %ge3A_1542, %select_n3A_1538, %select_n3A_1541 : vector<16xi1>, vector<16xi32>
      %sub3A = arith.subf %select_n3A_714, %select_n3A_714 : vector<16xf32>
      %exp3A = math.exp %sub3A : vector<16xf32>
      %sub3A_1545 = arith.subf %select_n3A_829, %select_n3A_714 : vector<16xf32>
      %exp3A_1546 = math.exp %sub3A_1545 : vector<16xf32>
      %sub3A_1547 = arith.subf %select_n3A_948, %select_n3A_714 : vector<16xf32>
      %exp3A_1548 = math.exp %sub3A_1547 : vector<16xf32>
      %sub3A_1549 = arith.subf %select_n3A_1067, %select_n3A_714 : vector<16xf32>
      %exp3A_1550 = math.exp %sub3A_1549 : vector<16xf32>
      %sub3A_1551 = arith.subf %select_n3A_1186, %select_n3A_714 : vector<16xf32>
      %exp3A_1552 = math.exp %sub3A_1551 : vector<16xf32>
      %sub3A_1553 = arith.subf %select_n3A_1305, %select_n3A_714 : vector<16xf32>
      %exp3A_1554 = math.exp %sub3A_1553 : vector<16xf32>
      %sub3A_1555 = arith.subf %select_n3A_1424, %select_n3A_714 : vector<16xf32>
      %exp3A_1556 = math.exp %sub3A_1555 : vector<16xf32>
      %sub3A_1557 = arith.subf %select_n3A_1543, %select_n3A_714 : vector<16xf32>
      %exp3A_1558 = math.exp %sub3A_1557 : vector<16xf32>
      %add3A_1559 = arith.addf %exp3A, %exp3A_1546 : vector<16xf32>
      %add3A_1560 = arith.addf %add3A_1559, %exp3A_1548 : vector<16xf32>
      %add3A_1561 = arith.addf %add3A_1560, %exp3A_1550 : vector<16xf32>
      %add3A_1562 = arith.addf %add3A_1561, %exp3A_1552 : vector<16xf32>
      %add3A_1563 = arith.addf %add3A_1562, %exp3A_1554 : vector<16xf32>
      %add3A_1564 = arith.addf %add3A_1563, %exp3A_1556 : vector<16xf32>
      %add3A_1565 = arith.addf %add3A_1564, %exp3A_1558 : vector<16xf32>
      %div3A = arith.constant 1.000000e+00 : f32
      %div3A_1566 = vector.broadcast %div3A : f32 to vector<16xf32>
      %div3A_1567 = arith.divf %div3A_1566, %add3A_1565 : vector<16xf32>
      %mul3A_1568 = arith.constant 8 : i32
      %mul3A_1569 = vector.broadcast %mul3A_1568 : i32 to vector<16xi32>
      %mul3A_1570 = arith.muli %add3A_17, %mul3A_1569 : vector<16xi32>
      %add3A_1571 = arith.constant 0 : i32
      %add3A_1572 = vector.broadcast %add3A_1571 : i32 to vector<16xi32>
      %add3A_1573 = arith.addi %mul3A_1570, %add3A_1572 : vector<16xi32>
      %mul3A_1574 = arith.mulf %exp3A, %div3A_1567 : vector<16xf32>
      tpu.vector_store_idx %arg6[%add3A_1573], %mul3A_1574 : memref<2048xf32, #tpu.memory_space<vmem>>[vector<16xi32>], vector<16xf32>,
      %add3A_1575 = arith.constant 0 : i32
      %add3A_1576 = vector.broadcast %add3A_1575 : i32 to vector<16xi32>
      %add3A_1577 = arith.addi %mul3A_1570, %add3A_1576 : vector<16xi32>
      tpu.vector_store_idx %arg7[%add3A_1577], %select_n3A_715 : memref<2048xi32, #tpu.memory_space<vmem>>[vector<16xi32>], vector<16xi32>,
      %add3A_1578 = arith.constant 1 : i32
      %add3A_1579 = vector.broadcast %add3A_1578 : i32 to vector<16xi32>
      %add3A_1580 = arith.addi %mul3A_1570, %add3A_1579 : vector<16xi32>
      %mul3A_1581 = arith.mulf %exp3A_1546, %div3A_1567 : vector<16xf32>
      tpu.vector_store_idx %arg6[%add3A_1580], %mul3A_1581 : memref<2048xf32, #tpu.memory_space<vmem>>[vector<16xi32>], vector<16xf32>,
      %add3A_1582 = arith.constant 1 : i32
      %add3A_1583 = vector.broadcast %add3A_1582 : i32 to vector<16xi32>
      %add3A_1584 = arith.addi %mul3A_1570, %add3A_1583 : vector<16xi32>
      tpu.vector_store_idx %arg7[%add3A_1584], %select_n3A_830 : memref<2048xi32, #tpu.memory_space<vmem>>[vector<16xi32>], vector<16xi32>,
      %add3A_1585 = arith.constant 2 : i32
      %add3A_1586 = vector.broadcast %add3A_1585 : i32 to vector<16xi32>
      %add3A_1587 = arith.addi %mul3A_1570, %add3A_1586 : vector<16xi32>
      %mul3A_1588 = arith.mulf %exp3A_1548, %div3A_1567 : vector<16xf32>
      tpu.vector_store_idx %arg6[%add3A_1587], %mul3A_1588 : memref<2048xf32, #tpu.memory_space<vmem>>[vector<16xi32>], vector<16xf32>,
      %add3A_1589 = arith.constant 2 : i32
      %add3A_1590 = vector.broadcast %add3A_1589 : i32 to vector<16xi32>
      %add3A_1591 = arith.addi %mul3A_1570, %add3A_1590 : vector<16xi32>
      tpu.vector_store_idx %arg7[%add3A_1591], %select_n3A_949 : memref<2048xi32, #tpu.memory_space<vmem>>[vector<16xi32>], vector<16xi32>,
      %add3A_1592 = arith.constant 3 : i32
      %add3A_1593 = vector.broadcast %add3A_1592 : i32 to vector<16xi32>
      %add3A_1594 = arith.addi %mul3A_1570, %add3A_1593 : vector<16xi32>
      %mul3A_1595 = arith.mulf %exp3A_1550, %div3A_1567 : vector<16xf32>
      tpu.vector_store_idx %arg6[%add3A_1594], %mul3A_1595 : memref<2048xf32, #tpu.memory_space<vmem>>[vector<16xi32>], vector<16xf32>,
      %add3A_1596 = arith.constant 3 : i32
      %add3A_1597 = vector.broadcast %add3A_1596 : i32 to vector<16xi32>
      %add3A_1598 = arith.addi %mul3A_1570, %add3A_1597 : vector<16xi32>
      tpu.vector_store_idx %arg7[%add3A_1598], %select_n3A_1068 : memref<2048xi32, #tpu.memory_space<vmem>>[vector<16xi32>], vector<16xi32>,
      %add3A_1599 = arith.constant 4 : i32
      %add3A_1600 = vector.broadcast %add3A_1599 : i32 to vector<16xi32>
      %add3A_1601 = arith.addi %mul3A_1570, %add3A_1600 : vector<16xi32>
      %mul3A_1602 = arith.mulf %exp3A_1552, %div3A_1567 : vector<16xf32>
      tpu.vector_store_idx %arg6[%add3A_1601], %mul3A_1602 : memref<2048xf32, #tpu.memory_space<vmem>>[vector<16xi32>], vector<16xf32>,
      %add3A_1603 = arith.constant 4 : i32
      %add3A_1604 = vector.broadcast %add3A_1603 : i32 to vector<16xi32>
      %add3A_1605 = arith.addi %mul3A_1570, %add3A_1604 : vector<16xi32>
      tpu.vector_store_idx %arg7[%add3A_1605], %select_n3A_1187 : memref<2048xi32, #tpu.memory_space<vmem>>[vector<16xi32>], vector<16xi32>,
      %add3A_1606 = arith.constant 5 : i32
      %add3A_1607 = vector.broadcast %add3A_1606 : i32 to vector<16xi32>
      %add3A_1608 = arith.addi %mul3A_1570, %add3A_1607 : vector<16xi32>
      %mul3A_1609 = arith.mulf %exp3A_1554, %div3A_1567 : vector<16xf32>
      tpu.vector_store_idx %arg6[%add3A_1608], %mul3A_1609 : memref<2048xf32, #tpu.memory_space<vmem>>[vector<16xi32>], vector<16xf32>,
      %add3A_1610 = arith.constant 5 : i32
      %add3A_1611 = vector.broadcast %add3A_1610 : i32 to vector<16xi32>
      %add3A_1612 = arith.addi %mul3A_1570, %add3A_1611 : vector<16xi32>
      tpu.vector_store_idx %arg7[%add3A_1612], %select_n3A_1306 : memref<2048xi32, #tpu.memory_space<vmem>>[vector<16xi32>], vector<16xi32>,
      %add3A_1613 = arith.constant 6 : i32
      %add3A_1614 = vector.broadcast %add3A_1613 : i32 to vector<16xi32>
      %add3A_1615 = arith.addi %mul3A_1570, %add3A_1614 : vector<16xi32>
      %mul3A_1616 = arith.mulf %exp3A_1556, %div3A_1567 : vector<16xf32>
      tpu.vector_store_idx %arg6[%add3A_1615], %mul3A_1616 : memref<2048xf32, #tpu.memory_space<vmem>>[vector<16xi32>], vector<16xf32>,
      %add3A_1617 = arith.constant 6 : i32
      %add3A_1618 = vector.broadcast %add3A_1617 : i32 to vector<16xi32>
      %add3A_1619 = arith.addi %mul3A_1570, %add3A_1618 : vector<16xi32>
      tpu.vector_store_idx %arg7[%add3A_1619], %select_n3A_1425 : memref<2048xi32, #tpu.memory_space<vmem>>[vector<16xi32>], vector<16xi32>,
      %add3A_1620 = arith.constant 7 : i32
      %add3A_1621 = vector.broadcast %add3A_1620 : i32 to vector<16xi32>
      %add3A_1622 = arith.addi %mul3A_1570, %add3A_1621 : vector<16xi32>
      %mul3A_1623 = arith.mulf %exp3A_1558, %div3A_1567 : vector<16xf32>
      tpu.vector_store_idx %arg6[%add3A_1622], %mul3A_1623 : memref<2048xf32, #tpu.memory_space<vmem>>[vector<16xi32>], vector<16xf32>,
      %add3A_1624 = arith.constant 7 : i32
      %add3A_1625 = vector.broadcast %add3A_1624 : i32 to vector<16xi32>
      %add3A_1626 = arith.addi %mul3A_1570, %add3A_1625 : vector<16xi32>
      tpu.vector_store_idx %arg7[%add3A_1626], %select_n3A_1544 : memref<2048xi32, #tpu.memory_space<vmem>>[vector<16xi32>], vector<16xi32>,
    }
    %scan3A_8 = arith.constant 16 : i32
    %mul3A_9 = arith.constant 8 : i32
    %mul3A_10 = arith.muli %mul3A_2, %mul3A_9 : i32
    "tpu.region"() ({
      %run_scoped3A = tpu.sem_alloc : memref<!tpu.dma_semaphore, #tpu.memory_space<semaphore_mem>>
      %dma_start3A = tpu.memref_slice %arg3[%mul3A_10] : memref<65536xf32, #tpu.memory_space<hbm>> -> memref<2048xf32, #tpu.memory_space<hbm>>
      %dma_start3A_13 = tpu.memref_slice %arg3[%mul3A_10] : memref<65536xf32, #tpu.memory_space<hbm>> -> memref<2048xf32, #tpu.memory_space<hbm>>
      tpu.enqueue_dma source(%arg6 : memref<2048xf32, #tpu.memory_space<vmem>>) target(%dma_start3A_13 : memref<2048xf32, #tpu.memory_space<hbm>>) target_semaphore(%run_scoped3A : memref<!tpu.dma_semaphore, #tpu.memory_space<semaphore_mem>>)
      %dma_wait3A = tpu.memref_slice %arg3[%mul3A_10] : memref<65536xf32, #tpu.memory_space<hbm>> -> memref<2048xf32, #tpu.memory_space<hbm>>
      %dma_wait3A_14 = tpu.memref_slice %arg3[%mul3A_10] : memref<65536xf32, #tpu.memory_space<hbm>> -> memref<2048xf32, #tpu.memory_space<hbm>>
      tpu.wait_dma2 semaphore(%run_scoped3A : memref<!tpu.dma_semaphore, #tpu.memory_space<semaphore_mem>>) src(%arg6 : memref<2048xf32, #tpu.memory_space<vmem>>) dst(%dma_wait3A_14 : memref<2048xf32, #tpu.memory_space<hbm>>)
      tpu.yield
    }) : () -> ()
    %mul3A_11 = arith.constant 8 : i32
    %mul3A_12 = arith.muli %mul3A_2, %mul3A_11 : i32
    "tpu.region"() ({
      %run_scoped3A = tpu.sem_alloc : memref<!tpu.dma_semaphore, #tpu.memory_space<semaphore_mem>>
      %dma_start3A = tpu.memref_slice %arg4[%mul3A_12] : memref<65536xi32, #tpu.memory_space<hbm>> -> memref<2048xi32, #tpu.memory_space<hbm>>
      %dma_start3A_13 = tpu.memref_slice %arg4[%mul3A_12] : memref<65536xi32, #tpu.memory_space<hbm>> -> memref<2048xi32, #tpu.memory_space<hbm>>
      tpu.enqueue_dma source(%arg7 : memref<2048xi32, #tpu.memory_space<vmem>>) target(%dma_start3A_13 : memref<2048xi32, #tpu.memory_space<hbm>>) target_semaphore(%run_scoped3A : memref<!tpu.dma_semaphore, #tpu.memory_space<semaphore_mem>>)
      %dma_wait3A = tpu.memref_slice %arg4[%mul3A_12] : memref<65536xi32, #tpu.memory_space<hbm>> -> memref<2048xi32, #tpu.memory_space<hbm>>
      %dma_wait3A_14 = tpu.memref_slice %arg4[%mul3A_12] : memref<65536xi32, #tpu.memory_space<hbm>> -> memref<2048xi32, #tpu.memory_space<hbm>>
      tpu.wait_dma2 semaphore(%run_scoped3A : memref<!tpu.dma_semaphore, #tpu.memory_space<semaphore_mem>>) src(%arg7 : memref<2048xi32, #tpu.memory_space<vmem>>) dst(%dma_wait3A_14 : memref<2048xi32, #tpu.memory_space<hbm>>)
      tpu.yield
    }) : () -> ()
    return
  }
}

#map = affine_map<(d0, d1) -> (0, 0)>
#map1 = affine_map<(d0, d1) -> (0)>
module attributes {stable_mosaic.version = 14 : i64} {
  func.func @route(%arg0: i32, %arg1: i32, %arg2: memref<64x8192xf32, #tpu.memory_space<hbm>>, %arg3: memref<65536xf32, #tpu.memory_space<hbm>>, %arg4: memref<65536xi32, #tpu.memory_space<hbm>>, %arg5: memref<64x256xf32, #tpu.memory_space<vmem>>, %arg6: memref<2048xf32, #tpu.memory_space<vmem>>, %arg7: memref<2048xi32, #tpu.memory_space<vmem>>) attributes {dimension_semantics = [#tpu.dimension_semantics<core_parallel>, #tpu.dimension_semantics<subcore_parallel>], iteration_bounds = array<i64: 2, 16>, scalar_prefetch = 0 : i64, scratch_operands = 3 : i64, tpu.core_type = #tpu.core_type<sc_vector_subcore>, window_params = [{transform_indices = #map}, {transform_indices = #map1}, {transform_indices = #map1}]} {
    %mul3A = arith.constant 2 : i32
    %mul3A_0 = arith.muli %arg1, %mul3A : i32
    %add3A = arith.addi %mul3A_0, %arg0 : i32
    %mul3A_1 = arith.constant 256 : i32
    %mul3A_2 = arith.muli %add3A, %mul3A_1 : i32
    "tpu.region"() ({
      %run_scoped3A = tpu.sem_alloc : memref<!tpu.dma_semaphore, #tpu.memory_space<semaphore_mem>>
      %dma_start3A = arith.constant 0 : i32
      %dma_start3A_13 = tpu.memref_slice %arg2[%dma_start3A, %mul3A_2] : memref<64x8192xf32, #tpu.memory_space<hbm>> -> memref<64x256xf32, #tpu.memory_space<hbm>>
      %dma_start3A_14 = arith.constant 0 : i32
      %dma_start3A_15 = tpu.memref_slice %arg2[%dma_start3A_14, %mul3A_2] : memref<64x8192xf32, #tpu.memory_space<hbm>> -> memref<64x256xf32, #tpu.memory_space<hbm>>
      tpu.enqueue_dma source(%dma_start3A_15 : memref<64x256xf32, #tpu.memory_space<hbm>>) target(%arg5 : memref<64x256xf32, #tpu.memory_space<vmem>>) target_semaphore(%run_scoped3A : memref<!tpu.dma_semaphore, #tpu.memory_space<semaphore_mem>>)
      %dma_wait3A = arith.constant 0 : i32
      %dma_wait3A_16 = tpu.memref_slice %arg2[%dma_wait3A, %mul3A_2] : memref<64x8192xf32, #tpu.memory_space<hbm>> -> memref<64x256xf32, #tpu.memory_space<hbm>>
      %dma_wait3A_17 = arith.constant 0 : i32
      %dma_wait3A_18 = tpu.memref_slice %arg2[%dma_wait3A_17, %mul3A_2] : memref<64x8192xf32, #tpu.memory_space<hbm>> -> memref<64x256xf32, #tpu.memory_space<hbm>>
      tpu.wait_dma2 semaphore(%run_scoped3A : memref<!tpu.dma_semaphore, #tpu.memory_space<semaphore_mem>>) src(%dma_wait3A_18 : memref<64x256xf32, #tpu.memory_space<hbm>>) dst(%arg5 : memref<64x256xf32, #tpu.memory_space<vmem>>)
      tpu.yield
    }) : () -> ()
    %broadcast_in_dim3A = arith.constant 0xFF800000 : f32
    %broadcast_in_dim3A_3 = vector.broadcast %broadcast_in_dim3A : f32 to vector<16xf32>
    %scan3A = arith.constant 0 : i32
    %scan3A_4 = arith.constant 0 : i32
    %scan3A_5 = arith.constant 16 : i32
    %scan3A_6 = arith.addi %scan3A_4, %scan3A_5 : i32
    %scan3A_7 = arith.constant 1 : i32
    scf.for %scan3A_13 = %scan3A_4 to %scan3A_6 step %scan3A_7  : i32 {
      %mul3A_14 = arith.constant 16 : i32
      %mul3A_15 = arith.muli %scan3A_13, %mul3A_14 : i32
      %iota3A = tpu.iota {dimensions = array<i32: 0>} : vector<16xi32>
      %add3A_16 = vector.broadcast %mul3A_15 : i32 to vector<16xi32>
      %add3A_17 = arith.addi %add3A_16, %iota3A : vector<16xi32>
      %broadcast_in_dim3A_18 = arith.constant 0 : i32
      %broadcast_in_dim3A_19 = vector.broadcast %broadcast_in_dim3A_18 : i32 to vector<16xi32>
      %mul3A_20 = arith.constant 16 : i32
      %mul3A_21 = arith.muli %scan3A_13, %mul3A_20 : i32
      %get3A = arith.constant 0 : i32
      %get3A_22 = arith.index_cast %get3A : i32 to index
      %get3A_23 = arith.index_cast %mul3A_21 : i32 to index
      %get3A_24 = tpu.vector_load %arg5[%get3A_22, %get3A_23] {strides = array<i32>} : memref<64x256xf32, #tpu.memory_space<vmem>>, vector<16xf32>,
      %broadcast_in_dim3A_25 = arith.constant 1 : i32
      %broadcast_in_dim3A_26 = vector.broadcast %broadcast_in_dim3A_25 : i32 to vector<16xi32>
      %mul3A_27 = arith.constant 16 : i32
      %mul3A_28 = arith.muli %scan3A_13, %mul3A_27 : i32
      %get3A_29 = arith.constant 1 : i32
      %get3A_30 = arith.index_cast %get3A_29 : i32 to index
      %get3A_31 = arith.index_cast %mul3A_28 : i32 to index
      %get3A_32 = tpu.vector_load %arg5[%get3A_30, %get3A_31] {strides = array<i32>} : memref<64x256xf32, #tpu.memory_space<vmem>>, vector<16xf32>,
      %broadcast_in_dim3A_33 = arith.constant 2 : i32
      %broadcast_in_dim3A_34 = vector.broadcast %broadcast_in_dim3A_33 : i32 to vector<16xi32>
      %mul3A_35 = arith.constant 16 : i32
      %mul3A_36 = arith.muli %scan3A_13, %mul3A_35 : i32
      %get3A_37 = arith.constant 2 : i32
      %get3A_38 = arith.index_cast %get3A_37 : i32 to index
      %get3A_39 = arith.index_cast %mul3A_36 : i32 to index
      %get3A_40 = tpu.vector_load %arg5[%get3A_38, %get3A_39] {strides = array<i32>} : memref<64x256xf32, #tpu.memory_space<vmem>>, vector<16xf32>,
      %broadcast_in_dim3A_41 = arith.constant 3 : i32
      %broadcast_in_dim3A_42 = vector.broadcast %broadcast_in_dim3A_41 : i32 to vector<16xi32>
      %mul3A_43 = arith.constant 16 : i32
      %mul3A_44 = arith.muli %scan3A_13, %mul3A_43 : i32
      %get3A_45 = arith.constant 3 : i32
      %get3A_46 = arith.index_cast %get3A_45 : i32 to index
      %get3A_47 = arith.index_cast %mul3A_44 : i32 to index
      %get3A_48 = tpu.vector_load %arg5[%get3A_46, %get3A_47] {strides = array<i32>} : memref<64x256xf32, #tpu.memory_space<vmem>>, vector<16xf32>,
      %broadcast_in_dim3A_49 = arith.constant 4 : i32
      %broadcast_in_dim3A_50 = vector.broadcast %broadcast_in_dim3A_49 : i32 to vector<16xi32>
      %mul3A_51 = arith.constant 16 : i32
      %mul3A_52 = arith.muli %scan3A_13, %mul3A_51 : i32
      %get3A_53 = arith.constant 4 : i32
      %get3A_54 = arith.index_cast %get3A_53 : i32 to index
      %get3A_55 = arith.index_cast %mul3A_52 : i32 to index
      %get3A_56 = tpu.vector_load %arg5[%get3A_54, %get3A_55] {strides = array<i32>} : memref<64x256xf32, #tpu.memory_space<vmem>>, vector<16xf32>,
      %broadcast_in_dim3A_57 = arith.constant 5 : i32
      %broadcast_in_dim3A_58 = vector.broadcast %broadcast_in_dim3A_57 : i32 to vector<16xi32>
      %mul3A_59 = arith.constant 16 : i32
      %mul3A_60 = arith.muli %scan3A_13, %mul3A_59 : i32
      %get3A_61 = arith.constant 5 : i32
      %get3A_62 = arith.index_cast %get3A_61 : i32 to index
      %get3A_63 = arith.index_cast %mul3A_60 : i32 to index
      %get3A_64 = tpu.vector_load %arg5[%get3A_62, %get3A_63] {strides = array<i32>} : memref<64x256xf32, #tpu.memory_space<vmem>>, vector<16xf32>,
      %broadcast_in_dim3A_65 = arith.constant 6 : i32
      %broadcast_in_dim3A_66 = vector.broadcast %broadcast_in_dim3A_65 : i32 to vector<16xi32>
      %mul3A_67 = arith.constant 16 : i32
      %mul3A_68 = arith.muli %scan3A_13, %mul3A_67 : i32
      %get3A_69 = arith.constant 6 : i32
      %get3A_70 = arith.index_cast %get3A_69 : i32 to index
      %get3A_71 = arith.index_cast %mul3A_68 : i32 to index
      %get3A_72 = tpu.vector_load %arg5[%get3A_70, %get3A_71] {strides = array<i32>} : memref<64x256xf32, #tpu.memory_space<vmem>>, vector<16xf32>,
      %broadcast_in_dim3A_73 = arith.constant 7 : i32
      %broadcast_in_dim3A_74 = vector.broadcast %broadcast_in_dim3A_73 : i32 to vector<16xi32>
      %mul3A_75 = arith.constant 16 : i32
      %mul3A_76 = arith.muli %scan3A_13, %mul3A_75 : i32
      %get3A_77 = arith.constant 7 : i32
      %get3A_78 = arith.index_cast %get3A_77 : i32 to index
      %get3A_79 = arith.index_cast %mul3A_76 : i32 to index
      %get3A_80 = tpu.vector_load %arg5[%get3A_78, %get3A_79] {strides = array<i32>} : memref<64x256xf32, #tpu.memory_space<vmem>>, vector<16xf32>,
      %ge3A = arith.cmpf oge, %get3A_24, %get3A_32 : vector<16xf32>
      %select_n3A = arith.select %ge3A, %get3A_24, %get3A_32 : vector<16xi1>, vector<16xf32>
      %select_n3A_81 = arith.select %ge3A, %broadcast_in_dim3A_19, %broadcast_in_dim3A_26 : vector<16xi1>, vector<16xi32>
      %ge3A_82 = arith.cmpf oge, %get3A_40, %get3A_48 : vector<16xf32>
      %select_n3A_83 = arith.select %ge3A_82, %get3A_40, %get3A_48 : vector<16xi1>, vector<16xf32>
      %select_n3A_84 = arith.select %ge3A_82, %broadcast_in_dim3A_34, %broadcast_in_dim3A_42 : vector<16xi1>, vector<16xi32>
      %ge3A_85 = arith.cmpf oge, %get3A_56, %get3A_64 : vector<16xf32>
      %select_n3A_86 = arith.select %ge3A_85, %get3A_56, %get3A_64 : vector<16xi1>, vector<16xf32>
      %select_n3A_87 = arith.select %ge3A_85, %broadcast_in_dim3A_50, %broadcast_in_dim3A_58 : vector<16xi1>, vector<16xi32>
      %ge3A_88 = arith.cmpf oge, %get3A_72, %get3A_80 : vector<16xf32>
      %select_n3A_89 = arith.select %ge3A_88, %get3A_72, %get3A_80 : vector<16xi1>, vector<16xf32>
      %select_n3A_90 = arith.select %ge3A_88, %broadcast_in_dim3A_66, %broadcast_in_dim3A_74 : vector<16xi1>, vector<16xi32>
      %ge3A_91 = arith.cmpf oge, %select_n3A, %select_n3A_83 : vector<16xf32>
      %select_n3A_92 = arith.select %ge3A_91, %select_n3A, %select_n3A_83 : vector<16xi1>, vector<16xf32>
      %select_n3A_93 = arith.select %ge3A_91, %select_n3A_81, %select_n3A_84 : vector<16xi1>, vector<16xi32>
      %ge3A_94 = arith.cmpf oge, %select_n3A_86, %select_n3A_89 : vector<16xf32>
      %select_n3A_95 = arith.select %ge3A_94, %select_n3A_86, %select_n3A_89 : vector<16xi1>, vector<16xf32>
      %select_n3A_96 = arith.select %ge3A_94, %select_n3A_87, %select_n3A_90 : vector<16xi1>, vector<16xi32>
      %ge3A_97 = arith.cmpf oge, %select_n3A_92, %select_n3A_95 : vector<16xf32>
      %select_n3A_98 = arith.select %ge3A_97, %select_n3A_92, %select_n3A_95 : vector<16xi1>, vector<16xf32>
      %select_n3A_99 = arith.select %ge3A_97, %select_n3A_93, %select_n3A_96 : vector<16xi1>, vector<16xi32>
      %broadcast_in_dim3A_100 = arith.constant 8 : i32
      %broadcast_in_dim3A_101 = vector.broadcast %broadcast_in_dim3A_100 : i32 to vector<16xi32>
      %mul3A_102 = arith.constant 16 : i32
      %mul3A_103 = arith.muli %scan3A_13, %mul3A_102 : i32
      %get3A_104 = arith.constant 8 : i32
      %get3A_105 = arith.index_cast %get3A_104 : i32 to index
      %get3A_106 = arith.index_cast %mul3A_103 : i32 to index
      %get3A_107 = tpu.vector_load %arg5[%get3A_105, %get3A_106] {strides = array<i32>} : memref<64x256xf32, #tpu.memory_space<vmem>>, vector<16xf32>,
      %broadcast_in_dim3A_108 = arith.constant 9 : i32
      %broadcast_in_dim3A_109 = vector.broadcast %broadcast_in_dim3A_108 : i32 to vector<16xi32>
      %mul3A_110 = arith.constant 16 : i32
      %mul3A_111 = arith.muli %scan3A_13, %mul3A_110 : i32
      %get3A_112 = arith.constant 9 : i32
      %get3A_113 = arith.index_cast %get3A_112 : i32 to index
      %get3A_114 = arith.index_cast %mul3A_111 : i32 to index
      %get3A_115 = tpu.vector_load %arg5[%get3A_113, %get3A_114] {strides = array<i32>} : memref<64x256xf32, #tpu.memory_space<vmem>>, vector<16xf32>,
      %broadcast_in_dim3A_116 = arith.constant 10 : i32
      %broadcast_in_dim3A_117 = vector.broadcast %broadcast_in_dim3A_116 : i32 to vector<16xi32>
      %mul3A_118 = arith.constant 16 : i32
      %mul3A_119 = arith.muli %scan3A_13, %mul3A_118 : i32
      %get3A_120 = arith.constant 10 : i32
      %get3A_121 = arith.index_cast %get3A_120 : i32 to index
      %get3A_122 = arith.index_cast %mul3A_119 : i32 to index
      %get3A_123 = tpu.vector_load %arg5[%get3A_121, %get3A_122] {strides = array<i32>} : memref<64x256xf32, #tpu.memory_space<vmem>>, vector<16xf32>,
      %broadcast_in_dim3A_124 = arith.constant 11 : i32
      %broadcast_in_dim3A_125 = vector.broadcast %broadcast_in_dim3A_124 : i32 to vector<16xi32>
      %mul3A_126 = arith.constant 16 : i32
      %mul3A_127 = arith.muli %scan3A_13, %mul3A_126 : i32
      %get3A_128 = arith.constant 11 : i32
      %get3A_129 = arith.index_cast %get3A_128 : i32 to index
      %get3A_130 = arith.index_cast %mul3A_127 : i32 to index
      %get3A_131 = tpu.vector_load %arg5[%get3A_129, %get3A_130] {strides = array<i32>} : memref<64x256xf32, #tpu.memory_space<vmem>>, vector<16xf32>,
      %broadcast_in_dim3A_132 = arith.constant 12 : i32
      %broadcast_in_dim3A_133 = vector.broadcast %broadcast_in_dim3A_132 : i32 to vector<16xi32>
      %mul3A_134 = arith.constant 16 : i32
      %mul3A_135 = arith.muli %scan3A_13, %mul3A_134 : i32
      %get3A_136 = arith.constant 12 : i32
      %get3A_137 = arith.index_cast %get3A_136 : i32 to index
      %get3A_138 = arith.index_cast %mul3A_135 : i32 to index
      %get3A_139 = tpu.vector_load %arg5[%get3A_137, %get3A_138] {strides = array<i32>} : memref<64x256xf32, #tpu.memory_space<vmem>>, vector<16xf32>,
      %broadcast_in_dim3A_140 = arith.constant 13 : i32
      %broadcast_in_dim3A_141 = vector.broadcast %broadcast_in_dim3A_140 : i32 to vector<16xi32>
      %mul3A_142 = arith.constant 16 : i32
      %mul3A_143 = arith.muli %scan3A_13, %mul3A_142 : i32
      %get3A_144 = arith.constant 13 : i32
      %get3A_145 = arith.index_cast %get3A_144 : i32 to index
      %get3A_146 = arith.index_cast %mul3A_143 : i32 to index
      %get3A_147 = tpu.vector_load %arg5[%get3A_145, %get3A_146] {strides = array<i32>} : memref<64x256xf32, #tpu.memory_space<vmem>>, vector<16xf32>,
      %broadcast_in_dim3A_148 = arith.constant 14 : i32
      %broadcast_in_dim3A_149 = vector.broadcast %broadcast_in_dim3A_148 : i32 to vector<16xi32>
      %mul3A_150 = arith.constant 16 : i32
      %mul3A_151 = arith.muli %scan3A_13, %mul3A_150 : i32
      %get3A_152 = arith.constant 14 : i32
      %get3A_153 = arith.index_cast %get3A_152 : i32 to index
      %get3A_154 = arith.index_cast %mul3A_151 : i32 to index
      %get3A_155 = tpu.vector_load %arg5[%get3A_153, %get3A_154] {strides = array<i32>} : memref<64x256xf32, #tpu.memory_space<vmem>>, vector<16xf32>,
      %broadcast_in_dim3A_156 = arith.constant 15 : i32
      %broadcast_in_dim3A_157 = vector.broadcast %broadcast_in_dim3A_156 : i32 to vector<16xi32>
      %mul3A_158 = arith.constant 16 : i32
      %mul3A_159 = arith.muli %scan3A_13, %mul3A_158 : i32
      %get3A_160 = arith.constant 15 : i32
      %get3A_161 = arith.index_cast %get3A_160 : i32 to index
      %get3A_162 = arith.index_cast %mul3A_159 : i32 to index
      %get3A_163 = tpu.vector_load %arg5[%get3A_161, %get3A_162] {strides = array<i32>} : memref<64x256xf32, #tpu.memory_space<vmem>>, vector<16xf32>,
      %ge3A_164 = arith.cmpf oge, %get3A_107, %get3A_115 : vector<16xf32>
      %select_n3A_165 = arith.select %ge3A_164, %get3A_107, %get3A_115 : vector<16xi1>, vector<16xf32>
      %select_n3A_166 = arith.select %ge3A_164, %broadcast_in_dim3A_101, %broadcast_in_dim3A_109 : vector<16xi1>, vector<16xi32>
      %ge3A_167 = arith.cmpf oge, %get3A_123, %get3A_131 : vector<16xf32>
      %select_n3A_168 = arith.select %ge3A_167, %get3A_123, %get3A_131 : vector<16xi1>, vector<16xf32>
      %select_n3A_169 = arith.select %ge3A_167, %broadcast_in_dim3A_117, %broadcast_in_dim3A_125 : vector<16xi1>, vector<16xi32>
      %ge3A_170 = arith.cmpf oge, %get3A_139, %get3A_147 : vector<16xf32>
      %select_n3A_171 = arith.select %ge3A_170, %get3A_139, %get3A_147 : vector<16xi1>, vector<16xf32>
      %select_n3A_172 = arith.select %ge3A_170, %broadcast_in_dim3A_133, %broadcast_in_dim3A_141 : vector<16xi1>, vector<16xi32>
      %ge3A_173 = arith.cmpf oge, %get3A_155, %get3A_163 : vector<16xf32>
      %select_n3A_174 = arith.select %ge3A_173, %get3A_155, %get3A_163 : vector<16xi1>, vector<16xf32>
      %select_n3A_175 = arith.select %ge3A_173, %broadcast_in_dim3A_149, %broadcast_in_dim3A_157 : vector<16xi1>, vector<16xi32>
      %ge3A_176 = arith.cmpf oge, %select_n3A_165, %select_n3A_168 : vector<16xf32>
      %select_n3A_177 = arith.select %ge3A_176, %select_n3A_165, %select_n3A_168 : vector<16xi1>, vector<16xf32>
      %select_n3A_178 = arith.select %ge3A_176, %select_n3A_166, %select_n3A_169 : vector<16xi1>, vector<16xi32>
      %ge3A_179 = arith.cmpf oge, %select_n3A_171, %select_n3A_174 : vector<16xf32>
      %select_n3A_180 = arith.select %ge3A_179, %select_n3A_171, %select_n3A_174 : vector<16xi1>, vector<16xf32>
      %select_n3A_181 = arith.select %ge3A_179, %select_n3A_172, %select_n3A_175 : vector<16xi1>, vector<16xi32>
      %ge3A_182 = arith.cmpf oge, %select_n3A_177, %select_n3A_180 : vector<16xf32>
      %select_n3A_183 = arith.select %ge3A_182, %select_n3A_177, %select_n3A_180 : vector<16xi1>, vector<16xf32>
      %select_n3A_184 = arith.select %ge3A_182, %select_n3A_178, %select_n3A_181 : vector<16xi1>, vector<16xi32>
      %broadcast_in_dim3A_185 = arith.constant 16 : i32
      %broadcast_in_dim3A_186 = vector.broadcast %broadcast_in_dim3A_185 : i32 to vector<16xi32>
      %mul3A_187 = arith.constant 16 : i32
      %mul3A_188 = arith.muli %scan3A_13, %mul3A_187 : i32
      %get3A_189 = arith.constant 16 : i32
      %get3A_190 = arith.index_cast %get3A_189 : i32 to index
      %get3A_191 = arith.index_cast %mul3A_188 : i32 to index
      %get3A_192 = tpu.vector_load %arg5[%get3A_190, %get3A_191] {strides = array<i32>} : memref<64x256xf32, #tpu.memory_space<vmem>>, vector<16xf32>,
      %broadcast_in_dim3A_193 = arith.constant 17 : i32
      %broadcast_in_dim3A_194 = vector.broadcast %broadcast_in_dim3A_193 : i32 to vector<16xi32>
      %mul3A_195 = arith.constant 16 : i32
      %mul3A_196 = arith.muli %scan3A_13, %mul3A_195 : i32
      %get3A_197 = arith.constant 17 : i32
      %get3A_198 = arith.index_cast %get3A_197 : i32 to index
      %get3A_199 = arith.index_cast %mul3A_196 : i32 to index
      %get3A_200 = tpu.vector_load %arg5[%get3A_198, %get3A_199] {strides = array<i32>} : memref<64x256xf32, #tpu.memory_space<vmem>>, vector<16xf32>,
      %broadcast_in_dim3A_201 = arith.constant 18 : i32
      %broadcast_in_dim3A_202 = vector.broadcast %broadcast_in_dim3A_201 : i32 to vector<16xi32>
      %mul3A_203 = arith.constant 16 : i32
      %mul3A_204 = arith.muli %scan3A_13, %mul3A_203 : i32
      %get3A_205 = arith.constant 18 : i32
      %get3A_206 = arith.index_cast %get3A_205 : i32 to index
      %get3A_207 = arith.index_cast %mul3A_204 : i32 to index
      %get3A_208 = tpu.vector_load %arg5[%get3A_206, %get3A_207] {strides = array<i32>} : memref<64x256xf32, #tpu.memory_space<vmem>>, vector<16xf32>,
      %broadcast_in_dim3A_209 = arith.constant 19 : i32
      %broadcast_in_dim3A_210 = vector.broadcast %broadcast_in_dim3A_209 : i32 to vector<16xi32>
      %mul3A_211 = arith.constant 16 : i32
      %mul3A_212 = arith.muli %scan3A_13, %mul3A_211 : i32
      %get3A_213 = arith.constant 19 : i32
      %get3A_214 = arith.index_cast %get3A_213 : i32 to index
      %get3A_215 = arith.index_cast %mul3A_212 : i32 to index
      %get3A_216 = tpu.vector_load %arg5[%get3A_214, %get3A_215] {strides = array<i32>} : memref<64x256xf32, #tpu.memory_space<vmem>>, vector<16xf32>,
      %broadcast_in_dim3A_217 = arith.constant 20 : i32
      %broadcast_in_dim3A_218 = vector.broadcast %broadcast_in_dim3A_217 : i32 to vector<16xi32>
      %mul3A_219 = arith.constant 16 : i32
      %mul3A_220 = arith.muli %scan3A_13, %mul3A_219 : i32
      %get3A_221 = arith.constant 20 : i32
      %get3A_222 = arith.index_cast %get3A_221 : i32 to index
      %get3A_223 = arith.index_cast %mul3A_220 : i32 to index
      %get3A_224 = tpu.vector_load %arg5[%get3A_222, %get3A_223] {strides = array<i32>} : memref<64x256xf32, #tpu.memory_space<vmem>>, vector<16xf32>,
      %broadcast_in_dim3A_225 = arith.constant 21 : i32
      %broadcast_in_dim3A_226 = vector.broadcast %broadcast_in_dim3A_225 : i32 to vector<16xi32>
      %mul3A_227 = arith.constant 16 : i32
      %mul3A_228 = arith.muli %scan3A_13, %mul3A_227 : i32
      %get3A_229 = arith.constant 21 : i32
      %get3A_230 = arith.index_cast %get3A_229 : i32 to index
      %get3A_231 = arith.index_cast %mul3A_228 : i32 to index
      %get3A_232 = tpu.vector_load %arg5[%get3A_230, %get3A_231] {strides = array<i32>} : memref<64x256xf32, #tpu.memory_space<vmem>>, vector<16xf32>,
      %broadcast_in_dim3A_233 = arith.constant 22 : i32
      %broadcast_in_dim3A_234 = vector.broadcast %broadcast_in_dim3A_233 : i32 to vector<16xi32>
      %mul3A_235 = arith.constant 16 : i32
      %mul3A_236 = arith.muli %scan3A_13, %mul3A_235 : i32
      %get3A_237 = arith.constant 22 : i32
      %get3A_238 = arith.index_cast %get3A_237 : i32 to index
      %get3A_239 = arith.index_cast %mul3A_236 : i32 to index
      %get3A_240 = tpu.vector_load %arg5[%get3A_238, %get3A_239] {strides = array<i32>} : memref<64x256xf32, #tpu.memory_space<vmem>>, vector<16xf32>,
      %broadcast_in_dim3A_241 = arith.constant 23 : i32
      %broadcast_in_dim3A_242 = vector.broadcast %broadcast_in_dim3A_241 : i32 to vector<16xi32>
      %mul3A_243 = arith.constant 16 : i32
      %mul3A_244 = arith.muli %scan3A_13, %mul3A_243 : i32
      %get3A_245 = arith.constant 23 : i32
      %get3A_246 = arith.index_cast %get3A_245 : i32 to index
      %get3A_247 = arith.index_cast %mul3A_244 : i32 to index
      %get3A_248 = tpu.vector_load %arg5[%get3A_246, %get3A_247] {strides = array<i32>} : memref<64x256xf32, #tpu.memory_space<vmem>>, vector<16xf32>,
      %ge3A_249 = arith.cmpf oge, %get3A_192, %get3A_200 : vector<16xf32>
      %select_n3A_250 = arith.select %ge3A_249, %get3A_192, %get3A_200 : vector<16xi1>, vector<16xf32>
      %select_n3A_251 = arith.select %ge3A_249, %broadcast_in_dim3A_186, %broadcast_in_dim3A_194 : vector<16xi1>, vector<16xi32>
      %ge3A_252 = arith.cmpf oge, %get3A_208, %get3A_216 : vector<16xf32>
      %select_n3A_253 = arith.select %ge3A_252, %get3A_208, %get3A_216 : vector<16xi1>, vector<16xf32>
      %select_n3A_254 = arith.select %ge3A_252, %broadcast_in_dim3A_202, %broadcast_in_dim3A_210 : vector<16xi1>, vector<16xi32>
      %ge3A_255 = arith.cmpf oge, %get3A_224, %get3A_232 : vector<16xf32>
      %select_n3A_256 = arith.select %ge3A_255, %get3A_224, %get3A_232 : vector<16xi1>, vector<16xf32>
      %select_n3A_257 = arith.select %ge3A_255, %broadcast_in_dim3A_218, %broadcast_in_dim3A_226 : vector<16xi1>, vector<16xi32>
      %ge3A_258 = arith.cmpf oge, %get3A_240, %get3A_248 : vector<16xf32>
      %select_n3A_259 = arith.select %ge3A_258, %get3A_240, %get3A_248 : vector<16xi1>, vector<16xf32>
      %select_n3A_260 = arith.select %ge3A_258, %broadcast_in_dim3A_234, %broadcast_in_dim3A_242 : vector<16xi1>, vector<16xi32>
      %ge3A_261 = arith.cmpf oge, %select_n3A_250, %select_n3A_253 : vector<16xf32>
      %select_n3A_262 = arith.select %ge3A_261, %select_n3A_250, %select_n3A_253 : vector<16xi1>, vector<16xf32>
      %select_n3A_263 = arith.select %ge3A_261, %select_n3A_251, %select_n3A_254 : vector<16xi1>, vector<16xi32>
      %ge3A_264 = arith.cmpf oge, %select_n3A_256, %select_n3A_259 : vector<16xf32>
      %select_n3A_265 = arith.select %ge3A_264, %select_n3A_256, %select_n3A_259 : vector<16xi1>, vector<16xf32>
      %select_n3A_266 = arith.select %ge3A_264, %select_n3A_257, %select_n3A_260 : vector<16xi1>, vector<16xi32>
      %ge3A_267 = arith.cmpf oge, %select_n3A_262, %select_n3A_265 : vector<16xf32>
      %select_n3A_268 = arith.select %ge3A_267, %select_n3A_262, %select_n3A_265 : vector<16xi1>, vector<16xf32>
      %select_n3A_269 = arith.select %ge3A_267, %select_n3A_263, %select_n3A_266 : vector<16xi1>, vector<16xi32>
      %broadcast_in_dim3A_270 = arith.constant 24 : i32
      %broadcast_in_dim3A_271 = vector.broadcast %broadcast_in_dim3A_270 : i32 to vector<16xi32>
      %mul3A_272 = arith.constant 16 : i32
      %mul3A_273 = arith.muli %scan3A_13, %mul3A_272 : i32
      %get3A_274 = arith.constant 24 : i32
      %get3A_275 = arith.index_cast %get3A_274 : i32 to index
      %get3A_276 = arith.index_cast %mul3A_273 : i32 to index
      %get3A_277 = tpu.vector_load %arg5[%get3A_275, %get3A_276] {strides = array<i32>} : memref<64x256xf32, #tpu.memory_space<vmem>>, vector<16xf32>,
      %broadcast_in_dim3A_278 = arith.constant 25 : i32
      %broadcast_in_dim3A_279 = vector.broadcast %broadcast_in_dim3A_278 : i32 to vector<16xi32>
      %mul3A_280 = arith.constant 16 : i32
      %mul3A_281 = arith.muli %scan3A_13, %mul3A_280 : i32
      %get3A_282 = arith.constant 25 : i32
      %get3A_283 = arith.index_cast %get3A_282 : i32 to index
      %get3A_284 = arith.index_cast %mul3A_281 : i32 to index
      %get3A_285 = tpu.vector_load %arg5[%get3A_283, %get3A_284] {strides = array<i32>} : memref<64x256xf32, #tpu.memory_space<vmem>>, vector<16xf32>,
      %broadcast_in_dim3A_286 = arith.constant 26 : i32
      %broadcast_in_dim3A_287 = vector.broadcast %broadcast_in_dim3A_286 : i32 to vector<16xi32>
      %mul3A_288 = arith.constant 16 : i32
      %mul3A_289 = arith.muli %scan3A_13, %mul3A_288 : i32
      %get3A_290 = arith.constant 26 : i32
      %get3A_291 = arith.index_cast %get3A_290 : i32 to index
      %get3A_292 = arith.index_cast %mul3A_289 : i32 to index
      %get3A_293 = tpu.vector_load %arg5[%get3A_291, %get3A_292] {strides = array<i32>} : memref<64x256xf32, #tpu.memory_space<vmem>>, vector<16xf32>,
      %broadcast_in_dim3A_294 = arith.constant 27 : i32
      %broadcast_in_dim3A_295 = vector.broadcast %broadcast_in_dim3A_294 : i32 to vector<16xi32>
      %mul3A_296 = arith.constant 16 : i32
      %mul3A_297 = arith.muli %scan3A_13, %mul3A_296 : i32
      %get3A_298 = arith.constant 27 : i32
      %get3A_299 = arith.index_cast %get3A_298 : i32 to index
      %get3A_300 = arith.index_cast %mul3A_297 : i32 to index
      %get3A_301 = tpu.vector_load %arg5[%get3A_299, %get3A_300] {strides = array<i32>} : memref<64x256xf32, #tpu.memory_space<vmem>>, vector<16xf32>,
      %broadcast_in_dim3A_302 = arith.constant 28 : i32
      %broadcast_in_dim3A_303 = vector.broadcast %broadcast_in_dim3A_302 : i32 to vector<16xi32>
      %mul3A_304 = arith.constant 16 : i32
      %mul3A_305 = arith.muli %scan3A_13, %mul3A_304 : i32
      %get3A_306 = arith.constant 28 : i32
      %get3A_307 = arith.index_cast %get3A_306 : i32 to index
      %get3A_308 = arith.index_cast %mul3A_305 : i32 to index
      %get3A_309 = tpu.vector_load %arg5[%get3A_307, %get3A_308] {strides = array<i32>} : memref<64x256xf32, #tpu.memory_space<vmem>>, vector<16xf32>,
      %broadcast_in_dim3A_310 = arith.constant 29 : i32
      %broadcast_in_dim3A_311 = vector.broadcast %broadcast_in_dim3A_310 : i32 to vector<16xi32>
      %mul3A_312 = arith.constant 16 : i32
      %mul3A_313 = arith.muli %scan3A_13, %mul3A_312 : i32
      %get3A_314 = arith.constant 29 : i32
      %get3A_315 = arith.index_cast %get3A_314 : i32 to index
      %get3A_316 = arith.index_cast %mul3A_313 : i32 to index
      %get3A_317 = tpu.vector_load %arg5[%get3A_315, %get3A_316] {strides = array<i32>} : memref<64x256xf32, #tpu.memory_space<vmem>>, vector<16xf32>,
      %broadcast_in_dim3A_318 = arith.constant 30 : i32
      %broadcast_in_dim3A_319 = vector.broadcast %broadcast_in_dim3A_318 : i32 to vector<16xi32>
      %mul3A_320 = arith.constant 16 : i32
      %mul3A_321 = arith.muli %scan3A_13, %mul3A_320 : i32
      %get3A_322 = arith.constant 30 : i32
      %get3A_323 = arith.index_cast %get3A_322 : i32 to index
      %get3A_324 = arith.index_cast %mul3A_321 : i32 to index
      %get3A_325 = tpu.vector_load %arg5[%get3A_323, %get3A_324] {strides = array<i32>} : memref<64x256xf32, #tpu.memory_space<vmem>>, vector<16xf32>,
      %broadcast_in_dim3A_326 = arith.constant 31 : i32
      %broadcast_in_dim3A_327 = vector.broadcast %broadcast_in_dim3A_326 : i32 to vector<16xi32>
      %mul3A_328 = arith.constant 16 : i32
      %mul3A_329 = arith.muli %scan3A_13, %mul3A_328 : i32
      %get3A_330 = arith.constant 31 : i32
      %get3A_331 = arith.index_cast %get3A_330 : i32 to index
      %get3A_332 = arith.index_cast %mul3A_329 : i32 to index
      %get3A_333 = tpu.vector_load %arg5[%get3A_331, %get3A_332] {strides = array<i32>} : memref<64x256xf32, #tpu.memory_space<vmem>>, vector<16xf32>,
      %ge3A_334 = arith.cmpf oge, %get3A_277, %get3A_285 : vector<16xf32>
      %select_n3A_335 = arith.select %ge3A_334, %get3A_277, %get3A_285 : vector<16xi1>, vector<16xf32>
      %select_n3A_336 = arith.select %ge3A_334, %broadcast_in_dim3A_271, %broadcast_in_dim3A_279 : vector<16xi1>, vector<16xi32>
      %ge3A_337 = arith.cmpf oge, %get3A_293, %get3A_301 : vector<16xf32>
      %select_n3A_338 = arith.select %ge3A_337, %get3A_293, %get3A_301 : vector<16xi1>, vector<16xf32>
      %select_n3A_339 = arith.select %ge3A_337, %broadcast_in_dim3A_287, %broadcast_in_dim3A_295 : vector<16xi1>, vector<16xi32>
      %ge3A_340 = arith.cmpf oge, %get3A_309, %get3A_317 : vector<16xf32>
      %select_n3A_341 = arith.select %ge3A_340, %get3A_309, %get3A_317 : vector<16xi1>, vector<16xf32>
      %select_n3A_342 = arith.select %ge3A_340, %broadcast_in_dim3A_303, %broadcast_in_dim3A_311 : vector<16xi1>, vector<16xi32>
      %ge3A_343 = arith.cmpf oge, %get3A_325, %get3A_333 : vector<16xf32>
      %select_n3A_344 = arith.select %ge3A_343, %get3A_325, %get3A_333 : vector<16xi1>, vector<16xf32>
      %select_n3A_345 = arith.select %ge3A_343, %broadcast_in_dim3A_319, %broadcast_in_dim3A_327 : vector<16xi1>, vector<16xi32>
      %ge3A_346 = arith.cmpf oge, %select_n3A_335, %select_n3A_338 : vector<16xf32>
      %select_n3A_347 = arith.select %ge3A_346, %select_n3A_335, %select_n3A_338 : vector<16xi1>, vector<16xf32>
      %select_n3A_348 = arith.select %ge3A_346, %select_n3A_336, %select_n3A_339 : vector<16xi1>, vector<16xi32>
      %ge3A_349 = arith.cmpf oge, %select_n3A_341, %select_n3A_344 : vector<16xf32>
      %select_n3A_350 = arith.select %ge3A_349, %select_n3A_341, %select_n3A_344 : vector<16xi1>, vector<16xf32>
      %select_n3A_351 = arith.select %ge3A_349, %select_n3A_342, %select_n3A_345 : vector<16xi1>, vector<16xi32>
      %ge3A_352 = arith.cmpf oge, %select_n3A_347, %select_n3A_350 : vector<16xf32>
      %select_n3A_353 = arith.select %ge3A_352, %select_n3A_347, %select_n3A_350 : vector<16xi1>, vector<16xf32>
      %select_n3A_354 = arith.select %ge3A_352, %select_n3A_348, %select_n3A_351 : vector<16xi1>, vector<16xi32>
      %broadcast_in_dim3A_355 = arith.constant 32 : i32
      %broadcast_in_dim3A_356 = vector.broadcast %broadcast_in_dim3A_355 : i32 to vector<16xi32>
      %mul3A_357 = arith.constant 16 : i32
      %mul3A_358 = arith.muli %scan3A_13, %mul3A_357 : i32
      %get3A_359 = arith.constant 32 : i32
      %get3A_360 = arith.index_cast %get3A_359 : i32 to index
      %get3A_361 = arith.index_cast %mul3A_358 : i32 to index
      %get3A_362 = tpu.vector_load %arg5[%get3A_360, %get3A_361] {strides = array<i32>} : memref<64x256xf32, #tpu.memory_space<vmem>>, vector<16xf32>,
      %broadcast_in_dim3A_363 = arith.constant 33 : i32
      %broadcast_in_dim3A_364 = vector.broadcast %broadcast_in_dim3A_363 : i32 to vector<16xi32>
      %mul3A_365 = arith.constant 16 : i32
      %mul3A_366 = arith.muli %scan3A_13, %mul3A_365 : i32
      %get3A_367 = arith.constant 33 : i32
      %get3A_368 = arith.index_cast %get3A_367 : i32 to index
      %get3A_369 = arith.index_cast %mul3A_366 : i32 to index
      %get3A_370 = tpu.vector_load %arg5[%get3A_368, %get3A_369] {strides = array<i32>} : memref<64x256xf32, #tpu.memory_space<vmem>>, vector<16xf32>,
      %broadcast_in_dim3A_371 = arith.constant 34 : i32
      %broadcast_in_dim3A_372 = vector.broadcast %broadcast_in_dim3A_371 : i32 to vector<16xi32>
      %mul3A_373 = arith.constant 16 : i32
      %mul3A_374 = arith.muli %scan3A_13, %mul3A_373 : i32
      %get3A_375 = arith.constant 34 : i32
      %get3A_376 = arith.index_cast %get3A_375 : i32 to index
      %get3A_377 = arith.index_cast %mul3A_374 : i32 to index
      %get3A_378 = tpu.vector_load %arg5[%get3A_376, %get3A_377] {strides = array<i32>} : memref<64x256xf32, #tpu.memory_space<vmem>>, vector<16xf32>,
      %broadcast_in_dim3A_379 = arith.constant 35 : i32
      %broadcast_in_dim3A_380 = vector.broadcast %broadcast_in_dim3A_379 : i32 to vector<16xi32>
      %mul3A_381 = arith.constant 16 : i32
      %mul3A_382 = arith.muli %scan3A_13, %mul3A_381 : i32
      %get3A_383 = arith.constant 35 : i32
      %get3A_384 = arith.index_cast %get3A_383 : i32 to index
      %get3A_385 = arith.index_cast %mul3A_382 : i32 to index
      %get3A_386 = tpu.vector_load %arg5[%get3A_384, %get3A_385] {strides = array<i32>} : memref<64x256xf32, #tpu.memory_space<vmem>>, vector<16xf32>,
      %broadcast_in_dim3A_387 = arith.constant 36 : i32
      %broadcast_in_dim3A_388 = vector.broadcast %broadcast_in_dim3A_387 : i32 to vector<16xi32>
      %mul3A_389 = arith.constant 16 : i32
      %mul3A_390 = arith.muli %scan3A_13, %mul3A_389 : i32
      %get3A_391 = arith.constant 36 : i32
      %get3A_392 = arith.index_cast %get3A_391 : i32 to index
      %get3A_393 = arith.index_cast %mul3A_390 : i32 to index
      %get3A_394 = tpu.vector_load %arg5[%get3A_392, %get3A_393] {strides = array<i32>} : memref<64x256xf32, #tpu.memory_space<vmem>>, vector<16xf32>,
      %broadcast_in_dim3A_395 = arith.constant 37 : i32
      %broadcast_in_dim3A_396 = vector.broadcast %broadcast_in_dim3A_395 : i32 to vector<16xi32>
      %mul3A_397 = arith.constant 16 : i32
      %mul3A_398 = arith.muli %scan3A_13, %mul3A_397 : i32
      %get3A_399 = arith.constant 37 : i32
      %get3A_400 = arith.index_cast %get3A_399 : i32 to index
      %get3A_401 = arith.index_cast %mul3A_398 : i32 to index
      %get3A_402 = tpu.vector_load %arg5[%get3A_400, %get3A_401] {strides = array<i32>} : memref<64x256xf32, #tpu.memory_space<vmem>>, vector<16xf32>,
      %broadcast_in_dim3A_403 = arith.constant 38 : i32
      %broadcast_in_dim3A_404 = vector.broadcast %broadcast_in_dim3A_403 : i32 to vector<16xi32>
      %mul3A_405 = arith.constant 16 : i32
      %mul3A_406 = arith.muli %scan3A_13, %mul3A_405 : i32
      %get3A_407 = arith.constant 38 : i32
      %get3A_408 = arith.index_cast %get3A_407 : i32 to index
      %get3A_409 = arith.index_cast %mul3A_406 : i32 to index
      %get3A_410 = tpu.vector_load %arg5[%get3A_408, %get3A_409] {strides = array<i32>} : memref<64x256xf32, #tpu.memory_space<vmem>>, vector<16xf32>,
      %broadcast_in_dim3A_411 = arith.constant 39 : i32
      %broadcast_in_dim3A_412 = vector.broadcast %broadcast_in_dim3A_411 : i32 to vector<16xi32>
      %mul3A_413 = arith.constant 16 : i32
      %mul3A_414 = arith.muli %scan3A_13, %mul3A_413 : i32
      %get3A_415 = arith.constant 39 : i32
      %get3A_416 = arith.index_cast %get3A_415 : i32 to index
      %get3A_417 = arith.index_cast %mul3A_414 : i32 to index
      %get3A_418 = tpu.vector_load %arg5[%get3A_416, %get3A_417] {strides = array<i32>} : memref<64x256xf32, #tpu.memory_space<vmem>>, vector<16xf32>,
      %ge3A_419 = arith.cmpf oge, %get3A_362, %get3A_370 : vector<16xf32>
      %select_n3A_420 = arith.select %ge3A_419, %get3A_362, %get3A_370 : vector<16xi1>, vector<16xf32>
      %select_n3A_421 = arith.select %ge3A_419, %broadcast_in_dim3A_356, %broadcast_in_dim3A_364 : vector<16xi1>, vector<16xi32>
      %ge3A_422 = arith.cmpf oge, %get3A_378, %get3A_386 : vector<16xf32>
      %select_n3A_423 = arith.select %ge3A_422, %get3A_378, %get3A_386 : vector<16xi1>, vector<16xf32>
      %select_n3A_424 = arith.select %ge3A_422, %broadcast_in_dim3A_372, %broadcast_in_dim3A_380 : vector<16xi1>, vector<16xi32>
      %ge3A_425 = arith.cmpf oge, %get3A_394, %get3A_402 : vector<16xf32>
      %select_n3A_426 = arith.select %ge3A_425, %get3A_394, %get3A_402 : vector<16xi1>, vector<16xf32>
      %select_n3A_427 = arith.select %ge3A_425, %broadcast_in_dim3A_388, %broadcast_in_dim3A_396 : vector<16xi1>, vector<16xi32>
      %ge3A_428 = arith.cmpf oge, %get3A_410, %get3A_418 : vector<16xf32>
      %select_n3A_429 = arith.select %ge3A_428, %get3A_410, %get3A_418 : vector<16xi1>, vector<16xf32>
      %select_n3A_430 = arith.select %ge3A_428, %broadcast_in_dim3A_404, %broadcast_in_dim3A_412 : vector<16xi1>, vector<16xi32>
      %ge3A_431 = arith.cmpf oge, %select_n3A_420, %select_n3A_423 : vector<16xf32>
      %select_n3A_432 = arith.select %ge3A_431, %select_n3A_420, %select_n3A_423 : vector<16xi1>, vector<16xf32>
      %select_n3A_433 = arith.select %ge3A_431, %select_n3A_421, %select_n3A_424 : vector<16xi1>, vector<16xi32>
      %ge3A_434 = arith.cmpf oge, %select_n3A_426, %select_n3A_429 : vector<16xf32>
      %select_n3A_435 = arith.select %ge3A_434, %select_n3A_426, %select_n3A_429 : vector<16xi1>, vector<16xf32>
      %select_n3A_436 = arith.select %ge3A_434, %select_n3A_427, %select_n3A_430 : vector<16xi1>, vector<16xi32>
      %ge3A_437 = arith.cmpf oge, %select_n3A_432, %select_n3A_435 : vector<16xf32>
      %select_n3A_438 = arith.select %ge3A_437, %select_n3A_432, %select_n3A_435 : vector<16xi1>, vector<16xf32>
      %select_n3A_439 = arith.select %ge3A_437, %select_n3A_433, %select_n3A_436 : vector<16xi1>, vector<16xi32>
      %broadcast_in_dim3A_440 = arith.constant 40 : i32
      %broadcast_in_dim3A_441 = vector.broadcast %broadcast_in_dim3A_440 : i32 to vector<16xi32>
      %mul3A_442 = arith.constant 16 : i32
      %mul3A_443 = arith.muli %scan3A_13, %mul3A_442 : i32
      %get3A_444 = arith.constant 40 : i32
      %get3A_445 = arith.index_cast %get3A_444 : i32 to index
      %get3A_446 = arith.index_cast %mul3A_443 : i32 to index
      %get3A_447 = tpu.vector_load %arg5[%get3A_445, %get3A_446] {strides = array<i32>} : memref<64x256xf32, #tpu.memory_space<vmem>>, vector<16xf32>,
      %broadcast_in_dim3A_448 = arith.constant 41 : i32
      %broadcast_in_dim3A_449 = vector.broadcast %broadcast_in_dim3A_448 : i32 to vector<16xi32>
      %mul3A_450 = arith.constant 16 : i32
      %mul3A_451 = arith.muli %scan3A_13, %mul3A_450 : i32
      %get3A_452 = arith.constant 41 : i32
      %get3A_453 = arith.index_cast %get3A_452 : i32 to index
      %get3A_454 = arith.index_cast %mul3A_451 : i32 to index
      %get3A_455 = tpu.vector_load %arg5[%get3A_453, %get3A_454] {strides = array<i32>} : memref<64x256xf32, #tpu.memory_space<vmem>>, vector<16xf32>,
      %broadcast_in_dim3A_456 = arith.constant 42 : i32
      %broadcast_in_dim3A_457 = vector.broadcast %broadcast_in_dim3A_456 : i32 to vector<16xi32>
      %mul3A_458 = arith.constant 16 : i32
      %mul3A_459 = arith.muli %scan3A_13, %mul3A_458 : i32
      %get3A_460 = arith.constant 42 : i32
      %get3A_461 = arith.index_cast %get3A_460 : i32 to index
      %get3A_462 = arith.index_cast %mul3A_459 : i32 to index
      %get3A_463 = tpu.vector_load %arg5[%get3A_461, %get3A_462] {strides = array<i32>} : memref<64x256xf32, #tpu.memory_space<vmem>>, vector<16xf32>,
      %broadcast_in_dim3A_464 = arith.constant 43 : i32
      %broadcast_in_dim3A_465 = vector.broadcast %broadcast_in_dim3A_464 : i32 to vector<16xi32>
      %mul3A_466 = arith.constant 16 : i32
      %mul3A_467 = arith.muli %scan3A_13, %mul3A_466 : i32
      %get3A_468 = arith.constant 43 : i32
      %get3A_469 = arith.index_cast %get3A_468 : i32 to index
      %get3A_470 = arith.index_cast %mul3A_467 : i32 to index
      %get3A_471 = tpu.vector_load %arg5[%get3A_469, %get3A_470] {strides = array<i32>} : memref<64x256xf32, #tpu.memory_space<vmem>>, vector<16xf32>,
      %broadcast_in_dim3A_472 = arith.constant 44 : i32
      %broadcast_in_dim3A_473 = vector.broadcast %broadcast_in_dim3A_472 : i32 to vector<16xi32>
      %mul3A_474 = arith.constant 16 : i32
      %mul3A_475 = arith.muli %scan3A_13, %mul3A_474 : i32
      %get3A_476 = arith.constant 44 : i32
      %get3A_477 = arith.index_cast %get3A_476 : i32 to index
      %get3A_478 = arith.index_cast %mul3A_475 : i32 to index
      %get3A_479 = tpu.vector_load %arg5[%get3A_477, %get3A_478] {strides = array<i32>} : memref<64x256xf32, #tpu.memory_space<vmem>>, vector<16xf32>,
      %broadcast_in_dim3A_480 = arith.constant 45 : i32
      %broadcast_in_dim3A_481 = vector.broadcast %broadcast_in_dim3A_480 : i32 to vector<16xi32>
      %mul3A_482 = arith.constant 16 : i32
      %mul3A_483 = arith.muli %scan3A_13, %mul3A_482 : i32
      %get3A_484 = arith.constant 45 : i32
      %get3A_485 = arith.index_cast %get3A_484 : i32 to index
      %get3A_486 = arith.index_cast %mul3A_483 : i32 to index
      %get3A_487 = tpu.vector_load %arg5[%get3A_485, %get3A_486] {strides = array<i32>} : memref<64x256xf32, #tpu.memory_space<vmem>>, vector<16xf32>,
      %broadcast_in_dim3A_488 = arith.constant 46 : i32
      %broadcast_in_dim3A_489 = vector.broadcast %broadcast_in_dim3A_488 : i32 to vector<16xi32>
      %mul3A_490 = arith.constant 16 : i32
      %mul3A_491 = arith.muli %scan3A_13, %mul3A_490 : i32
      %get3A_492 = arith.constant 46 : i32
      %get3A_493 = arith.index_cast %get3A_492 : i32 to index
      %get3A_494 = arith.index_cast %mul3A_491 : i32 to index
      %get3A_495 = tpu.vector_load %arg5[%get3A_493, %get3A_494] {strides = array<i32>} : memref<64x256xf32, #tpu.memory_space<vmem>>, vector<16xf32>,
      %broadcast_in_dim3A_496 = arith.constant 47 : i32
      %broadcast_in_dim3A_497 = vector.broadcast %broadcast_in_dim3A_496 : i32 to vector<16xi32>
      %mul3A_498 = arith.constant 16 : i32
      %mul3A_499 = arith.muli %scan3A_13, %mul3A_498 : i32
      %get3A_500 = arith.constant 47 : i32
      %get3A_501 = arith.index_cast %get3A_500 : i32 to index
      %get3A_502 = arith.index_cast %mul3A_499 : i32 to index
      %get3A_503 = tpu.vector_load %arg5[%get3A_501, %get3A_502] {strides = array<i32>} : memref<64x256xf32, #tpu.memory_space<vmem>>, vector<16xf32>,
      %ge3A_504 = arith.cmpf oge, %get3A_447, %get3A_455 : vector<16xf32>
      %select_n3A_505 = arith.select %ge3A_504, %get3A_447, %get3A_455 : vector<16xi1>, vector<16xf32>
      %select_n3A_506 = arith.select %ge3A_504, %broadcast_in_dim3A_441, %broadcast_in_dim3A_449 : vector<16xi1>, vector<16xi32>
      %ge3A_507 = arith.cmpf oge, %get3A_463, %get3A_471 : vector<16xf32>
      %select_n3A_508 = arith.select %ge3A_507, %get3A_463, %get3A_471 : vector<16xi1>, vector<16xf32>
      %select_n3A_509 = arith.select %ge3A_507, %broadcast_in_dim3A_457, %broadcast_in_dim3A_465 : vector<16xi1>, vector<16xi32>
      %ge3A_510 = arith.cmpf oge, %get3A_479, %get3A_487 : vector<16xf32>
      %select_n3A_511 = arith.select %ge3A_510, %get3A_479, %get3A_487 : vector<16xi1>, vector<16xf32>
      %select_n3A_512 = arith.select %ge3A_510, %broadcast_in_dim3A_473, %broadcast_in_dim3A_481 : vector<16xi1>, vector<16xi32>
      %ge3A_513 = arith.cmpf oge, %get3A_495, %get3A_503 : vector<16xf32>
      %select_n3A_514 = arith.select %ge3A_513, %get3A_495, %get3A_503 : vector<16xi1>, vector<16xf32>
      %select_n3A_515 = arith.select %ge3A_513, %broadcast_in_dim3A_489, %broadcast_in_dim3A_497 : vector<16xi1>, vector<16xi32>
      %ge3A_516 = arith.cmpf oge, %select_n3A_505, %select_n3A_508 : vector<16xf32>
      %select_n3A_517 = arith.select %ge3A_516, %select_n3A_505, %select_n3A_508 : vector<16xi1>, vector<16xf32>
      %select_n3A_518 = arith.select %ge3A_516, %select_n3A_506, %select_n3A_509 : vector<16xi1>, vector<16xi32>
      %ge3A_519 = arith.cmpf oge, %select_n3A_511, %select_n3A_514 : vector<16xf32>
      %select_n3A_520 = arith.select %ge3A_519, %select_n3A_511, %select_n3A_514 : vector<16xi1>, vector<16xf32>
      %select_n3A_521 = arith.select %ge3A_519, %select_n3A_512, %select_n3A_515 : vector<16xi1>, vector<16xi32>
      %ge3A_522 = arith.cmpf oge, %select_n3A_517, %select_n3A_520 : vector<16xf32>
      %select_n3A_523 = arith.select %ge3A_522, %select_n3A_517, %select_n3A_520 : vector<16xi1>, vector<16xf32>
      %select_n3A_524 = arith.select %ge3A_522, %select_n3A_518, %select_n3A_521 : vector<16xi1>, vector<16xi32>
      %broadcast_in_dim3A_525 = arith.constant 48 : i32
      %broadcast_in_dim3A_526 = vector.broadcast %broadcast_in_dim3A_525 : i32 to vector<16xi32>
      %mul3A_527 = arith.constant 16 : i32
      %mul3A_528 = arith.muli %scan3A_13, %mul3A_527 : i32
      %get3A_529 = arith.constant 48 : i32
      %get3A_530 = arith.index_cast %get3A_529 : i32 to index
      %get3A_531 = arith.index_cast %mul3A_528 : i32 to index
      %get3A_532 = tpu.vector_load %arg5[%get3A_530, %get3A_531] {strides = array<i32>} : memref<64x256xf32, #tpu.memory_space<vmem>>, vector<16xf32>,
      %broadcast_in_dim3A_533 = arith.constant 49 : i32
      %broadcast_in_dim3A_534 = vector.broadcast %broadcast_in_dim3A_533 : i32 to vector<16xi32>
      %mul3A_535 = arith.constant 16 : i32
      %mul3A_536 = arith.muli %scan3A_13, %mul3A_535 : i32
      %get3A_537 = arith.constant 49 : i32
      %get3A_538 = arith.index_cast %get3A_537 : i32 to index
      %get3A_539 = arith.index_cast %mul3A_536 : i32 to index
      %get3A_540 = tpu.vector_load %arg5[%get3A_538, %get3A_539] {strides = array<i32>} : memref<64x256xf32, #tpu.memory_space<vmem>>, vector<16xf32>,
      %broadcast_in_dim3A_541 = arith.constant 50 : i32
      %broadcast_in_dim3A_542 = vector.broadcast %broadcast_in_dim3A_541 : i32 to vector<16xi32>
      %mul3A_543 = arith.constant 16 : i32
      %mul3A_544 = arith.muli %scan3A_13, %mul3A_543 : i32
      %get3A_545 = arith.constant 50 : i32
      %get3A_546 = arith.index_cast %get3A_545 : i32 to index
      %get3A_547 = arith.index_cast %mul3A_544 : i32 to index
      %get3A_548 = tpu.vector_load %arg5[%get3A_546, %get3A_547] {strides = array<i32>} : memref<64x256xf32, #tpu.memory_space<vmem>>, vector<16xf32>,
      %broadcast_in_dim3A_549 = arith.constant 51 : i32
      %broadcast_in_dim3A_550 = vector.broadcast %broadcast_in_dim3A_549 : i32 to vector<16xi32>
      %mul3A_551 = arith.constant 16 : i32
      %mul3A_552 = arith.muli %scan3A_13, %mul3A_551 : i32
      %get3A_553 = arith.constant 51 : i32
      %get3A_554 = arith.index_cast %get3A_553 : i32 to index
      %get3A_555 = arith.index_cast %mul3A_552 : i32 to index
      %get3A_556 = tpu.vector_load %arg5[%get3A_554, %get3A_555] {strides = array<i32>} : memref<64x256xf32, #tpu.memory_space<vmem>>, vector<16xf32>,
      %broadcast_in_dim3A_557 = arith.constant 52 : i32
      %broadcast_in_dim3A_558 = vector.broadcast %broadcast_in_dim3A_557 : i32 to vector<16xi32>
      %mul3A_559 = arith.constant 16 : i32
      %mul3A_560 = arith.muli %scan3A_13, %mul3A_559 : i32
      %get3A_561 = arith.constant 52 : i32
      %get3A_562 = arith.index_cast %get3A_561 : i32 to index
      %get3A_563 = arith.index_cast %mul3A_560 : i32 to index
      %get3A_564 = tpu.vector_load %arg5[%get3A_562, %get3A_563] {strides = array<i32>} : memref<64x256xf32, #tpu.memory_space<vmem>>, vector<16xf32>,
      %broadcast_in_dim3A_565 = arith.constant 53 : i32
      %broadcast_in_dim3A_566 = vector.broadcast %broadcast_in_dim3A_565 : i32 to vector<16xi32>
      %mul3A_567 = arith.constant 16 : i32
      %mul3A_568 = arith.muli %scan3A_13, %mul3A_567 : i32
      %get3A_569 = arith.constant 53 : i32
      %get3A_570 = arith.index_cast %get3A_569 : i32 to index
      %get3A_571 = arith.index_cast %mul3A_568 : i32 to index
      %get3A_572 = tpu.vector_load %arg5[%get3A_570, %get3A_571] {strides = array<i32>} : memref<64x256xf32, #tpu.memory_space<vmem>>, vector<16xf32>,
      %broadcast_in_dim3A_573 = arith.constant 54 : i32
      %broadcast_in_dim3A_574 = vector.broadcast %broadcast_in_dim3A_573 : i32 to vector<16xi32>
      %mul3A_575 = arith.constant 16 : i32
      %mul3A_576 = arith.muli %scan3A_13, %mul3A_575 : i32
      %get3A_577 = arith.constant 54 : i32
      %get3A_578 = arith.index_cast %get3A_577 : i32 to index
      %get3A_579 = arith.index_cast %mul3A_576 : i32 to index
      %get3A_580 = tpu.vector_load %arg5[%get3A_578, %get3A_579] {strides = array<i32>} : memref<64x256xf32, #tpu.memory_space<vmem>>, vector<16xf32>,
      %broadcast_in_dim3A_581 = arith.constant 55 : i32
      %broadcast_in_dim3A_582 = vector.broadcast %broadcast_in_dim3A_581 : i32 to vector<16xi32>
      %mul3A_583 = arith.constant 16 : i32
      %mul3A_584 = arith.muli %scan3A_13, %mul3A_583 : i32
      %get3A_585 = arith.constant 55 : i32
      %get3A_586 = arith.index_cast %get3A_585 : i32 to index
      %get3A_587 = arith.index_cast %mul3A_584 : i32 to index
      %get3A_588 = tpu.vector_load %arg5[%get3A_586, %get3A_587] {strides = array<i32>} : memref<64x256xf32, #tpu.memory_space<vmem>>, vector<16xf32>,
      %ge3A_589 = arith.cmpf oge, %get3A_532, %get3A_540 : vector<16xf32>
      %select_n3A_590 = arith.select %ge3A_589, %get3A_532, %get3A_540 : vector<16xi1>, vector<16xf32>
      %select_n3A_591 = arith.select %ge3A_589, %broadcast_in_dim3A_526, %broadcast_in_dim3A_534 : vector<16xi1>, vector<16xi32>
      %ge3A_592 = arith.cmpf oge, %get3A_548, %get3A_556 : vector<16xf32>
      %select_n3A_593 = arith.select %ge3A_592, %get3A_548, %get3A_556 : vector<16xi1>, vector<16xf32>
      %select_n3A_594 = arith.select %ge3A_592, %broadcast_in_dim3A_542, %broadcast_in_dim3A_550 : vector<16xi1>, vector<16xi32>
      %ge3A_595 = arith.cmpf oge, %get3A_564, %get3A_572 : vector<16xf32>
      %select_n3A_596 = arith.select %ge3A_595, %get3A_564, %get3A_572 : vector<16xi1>, vector<16xf32>
      %select_n3A_597 = arith.select %ge3A_595, %broadcast_in_dim3A_558, %broadcast_in_dim3A_566 : vector<16xi1>, vector<16xi32>
      %ge3A_598 = arith.cmpf oge, %get3A_580, %get3A_588 : vector<16xf32>
      %select_n3A_599 = arith.select %ge3A_598, %get3A_580, %get3A_588 : vector<16xi1>, vector<16xf32>
      %select_n3A_600 = arith.select %ge3A_598, %broadcast_in_dim3A_574, %broadcast_in_dim3A_582 : vector<16xi1>, vector<16xi32>
      %ge3A_601 = arith.cmpf oge, %select_n3A_590, %select_n3A_593 : vector<16xf32>
      %select_n3A_602 = arith.select %ge3A_601, %select_n3A_590, %select_n3A_593 : vector<16xi1>, vector<16xf32>
      %select_n3A_603 = arith.select %ge3A_601, %select_n3A_591, %select_n3A_594 : vector<16xi1>, vector<16xi32>
      %ge3A_604 = arith.cmpf oge, %select_n3A_596, %select_n3A_599 : vector<16xf32>
      %select_n3A_605 = arith.select %ge3A_604, %select_n3A_596, %select_n3A_599 : vector<16xi1>, vector<16xf32>
      %select_n3A_606 = arith.select %ge3A_604, %select_n3A_597, %select_n3A_600 : vector<16xi1>, vector<16xi32>
      %ge3A_607 = arith.cmpf oge, %select_n3A_602, %select_n3A_605 : vector<16xf32>
      %select_n3A_608 = arith.select %ge3A_607, %select_n3A_602, %select_n3A_605 : vector<16xi1>, vector<16xf32>
      %select_n3A_609 = arith.select %ge3A_607, %select_n3A_603, %select_n3A_606 : vector<16xi1>, vector<16xi32>
      %broadcast_in_dim3A_610 = arith.constant 56 : i32
      %broadcast_in_dim3A_611 = vector.broadcast %broadcast_in_dim3A_610 : i32 to vector<16xi32>
      %mul3A_612 = arith.constant 16 : i32
      %mul3A_613 = arith.muli %scan3A_13, %mul3A_612 : i32
      %get3A_614 = arith.constant 56 : i32
      %get3A_615 = arith.index_cast %get3A_614 : i32 to index
      %get3A_616 = arith.index_cast %mul3A_613 : i32 to index
      %get3A_617 = tpu.vector_load %arg5[%get3A_615, %get3A_616] {strides = array<i32>} : memref<64x256xf32, #tpu.memory_space<vmem>>, vector<16xf32>,
      %broadcast_in_dim3A_618 = arith.constant 57 : i32
      %broadcast_in_dim3A_619 = vector.broadcast %broadcast_in_dim3A_618 : i32 to vector<16xi32>
      %mul3A_620 = arith.constant 16 : i32
      %mul3A_621 = arith.muli %scan3A_13, %mul3A_620 : i32
      %get3A_622 = arith.constant 57 : i32
      %get3A_623 = arith.index_cast %get3A_622 : i32 to index
      %get3A_624 = arith.index_cast %mul3A_621 : i32 to index
      %get3A_625 = tpu.vector_load %arg5[%get3A_623, %get3A_624] {strides = array<i32>} : memref<64x256xf32, #tpu.memory_space<vmem>>, vector<16xf32>,
      %broadcast_in_dim3A_626 = arith.constant 58 : i32
      %broadcast_in_dim3A_627 = vector.broadcast %broadcast_in_dim3A_626 : i32 to vector<16xi32>
      %mul3A_628 = arith.constant 16 : i32
      %mul3A_629 = arith.muli %scan3A_13, %mul3A_628 : i32
      %get3A_630 = arith.constant 58 : i32
      %get3A_631 = arith.index_cast %get3A_630 : i32 to index
      %get3A_632 = arith.index_cast %mul3A_629 : i32 to index
      %get3A_633 = tpu.vector_load %arg5[%get3A_631, %get3A_632] {strides = array<i32>} : memref<64x256xf32, #tpu.memory_space<vmem>>, vector<16xf32>,
      %broadcast_in_dim3A_634 = arith.constant 59 : i32
      %broadcast_in_dim3A_635 = vector.broadcast %broadcast_in_dim3A_634 : i32 to vector<16xi32>
      %mul3A_636 = arith.constant 16 : i32
      %mul3A_637 = arith.muli %scan3A_13, %mul3A_636 : i32
      %get3A_638 = arith.constant 59 : i32
      %get3A_639 = arith.index_cast %get3A_638 : i32 to index
      %get3A_640 = arith.index_cast %mul3A_637 : i32 to index
      %get3A_641 = tpu.vector_load %arg5[%get3A_639, %get3A_640] {strides = array<i32>} : memref<64x256xf32, #tpu.memory_space<vmem>>, vector<16xf32>,
      %broadcast_in_dim3A_642 = arith.constant 60 : i32
      %broadcast_in_dim3A_643 = vector.broadcast %broadcast_in_dim3A_642 : i32 to vector<16xi32>
      %mul3A_644 = arith.constant 16 : i32
      %mul3A_645 = arith.muli %scan3A_13, %mul3A_644 : i32
      %get3A_646 = arith.constant 60 : i32
      %get3A_647 = arith.index_cast %get3A_646 : i32 to index
      %get3A_648 = arith.index_cast %mul3A_645 : i32 to index
      %get3A_649 = tpu.vector_load %arg5[%get3A_647, %get3A_648] {strides = array<i32>} : memref<64x256xf32, #tpu.memory_space<vmem>>, vector<16xf32>,
      %broadcast_in_dim3A_650 = arith.constant 61 : i32
      %broadcast_in_dim3A_651 = vector.broadcast %broadcast_in_dim3A_650 : i32 to vector<16xi32>
      %mul3A_652 = arith.constant 16 : i32
      %mul3A_653 = arith.muli %scan3A_13, %mul3A_652 : i32
      %get3A_654 = arith.constant 61 : i32
      %get3A_655 = arith.index_cast %get3A_654 : i32 to index
      %get3A_656 = arith.index_cast %mul3A_653 : i32 to index
      %get3A_657 = tpu.vector_load %arg5[%get3A_655, %get3A_656] {strides = array<i32>} : memref<64x256xf32, #tpu.memory_space<vmem>>, vector<16xf32>,
      %broadcast_in_dim3A_658 = arith.constant 62 : i32
      %broadcast_in_dim3A_659 = vector.broadcast %broadcast_in_dim3A_658 : i32 to vector<16xi32>
      %mul3A_660 = arith.constant 16 : i32
      %mul3A_661 = arith.muli %scan3A_13, %mul3A_660 : i32
      %get3A_662 = arith.constant 62 : i32
      %get3A_663 = arith.index_cast %get3A_662 : i32 to index
      %get3A_664 = arith.index_cast %mul3A_661 : i32 to index
      %get3A_665 = tpu.vector_load %arg5[%get3A_663, %get3A_664] {strides = array<i32>} : memref<64x256xf32, #tpu.memory_space<vmem>>, vector<16xf32>,
      %broadcast_in_dim3A_666 = arith.constant 63 : i32
      %broadcast_in_dim3A_667 = vector.broadcast %broadcast_in_dim3A_666 : i32 to vector<16xi32>
      %mul3A_668 = arith.constant 16 : i32
      %mul3A_669 = arith.muli %scan3A_13, %mul3A_668 : i32
      %get3A_670 = arith.constant 63 : i32
      %get3A_671 = arith.index_cast %get3A_670 : i32 to index
      %get3A_672 = arith.index_cast %mul3A_669 : i32 to index
      %get3A_673 = tpu.vector_load %arg5[%get3A_671, %get3A_672] {strides = array<i32>} : memref<64x256xf32, #tpu.memory_space<vmem>>, vector<16xf32>,
      %ge3A_674 = arith.cmpf oge, %get3A_617, %get3A_625 : vector<16xf32>
      %select_n3A_675 = arith.select %ge3A_674, %get3A_617, %get3A_625 : vector<16xi1>, vector<16xf32>
      %select_n3A_676 = arith.select %ge3A_674, %broadcast_in_dim3A_611, %broadcast_in_dim3A_619 : vector<16xi1>, vector<16xi32>
      %ge3A_677 = arith.cmpf oge, %get3A_633, %get3A_641 : vector<16xf32>
      %select_n3A_678 = arith.select %ge3A_677, %get3A_633, %get3A_641 : vector<16xi1>, vector<16xf32>
      %select_n3A_679 = arith.select %ge3A_677, %broadcast_in_dim3A_627, %broadcast_in_dim3A_635 : vector<16xi1>, vector<16xi32>
      %ge3A_680 = arith.cmpf oge, %get3A_649, %get3A_657 : vector<16xf32>
      %select_n3A_681 = arith.select %ge3A_680, %get3A_649, %get3A_657 : vector<16xi1>, vector<16xf32>
      %select_n3A_682 = arith.select %ge3A_680, %broadcast_in_dim3A_643, %broadcast_in_dim3A_651 : vector<16xi1>, vector<16xi32>
      %ge3A_683 = arith.cmpf oge, %get3A_665, %get3A_673 : vector<16xf32>
      %select_n3A_684 = arith.select %ge3A_683, %get3A_665, %get3A_673 : vector<16xi1>, vector<16xf32>
      %select_n3A_685 = arith.select %ge3A_683, %broadcast_in_dim3A_659, %broadcast_in_dim3A_667 : vector<16xi1>, vector<16xi32>
      %ge3A_686 = arith.cmpf oge, %select_n3A_675, %select_n3A_678 : vector<16xf32>
      %select_n3A_687 = arith.select %ge3A_686, %select_n3A_675, %select_n3A_678 : vector<16xi1>, vector<16xf32>
      %select_n3A_688 = arith.select %ge3A_686, %select_n3A_676, %select_n3A_679 : vector<16xi1>, vector<16xi32>
      %ge3A_689 = arith.cmpf oge, %select_n3A_681, %select_n3A_684 : vector<16xf32>
      %select_n3A_690 = arith.select %ge3A_689, %select_n3A_681, %select_n3A_684 : vector<16xi1>, vector<16xf32>
      %select_n3A_691 = arith.select %ge3A_689, %select_n3A_682, %select_n3A_685 : vector<16xi1>, vector<16xi32>
      %ge3A_692 = arith.cmpf oge, %select_n3A_687, %select_n3A_690 : vector<16xf32>
      %select_n3A_693 = arith.select %ge3A_692, %select_n3A_687, %select_n3A_690 : vector<16xi1>, vector<16xf32>
      %select_n3A_694 = arith.select %ge3A_692, %select_n3A_688, %select_n3A_691 : vector<16xi1>, vector<16xi32>
      %ge3A_695 = arith.cmpf oge, %select_n3A_98, %select_n3A_183 : vector<16xf32>
      %select_n3A_696 = arith.select %ge3A_695, %select_n3A_98, %select_n3A_183 : vector<16xi1>, vector<16xf32>
      %select_n3A_697 = arith.select %ge3A_695, %select_n3A_99, %select_n3A_184 : vector<16xi1>, vector<16xi32>
      %ge3A_698 = arith.cmpf oge, %select_n3A_268, %select_n3A_353 : vector<16xf32>
      %select_n3A_699 = arith.select %ge3A_698, %select_n3A_268, %select_n3A_353 : vector<16xi1>, vector<16xf32>
      %select_n3A_700 = arith.select %ge3A_698, %select_n3A_269, %select_n3A_354 : vector<16xi1>, vector<16xi32>
      %ge3A_701 = arith.cmpf oge, %select_n3A_438, %select_n3A_523 : vector<16xf32>
      %select_n3A_702 = arith.select %ge3A_701, %select_n3A_438, %select_n3A_523 : vector<16xi1>, vector<16xf32>
      %select_n3A_703 = arith.select %ge3A_701, %select_n3A_439, %select_n3A_524 : vector<16xi1>, vector<16xi32>
      %ge3A_704 = arith.cmpf oge, %select_n3A_608, %select_n3A_693 : vector<16xf32>
      %select_n3A_705 = arith.select %ge3A_704, %select_n3A_608, %select_n3A_693 : vector<16xi1>, vector<16xf32>
      %select_n3A_706 = arith.select %ge3A_704, %select_n3A_609, %select_n3A_694 : vector<16xi1>, vector<16xi32>
      %ge3A_707 = arith.cmpf oge, %select_n3A_696, %select_n3A_699 : vector<16xf32>
      %select_n3A_708 = arith.select %ge3A_707, %select_n3A_696, %select_n3A_699 : vector<16xi1>, vector<16xf32>
      %select_n3A_709 = arith.select %ge3A_707, %select_n3A_697, %select_n3A_700 : vector<16xi1>, vector<16xi32>
      %ge3A_710 = arith.cmpf oge, %select_n3A_702, %select_n3A_705 : vector<16xf32>
      %select_n3A_711 = arith.select %ge3A_710, %select_n3A_702, %select_n3A_705 : vector<16xi1>, vector<16xf32>
      %select_n3A_712 = arith.select %ge3A_710, %select_n3A_703, %select_n3A_706 : vector<16xi1>, vector<16xi32>
      %ge3A_713 = arith.cmpf oge, %select_n3A_708, %select_n3A_711 : vector<16xf32>
      %select_n3A_714 = arith.select %ge3A_713, %select_n3A_708, %select_n3A_711 : vector<16xi1>, vector<16xf32>
      %select_n3A_715 = arith.select %ge3A_713, %select_n3A_709, %select_n3A_712 : vector<16xi1>, vector<16xi32>
      tpu.vector_store_idx %arg5[%select_n3A_715, %add3A_17], %broadcast_in_dim3A_3 : memref<64x256xf32, #tpu.memory_space<vmem>>[vector<16xi32>, vector<16xi32>], vector<16xf32>,
      %not3A = arith.constant 7 : i32
      %not3A_716 = arith.constant -1 : i32
      %not3A_717 = arith.xori %not3A, %not3A_716 : i32
      %and3A = vector.broadcast %not3A_717 : i32 to vector<16xi32>
      %and3A_718 = arith.andi %select_n3A_715, %and3A : vector<16xi32>
      %add3A_719 = arith.constant 0 : i32
      %add3A_720 = vector.broadcast %add3A_719 : i32 to vector<16xi32>
      %add3A_721 = arith.addi %and3A_718, %add3A_720 : vector<16xi32>
      %gather3A = tpu.vector_load_idx %arg5[%add3A_721, %add3A_17] : memref<64x256xf32, #tpu.memory_space<vmem>>[vector<16xi32>, vector<16xi32>], vector<16xf32>,
      %add3A_722 = arith.constant 1 : i32
      %add3A_723 = vector.broadcast %add3A_722 : i32 to vector<16xi32>
      %add3A_724 = arith.addi %and3A_718, %add3A_723 : vector<16xi32>
      %gather3A_725 = tpu.vector_load_idx %arg5[%add3A_724, %add3A_17] : memref<64x256xf32, #tpu.memory_space<vmem>>[vector<16xi32>, vector<16xi32>], vector<16xf32>,
      %add3A_726 = arith.constant 2 : i32
      %add3A_727 = vector.broadcast %add3A_726 : i32 to vector<16xi32>
      %add3A_728 = arith.addi %and3A_718, %add3A_727 : vector<16xi32>
      %gather3A_729 = tpu.vector_load_idx %arg5[%add3A_728, %add3A_17] : memref<64x256xf32, #tpu.memory_space<vmem>>[vector<16xi32>, vector<16xi32>], vector<16xf32>,
      %add3A_730 = arith.constant 3 : i32
      %add3A_731 = vector.broadcast %add3A_730 : i32 to vector<16xi32>
      %add3A_732 = arith.addi %and3A_718, %add3A_731 : vector<16xi32>
      %gather3A_733 = tpu.vector_load_idx %arg5[%add3A_732, %add3A_17] : memref<64x256xf32, #tpu.memory_space<vmem>>[vector<16xi32>, vector<16xi32>], vector<16xf32>,
      %add3A_734 = arith.constant 4 : i32
      %add3A_735 = vector.broadcast %add3A_734 : i32 to vector<16xi32>
      %add3A_736 = arith.addi %and3A_718, %add3A_735 : vector<16xi32>
      %gather3A_737 = tpu.vector_load_idx %arg5[%add3A_736, %add3A_17] : memref<64x256xf32, #tpu.memory_space<vmem>>[vector<16xi32>, vector<16xi32>], vector<16xf32>,
      %add3A_738 = arith.constant 5 : i32
      %add3A_739 = vector.broadcast %add3A_738 : i32 to vector<16xi32>
      %add3A_740 = arith.addi %and3A_718, %add3A_739 : vector<16xi32>
      %gather3A_741 = tpu.vector_load_idx %arg5[%add3A_740, %add3A_17] : memref<64x256xf32, #tpu.memory_space<vmem>>[vector<16xi32>, vector<16xi32>], vector<16xf32>,
      %add3A_742 = arith.constant 6 : i32
      %add3A_743 = vector.broadcast %add3A_742 : i32 to vector<16xi32>
      %add3A_744 = arith.addi %and3A_718, %add3A_743 : vector<16xi32>
      %gather3A_745 = tpu.vector_load_idx %arg5[%add3A_744, %add3A_17] : memref<64x256xf32, #tpu.memory_space<vmem>>[vector<16xi32>, vector<16xi32>], vector<16xf32>,
      %add3A_746 = arith.constant 7 : i32
      %add3A_747 = vector.broadcast %add3A_746 : i32 to vector<16xi32>
      %add3A_748 = arith.addi %and3A_718, %add3A_747 : vector<16xi32>
      %gather3A_749 = tpu.vector_load_idx %arg5[%add3A_748, %add3A_17] : memref<64x256xf32, #tpu.memory_space<vmem>>[vector<16xi32>, vector<16xi32>], vector<16xf32>,
      %ge3A_750 = arith.cmpf oge, %gather3A, %gather3A_725 : vector<16xf32>
      %select_n3A_751 = arith.select %ge3A_750, %gather3A, %gather3A_725 : vector<16xi1>, vector<16xf32>
      %select_n3A_752 = arith.select %ge3A_750, %add3A_721, %add3A_724 : vector<16xi1>, vector<16xi32>
      %ge3A_753 = arith.cmpf oge, %gather3A_729, %gather3A_733 : vector<16xf32>
      %select_n3A_754 = arith.select %ge3A_753, %gather3A_729, %gather3A_733 : vector<16xi1>, vector<16xf32>
      %select_n3A_755 = arith.select %ge3A_753, %add3A_728, %add3A_732 : vector<16xi1>, vector<16xi32>
      %ge3A_756 = arith.cmpf oge, %gather3A_737, %gather3A_741 : vector<16xf32>
      %select_n3A_757 = arith.select %ge3A_756, %gather3A_737, %gather3A_741 : vector<16xi1>, vector<16xf32>
      %select_n3A_758 = arith.select %ge3A_756, %add3A_736, %add3A_740 : vector<16xi1>, vector<16xi32>
      %ge3A_759 = arith.cmpf oge, %gather3A_745, %gather3A_749 : vector<16xf32>
      %select_n3A_760 = arith.select %ge3A_759, %gather3A_745, %gather3A_749 : vector<16xi1>, vector<16xf32>
      %select_n3A_761 = arith.select %ge3A_759, %add3A_744, %add3A_748 : vector<16xi1>, vector<16xi32>
      %ge3A_762 = arith.cmpf oge, %select_n3A_751, %select_n3A_754 : vector<16xf32>
      %select_n3A_763 = arith.select %ge3A_762, %select_n3A_751, %select_n3A_754 : vector<16xi1>, vector<16xf32>
      %select_n3A_764 = arith.select %ge3A_762, %select_n3A_752, %select_n3A_755 : vector<16xi1>, vector<16xi32>
      %ge3A_765 = arith.cmpf oge, %select_n3A_757, %select_n3A_760 : vector<16xf32>
      %select_n3A_766 = arith.select %ge3A_765, %select_n3A_757, %select_n3A_760 : vector<16xi1>, vector<16xf32>
      %select_n3A_767 = arith.select %ge3A_765, %select_n3A_758, %select_n3A_761 : vector<16xi1>, vector<16xi32>
      %ge3A_768 = arith.cmpf oge, %select_n3A_763, %select_n3A_766 : vector<16xf32>
      %select_n3A_769 = arith.select %ge3A_768, %select_n3A_763, %select_n3A_766 : vector<16xi1>, vector<16xf32>
      %select_n3A_770 = arith.select %ge3A_768, %select_n3A_764, %select_n3A_767 : vector<16xi1>, vector<16xi32>
      %eq3A = arith.constant 0 : i32
      %eq3A_771 = vector.broadcast %eq3A : i32 to vector<16xi32>
      %eq3A_772 = arith.cmpi eq, %and3A_718, %eq3A_771 : vector<16xi32>
      %select_n3A_773 = arith.select %eq3A_772, %select_n3A_769, %select_n3A_98 : vector<16xi1>, vector<16xf32>
      %select_n3A_774 = arith.select %eq3A_772, %select_n3A_770, %select_n3A_99 : vector<16xi1>, vector<16xi32>
      %eq3A_775 = arith.constant 8 : i32
      %eq3A_776 = vector.broadcast %eq3A_775 : i32 to vector<16xi32>
      %eq3A_777 = arith.cmpi eq, %and3A_718, %eq3A_776 : vector<16xi32>
      %select_n3A_778 = arith.select %eq3A_777, %select_n3A_769, %select_n3A_183 : vector<16xi1>, vector<16xf32>
      %select_n3A_779 = arith.select %eq3A_777, %select_n3A_770, %select_n3A_184 : vector<16xi1>, vector<16xi32>
      %eq3A_780 = arith.constant 16 : i32
      %eq3A_781 = vector.broadcast %eq3A_780 : i32 to vector<16xi32>
      %eq3A_782 = arith.cmpi eq, %and3A_718, %eq3A_781 : vector<16xi32>
      %select_n3A_783 = arith.select %eq3A_782, %select_n3A_769, %select_n3A_268 : vector<16xi1>, vector<16xf32>
      %select_n3A_784 = arith.select %eq3A_782, %select_n3A_770, %select_n3A_269 : vector<16xi1>, vector<16xi32>
      %eq3A_785 = arith.constant 24 : i32
      %eq3A_786 = vector.broadcast %eq3A_785 : i32 to vector<16xi32>
      %eq3A_787 = arith.cmpi eq, %and3A_718, %eq3A_786 : vector<16xi32>
      %select_n3A_788 = arith.select %eq3A_787, %select_n3A_769, %select_n3A_353 : vector<16xi1>, vector<16xf32>
      %select_n3A_789 = arith.select %eq3A_787, %select_n3A_770, %select_n3A_354 : vector<16xi1>, vector<16xi32>
      %eq3A_790 = arith.constant 32 : i32
      %eq3A_791 = vector.broadcast %eq3A_790 : i32 to vector<16xi32>
      %eq3A_792 = arith.cmpi eq, %and3A_718, %eq3A_791 : vector<16xi32>
      %select_n3A_793 = arith.select %eq3A_792, %select_n3A_769, %select_n3A_438 : vector<16xi1>, vector<16xf32>
      %select_n3A_794 = arith.select %eq3A_792, %select_n3A_770, %select_n3A_439 : vector<16xi1>, vector<16xi32>
      %eq3A_795 = arith.constant 40 : i32
      %eq3A_796 = vector.broadcast %eq3A_795 : i32 to vector<16xi32>
      %eq3A_797 = arith.cmpi eq, %and3A_718, %eq3A_796 : vector<16xi32>
      %select_n3A_798 = arith.select %eq3A_797, %select_n3A_769, %select_n3A_523 : vector<16xi1>, vector<16xf32>
      %select_n3A_799 = arith.select %eq3A_797, %select_n3A_770, %select_n3A_524 : vector<16xi1>, vector<16xi32>
      %eq3A_800 = arith.constant 48 : i32
      %eq3A_801 = vector.broadcast %eq3A_800 : i32 to vector<16xi32>
      %eq3A_802 = arith.cmpi eq, %and3A_718, %eq3A_801 : vector<16xi32>
      %select_n3A_803 = arith.select %eq3A_802, %select_n3A_769, %select_n3A_608 : vector<16xi1>, vector<16xf32>
      %select_n3A_804 = arith.select %eq3A_802, %select_n3A_770, %select_n3A_609 : vector<16xi1>, vector<16xi32>
      %eq3A_805 = arith.constant 56 : i32
      %eq3A_806 = vector.broadcast %eq3A_805 : i32 to vector<16xi32>
      %eq3A_807 = arith.cmpi eq, %and3A_718, %eq3A_806 : vector<16xi32>
      %select_n3A_808 = arith.select %eq3A_807, %select_n3A_769, %select_n3A_693 : vector<16xi1>, vector<16xf32>
      %select_n3A_809 = arith.select %eq3A_807, %select_n3A_770, %select_n3A_694 : vector<16xi1>, vector<16xi32>
      %ge3A_810 = arith.cmpf oge, %select_n3A_773, %select_n3A_778 : vector<16xf32>
      %select_n3A_811 = arith.select %ge3A_810, %select_n3A_773, %select_n3A_778 : vector<16xi1>, vector<16xf32>
      %select_n3A_812 = arith.select %ge3A_810, %select_n3A_774, %select_n3A_779 : vector<16xi1>, vector<16xi32>
      %ge3A_813 = arith.cmpf oge, %select_n3A_783, %select_n3A_788 : vector<16xf32>
      %select_n3A_814 = arith.select %ge3A_813, %select_n3A_783, %select_n3A_788 : vector<16xi1>, vector<16xf32>
      %select_n3A_815 = arith.select %ge3A_813, %select_n3A_784, %select_n3A_789 : vector<16xi1>, vector<16xi32>
      %ge3A_816 = arith.cmpf oge, %select_n3A_793, %select_n3A_798 : vector<16xf32>
      %select_n3A_817 = arith.select %ge3A_816, %select_n3A_793, %select_n3A_798 : vector<16xi1>, vector<16xf32>
      %select_n3A_818 = arith.select %ge3A_816, %select_n3A_794, %select_n3A_799 : vector<16xi1>, vector<16xi32>
      %ge3A_819 = arith.cmpf oge, %select_n3A_803, %select_n3A_808 : vector<16xf32>
      %select_n3A_820 = arith.select %ge3A_819, %select_n3A_803, %select_n3A_808 : vector<16xi1>, vector<16xf32>
      %select_n3A_821 = arith.select %ge3A_819, %select_n3A_804, %select_n3A_809 : vector<16xi1>, vector<16xi32>
      %ge3A_822 = arith.cmpf oge, %select_n3A_811, %select_n3A_814 : vector<16xf32>
      %select_n3A_823 = arith.select %ge3A_822, %select_n3A_811, %select_n3A_814 : vector<16xi1>, vector<16xf32>
      %select_n3A_824 = arith.select %ge3A_822, %select_n3A_812, %select_n3A_815 : vector<16xi1>, vector<16xi32>
      %ge3A_825 = arith.cmpf oge, %select_n3A_817, %select_n3A_820 : vector<16xf32>
      %select_n3A_826 = arith.select %ge3A_825, %select_n3A_817, %select_n3A_820 : vector<16xi1>, vector<16xf32>
      %select_n3A_827 = arith.select %ge3A_825, %select_n3A_818, %select_n3A_821 : vector<16xi1>, vector<16xi32>
      %ge3A_828 = arith.cmpf oge, %select_n3A_823, %select_n3A_826 : vector<16xf32>
      %select_n3A_829 = arith.select %ge3A_828, %select_n3A_823, %select_n3A_826 : vector<16xi1>, vector<16xf32>
      %select_n3A_830 = arith.select %ge3A_828, %select_n3A_824, %select_n3A_827 : vector<16xi1>, vector<16xi32>
      tpu.vector_store_idx %arg5[%select_n3A_830, %add3A_17], %broadcast_in_dim3A_3 : memref<64x256xf32, #tpu.memory_space<vmem>>[vector<16xi32>, vector<16xi32>], vector<16xf32>,
      %not3A_831 = arith.constant 7 : i32
      %not3A_832 = arith.constant -1 : i32
      %not3A_833 = arith.xori %not3A_831, %not3A_832 : i32
      %and3A_834 = vector.broadcast %not3A_833 : i32 to vector<16xi32>
      %and3A_835 = arith.andi %select_n3A_830, %and3A_834 : vector<16xi32>
      %add3A_836 = arith.constant 0 : i32
      %add3A_837 = vector.broadcast %add3A_836 : i32 to vector<16xi32>
      %add3A_838 = arith.addi %and3A_835, %add3A_837 : vector<16xi32>
      %gather3A_839 = tpu.vector_load_idx %arg5[%add3A_838, %add3A_17] : memref<64x256xf32, #tpu.memory_space<vmem>>[vector<16xi32>, vector<16xi32>], vector<16xf32>,
      %add3A_840 = arith.constant 1 : i32
      %add3A_841 = vector.broadcast %add3A_840 : i32 to vector<16xi32>
      %add3A_842 = arith.addi %and3A_835, %add3A_841 : vector<16xi32>
      %gather3A_843 = tpu.vector_load_idx %arg5[%add3A_842, %add3A_17] : memref<64x256xf32, #tpu.memory_space<vmem>>[vector<16xi32>, vector<16xi32>], vector<16xf32>,
      %add3A_844 = arith.constant 2 : i32
      %add3A_845 = vector.broadcast %add3A_844 : i32 to vector<16xi32>
      %add3A_846 = arith.addi %and3A_835, %add3A_845 : vector<16xi32>
      %gather3A_847 = tpu.vector_load_idx %arg5[%add3A_846, %add3A_17] : memref<64x256xf32, #tpu.memory_space<vmem>>[vector<16xi32>, vector<16xi32>], vector<16xf32>,
      %add3A_848 = arith.constant 3 : i32
      %add3A_849 = vector.broadcast %add3A_848 : i32 to vector<16xi32>
      %add3A_850 = arith.addi %and3A_835, %add3A_849 : vector<16xi32>
      %gather3A_851 = tpu.vector_load_idx %arg5[%add3A_850, %add3A_17] : memref<64x256xf32, #tpu.memory_space<vmem>>[vector<16xi32>, vector<16xi32>], vector<16xf32>,
      %add3A_852 = arith.constant 4 : i32
      %add3A_853 = vector.broadcast %add3A_852 : i32 to vector<16xi32>
      %add3A_854 = arith.addi %and3A_835, %add3A_853 : vector<16xi32>
      %gather3A_855 = tpu.vector_load_idx %arg5[%add3A_854, %add3A_17] : memref<64x256xf32, #tpu.memory_space<vmem>>[vector<16xi32>, vector<16xi32>], vector<16xf32>,
      %add3A_856 = arith.constant 5 : i32
      %add3A_857 = vector.broadcast %add3A_856 : i32 to vector<16xi32>
      %add3A_858 = arith.addi %and3A_835, %add3A_857 : vector<16xi32>
      %gather3A_859 = tpu.vector_load_idx %arg5[%add3A_858, %add3A_17] : memref<64x256xf32, #tpu.memory_space<vmem>>[vector<16xi32>, vector<16xi32>], vector<16xf32>,
      %add3A_860 = arith.constant 6 : i32
      %add3A_861 = vector.broadcast %add3A_860 : i32 to vector<16xi32>
      %add3A_862 = arith.addi %and3A_835, %add3A_861 : vector<16xi32>
      %gather3A_863 = tpu.vector_load_idx %arg5[%add3A_862, %add3A_17] : memref<64x256xf32, #tpu.memory_space<vmem>>[vector<16xi32>, vector<16xi32>], vector<16xf32>,
      %add3A_864 = arith.constant 7 : i32
      %add3A_865 = vector.broadcast %add3A_864 : i32 to vector<16xi32>
      %add3A_866 = arith.addi %and3A_835, %add3A_865 : vector<16xi32>
      %gather3A_867 = tpu.vector_load_idx %arg5[%add3A_866, %add3A_17] : memref<64x256xf32, #tpu.memory_space<vmem>>[vector<16xi32>, vector<16xi32>], vector<16xf32>,
      %ge3A_868 = arith.cmpf oge, %gather3A_839, %gather3A_843 : vector<16xf32>
      %select_n3A_869 = arith.select %ge3A_868, %gather3A_839, %gather3A_843 : vector<16xi1>, vector<16xf32>
      %select_n3A_870 = arith.select %ge3A_868, %add3A_838, %add3A_842 : vector<16xi1>, vector<16xi32>
      %ge3A_871 = arith.cmpf oge, %gather3A_847, %gather3A_851 : vector<16xf32>
      %select_n3A_872 = arith.select %ge3A_871, %gather3A_847, %gather3A_851 : vector<16xi1>, vector<16xf32>
      %select_n3A_873 = arith.select %ge3A_871, %add3A_846, %add3A_850 : vector<16xi1>, vector<16xi32>
      %ge3A_874 = arith.cmpf oge, %gather3A_855, %gather3A_859 : vector<16xf32>
      %select_n3A_875 = arith.select %ge3A_874, %gather3A_855, %gather3A_859 : vector<16xi1>, vector<16xf32>
      %select_n3A_876 = arith.select %ge3A_874, %add3A_854, %add3A_858 : vector<16xi1>, vector<16xi32>
      %ge3A_877 = arith.cmpf oge, %gather3A_863, %gather3A_867 : vector<16xf32>
      %select_n3A_878 = arith.select %ge3A_877, %gather3A_863, %gather3A_867 : vector<16xi1>, vector<16xf32>
      %select_n3A_879 = arith.select %ge3A_877, %add3A_862, %add3A_866 : vector<16xi1>, vector<16xi32>
      %ge3A_880 = arith.cmpf oge, %select_n3A_869, %select_n3A_872 : vector<16xf32>
      %select_n3A_881 = arith.select %ge3A_880, %select_n3A_869, %select_n3A_872 : vector<16xi1>, vector<16xf32>
      %select_n3A_882 = arith.select %ge3A_880, %select_n3A_870, %select_n3A_873 : vector<16xi1>, vector<16xi32>
      %ge3A_883 = arith.cmpf oge, %select_n3A_875, %select_n3A_878 : vector<16xf32>
      %select_n3A_884 = arith.select %ge3A_883, %select_n3A_875, %select_n3A_878 : vector<16xi1>, vector<16xf32>
      %select_n3A_885 = arith.select %ge3A_883, %select_n3A_876, %select_n3A_879 : vector<16xi1>, vector<16xi32>
      %ge3A_886 = arith.cmpf oge, %select_n3A_881, %select_n3A_884 : vector<16xf32>
      %select_n3A_887 = arith.select %ge3A_886, %select_n3A_881, %select_n3A_884 : vector<16xi1>, vector<16xf32>
      %select_n3A_888 = arith.select %ge3A_886, %select_n3A_882, %select_n3A_885 : vector<16xi1>, vector<16xi32>
      %eq3A_889 = arith.constant 0 : i32
      %eq3A_890 = vector.broadcast %eq3A_889 : i32 to vector<16xi32>
      %eq3A_891 = arith.cmpi eq, %and3A_835, %eq3A_890 : vector<16xi32>
      %select_n3A_892 = arith.select %eq3A_891, %select_n3A_887, %select_n3A_773 : vector<16xi1>, vector<16xf32>
      %select_n3A_893 = arith.select %eq3A_891, %select_n3A_888, %select_n3A_774 : vector<16xi1>, vector<16xi32>
      %eq3A_894 = arith.constant 8 : i32
      %eq3A_895 = vector.broadcast %eq3A_894 : i32 to vector<16xi32>
      %eq3A_896 = arith.cmpi eq, %and3A_835, %eq3A_895 : vector<16xi32>
      %select_n3A_897 = arith.select %eq3A_896, %select_n3A_887, %select_n3A_778 : vector<16xi1>, vector<16xf32>
      %select_n3A_898 = arith.select %eq3A_896, %select_n3A_888, %select_n3A_779 : vector<16xi1>, vector<16xi32>
      %eq3A_899 = arith.constant 16 : i32
      %eq3A_900 = vector.broadcast %eq3A_899 : i32 to vector<16xi32>
      %eq3A_901 = arith.cmpi eq, %and3A_835, %eq3A_900 : vector<16xi32>
      %select_n3A_902 = arith.select %eq3A_901, %select_n3A_887, %select_n3A_783 : vector<16xi1>, vector<16xf32>
      %select_n3A_903 = arith.select %eq3A_901, %select_n3A_888, %select_n3A_784 : vector<16xi1>, vector<16xi32>
      %eq3A_904 = arith.constant 24 : i32
      %eq3A_905 = vector.broadcast %eq3A_904 : i32 to vector<16xi32>
      %eq3A_906 = arith.cmpi eq, %and3A_835, %eq3A_905 : vector<16xi32>
      %select_n3A_907 = arith.select %eq3A_906, %select_n3A_887, %select_n3A_788 : vector<16xi1>, vector<16xf32>
      %select_n3A_908 = arith.select %eq3A_906, %select_n3A_888, %select_n3A_789 : vector<16xi1>, vector<16xi32>
      %eq3A_909 = arith.constant 32 : i32
      %eq3A_910 = vector.broadcast %eq3A_909 : i32 to vector<16xi32>
      %eq3A_911 = arith.cmpi eq, %and3A_835, %eq3A_910 : vector<16xi32>
      %select_n3A_912 = arith.select %eq3A_911, %select_n3A_887, %select_n3A_793 : vector<16xi1>, vector<16xf32>
      %select_n3A_913 = arith.select %eq3A_911, %select_n3A_888, %select_n3A_794 : vector<16xi1>, vector<16xi32>
      %eq3A_914 = arith.constant 40 : i32
      %eq3A_915 = vector.broadcast %eq3A_914 : i32 to vector<16xi32>
      %eq3A_916 = arith.cmpi eq, %and3A_835, %eq3A_915 : vector<16xi32>
      %select_n3A_917 = arith.select %eq3A_916, %select_n3A_887, %select_n3A_798 : vector<16xi1>, vector<16xf32>
      %select_n3A_918 = arith.select %eq3A_916, %select_n3A_888, %select_n3A_799 : vector<16xi1>, vector<16xi32>
      %eq3A_919 = arith.constant 48 : i32
      %eq3A_920 = vector.broadcast %eq3A_919 : i32 to vector<16xi32>
      %eq3A_921 = arith.cmpi eq, %and3A_835, %eq3A_920 : vector<16xi32>
      %select_n3A_922 = arith.select %eq3A_921, %select_n3A_887, %select_n3A_803 : vector<16xi1>, vector<16xf32>
      %select_n3A_923 = arith.select %eq3A_921, %select_n3A_888, %select_n3A_804 : vector<16xi1>, vector<16xi32>
      %eq3A_924 = arith.constant 56 : i32
      %eq3A_925 = vector.broadcast %eq3A_924 : i32 to vector<16xi32>
      %eq3A_926 = arith.cmpi eq, %and3A_835, %eq3A_925 : vector<16xi32>
      %select_n3A_927 = arith.select %eq3A_926, %select_n3A_887, %select_n3A_808 : vector<16xi1>, vector<16xf32>
      %select_n3A_928 = arith.select %eq3A_926, %select_n3A_888, %select_n3A_809 : vector<16xi1>, vector<16xi32>
      %ge3A_929 = arith.cmpf oge, %select_n3A_892, %select_n3A_897 : vector<16xf32>
      %select_n3A_930 = arith.select %ge3A_929, %select_n3A_892, %select_n3A_897 : vector<16xi1>, vector<16xf32>
      %select_n3A_931 = arith.select %ge3A_929, %select_n3A_893, %select_n3A_898 : vector<16xi1>, vector<16xi32>
      %ge3A_932 = arith.cmpf oge, %select_n3A_902, %select_n3A_907 : vector<16xf32>
      %select_n3A_933 = arith.select %ge3A_932, %select_n3A_902, %select_n3A_907 : vector<16xi1>, vector<16xf32>
      %select_n3A_934 = arith.select %ge3A_932, %select_n3A_903, %select_n3A_908 : vector<16xi1>, vector<16xi32>
      %ge3A_935 = arith.cmpf oge, %select_n3A_912, %select_n3A_917 : vector<16xf32>
      %select_n3A_936 = arith.select %ge3A_935, %select_n3A_912, %select_n3A_917 : vector<16xi1>, vector<16xf32>
      %select_n3A_937 = arith.select %ge3A_935, %select_n3A_913, %select_n3A_918 : vector<16xi1>, vector<16xi32>
      %ge3A_938 = arith.cmpf oge, %select_n3A_922, %select_n3A_927 : vector<16xf32>
      %select_n3A_939 = arith.select %ge3A_938, %select_n3A_922, %select_n3A_927 : vector<16xi1>, vector<16xf32>
      %select_n3A_940 = arith.select %ge3A_938, %select_n3A_923, %select_n3A_928 : vector<16xi1>, vector<16xi32>
      %ge3A_941 = arith.cmpf oge, %select_n3A_930, %select_n3A_933 : vector<16xf32>
      %select_n3A_942 = arith.select %ge3A_941, %select_n3A_930, %select_n3A_933 : vector<16xi1>, vector<16xf32>
      %select_n3A_943 = arith.select %ge3A_941, %select_n3A_931, %select_n3A_934 : vector<16xi1>, vector<16xi32>
      %ge3A_944 = arith.cmpf oge, %select_n3A_936, %select_n3A_939 : vector<16xf32>
      %select_n3A_945 = arith.select %ge3A_944, %select_n3A_936, %select_n3A_939 : vector<16xi1>, vector<16xf32>
      %select_n3A_946 = arith.select %ge3A_944, %select_n3A_937, %select_n3A_940 : vector<16xi1>, vector<16xi32>
      %ge3A_947 = arith.cmpf oge, %select_n3A_942, %select_n3A_945 : vector<16xf32>
      %select_n3A_948 = arith.select %ge3A_947, %select_n3A_942, %select_n3A_945 : vector<16xi1>, vector<16xf32>
      %select_n3A_949 = arith.select %ge3A_947, %select_n3A_943, %select_n3A_946 : vector<16xi1>, vector<16xi32>
      tpu.vector_store_idx %arg5[%select_n3A_949, %add3A_17], %broadcast_in_dim3A_3 : memref<64x256xf32, #tpu.memory_space<vmem>>[vector<16xi32>, vector<16xi32>], vector<16xf32>,
      %not3A_950 = arith.constant 7 : i32
      %not3A_951 = arith.constant -1 : i32
      %not3A_952 = arith.xori %not3A_950, %not3A_951 : i32
      %and3A_953 = vector.broadcast %not3A_952 : i32 to vector<16xi32>
      %and3A_954 = arith.andi %select_n3A_949, %and3A_953 : vector<16xi32>
      %add3A_955 = arith.constant 0 : i32
      %add3A_956 = vector.broadcast %add3A_955 : i32 to vector<16xi32>
      %add3A_957 = arith.addi %and3A_954, %add3A_956 : vector<16xi32>
      %gather3A_958 = tpu.vector_load_idx %arg5[%add3A_957, %add3A_17] : memref<64x256xf32, #tpu.memory_space<vmem>>[vector<16xi32>, vector<16xi32>], vector<16xf32>,
      %add3A_959 = arith.constant 1 : i32
      %add3A_960 = vector.broadcast %add3A_959 : i32 to vector<16xi32>
      %add3A_961 = arith.addi %and3A_954, %add3A_960 : vector<16xi32>
      %gather3A_962 = tpu.vector_load_idx %arg5[%add3A_961, %add3A_17] : memref<64x256xf32, #tpu.memory_space<vmem>>[vector<16xi32>, vector<16xi32>], vector<16xf32>,
      %add3A_963 = arith.constant 2 : i32
      %add3A_964 = vector.broadcast %add3A_963 : i32 to vector<16xi32>
      %add3A_965 = arith.addi %and3A_954, %add3A_964 : vector<16xi32>
      %gather3A_966 = tpu.vector_load_idx %arg5[%add3A_965, %add3A_17] : memref<64x256xf32, #tpu.memory_space<vmem>>[vector<16xi32>, vector<16xi32>], vector<16xf32>,
      %add3A_967 = arith.constant 3 : i32
      %add3A_968 = vector.broadcast %add3A_967 : i32 to vector<16xi32>
      %add3A_969 = arith.addi %and3A_954, %add3A_968 : vector<16xi32>
      %gather3A_970 = tpu.vector_load_idx %arg5[%add3A_969, %add3A_17] : memref<64x256xf32, #tpu.memory_space<vmem>>[vector<16xi32>, vector<16xi32>], vector<16xf32>,
      %add3A_971 = arith.constant 4 : i32
      %add3A_972 = vector.broadcast %add3A_971 : i32 to vector<16xi32>
      %add3A_973 = arith.addi %and3A_954, %add3A_972 : vector<16xi32>
      %gather3A_974 = tpu.vector_load_idx %arg5[%add3A_973, %add3A_17] : memref<64x256xf32, #tpu.memory_space<vmem>>[vector<16xi32>, vector<16xi32>], vector<16xf32>,
      %add3A_975 = arith.constant 5 : i32
      %add3A_976 = vector.broadcast %add3A_975 : i32 to vector<16xi32>
      %add3A_977 = arith.addi %and3A_954, %add3A_976 : vector<16xi32>
      %gather3A_978 = tpu.vector_load_idx %arg5[%add3A_977, %add3A_17] : memref<64x256xf32, #tpu.memory_space<vmem>>[vector<16xi32>, vector<16xi32>], vector<16xf32>,
      %add3A_979 = arith.constant 6 : i32
      %add3A_980 = vector.broadcast %add3A_979 : i32 to vector<16xi32>
      %add3A_981 = arith.addi %and3A_954, %add3A_980 : vector<16xi32>
      %gather3A_982 = tpu.vector_load_idx %arg5[%add3A_981, %add3A_17] : memref<64x256xf32, #tpu.memory_space<vmem>>[vector<16xi32>, vector<16xi32>], vector<16xf32>,
      %add3A_983 = arith.constant 7 : i32
      %add3A_984 = vector.broadcast %add3A_983 : i32 to vector<16xi32>
      %add3A_985 = arith.addi %and3A_954, %add3A_984 : vector<16xi32>
      %gather3A_986 = tpu.vector_load_idx %arg5[%add3A_985, %add3A_17] : memref<64x256xf32, #tpu.memory_space<vmem>>[vector<16xi32>, vector<16xi32>], vector<16xf32>,
      %ge3A_987 = arith.cmpf oge, %gather3A_958, %gather3A_962 : vector<16xf32>
      %select_n3A_988 = arith.select %ge3A_987, %gather3A_958, %gather3A_962 : vector<16xi1>, vector<16xf32>
      %select_n3A_989 = arith.select %ge3A_987, %add3A_957, %add3A_961 : vector<16xi1>, vector<16xi32>
      %ge3A_990 = arith.cmpf oge, %gather3A_966, %gather3A_970 : vector<16xf32>
      %select_n3A_991 = arith.select %ge3A_990, %gather3A_966, %gather3A_970 : vector<16xi1>, vector<16xf32>
      %select_n3A_992 = arith.select %ge3A_990, %add3A_965, %add3A_969 : vector<16xi1>, vector<16xi32>
      %ge3A_993 = arith.cmpf oge, %gather3A_974, %gather3A_978 : vector<16xf32>
      %select_n3A_994 = arith.select %ge3A_993, %gather3A_974, %gather3A_978 : vector<16xi1>, vector<16xf32>
      %select_n3A_995 = arith.select %ge3A_993, %add3A_973, %add3A_977 : vector<16xi1>, vector<16xi32>
      %ge3A_996 = arith.cmpf oge, %gather3A_982, %gather3A_986 : vector<16xf32>
      %select_n3A_997 = arith.select %ge3A_996, %gather3A_982, %gather3A_986 : vector<16xi1>, vector<16xf32>
      %select_n3A_998 = arith.select %ge3A_996, %add3A_981, %add3A_985 : vector<16xi1>, vector<16xi32>
      %ge3A_999 = arith.cmpf oge, %select_n3A_988, %select_n3A_991 : vector<16xf32>
      %select_n3A_1000 = arith.select %ge3A_999, %select_n3A_988, %select_n3A_991 : vector<16xi1>, vector<16xf32>
      %select_n3A_1001 = arith.select %ge3A_999, %select_n3A_989, %select_n3A_992 : vector<16xi1>, vector<16xi32>
      %ge3A_1002 = arith.cmpf oge, %select_n3A_994, %select_n3A_997 : vector<16xf32>
      %select_n3A_1003 = arith.select %ge3A_1002, %select_n3A_994, %select_n3A_997 : vector<16xi1>, vector<16xf32>
      %select_n3A_1004 = arith.select %ge3A_1002, %select_n3A_995, %select_n3A_998 : vector<16xi1>, vector<16xi32>
      %ge3A_1005 = arith.cmpf oge, %select_n3A_1000, %select_n3A_1003 : vector<16xf32>
      %select_n3A_1006 = arith.select %ge3A_1005, %select_n3A_1000, %select_n3A_1003 : vector<16xi1>, vector<16xf32>
      %select_n3A_1007 = arith.select %ge3A_1005, %select_n3A_1001, %select_n3A_1004 : vector<16xi1>, vector<16xi32>
      %eq3A_1008 = arith.constant 0 : i32
      %eq3A_1009 = vector.broadcast %eq3A_1008 : i32 to vector<16xi32>
      %eq3A_1010 = arith.cmpi eq, %and3A_954, %eq3A_1009 : vector<16xi32>
      %select_n3A_1011 = arith.select %eq3A_1010, %select_n3A_1006, %select_n3A_892 : vector<16xi1>, vector<16xf32>
      %select_n3A_1012 = arith.select %eq3A_1010, %select_n3A_1007, %select_n3A_893 : vector<16xi1>, vector<16xi32>
      %eq3A_1013 = arith.constant 8 : i32
      %eq3A_1014 = vector.broadcast %eq3A_1013 : i32 to vector<16xi32>
      %eq3A_1015 = arith.cmpi eq, %and3A_954, %eq3A_1014 : vector<16xi32>
      %select_n3A_1016 = arith.select %eq3A_1015, %select_n3A_1006, %select_n3A_897 : vector<16xi1>, vector<16xf32>
      %select_n3A_1017 = arith.select %eq3A_1015, %select_n3A_1007, %select_n3A_898 : vector<16xi1>, vector<16xi32>
      %eq3A_1018 = arith.constant 16 : i32
      %eq3A_1019 = vector.broadcast %eq3A_1018 : i32 to vector<16xi32>
      %eq3A_1020 = arith.cmpi eq, %and3A_954, %eq3A_1019 : vector<16xi32>
      %select_n3A_1021 = arith.select %eq3A_1020, %select_n3A_1006, %select_n3A_902 : vector<16xi1>, vector<16xf32>
      %select_n3A_1022 = arith.select %eq3A_1020, %select_n3A_1007, %select_n3A_903 : vector<16xi1>, vector<16xi32>
      %eq3A_1023 = arith.constant 24 : i32
      %eq3A_1024 = vector.broadcast %eq3A_1023 : i32 to vector<16xi32>
      %eq3A_1025 = arith.cmpi eq, %and3A_954, %eq3A_1024 : vector<16xi32>
      %select_n3A_1026 = arith.select %eq3A_1025, %select_n3A_1006, %select_n3A_907 : vector<16xi1>, vector<16xf32>
      %select_n3A_1027 = arith.select %eq3A_1025, %select_n3A_1007, %select_n3A_908 : vector<16xi1>, vector<16xi32>
      %eq3A_1028 = arith.constant 32 : i32
      %eq3A_1029 = vector.broadcast %eq3A_1028 : i32 to vector<16xi32>
      %eq3A_1030 = arith.cmpi eq, %and3A_954, %eq3A_1029 : vector<16xi32>
      %select_n3A_1031 = arith.select %eq3A_1030, %select_n3A_1006, %select_n3A_912 : vector<16xi1>, vector<16xf32>
      %select_n3A_1032 = arith.select %eq3A_1030, %select_n3A_1007, %select_n3A_913 : vector<16xi1>, vector<16xi32>
      %eq3A_1033 = arith.constant 40 : i32
      %eq3A_1034 = vector.broadcast %eq3A_1033 : i32 to vector<16xi32>
      %eq3A_1035 = arith.cmpi eq, %and3A_954, %eq3A_1034 : vector<16xi32>
      %select_n3A_1036 = arith.select %eq3A_1035, %select_n3A_1006, %select_n3A_917 : vector<16xi1>, vector<16xf32>
      %select_n3A_1037 = arith.select %eq3A_1035, %select_n3A_1007, %select_n3A_918 : vector<16xi1>, vector<16xi32>
      %eq3A_1038 = arith.constant 48 : i32
      %eq3A_1039 = vector.broadcast %eq3A_1038 : i32 to vector<16xi32>
      %eq3A_1040 = arith.cmpi eq, %and3A_954, %eq3A_1039 : vector<16xi32>
      %select_n3A_1041 = arith.select %eq3A_1040, %select_n3A_1006, %select_n3A_922 : vector<16xi1>, vector<16xf32>
      %select_n3A_1042 = arith.select %eq3A_1040, %select_n3A_1007, %select_n3A_923 : vector<16xi1>, vector<16xi32>
      %eq3A_1043 = arith.constant 56 : i32
      %eq3A_1044 = vector.broadcast %eq3A_1043 : i32 to vector<16xi32>
      %eq3A_1045 = arith.cmpi eq, %and3A_954, %eq3A_1044 : vector<16xi32>
      %select_n3A_1046 = arith.select %eq3A_1045, %select_n3A_1006, %select_n3A_927 : vector<16xi1>, vector<16xf32>
      %select_n3A_1047 = arith.select %eq3A_1045, %select_n3A_1007, %select_n3A_928 : vector<16xi1>, vector<16xi32>
      %ge3A_1048 = arith.cmpf oge, %select_n3A_1011, %select_n3A_1016 : vector<16xf32>
      %select_n3A_1049 = arith.select %ge3A_1048, %select_n3A_1011, %select_n3A_1016 : vector<16xi1>, vector<16xf32>
      %select_n3A_1050 = arith.select %ge3A_1048, %select_n3A_1012, %select_n3A_1017 : vector<16xi1>, vector<16xi32>
      %ge3A_1051 = arith.cmpf oge, %select_n3A_1021, %select_n3A_1026 : vector<16xf32>
      %select_n3A_1052 = arith.select %ge3A_1051, %select_n3A_1021, %select_n3A_1026 : vector<16xi1>, vector<16xf32>
      %select_n3A_1053 = arith.select %ge3A_1051, %select_n3A_1022, %select_n3A_1027 : vector<16xi1>, vector<16xi32>
      %ge3A_1054 = arith.cmpf oge, %select_n3A_1031, %select_n3A_1036 : vector<16xf32>
      %select_n3A_1055 = arith.select %ge3A_1054, %select_n3A_1031, %select_n3A_1036 : vector<16xi1>, vector<16xf32>
      %select_n3A_1056 = arith.select %ge3A_1054, %select_n3A_1032, %select_n3A_1037 : vector<16xi1>, vector<16xi32>
      %ge3A_1057 = arith.cmpf oge, %select_n3A_1041, %select_n3A_1046 : vector<16xf32>
      %select_n3A_1058 = arith.select %ge3A_1057, %select_n3A_1041, %select_n3A_1046 : vector<16xi1>, vector<16xf32>
      %select_n3A_1059 = arith.select %ge3A_1057, %select_n3A_1042, %select_n3A_1047 : vector<16xi1>, vector<16xi32>
      %ge3A_1060 = arith.cmpf oge, %select_n3A_1049, %select_n3A_1052 : vector<16xf32>
      %select_n3A_1061 = arith.select %ge3A_1060, %select_n3A_1049, %select_n3A_1052 : vector<16xi1>, vector<16xf32>
      %select_n3A_1062 = arith.select %ge3A_1060, %select_n3A_1050, %select_n3A_1053 : vector<16xi1>, vector<16xi32>
      %ge3A_1063 = arith.cmpf oge, %select_n3A_1055, %select_n3A_1058 : vector<16xf32>
      %select_n3A_1064 = arith.select %ge3A_1063, %select_n3A_1055, %select_n3A_1058 : vector<16xi1>, vector<16xf32>
      %select_n3A_1065 = arith.select %ge3A_1063, %select_n3A_1056, %select_n3A_1059 : vector<16xi1>, vector<16xi32>
      %ge3A_1066 = arith.cmpf oge, %select_n3A_1061, %select_n3A_1064 : vector<16xf32>
      %select_n3A_1067 = arith.select %ge3A_1066, %select_n3A_1061, %select_n3A_1064 : vector<16xi1>, vector<16xf32>
      %select_n3A_1068 = arith.select %ge3A_1066, %select_n3A_1062, %select_n3A_1065 : vector<16xi1>, vector<16xi32>
      tpu.vector_store_idx %arg5[%select_n3A_1068, %add3A_17], %broadcast_in_dim3A_3 : memref<64x256xf32, #tpu.memory_space<vmem>>[vector<16xi32>, vector<16xi32>], vector<16xf32>,
      %not3A_1069 = arith.constant 7 : i32
      %not3A_1070 = arith.constant -1 : i32
      %not3A_1071 = arith.xori %not3A_1069, %not3A_1070 : i32
      %and3A_1072 = vector.broadcast %not3A_1071 : i32 to vector<16xi32>
      %and3A_1073 = arith.andi %select_n3A_1068, %and3A_1072 : vector<16xi32>
      %add3A_1074 = arith.constant 0 : i32
      %add3A_1075 = vector.broadcast %add3A_1074 : i32 to vector<16xi32>
      %add3A_1076 = arith.addi %and3A_1073, %add3A_1075 : vector<16xi32>
      %gather3A_1077 = tpu.vector_load_idx %arg5[%add3A_1076, %add3A_17] : memref<64x256xf32, #tpu.memory_space<vmem>>[vector<16xi32>, vector<16xi32>], vector<16xf32>,
      %add3A_1078 = arith.constant 1 : i32
      %add3A_1079 = vector.broadcast %add3A_1078 : i32 to vector<16xi32>
      %add3A_1080 = arith.addi %and3A_1073, %add3A_1079 : vector<16xi32>
      %gather3A_1081 = tpu.vector_load_idx %arg5[%add3A_1080, %add3A_17] : memref<64x256xf32, #tpu.memory_space<vmem>>[vector<16xi32>, vector<16xi32>], vector<16xf32>,
      %add3A_1082 = arith.constant 2 : i32
      %add3A_1083 = vector.broadcast %add3A_1082 : i32 to vector<16xi32>
      %add3A_1084 = arith.addi %and3A_1073, %add3A_1083 : vector<16xi32>
      %gather3A_1085 = tpu.vector_load_idx %arg5[%add3A_1084, %add3A_17] : memref<64x256xf32, #tpu.memory_space<vmem>>[vector<16xi32>, vector<16xi32>], vector<16xf32>,
      %add3A_1086 = arith.constant 3 : i32
      %add3A_1087 = vector.broadcast %add3A_1086 : i32 to vector<16xi32>
      %add3A_1088 = arith.addi %and3A_1073, %add3A_1087 : vector<16xi32>
      %gather3A_1089 = tpu.vector_load_idx %arg5[%add3A_1088, %add3A_17] : memref<64x256xf32, #tpu.memory_space<vmem>>[vector<16xi32>, vector<16xi32>], vector<16xf32>,
      %add3A_1090 = arith.constant 4 : i32
      %add3A_1091 = vector.broadcast %add3A_1090 : i32 to vector<16xi32>
      %add3A_1092 = arith.addi %and3A_1073, %add3A_1091 : vector<16xi32>
      %gather3A_1093 = tpu.vector_load_idx %arg5[%add3A_1092, %add3A_17] : memref<64x256xf32, #tpu.memory_space<vmem>>[vector<16xi32>, vector<16xi32>], vector<16xf32>,
      %add3A_1094 = arith.constant 5 : i32
      %add3A_1095 = vector.broadcast %add3A_1094 : i32 to vector<16xi32>
      %add3A_1096 = arith.addi %and3A_1073, %add3A_1095 : vector<16xi32>
      %gather3A_1097 = tpu.vector_load_idx %arg5[%add3A_1096, %add3A_17] : memref<64x256xf32, #tpu.memory_space<vmem>>[vector<16xi32>, vector<16xi32>], vector<16xf32>,
      %add3A_1098 = arith.constant 6 : i32
      %add3A_1099 = vector.broadcast %add3A_1098 : i32 to vector<16xi32>
      %add3A_1100 = arith.addi %and3A_1073, %add3A_1099 : vector<16xi32>
      %gather3A_1101 = tpu.vector_load_idx %arg5[%add3A_1100, %add3A_17] : memref<64x256xf32, #tpu.memory_space<vmem>>[vector<16xi32>, vector<16xi32>], vector<16xf32>,
      %add3A_1102 = arith.constant 7 : i32
      %add3A_1103 = vector.broadcast %add3A_1102 : i32 to vector<16xi32>
      %add3A_1104 = arith.addi %and3A_1073, %add3A_1103 : vector<16xi32>
      %gather3A_1105 = tpu.vector_load_idx %arg5[%add3A_1104, %add3A_17] : memref<64x256xf32, #tpu.memory_space<vmem>>[vector<16xi32>, vector<16xi32>], vector<16xf32>,
      %ge3A_1106 = arith.cmpf oge, %gather3A_1077, %gather3A_1081 : vector<16xf32>
      %select_n3A_1107 = arith.select %ge3A_1106, %gather3A_1077, %gather3A_1081 : vector<16xi1>, vector<16xf32>
      %select_n3A_1108 = arith.select %ge3A_1106, %add3A_1076, %add3A_1080 : vector<16xi1>, vector<16xi32>
      %ge3A_1109 = arith.cmpf oge, %gather3A_1085, %gather3A_1089 : vector<16xf32>
      %select_n3A_1110 = arith.select %ge3A_1109, %gather3A_1085, %gather3A_1089 : vector<16xi1>, vector<16xf32>
      %select_n3A_1111 = arith.select %ge3A_1109, %add3A_1084, %add3A_1088 : vector<16xi1>, vector<16xi32>
      %ge3A_1112 = arith.cmpf oge, %gather3A_1093, %gather3A_1097 : vector<16xf32>
      %select_n3A_1113 = arith.select %ge3A_1112, %gather3A_1093, %gather3A_1097 : vector<16xi1>, vector<16xf32>
      %select_n3A_1114 = arith.select %ge3A_1112, %add3A_1092, %add3A_1096 : vector<16xi1>, vector<16xi32>
      %ge3A_1115 = arith.cmpf oge, %gather3A_1101, %gather3A_1105 : vector<16xf32>
      %select_n3A_1116 = arith.select %ge3A_1115, %gather3A_1101, %gather3A_1105 : vector<16xi1>, vector<16xf32>
      %select_n3A_1117 = arith.select %ge3A_1115, %add3A_1100, %add3A_1104 : vector<16xi1>, vector<16xi32>
      %ge3A_1118 = arith.cmpf oge, %select_n3A_1107, %select_n3A_1110 : vector<16xf32>
      %select_n3A_1119 = arith.select %ge3A_1118, %select_n3A_1107, %select_n3A_1110 : vector<16xi1>, vector<16xf32>
      %select_n3A_1120 = arith.select %ge3A_1118, %select_n3A_1108, %select_n3A_1111 : vector<16xi1>, vector<16xi32>
      %ge3A_1121 = arith.cmpf oge, %select_n3A_1113, %select_n3A_1116 : vector<16xf32>
      %select_n3A_1122 = arith.select %ge3A_1121, %select_n3A_1113, %select_n3A_1116 : vector<16xi1>, vector<16xf32>
      %select_n3A_1123 = arith.select %ge3A_1121, %select_n3A_1114, %select_n3A_1117 : vector<16xi1>, vector<16xi32>
      %ge3A_1124 = arith.cmpf oge, %select_n3A_1119, %select_n3A_1122 : vector<16xf32>
      %select_n3A_1125 = arith.select %ge3A_1124, %select_n3A_1119, %select_n3A_1122 : vector<16xi1>, vector<16xf32>
      %select_n3A_1126 = arith.select %ge3A_1124, %select_n3A_1120, %select_n3A_1123 : vector<16xi1>, vector<16xi32>
      %eq3A_1127 = arith.constant 0 : i32
      %eq3A_1128 = vector.broadcast %eq3A_1127 : i32 to vector<16xi32>
      %eq3A_1129 = arith.cmpi eq, %and3A_1073, %eq3A_1128 : vector<16xi32>
      %select_n3A_1130 = arith.select %eq3A_1129, %select_n3A_1125, %select_n3A_1011 : vector<16xi1>, vector<16xf32>
      %select_n3A_1131 = arith.select %eq3A_1129, %select_n3A_1126, %select_n3A_1012 : vector<16xi1>, vector<16xi32>
      %eq3A_1132 = arith.constant 8 : i32
      %eq3A_1133 = vector.broadcast %eq3A_1132 : i32 to vector<16xi32>
      %eq3A_1134 = arith.cmpi eq, %and3A_1073, %eq3A_1133 : vector<16xi32>
      %select_n3A_1135 = arith.select %eq3A_1134, %select_n3A_1125, %select_n3A_1016 : vector<16xi1>, vector<16xf32>
      %select_n3A_1136 = arith.select %eq3A_1134, %select_n3A_1126, %select_n3A_1017 : vector<16xi1>, vector<16xi32>
      %eq3A_1137 = arith.constant 16 : i32
      %eq3A_1138 = vector.broadcast %eq3A_1137 : i32 to vector<16xi32>
      %eq3A_1139 = arith.cmpi eq, %and3A_1073, %eq3A_1138 : vector<16xi32>
      %select_n3A_1140 = arith.select %eq3A_1139, %select_n3A_1125, %select_n3A_1021 : vector<16xi1>, vector<16xf32>
      %select_n3A_1141 = arith.select %eq3A_1139, %select_n3A_1126, %select_n3A_1022 : vector<16xi1>, vector<16xi32>
      %eq3A_1142 = arith.constant 24 : i32
      %eq3A_1143 = vector.broadcast %eq3A_1142 : i32 to vector<16xi32>
      %eq3A_1144 = arith.cmpi eq, %and3A_1073, %eq3A_1143 : vector<16xi32>
      %select_n3A_1145 = arith.select %eq3A_1144, %select_n3A_1125, %select_n3A_1026 : vector<16xi1>, vector<16xf32>
      %select_n3A_1146 = arith.select %eq3A_1144, %select_n3A_1126, %select_n3A_1027 : vector<16xi1>, vector<16xi32>
      %eq3A_1147 = arith.constant 32 : i32
      %eq3A_1148 = vector.broadcast %eq3A_1147 : i32 to vector<16xi32>
      %eq3A_1149 = arith.cmpi eq, %and3A_1073, %eq3A_1148 : vector<16xi32>
      %select_n3A_1150 = arith.select %eq3A_1149, %select_n3A_1125, %select_n3A_1031 : vector<16xi1>, vector<16xf32>
      %select_n3A_1151 = arith.select %eq3A_1149, %select_n3A_1126, %select_n3A_1032 : vector<16xi1>, vector<16xi32>
      %eq3A_1152 = arith.constant 40 : i32
      %eq3A_1153 = vector.broadcast %eq3A_1152 : i32 to vector<16xi32>
      %eq3A_1154 = arith.cmpi eq, %and3A_1073, %eq3A_1153 : vector<16xi32>
      %select_n3A_1155 = arith.select %eq3A_1154, %select_n3A_1125, %select_n3A_1036 : vector<16xi1>, vector<16xf32>
      %select_n3A_1156 = arith.select %eq3A_1154, %select_n3A_1126, %select_n3A_1037 : vector<16xi1>, vector<16xi32>
      %eq3A_1157 = arith.constant 48 : i32
      %eq3A_1158 = vector.broadcast %eq3A_1157 : i32 to vector<16xi32>
      %eq3A_1159 = arith.cmpi eq, %and3A_1073, %eq3A_1158 : vector<16xi32>
      %select_n3A_1160 = arith.select %eq3A_1159, %select_n3A_1125, %select_n3A_1041 : vector<16xi1>, vector<16xf32>
      %select_n3A_1161 = arith.select %eq3A_1159, %select_n3A_1126, %select_n3A_1042 : vector<16xi1>, vector<16xi32>
      %eq3A_1162 = arith.constant 56 : i32
      %eq3A_1163 = vector.broadcast %eq3A_1162 : i32 to vector<16xi32>
      %eq3A_1164 = arith.cmpi eq, %and3A_1073, %eq3A_1163 : vector<16xi32>
      %select_n3A_1165 = arith.select %eq3A_1164, %select_n3A_1125, %select_n3A_1046 : vector<16xi1>, vector<16xf32>
      %select_n3A_1166 = arith.select %eq3A_1164, %select_n3A_1126, %select_n3A_1047 : vector<16xi1>, vector<16xi32>
      %ge3A_1167 = arith.cmpf oge, %select_n3A_1130, %select_n3A_1135 : vector<16xf32>
      %select_n3A_1168 = arith.select %ge3A_1167, %select_n3A_1130, %select_n3A_1135 : vector<16xi1>, vector<16xf32>
      %select_n3A_1169 = arith.select %ge3A_1167, %select_n3A_1131, %select_n3A_1136 : vector<16xi1>, vector<16xi32>
      %ge3A_1170 = arith.cmpf oge, %select_n3A_1140, %select_n3A_1145 : vector<16xf32>
      %select_n3A_1171 = arith.select %ge3A_1170, %select_n3A_1140, %select_n3A_1145 : vector<16xi1>, vector<16xf32>
      %select_n3A_1172 = arith.select %ge3A_1170, %select_n3A_1141, %select_n3A_1146 : vector<16xi1>, vector<16xi32>
      %ge3A_1173 = arith.cmpf oge, %select_n3A_1150, %select_n3A_1155 : vector<16xf32>
      %select_n3A_1174 = arith.select %ge3A_1173, %select_n3A_1150, %select_n3A_1155 : vector<16xi1>, vector<16xf32>
      %select_n3A_1175 = arith.select %ge3A_1173, %select_n3A_1151, %select_n3A_1156 : vector<16xi1>, vector<16xi32>
      %ge3A_1176 = arith.cmpf oge, %select_n3A_1160, %select_n3A_1165 : vector<16xf32>
      %select_n3A_1177 = arith.select %ge3A_1176, %select_n3A_1160, %select_n3A_1165 : vector<16xi1>, vector<16xf32>
      %select_n3A_1178 = arith.select %ge3A_1176, %select_n3A_1161, %select_n3A_1166 : vector<16xi1>, vector<16xi32>
      %ge3A_1179 = arith.cmpf oge, %select_n3A_1168, %select_n3A_1171 : vector<16xf32>
      %select_n3A_1180 = arith.select %ge3A_1179, %select_n3A_1168, %select_n3A_1171 : vector<16xi1>, vector<16xf32>
      %select_n3A_1181 = arith.select %ge3A_1179, %select_n3A_1169, %select_n3A_1172 : vector<16xi1>, vector<16xi32>
      %ge3A_1182 = arith.cmpf oge, %select_n3A_1174, %select_n3A_1177 : vector<16xf32>
      %select_n3A_1183 = arith.select %ge3A_1182, %select_n3A_1174, %select_n3A_1177 : vector<16xi1>, vector<16xf32>
      %select_n3A_1184 = arith.select %ge3A_1182, %select_n3A_1175, %select_n3A_1178 : vector<16xi1>, vector<16xi32>
      %ge3A_1185 = arith.cmpf oge, %select_n3A_1180, %select_n3A_1183 : vector<16xf32>
      %select_n3A_1186 = arith.select %ge3A_1185, %select_n3A_1180, %select_n3A_1183 : vector<16xi1>, vector<16xf32>
      %select_n3A_1187 = arith.select %ge3A_1185, %select_n3A_1181, %select_n3A_1184 : vector<16xi1>, vector<16xi32>
      tpu.vector_store_idx %arg5[%select_n3A_1187, %add3A_17], %broadcast_in_dim3A_3 : memref<64x256xf32, #tpu.memory_space<vmem>>[vector<16xi32>, vector<16xi32>], vector<16xf32>,
      %not3A_1188 = arith.constant 7 : i32
      %not3A_1189 = arith.constant -1 : i32
      %not3A_1190 = arith.xori %not3A_1188, %not3A_1189 : i32
      %and3A_1191 = vector.broadcast %not3A_1190 : i32 to vector<16xi32>
      %and3A_1192 = arith.andi %select_n3A_1187, %and3A_1191 : vector<16xi32>
      %add3A_1193 = arith.constant 0 : i32
      %add3A_1194 = vector.broadcast %add3A_1193 : i32 to vector<16xi32>
      %add3A_1195 = arith.addi %and3A_1192, %add3A_1194 : vector<16xi32>
      %gather3A_1196 = tpu.vector_load_idx %arg5[%add3A_1195, %add3A_17] : memref<64x256xf32, #tpu.memory_space<vmem>>[vector<16xi32>, vector<16xi32>], vector<16xf32>,
      %add3A_1197 = arith.constant 1 : i32
      %add3A_1198 = vector.broadcast %add3A_1197 : i32 to vector<16xi32>
      %add3A_1199 = arith.addi %and3A_1192, %add3A_1198 : vector<16xi32>
      %gather3A_1200 = tpu.vector_load_idx %arg5[%add3A_1199, %add3A_17] : memref<64x256xf32, #tpu.memory_space<vmem>>[vector<16xi32>, vector<16xi32>], vector<16xf32>,
      %add3A_1201 = arith.constant 2 : i32
      %add3A_1202 = vector.broadcast %add3A_1201 : i32 to vector<16xi32>
      %add3A_1203 = arith.addi %and3A_1192, %add3A_1202 : vector<16xi32>
      %gather3A_1204 = tpu.vector_load_idx %arg5[%add3A_1203, %add3A_17] : memref<64x256xf32, #tpu.memory_space<vmem>>[vector<16xi32>, vector<16xi32>], vector<16xf32>,
      %add3A_1205 = arith.constant 3 : i32
      %add3A_1206 = vector.broadcast %add3A_1205 : i32 to vector<16xi32>
      %add3A_1207 = arith.addi %and3A_1192, %add3A_1206 : vector<16xi32>
      %gather3A_1208 = tpu.vector_load_idx %arg5[%add3A_1207, %add3A_17] : memref<64x256xf32, #tpu.memory_space<vmem>>[vector<16xi32>, vector<16xi32>], vector<16xf32>,
      %add3A_1209 = arith.constant 4 : i32
      %add3A_1210 = vector.broadcast %add3A_1209 : i32 to vector<16xi32>
      %add3A_1211 = arith.addi %and3A_1192, %add3A_1210 : vector<16xi32>
      %gather3A_1212 = tpu.vector_load_idx %arg5[%add3A_1211, %add3A_17] : memref<64x256xf32, #tpu.memory_space<vmem>>[vector<16xi32>, vector<16xi32>], vector<16xf32>,
      %add3A_1213 = arith.constant 5 : i32
      %add3A_1214 = vector.broadcast %add3A_1213 : i32 to vector<16xi32>
      %add3A_1215 = arith.addi %and3A_1192, %add3A_1214 : vector<16xi32>
      %gather3A_1216 = tpu.vector_load_idx %arg5[%add3A_1215, %add3A_17] : memref<64x256xf32, #tpu.memory_space<vmem>>[vector<16xi32>, vector<16xi32>], vector<16xf32>,
      %add3A_1217 = arith.constant 6 : i32
      %add3A_1218 = vector.broadcast %add3A_1217 : i32 to vector<16xi32>
      %add3A_1219 = arith.addi %and3A_1192, %add3A_1218 : vector<16xi32>
      %gather3A_1220 = tpu.vector_load_idx %arg5[%add3A_1219, %add3A_17] : memref<64x256xf32, #tpu.memory_space<vmem>>[vector<16xi32>, vector<16xi32>], vector<16xf32>,
      %add3A_1221 = arith.constant 7 : i32
      %add3A_1222 = vector.broadcast %add3A_1221 : i32 to vector<16xi32>
      %add3A_1223 = arith.addi %and3A_1192, %add3A_1222 : vector<16xi32>
      %gather3A_1224 = tpu.vector_load_idx %arg5[%add3A_1223, %add3A_17] : memref<64x256xf32, #tpu.memory_space<vmem>>[vector<16xi32>, vector<16xi32>], vector<16xf32>,
      %ge3A_1225 = arith.cmpf oge, %gather3A_1196, %gather3A_1200 : vector<16xf32>
      %select_n3A_1226 = arith.select %ge3A_1225, %gather3A_1196, %gather3A_1200 : vector<16xi1>, vector<16xf32>
      %select_n3A_1227 = arith.select %ge3A_1225, %add3A_1195, %add3A_1199 : vector<16xi1>, vector<16xi32>
      %ge3A_1228 = arith.cmpf oge, %gather3A_1204, %gather3A_1208 : vector<16xf32>
      %select_n3A_1229 = arith.select %ge3A_1228, %gather3A_1204, %gather3A_1208 : vector<16xi1>, vector<16xf32>
      %select_n3A_1230 = arith.select %ge3A_1228, %add3A_1203, %add3A_1207 : vector<16xi1>, vector<16xi32>
      %ge3A_1231 = arith.cmpf oge, %gather3A_1212, %gather3A_1216 : vector<16xf32>
      %select_n3A_1232 = arith.select %ge3A_1231, %gather3A_1212, %gather3A_1216 : vector<16xi1>, vector<16xf32>
      %select_n3A_1233 = arith.select %ge3A_1231, %add3A_1211, %add3A_1215 : vector<16xi1>, vector<16xi32>
      %ge3A_1234 = arith.cmpf oge, %gather3A_1220, %gather3A_1224 : vector<16xf32>
      %select_n3A_1235 = arith.select %ge3A_1234, %gather3A_1220, %gather3A_1224 : vector<16xi1>, vector<16xf32>
      %select_n3A_1236 = arith.select %ge3A_1234, %add3A_1219, %add3A_1223 : vector<16xi1>, vector<16xi32>
      %ge3A_1237 = arith.cmpf oge, %select_n3A_1226, %select_n3A_1229 : vector<16xf32>
      %select_n3A_1238 = arith.select %ge3A_1237, %select_n3A_1226, %select_n3A_1229 : vector<16xi1>, vector<16xf32>
      %select_n3A_1239 = arith.select %ge3A_1237, %select_n3A_1227, %select_n3A_1230 : vector<16xi1>, vector<16xi32>
      %ge3A_1240 = arith.cmpf oge, %select_n3A_1232, %select_n3A_1235 : vector<16xf32>
      %select_n3A_1241 = arith.select %ge3A_1240, %select_n3A_1232, %select_n3A_1235 : vector<16xi1>, vector<16xf32>
      %select_n3A_1242 = arith.select %ge3A_1240, %select_n3A_1233, %select_n3A_1236 : vector<16xi1>, vector<16xi32>
      %ge3A_1243 = arith.cmpf oge, %select_n3A_1238, %select_n3A_1241 : vector<16xf32>
      %select_n3A_1244 = arith.select %ge3A_1243, %select_n3A_1238, %select_n3A_1241 : vector<16xi1>, vector<16xf32>
      %select_n3A_1245 = arith.select %ge3A_1243, %select_n3A_1239, %select_n3A_1242 : vector<16xi1>, vector<16xi32>
      %eq3A_1246 = arith.constant 0 : i32
      %eq3A_1247 = vector.broadcast %eq3A_1246 : i32 to vector<16xi32>
      %eq3A_1248 = arith.cmpi eq, %and3A_1192, %eq3A_1247 : vector<16xi32>
      %select_n3A_1249 = arith.select %eq3A_1248, %select_n3A_1244, %select_n3A_1130 : vector<16xi1>, vector<16xf32>
      %select_n3A_1250 = arith.select %eq3A_1248, %select_n3A_1245, %select_n3A_1131 : vector<16xi1>, vector<16xi32>
      %eq3A_1251 = arith.constant 8 : i32
      %eq3A_1252 = vector.broadcast %eq3A_1251 : i32 to vector<16xi32>
      %eq3A_1253 = arith.cmpi eq, %and3A_1192, %eq3A_1252 : vector<16xi32>
      %select_n3A_1254 = arith.select %eq3A_1253, %select_n3A_1244, %select_n3A_1135 : vector<16xi1>, vector<16xf32>
      %select_n3A_1255 = arith.select %eq3A_1253, %select_n3A_1245, %select_n3A_1136 : vector<16xi1>, vector<16xi32>
      %eq3A_1256 = arith.constant 16 : i32
      %eq3A_1257 = vector.broadcast %eq3A_1256 : i32 to vector<16xi32>
      %eq3A_1258 = arith.cmpi eq, %and3A_1192, %eq3A_1257 : vector<16xi32>
      %select_n3A_1259 = arith.select %eq3A_1258, %select_n3A_1244, %select_n3A_1140 : vector<16xi1>, vector<16xf32>
      %select_n3A_1260 = arith.select %eq3A_1258, %select_n3A_1245, %select_n3A_1141 : vector<16xi1>, vector<16xi32>
      %eq3A_1261 = arith.constant 24 : i32
      %eq3A_1262 = vector.broadcast %eq3A_1261 : i32 to vector<16xi32>
      %eq3A_1263 = arith.cmpi eq, %and3A_1192, %eq3A_1262 : vector<16xi32>
      %select_n3A_1264 = arith.select %eq3A_1263, %select_n3A_1244, %select_n3A_1145 : vector<16xi1>, vector<16xf32>
      %select_n3A_1265 = arith.select %eq3A_1263, %select_n3A_1245, %select_n3A_1146 : vector<16xi1>, vector<16xi32>
      %eq3A_1266 = arith.constant 32 : i32
      %eq3A_1267 = vector.broadcast %eq3A_1266 : i32 to vector<16xi32>
      %eq3A_1268 = arith.cmpi eq, %and3A_1192, %eq3A_1267 : vector<16xi32>
      %select_n3A_1269 = arith.select %eq3A_1268, %select_n3A_1244, %select_n3A_1150 : vector<16xi1>, vector<16xf32>
      %select_n3A_1270 = arith.select %eq3A_1268, %select_n3A_1245, %select_n3A_1151 : vector<16xi1>, vector<16xi32>
      %eq3A_1271 = arith.constant 40 : i32
      %eq3A_1272 = vector.broadcast %eq3A_1271 : i32 to vector<16xi32>
      %eq3A_1273 = arith.cmpi eq, %and3A_1192, %eq3A_1272 : vector<16xi32>
      %select_n3A_1274 = arith.select %eq3A_1273, %select_n3A_1244, %select_n3A_1155 : vector<16xi1>, vector<16xf32>
      %select_n3A_1275 = arith.select %eq3A_1273, %select_n3A_1245, %select_n3A_1156 : vector<16xi1>, vector<16xi32>
      %eq3A_1276 = arith.constant 48 : i32
      %eq3A_1277 = vector.broadcast %eq3A_1276 : i32 to vector<16xi32>
      %eq3A_1278 = arith.cmpi eq, %and3A_1192, %eq3A_1277 : vector<16xi32>
      %select_n3A_1279 = arith.select %eq3A_1278, %select_n3A_1244, %select_n3A_1160 : vector<16xi1>, vector<16xf32>
      %select_n3A_1280 = arith.select %eq3A_1278, %select_n3A_1245, %select_n3A_1161 : vector<16xi1>, vector<16xi32>
      %eq3A_1281 = arith.constant 56 : i32
      %eq3A_1282 = vector.broadcast %eq3A_1281 : i32 to vector<16xi32>
      %eq3A_1283 = arith.cmpi eq, %and3A_1192, %eq3A_1282 : vector<16xi32>
      %select_n3A_1284 = arith.select %eq3A_1283, %select_n3A_1244, %select_n3A_1165 : vector<16xi1>, vector<16xf32>
      %select_n3A_1285 = arith.select %eq3A_1283, %select_n3A_1245, %select_n3A_1166 : vector<16xi1>, vector<16xi32>
      %ge3A_1286 = arith.cmpf oge, %select_n3A_1249, %select_n3A_1254 : vector<16xf32>
      %select_n3A_1287 = arith.select %ge3A_1286, %select_n3A_1249, %select_n3A_1254 : vector<16xi1>, vector<16xf32>
      %select_n3A_1288 = arith.select %ge3A_1286, %select_n3A_1250, %select_n3A_1255 : vector<16xi1>, vector<16xi32>
      %ge3A_1289 = arith.cmpf oge, %select_n3A_1259, %select_n3A_1264 : vector<16xf32>
      %select_n3A_1290 = arith.select %ge3A_1289, %select_n3A_1259, %select_n3A_1264 : vector<16xi1>, vector<16xf32>
      %select_n3A_1291 = arith.select %ge3A_1289, %select_n3A_1260, %select_n3A_1265 : vector<16xi1>, vector<16xi32>
      %ge3A_1292 = arith.cmpf oge, %select_n3A_1269, %select_n3A_1274 : vector<16xf32>
      %select_n3A_1293 = arith.select %ge3A_1292, %select_n3A_1269, %select_n3A_1274 : vector<16xi1>, vector<16xf32>
      %select_n3A_1294 = arith.select %ge3A_1292, %select_n3A_1270, %select_n3A_1275 : vector<16xi1>, vector<16xi32>
      %ge3A_1295 = arith.cmpf oge, %select_n3A_1279, %select_n3A_1284 : vector<16xf32>
      %select_n3A_1296 = arith.select %ge3A_1295, %select_n3A_1279, %select_n3A_1284 : vector<16xi1>, vector<16xf32>
      %select_n3A_1297 = arith.select %ge3A_1295, %select_n3A_1280, %select_n3A_1285 : vector<16xi1>, vector<16xi32>
      %ge3A_1298 = arith.cmpf oge, %select_n3A_1287, %select_n3A_1290 : vector<16xf32>
      %select_n3A_1299 = arith.select %ge3A_1298, %select_n3A_1287, %select_n3A_1290 : vector<16xi1>, vector<16xf32>
      %select_n3A_1300 = arith.select %ge3A_1298, %select_n3A_1288, %select_n3A_1291 : vector<16xi1>, vector<16xi32>
      %ge3A_1301 = arith.cmpf oge, %select_n3A_1293, %select_n3A_1296 : vector<16xf32>
      %select_n3A_1302 = arith.select %ge3A_1301, %select_n3A_1293, %select_n3A_1296 : vector<16xi1>, vector<16xf32>
      %select_n3A_1303 = arith.select %ge3A_1301, %select_n3A_1294, %select_n3A_1297 : vector<16xi1>, vector<16xi32>
      %ge3A_1304 = arith.cmpf oge, %select_n3A_1299, %select_n3A_1302 : vector<16xf32>
      %select_n3A_1305 = arith.select %ge3A_1304, %select_n3A_1299, %select_n3A_1302 : vector<16xi1>, vector<16xf32>
      %select_n3A_1306 = arith.select %ge3A_1304, %select_n3A_1300, %select_n3A_1303 : vector<16xi1>, vector<16xi32>
      tpu.vector_store_idx %arg5[%select_n3A_1306, %add3A_17], %broadcast_in_dim3A_3 : memref<64x256xf32, #tpu.memory_space<vmem>>[vector<16xi32>, vector<16xi32>], vector<16xf32>,
      %not3A_1307 = arith.constant 7 : i32
      %not3A_1308 = arith.constant -1 : i32
      %not3A_1309 = arith.xori %not3A_1307, %not3A_1308 : i32
      %and3A_1310 = vector.broadcast %not3A_1309 : i32 to vector<16xi32>
      %and3A_1311 = arith.andi %select_n3A_1306, %and3A_1310 : vector<16xi32>
      %add3A_1312 = arith.constant 0 : i32
      %add3A_1313 = vector.broadcast %add3A_1312 : i32 to vector<16xi32>
      %add3A_1314 = arith.addi %and3A_1311, %add3A_1313 : vector<16xi32>
      %gather3A_1315 = tpu.vector_load_idx %arg5[%add3A_1314, %add3A_17] : memref<64x256xf32, #tpu.memory_space<vmem>>[vector<16xi32>, vector<16xi32>], vector<16xf32>,
      %add3A_1316 = arith.constant 1 : i32
      %add3A_1317 = vector.broadcast %add3A_1316 : i32 to vector<16xi32>
      %add3A_1318 = arith.addi %and3A_1311, %add3A_1317 : vector<16xi32>
      %gather3A_1319 = tpu.vector_load_idx %arg5[%add3A_1318, %add3A_17] : memref<64x256xf32, #tpu.memory_space<vmem>>[vector<16xi32>, vector<16xi32>], vector<16xf32>,
      %add3A_1320 = arith.constant 2 : i32
      %add3A_1321 = vector.broadcast %add3A_1320 : i32 to vector<16xi32>
      %add3A_1322 = arith.addi %and3A_1311, %add3A_1321 : vector<16xi32>
      %gather3A_1323 = tpu.vector_load_idx %arg5[%add3A_1322, %add3A_17] : memref<64x256xf32, #tpu.memory_space<vmem>>[vector<16xi32>, vector<16xi32>], vector<16xf32>,
      %add3A_1324 = arith.constant 3 : i32
      %add3A_1325 = vector.broadcast %add3A_1324 : i32 to vector<16xi32>
      %add3A_1326 = arith.addi %and3A_1311, %add3A_1325 : vector<16xi32>
      %gather3A_1327 = tpu.vector_load_idx %arg5[%add3A_1326, %add3A_17] : memref<64x256xf32, #tpu.memory_space<vmem>>[vector<16xi32>, vector<16xi32>], vector<16xf32>,
      %add3A_1328 = arith.constant 4 : i32
      %add3A_1329 = vector.broadcast %add3A_1328 : i32 to vector<16xi32>
      %add3A_1330 = arith.addi %and3A_1311, %add3A_1329 : vector<16xi32>
      %gather3A_1331 = tpu.vector_load_idx %arg5[%add3A_1330, %add3A_17] : memref<64x256xf32, #tpu.memory_space<vmem>>[vector<16xi32>, vector<16xi32>], vector<16xf32>,
      %add3A_1332 = arith.constant 5 : i32
      %add3A_1333 = vector.broadcast %add3A_1332 : i32 to vector<16xi32>
      %add3A_1334 = arith.addi %and3A_1311, %add3A_1333 : vector<16xi32>
      %gather3A_1335 = tpu.vector_load_idx %arg5[%add3A_1334, %add3A_17] : memref<64x256xf32, #tpu.memory_space<vmem>>[vector<16xi32>, vector<16xi32>], vector<16xf32>,
      %add3A_1336 = arith.constant 6 : i32
      %add3A_1337 = vector.broadcast %add3A_1336 : i32 to vector<16xi32>
      %add3A_1338 = arith.addi %and3A_1311, %add3A_1337 : vector<16xi32>
      %gather3A_1339 = tpu.vector_load_idx %arg5[%add3A_1338, %add3A_17] : memref<64x256xf32, #tpu.memory_space<vmem>>[vector<16xi32>, vector<16xi32>], vector<16xf32>,
      %add3A_1340 = arith.constant 7 : i32
      %add3A_1341 = vector.broadcast %add3A_1340 : i32 to vector<16xi32>
      %add3A_1342 = arith.addi %and3A_1311, %add3A_1341 : vector<16xi32>
      %gather3A_1343 = tpu.vector_load_idx %arg5[%add3A_1342, %add3A_17] : memref<64x256xf32, #tpu.memory_space<vmem>>[vector<16xi32>, vector<16xi32>], vector<16xf32>,
      %ge3A_1344 = arith.cmpf oge, %gather3A_1315, %gather3A_1319 : vector<16xf32>
      %select_n3A_1345 = arith.select %ge3A_1344, %gather3A_1315, %gather3A_1319 : vector<16xi1>, vector<16xf32>
      %select_n3A_1346 = arith.select %ge3A_1344, %add3A_1314, %add3A_1318 : vector<16xi1>, vector<16xi32>
      %ge3A_1347 = arith.cmpf oge, %gather3A_1323, %gather3A_1327 : vector<16xf32>
      %select_n3A_1348 = arith.select %ge3A_1347, %gather3A_1323, %gather3A_1327 : vector<16xi1>, vector<16xf32>
      %select_n3A_1349 = arith.select %ge3A_1347, %add3A_1322, %add3A_1326 : vector<16xi1>, vector<16xi32>
      %ge3A_1350 = arith.cmpf oge, %gather3A_1331, %gather3A_1335 : vector<16xf32>
      %select_n3A_1351 = arith.select %ge3A_1350, %gather3A_1331, %gather3A_1335 : vector<16xi1>, vector<16xf32>
      %select_n3A_1352 = arith.select %ge3A_1350, %add3A_1330, %add3A_1334 : vector<16xi1>, vector<16xi32>
      %ge3A_1353 = arith.cmpf oge, %gather3A_1339, %gather3A_1343 : vector<16xf32>
      %select_n3A_1354 = arith.select %ge3A_1353, %gather3A_1339, %gather3A_1343 : vector<16xi1>, vector<16xf32>
      %select_n3A_1355 = arith.select %ge3A_1353, %add3A_1338, %add3A_1342 : vector<16xi1>, vector<16xi32>
      %ge3A_1356 = arith.cmpf oge, %select_n3A_1345, %select_n3A_1348 : vector<16xf32>
      %select_n3A_1357 = arith.select %ge3A_1356, %select_n3A_1345, %select_n3A_1348 : vector<16xi1>, vector<16xf32>
      %select_n3A_1358 = arith.select %ge3A_1356, %select_n3A_1346, %select_n3A_1349 : vector<16xi1>, vector<16xi32>
      %ge3A_1359 = arith.cmpf oge, %select_n3A_1351, %select_n3A_1354 : vector<16xf32>
      %select_n3A_1360 = arith.select %ge3A_1359, %select_n3A_1351, %select_n3A_1354 : vector<16xi1>, vector<16xf32>
      %select_n3A_1361 = arith.select %ge3A_1359, %select_n3A_1352, %select_n3A_1355 : vector<16xi1>, vector<16xi32>
      %ge3A_1362 = arith.cmpf oge, %select_n3A_1357, %select_n3A_1360 : vector<16xf32>
      %select_n3A_1363 = arith.select %ge3A_1362, %select_n3A_1357, %select_n3A_1360 : vector<16xi1>, vector<16xf32>
      %select_n3A_1364 = arith.select %ge3A_1362, %select_n3A_1358, %select_n3A_1361 : vector<16xi1>, vector<16xi32>
      %eq3A_1365 = arith.constant 0 : i32
      %eq3A_1366 = vector.broadcast %eq3A_1365 : i32 to vector<16xi32>
      %eq3A_1367 = arith.cmpi eq, %and3A_1311, %eq3A_1366 : vector<16xi32>
      %select_n3A_1368 = arith.select %eq3A_1367, %select_n3A_1363, %select_n3A_1249 : vector<16xi1>, vector<16xf32>
      %select_n3A_1369 = arith.select %eq3A_1367, %select_n3A_1364, %select_n3A_1250 : vector<16xi1>, vector<16xi32>
      %eq3A_1370 = arith.constant 8 : i32
      %eq3A_1371 = vector.broadcast %eq3A_1370 : i32 to vector<16xi32>
      %eq3A_1372 = arith.cmpi eq, %and3A_1311, %eq3A_1371 : vector<16xi32>
      %select_n3A_1373 = arith.select %eq3A_1372, %select_n3A_1363, %select_n3A_1254 : vector<16xi1>, vector<16xf32>
      %select_n3A_1374 = arith.select %eq3A_1372, %select_n3A_1364, %select_n3A_1255 : vector<16xi1>, vector<16xi32>
      %eq3A_1375 = arith.constant 16 : i32
      %eq3A_1376 = vector.broadcast %eq3A_1375 : i32 to vector<16xi32>
      %eq3A_1377 = arith.cmpi eq, %and3A_1311, %eq3A_1376 : vector<16xi32>
      %select_n3A_1378 = arith.select %eq3A_1377, %select_n3A_1363, %select_n3A_1259 : vector<16xi1>, vector<16xf32>
      %select_n3A_1379 = arith.select %eq3A_1377, %select_n3A_1364, %select_n3A_1260 : vector<16xi1>, vector<16xi32>
      %eq3A_1380 = arith.constant 24 : i32
      %eq3A_1381 = vector.broadcast %eq3A_1380 : i32 to vector<16xi32>
      %eq3A_1382 = arith.cmpi eq, %and3A_1311, %eq3A_1381 : vector<16xi32>
      %select_n3A_1383 = arith.select %eq3A_1382, %select_n3A_1363, %select_n3A_1264 : vector<16xi1>, vector<16xf32>
      %select_n3A_1384 = arith.select %eq3A_1382, %select_n3A_1364, %select_n3A_1265 : vector<16xi1>, vector<16xi32>
      %eq3A_1385 = arith.constant 32 : i32
      %eq3A_1386 = vector.broadcast %eq3A_1385 : i32 to vector<16xi32>
      %eq3A_1387 = arith.cmpi eq, %and3A_1311, %eq3A_1386 : vector<16xi32>
      %select_n3A_1388 = arith.select %eq3A_1387, %select_n3A_1363, %select_n3A_1269 : vector<16xi1>, vector<16xf32>
      %select_n3A_1389 = arith.select %eq3A_1387, %select_n3A_1364, %select_n3A_1270 : vector<16xi1>, vector<16xi32>
      %eq3A_1390 = arith.constant 40 : i32
      %eq3A_1391 = vector.broadcast %eq3A_1390 : i32 to vector<16xi32>
      %eq3A_1392 = arith.cmpi eq, %and3A_1311, %eq3A_1391 : vector<16xi32>
      %select_n3A_1393 = arith.select %eq3A_1392, %select_n3A_1363, %select_n3A_1274 : vector<16xi1>, vector<16xf32>
      %select_n3A_1394 = arith.select %eq3A_1392, %select_n3A_1364, %select_n3A_1275 : vector<16xi1>, vector<16xi32>
      %eq3A_1395 = arith.constant 48 : i32
      %eq3A_1396 = vector.broadcast %eq3A_1395 : i32 to vector<16xi32>
      %eq3A_1397 = arith.cmpi eq, %and3A_1311, %eq3A_1396 : vector<16xi32>
      %select_n3A_1398 = arith.select %eq3A_1397, %select_n3A_1363, %select_n3A_1279 : vector<16xi1>, vector<16xf32>
      %select_n3A_1399 = arith.select %eq3A_1397, %select_n3A_1364, %select_n3A_1280 : vector<16xi1>, vector<16xi32>
      %eq3A_1400 = arith.constant 56 : i32
      %eq3A_1401 = vector.broadcast %eq3A_1400 : i32 to vector<16xi32>
      %eq3A_1402 = arith.cmpi eq, %and3A_1311, %eq3A_1401 : vector<16xi32>
      %select_n3A_1403 = arith.select %eq3A_1402, %select_n3A_1363, %select_n3A_1284 : vector<16xi1>, vector<16xf32>
      %select_n3A_1404 = arith.select %eq3A_1402, %select_n3A_1364, %select_n3A_1285 : vector<16xi1>, vector<16xi32>
      %ge3A_1405 = arith.cmpf oge, %select_n3A_1368, %select_n3A_1373 : vector<16xf32>
      %select_n3A_1406 = arith.select %ge3A_1405, %select_n3A_1368, %select_n3A_1373 : vector<16xi1>, vector<16xf32>
      %select_n3A_1407 = arith.select %ge3A_1405, %select_n3A_1369, %select_n3A_1374 : vector<16xi1>, vector<16xi32>
      %ge3A_1408 = arith.cmpf oge, %select_n3A_1378, %select_n3A_1383 : vector<16xf32>
      %select_n3A_1409 = arith.select %ge3A_1408, %select_n3A_1378, %select_n3A_1383 : vector<16xi1>, vector<16xf32>
      %select_n3A_1410 = arith.select %ge3A_1408, %select_n3A_1379, %select_n3A_1384 : vector<16xi1>, vector<16xi32>
      %ge3A_1411 = arith.cmpf oge, %select_n3A_1388, %select_n3A_1393 : vector<16xf32>
      %select_n3A_1412 = arith.select %ge3A_1411, %select_n3A_1388, %select_n3A_1393 : vector<16xi1>, vector<16xf32>
      %select_n3A_1413 = arith.select %ge3A_1411, %select_n3A_1389, %select_n3A_1394 : vector<16xi1>, vector<16xi32>
      %ge3A_1414 = arith.cmpf oge, %select_n3A_1398, %select_n3A_1403 : vector<16xf32>
      %select_n3A_1415 = arith.select %ge3A_1414, %select_n3A_1398, %select_n3A_1403 : vector<16xi1>, vector<16xf32>
      %select_n3A_1416 = arith.select %ge3A_1414, %select_n3A_1399, %select_n3A_1404 : vector<16xi1>, vector<16xi32>
      %ge3A_1417 = arith.cmpf oge, %select_n3A_1406, %select_n3A_1409 : vector<16xf32>
      %select_n3A_1418 = arith.select %ge3A_1417, %select_n3A_1406, %select_n3A_1409 : vector<16xi1>, vector<16xf32>
      %select_n3A_1419 = arith.select %ge3A_1417, %select_n3A_1407, %select_n3A_1410 : vector<16xi1>, vector<16xi32>
      %ge3A_1420 = arith.cmpf oge, %select_n3A_1412, %select_n3A_1415 : vector<16xf32>
      %select_n3A_1421 = arith.select %ge3A_1420, %select_n3A_1412, %select_n3A_1415 : vector<16xi1>, vector<16xf32>
      %select_n3A_1422 = arith.select %ge3A_1420, %select_n3A_1413, %select_n3A_1416 : vector<16xi1>, vector<16xi32>
      %ge3A_1423 = arith.cmpf oge, %select_n3A_1418, %select_n3A_1421 : vector<16xf32>
      %select_n3A_1424 = arith.select %ge3A_1423, %select_n3A_1418, %select_n3A_1421 : vector<16xi1>, vector<16xf32>
      %select_n3A_1425 = arith.select %ge3A_1423, %select_n3A_1419, %select_n3A_1422 : vector<16xi1>, vector<16xi32>
      tpu.vector_store_idx %arg5[%select_n3A_1425, %add3A_17], %broadcast_in_dim3A_3 : memref<64x256xf32, #tpu.memory_space<vmem>>[vector<16xi32>, vector<16xi32>], vector<16xf32>,
      %not3A_1426 = arith.constant 7 : i32
      %not3A_1427 = arith.constant -1 : i32
      %not3A_1428 = arith.xori %not3A_1426, %not3A_1427 : i32
      %and3A_1429 = vector.broadcast %not3A_1428 : i32 to vector<16xi32>
      %and3A_1430 = arith.andi %select_n3A_1425, %and3A_1429 : vector<16xi32>
      %add3A_1431 = arith.constant 0 : i32
      %add3A_1432 = vector.broadcast %add3A_1431 : i32 to vector<16xi32>
      %add3A_1433 = arith.addi %and3A_1430, %add3A_1432 : vector<16xi32>
      %gather3A_1434 = tpu.vector_load_idx %arg5[%add3A_1433, %add3A_17] : memref<64x256xf32, #tpu.memory_space<vmem>>[vector<16xi32>, vector<16xi32>], vector<16xf32>,
      %add3A_1435 = arith.constant 1 : i32
      %add3A_1436 = vector.broadcast %add3A_1435 : i32 to vector<16xi32>
      %add3A_1437 = arith.addi %and3A_1430, %add3A_1436 : vector<16xi32>
      %gather3A_1438 = tpu.vector_load_idx %arg5[%add3A_1437, %add3A_17] : memref<64x256xf32, #tpu.memory_space<vmem>>[vector<16xi32>, vector<16xi32>], vector<16xf32>,
      %add3A_1439 = arith.constant 2 : i32
      %add3A_1440 = vector.broadcast %add3A_1439 : i32 to vector<16xi32>
      %add3A_1441 = arith.addi %and3A_1430, %add3A_1440 : vector<16xi32>
      %gather3A_1442 = tpu.vector_load_idx %arg5[%add3A_1441, %add3A_17] : memref<64x256xf32, #tpu.memory_space<vmem>>[vector<16xi32>, vector<16xi32>], vector<16xf32>,
      %add3A_1443 = arith.constant 3 : i32
      %add3A_1444 = vector.broadcast %add3A_1443 : i32 to vector<16xi32>
      %add3A_1445 = arith.addi %and3A_1430, %add3A_1444 : vector<16xi32>
      %gather3A_1446 = tpu.vector_load_idx %arg5[%add3A_1445, %add3A_17] : memref<64x256xf32, #tpu.memory_space<vmem>>[vector<16xi32>, vector<16xi32>], vector<16xf32>,
      %add3A_1447 = arith.constant 4 : i32
      %add3A_1448 = vector.broadcast %add3A_1447 : i32 to vector<16xi32>
      %add3A_1449 = arith.addi %and3A_1430, %add3A_1448 : vector<16xi32>
      %gather3A_1450 = tpu.vector_load_idx %arg5[%add3A_1449, %add3A_17] : memref<64x256xf32, #tpu.memory_space<vmem>>[vector<16xi32>, vector<16xi32>], vector<16xf32>,
      %add3A_1451 = arith.constant 5 : i32
      %add3A_1452 = vector.broadcast %add3A_1451 : i32 to vector<16xi32>
      %add3A_1453 = arith.addi %and3A_1430, %add3A_1452 : vector<16xi32>
      %gather3A_1454 = tpu.vector_load_idx %arg5[%add3A_1453, %add3A_17] : memref<64x256xf32, #tpu.memory_space<vmem>>[vector<16xi32>, vector<16xi32>], vector<16xf32>,
      %add3A_1455 = arith.constant 6 : i32
      %add3A_1456 = vector.broadcast %add3A_1455 : i32 to vector<16xi32>
      %add3A_1457 = arith.addi %and3A_1430, %add3A_1456 : vector<16xi32>
      %gather3A_1458 = tpu.vector_load_idx %arg5[%add3A_1457, %add3A_17] : memref<64x256xf32, #tpu.memory_space<vmem>>[vector<16xi32>, vector<16xi32>], vector<16xf32>,
      %add3A_1459 = arith.constant 7 : i32
      %add3A_1460 = vector.broadcast %add3A_1459 : i32 to vector<16xi32>
      %add3A_1461 = arith.addi %and3A_1430, %add3A_1460 : vector<16xi32>
      %gather3A_1462 = tpu.vector_load_idx %arg5[%add3A_1461, %add3A_17] : memref<64x256xf32, #tpu.memory_space<vmem>>[vector<16xi32>, vector<16xi32>], vector<16xf32>,
      %ge3A_1463 = arith.cmpf oge, %gather3A_1434, %gather3A_1438 : vector<16xf32>
      %select_n3A_1464 = arith.select %ge3A_1463, %gather3A_1434, %gather3A_1438 : vector<16xi1>, vector<16xf32>
      %select_n3A_1465 = arith.select %ge3A_1463, %add3A_1433, %add3A_1437 : vector<16xi1>, vector<16xi32>
      %ge3A_1466 = arith.cmpf oge, %gather3A_1442, %gather3A_1446 : vector<16xf32>
      %select_n3A_1467 = arith.select %ge3A_1466, %gather3A_1442, %gather3A_1446 : vector<16xi1>, vector<16xf32>
      %select_n3A_1468 = arith.select %ge3A_1466, %add3A_1441, %add3A_1445 : vector<16xi1>, vector<16xi32>
      %ge3A_1469 = arith.cmpf oge, %gather3A_1450, %gather3A_1454 : vector<16xf32>
      %select_n3A_1470 = arith.select %ge3A_1469, %gather3A_1450, %gather3A_1454 : vector<16xi1>, vector<16xf32>
      %select_n3A_1471 = arith.select %ge3A_1469, %add3A_1449, %add3A_1453 : vector<16xi1>, vector<16xi32>
      %ge3A_1472 = arith.cmpf oge, %gather3A_1458, %gather3A_1462 : vector<16xf32>
      %select_n3A_1473 = arith.select %ge3A_1472, %gather3A_1458, %gather3A_1462 : vector<16xi1>, vector<16xf32>
      %select_n3A_1474 = arith.select %ge3A_1472, %add3A_1457, %add3A_1461 : vector<16xi1>, vector<16xi32>
      %ge3A_1475 = arith.cmpf oge, %select_n3A_1464, %select_n3A_1467 : vector<16xf32>
      %select_n3A_1476 = arith.select %ge3A_1475, %select_n3A_1464, %select_n3A_1467 : vector<16xi1>, vector<16xf32>
      %select_n3A_1477 = arith.select %ge3A_1475, %select_n3A_1465, %select_n3A_1468 : vector<16xi1>, vector<16xi32>
      %ge3A_1478 = arith.cmpf oge, %select_n3A_1470, %select_n3A_1473 : vector<16xf32>
      %select_n3A_1479 = arith.select %ge3A_1478, %select_n3A_1470, %select_n3A_1473 : vector<16xi1>, vector<16xf32>
      %select_n3A_1480 = arith.select %ge3A_1478, %select_n3A_1471, %select_n3A_1474 : vector<16xi1>, vector<16xi32>
      %ge3A_1481 = arith.cmpf oge, %select_n3A_1476, %select_n3A_1479 : vector<16xf32>
      %select_n3A_1482 = arith.select %ge3A_1481, %select_n3A_1476, %select_n3A_1479 : vector<16xi1>, vector<16xf32>
      %select_n3A_1483 = arith.select %ge3A_1481, %select_n3A_1477, %select_n3A_1480 : vector<16xi1>, vector<16xi32>
      %eq3A_1484 = arith.constant 0 : i32
      %eq3A_1485 = vector.broadcast %eq3A_1484 : i32 to vector<16xi32>
      %eq3A_1486 = arith.cmpi eq, %and3A_1430, %eq3A_1485 : vector<16xi32>
      %select_n3A_1487 = arith.select %eq3A_1486, %select_n3A_1482, %select_n3A_1368 : vector<16xi1>, vector<16xf32>
      %select_n3A_1488 = arith.select %eq3A_1486, %select_n3A_1483, %select_n3A_1369 : vector<16xi1>, vector<16xi32>
      %eq3A_1489 = arith.constant 8 : i32
      %eq3A_1490 = vector.broadcast %eq3A_1489 : i32 to vector<16xi32>
      %eq3A_1491 = arith.cmpi eq, %and3A_1430, %eq3A_1490 : vector<16xi32>
      %select_n3A_1492 = arith.select %eq3A_1491, %select_n3A_1482, %select_n3A_1373 : vector<16xi1>, vector<16xf32>
      %select_n3A_1493 = arith.select %eq3A_1491, %select_n3A_1483, %select_n3A_1374 : vector<16xi1>, vector<16xi32>
      %eq3A_1494 = arith.constant 16 : i32
      %eq3A_1495 = vector.broadcast %eq3A_1494 : i32 to vector<16xi32>
      %eq3A_1496 = arith.cmpi eq, %and3A_1430, %eq3A_1495 : vector<16xi32>
      %select_n3A_1497 = arith.select %eq3A_1496, %select_n3A_1482, %select_n3A_1378 : vector<16xi1>, vector<16xf32>
      %select_n3A_1498 = arith.select %eq3A_1496, %select_n3A_1483, %select_n3A_1379 : vector<16xi1>, vector<16xi32>
      %eq3A_1499 = arith.constant 24 : i32
      %eq3A_1500 = vector.broadcast %eq3A_1499 : i32 to vector<16xi32>
      %eq3A_1501 = arith.cmpi eq, %and3A_1430, %eq3A_1500 : vector<16xi32>
      %select_n3A_1502 = arith.select %eq3A_1501, %select_n3A_1482, %select_n3A_1383 : vector<16xi1>, vector<16xf32>
      %select_n3A_1503 = arith.select %eq3A_1501, %select_n3A_1483, %select_n3A_1384 : vector<16xi1>, vector<16xi32>
      %eq3A_1504 = arith.constant 32 : i32
      %eq3A_1505 = vector.broadcast %eq3A_1504 : i32 to vector<16xi32>
      %eq3A_1506 = arith.cmpi eq, %and3A_1430, %eq3A_1505 : vector<16xi32>
      %select_n3A_1507 = arith.select %eq3A_1506, %select_n3A_1482, %select_n3A_1388 : vector<16xi1>, vector<16xf32>
      %select_n3A_1508 = arith.select %eq3A_1506, %select_n3A_1483, %select_n3A_1389 : vector<16xi1>, vector<16xi32>
      %eq3A_1509 = arith.constant 40 : i32
      %eq3A_1510 = vector.broadcast %eq3A_1509 : i32 to vector<16xi32>
      %eq3A_1511 = arith.cmpi eq, %and3A_1430, %eq3A_1510 : vector<16xi32>
      %select_n3A_1512 = arith.select %eq3A_1511, %select_n3A_1482, %select_n3A_1393 : vector<16xi1>, vector<16xf32>
      %select_n3A_1513 = arith.select %eq3A_1511, %select_n3A_1483, %select_n3A_1394 : vector<16xi1>, vector<16xi32>
      %eq3A_1514 = arith.constant 48 : i32
      %eq3A_1515 = vector.broadcast %eq3A_1514 : i32 to vector<16xi32>
      %eq3A_1516 = arith.cmpi eq, %and3A_1430, %eq3A_1515 : vector<16xi32>
      %select_n3A_1517 = arith.select %eq3A_1516, %select_n3A_1482, %select_n3A_1398 : vector<16xi1>, vector<16xf32>
      %select_n3A_1518 = arith.select %eq3A_1516, %select_n3A_1483, %select_n3A_1399 : vector<16xi1>, vector<16xi32>
      %eq3A_1519 = arith.constant 56 : i32
      %eq3A_1520 = vector.broadcast %eq3A_1519 : i32 to vector<16xi32>
      %eq3A_1521 = arith.cmpi eq, %and3A_1430, %eq3A_1520 : vector<16xi32>
      %select_n3A_1522 = arith.select %eq3A_1521, %select_n3A_1482, %select_n3A_1403 : vector<16xi1>, vector<16xf32>
      %select_n3A_1523 = arith.select %eq3A_1521, %select_n3A_1483, %select_n3A_1404 : vector<16xi1>, vector<16xi32>
      %ge3A_1524 = arith.cmpf oge, %select_n3A_1487, %select_n3A_1492 : vector<16xf32>
      %select_n3A_1525 = arith.select %ge3A_1524, %select_n3A_1487, %select_n3A_1492 : vector<16xi1>, vector<16xf32>
      %select_n3A_1526 = arith.select %ge3A_1524, %select_n3A_1488, %select_n3A_1493 : vector<16xi1>, vector<16xi32>
      %ge3A_1527 = arith.cmpf oge, %select_n3A_1497, %select_n3A_1502 : vector<16xf32>
      %select_n3A_1528 = arith.select %ge3A_1527, %select_n3A_1497, %select_n3A_1502 : vector<16xi1>, vector<16xf32>
      %select_n3A_1529 = arith.select %ge3A_1527, %select_n3A_1498, %select_n3A_1503 : vector<16xi1>, vector<16xi32>
      %ge3A_1530 = arith.cmpf oge, %select_n3A_1507, %select_n3A_1512 : vector<16xf32>
      %select_n3A_1531 = arith.select %ge3A_1530, %select_n3A_1507, %select_n3A_1512 : vector<16xi1>, vector<16xf32>
      %select_n3A_1532 = arith.select %ge3A_1530, %select_n3A_1508, %select_n3A_1513 : vector<16xi1>, vector<16xi32>
      %ge3A_1533 = arith.cmpf oge, %select_n3A_1517, %select_n3A_1522 : vector<16xf32>
      %select_n3A_1534 = arith.select %ge3A_1533, %select_n3A_1517, %select_n3A_1522 : vector<16xi1>, vector<16xf32>
      %select_n3A_1535 = arith.select %ge3A_1533, %select_n3A_1518, %select_n3A_1523 : vector<16xi1>, vector<16xi32>
      %ge3A_1536 = arith.cmpf oge, %select_n3A_1525, %select_n3A_1528 : vector<16xf32>
      %select_n3A_1537 = arith.select %ge3A_1536, %select_n3A_1525, %select_n3A_1528 : vector<16xi1>, vector<16xf32>
      %select_n3A_1538 = arith.select %ge3A_1536, %select_n3A_1526, %select_n3A_1529 : vector<16xi1>, vector<16xi32>
      %ge3A_1539 = arith.cmpf oge, %select_n3A_1531, %select_n3A_1534 : vector<16xf32>
      %select_n3A_1540 = arith.select %ge3A_1539, %select_n3A_1531, %select_n3A_1534 : vector<16xi1>, vector<16xf32>
      %select_n3A_1541 = arith.select %ge3A_1539, %select_n3A_1532, %select_n3A_1535 : vector<16xi1>, vector<16xi32>
      %ge3A_1542 = arith.cmpf oge, %select_n3A_1537, %select_n3A_1540 : vector<16xf32>
      %select_n3A_1543 = arith.select %ge3A_1542, %select_n3A_1537, %select_n3A_1540 : vector<16xi1>, vector<16xf32>
      %select_n3A_1544 = arith.select %ge3A_1542, %select_n3A_1538, %select_n3A_1541 : vector<16xi1>, vector<16xi32>
      %sub3A = arith.subf %select_n3A_714, %select_n3A_714 : vector<16xf32>
      %exp3A = math.exp %sub3A : vector<16xf32>
      %sub3A_1545 = arith.subf %select_n3A_829, %select_n3A_714 : vector<16xf32>
      %exp3A_1546 = math.exp %sub3A_1545 : vector<16xf32>
      %sub3A_1547 = arith.subf %select_n3A_948, %select_n3A_714 : vector<16xf32>
      %exp3A_1548 = math.exp %sub3A_1547 : vector<16xf32>
      %sub3A_1549 = arith.subf %select_n3A_1067, %select_n3A_714 : vector<16xf32>
      %exp3A_1550 = math.exp %sub3A_1549 : vector<16xf32>
      %sub3A_1551 = arith.subf %select_n3A_1186, %select_n3A_714 : vector<16xf32>
      %exp3A_1552 = math.exp %sub3A_1551 : vector<16xf32>
      %sub3A_1553 = arith.subf %select_n3A_1305, %select_n3A_714 : vector<16xf32>
      %exp3A_1554 = math.exp %sub3A_1553 : vector<16xf32>
      %sub3A_1555 = arith.subf %select_n3A_1424, %select_n3A_714 : vector<16xf32>
      %exp3A_1556 = math.exp %sub3A_1555 : vector<16xf32>
      %sub3A_1557 = arith.subf %select_n3A_1543, %select_n3A_714 : vector<16xf32>
      %exp3A_1558 = math.exp %sub3A_1557 : vector<16xf32>
      %add3A_1559 = arith.addf %exp3A, %exp3A_1546 : vector<16xf32>
      %add3A_1560 = arith.addf %add3A_1559, %exp3A_1548 : vector<16xf32>
      %add3A_1561 = arith.addf %add3A_1560, %exp3A_1550 : vector<16xf32>
      %add3A_1562 = arith.addf %add3A_1561, %exp3A_1552 : vector<16xf32>
      %add3A_1563 = arith.addf %add3A_1562, %exp3A_1554 : vector<16xf32>
      %add3A_1564 = arith.addf %add3A_1563, %exp3A_1556 : vector<16xf32>
      %add3A_1565 = arith.addf %add3A_1564, %exp3A_1558 : vector<16xf32>
      %div3A = arith.constant 1.000000e+00 : f32
      %div3A_1566 = vector.broadcast %div3A : f32 to vector<16xf32>
      %div3A_1567 = arith.divf %div3A_1566, %add3A_1565 : vector<16xf32>
      %mul3A_1568 = arith.constant 8 : i32
      %mul3A_1569 = vector.broadcast %mul3A_1568 : i32 to vector<16xi32>
      %mul3A_1570 = arith.muli %add3A_17, %mul3A_1569 : vector<16xi32>
      %add3A_1571 = arith.constant 0 : i32
      %add3A_1572 = vector.broadcast %add3A_1571 : i32 to vector<16xi32>
      %add3A_1573 = arith.addi %mul3A_1570, %add3A_1572 : vector<16xi32>
      %mul3A_1574 = arith.mulf %exp3A, %div3A_1567 : vector<16xf32>
      tpu.vector_store_idx %arg6[%add3A_1573], %mul3A_1574 : memref<2048xf32, #tpu.memory_space<vmem>>[vector<16xi32>], vector<16xf32>,
      %add3A_1575 = arith.constant 0 : i32
      %add3A_1576 = vector.broadcast %add3A_1575 : i32 to vector<16xi32>
      %add3A_1577 = arith.addi %mul3A_1570, %add3A_1576 : vector<16xi32>
      tpu.vector_store_idx %arg7[%add3A_1577], %select_n3A_715 : memref<2048xi32, #tpu.memory_space<vmem>>[vector<16xi32>], vector<16xi32>,
      %add3A_1578 = arith.constant 1 : i32
      %add3A_1579 = vector.broadcast %add3A_1578 : i32 to vector<16xi32>
      %add3A_1580 = arith.addi %mul3A_1570, %add3A_1579 : vector<16xi32>
      %mul3A_1581 = arith.mulf %exp3A_1546, %div3A_1567 : vector<16xf32>
      tpu.vector_store_idx %arg6[%add3A_1580], %mul3A_1581 : memref<2048xf32, #tpu.memory_space<vmem>>[vector<16xi32>], vector<16xf32>,
      %add3A_1582 = arith.constant 1 : i32
      %add3A_1583 = vector.broadcast %add3A_1582 : i32 to vector<16xi32>
      %add3A_1584 = arith.addi %mul3A_1570, %add3A_1583 : vector<16xi32>
      tpu.vector_store_idx %arg7[%add3A_1584], %select_n3A_830 : memref<2048xi32, #tpu.memory_space<vmem>>[vector<16xi32>], vector<16xi32>,
      %add3A_1585 = arith.constant 2 : i32
      %add3A_1586 = vector.broadcast %add3A_1585 : i32 to vector<16xi32>
      %add3A_1587 = arith.addi %mul3A_1570, %add3A_1586 : vector<16xi32>
      %mul3A_1588 = arith.mulf %exp3A_1548, %div3A_1567 : vector<16xf32>
      tpu.vector_store_idx %arg6[%add3A_1587], %mul3A_1588 : memref<2048xf32, #tpu.memory_space<vmem>>[vector<16xi32>], vector<16xf32>,
      %add3A_1589 = arith.constant 2 : i32
      %add3A_1590 = vector.broadcast %add3A_1589 : i32 to vector<16xi32>
      %add3A_1591 = arith.addi %mul3A_1570, %add3A_1590 : vector<16xi32>
      tpu.vector_store_idx %arg7[%add3A_1591], %select_n3A_949 : memref<2048xi32, #tpu.memory_space<vmem>>[vector<16xi32>], vector<16xi32>,
      %add3A_1592 = arith.constant 3 : i32
      %add3A_1593 = vector.broadcast %add3A_1592 : i32 to vector<16xi32>
      %add3A_1594 = arith.addi %mul3A_1570, %add3A_1593 : vector<16xi32>
      %mul3A_1595 = arith.mulf %exp3A_1550, %div3A_1567 : vector<16xf32>
      tpu.vector_store_idx %arg6[%add3A_1594], %mul3A_1595 : memref<2048xf32, #tpu.memory_space<vmem>>[vector<16xi32>], vector<16xf32>,
      %add3A_1596 = arith.constant 3 : i32
      %add3A_1597 = vector.broadcast %add3A_1596 : i32 to vector<16xi32>
      %add3A_1598 = arith.addi %mul3A_1570, %add3A_1597 : vector<16xi32>
      tpu.vector_store_idx %arg7[%add3A_1598], %select_n3A_1068 : memref<2048xi32, #tpu.memory_space<vmem>>[vector<16xi32>], vector<16xi32>,
      %add3A_1599 = arith.constant 4 : i32
      %add3A_1600 = vector.broadcast %add3A_1599 : i32 to vector<16xi32>
      %add3A_1601 = arith.addi %mul3A_1570, %add3A_1600 : vector<16xi32>
      %mul3A_1602 = arith.mulf %exp3A_1552, %div3A_1567 : vector<16xf32>
      tpu.vector_store_idx %arg6[%add3A_1601], %mul3A_1602 : memref<2048xf32, #tpu.memory_space<vmem>>[vector<16xi32>], vector<16xf32>,
      %add3A_1603 = arith.constant 4 : i32
      %add3A_1604 = vector.broadcast %add3A_1603 : i32 to vector<16xi32>
      %add3A_1605 = arith.addi %mul3A_1570, %add3A_1604 : vector<16xi32>
      tpu.vector_store_idx %arg7[%add3A_1605], %select_n3A_1187 : memref<2048xi32, #tpu.memory_space<vmem>>[vector<16xi32>], vector<16xi32>,
      %add3A_1606 = arith.constant 5 : i32
      %add3A_1607 = vector.broadcast %add3A_1606 : i32 to vector<16xi32>
      %add3A_1608 = arith.addi %mul3A_1570, %add3A_1607 : vector<16xi32>
      %mul3A_1609 = arith.mulf %exp3A_1554, %div3A_1567 : vector<16xf32>
      tpu.vector_store_idx %arg6[%add3A_1608], %mul3A_1609 : memref<2048xf32, #tpu.memory_space<vmem>>[vector<16xi32>], vector<16xf32>,
      %add3A_1610 = arith.constant 5 : i32
      %add3A_1611 = vector.broadcast %add3A_1610 : i32 to vector<16xi32>
      %add3A_1612 = arith.addi %mul3A_1570, %add3A_1611 : vector<16xi32>
      tpu.vector_store_idx %arg7[%add3A_1612], %select_n3A_1306 : memref<2048xi32, #tpu.memory_space<vmem>>[vector<16xi32>], vector<16xi32>,
      %add3A_1613 = arith.constant 6 : i32
      %add3A_1614 = vector.broadcast %add3A_1613 : i32 to vector<16xi32>
      %add3A_1615 = arith.addi %mul3A_1570, %add3A_1614 : vector<16xi32>
      %mul3A_1616 = arith.mulf %exp3A_1556, %div3A_1567 : vector<16xf32>
      tpu.vector_store_idx %arg6[%add3A_1615], %mul3A_1616 : memref<2048xf32, #tpu.memory_space<vmem>>[vector<16xi32>], vector<16xf32>,
      %add3A_1617 = arith.constant 6 : i32
      %add3A_1618 = vector.broadcast %add3A_1617 : i32 to vector<16xi32>
      %add3A_1619 = arith.addi %mul3A_1570, %add3A_1618 : vector<16xi32>
      tpu.vector_store_idx %arg7[%add3A_1619], %select_n3A_1425 : memref<2048xi32, #tpu.memory_space<vmem>>[vector<16xi32>], vector<16xi32>,
      %add3A_1620 = arith.constant 7 : i32
      %add3A_1621 = vector.broadcast %add3A_1620 : i32 to vector<16xi32>
      %add3A_1622 = arith.addi %mul3A_1570, %add3A_1621 : vector<16xi32>
      %mul3A_1623 = arith.mulf %exp3A_1558, %div3A_1567 : vector<16xf32>
      tpu.vector_store_idx %arg6[%add3A_1622], %mul3A_1623 : memref<2048xf32, #tpu.memory_space<vmem>>[vector<16xi32>], vector<16xf32>,
      %add3A_1624 = arith.constant 7 : i32
      %add3A_1625 = vector.broadcast %add3A_1624 : i32 to vector<16xi32>
      %add3A_1626 = arith.addi %mul3A_1570, %add3A_1625 : vector<16xi32>
      tpu.vector_store_idx %arg7[%add3A_1626], %select_n3A_1544 : memref<2048xi32, #tpu.memory_space<vmem>>[vector<16xi32>], vector<16xi32>,
    }
    %scan3A_8 = arith.constant 16 : i32
    %mul3A_9 = arith.constant 8 : i32
    %mul3A_10 = arith.muli %mul3A_2, %mul3A_9 : i32
    "tpu.region"() ({
      %run_scoped3A = tpu.sem_alloc : memref<!tpu.dma_semaphore, #tpu.memory_space<semaphore_mem>>
      %dma_start3A = tpu.memref_slice %arg3[%mul3A_10] : memref<65536xf32, #tpu.memory_space<hbm>> -> memref<2048xf32, #tpu.memory_space<hbm>>
      %dma_start3A_13 = tpu.memref_slice %arg3[%mul3A_10] : memref<65536xf32, #tpu.memory_space<hbm>> -> memref<2048xf32, #tpu.memory_space<hbm>>
      tpu.enqueue_dma source(%arg6 : memref<2048xf32, #tpu.memory_space<vmem>>) target(%dma_start3A_13 : memref<2048xf32, #tpu.memory_space<hbm>>) target_semaphore(%run_scoped3A : memref<!tpu.dma_semaphore, #tpu.memory_space<semaphore_mem>>)
      %dma_wait3A = tpu.memref_slice %arg3[%mul3A_10] : memref<65536xf32, #tpu.memory_space<hbm>> -> memref<2048xf32, #tpu.memory_space<hbm>>
      %dma_wait3A_14 = tpu.memref_slice %arg3[%mul3A_10] : memref<65536xf32, #tpu.memory_space<hbm>> -> memref<2048xf32, #tpu.memory_space<hbm>>
      tpu.wait_dma2 semaphore(%run_scoped3A : memref<!tpu.dma_semaphore, #tpu.memory_space<semaphore_mem>>) src(%arg6 : memref<2048xf32, #tpu.memory_space<vmem>>) dst(%dma_wait3A_14 : memref<2048xf32, #tpu.memory_space<hbm>>)
      tpu.yield
    }) : () -> ()
    %mul3A_11 = arith.constant 8 : i32
    %mul3A_12 = arith.muli %mul3A_2, %mul3A_11 : i32
    "tpu.region"() ({
      %run_scoped3A = tpu.sem_alloc : memref<!tpu.dma_semaphore, #tpu.memory_space<semaphore_mem>>
      %dma_start3A = tpu.memref_slice %arg4[%mul3A_12] : memref<65536xi32, #tpu.memory_space<hbm>> -> memref<2048xi32, #tpu.memory_space<hbm>>
      %dma_start3A_13 = tpu.memref_slice %arg4[%mul3A_12] : memref<65536xi32, #tpu.memory_space<hbm>> -> memref<2048xi32, #tpu.memory_space<hbm>>
      tpu.enqueue_dma source(%arg7 : memref<2048xi32, #tpu.memory_space<vmem>>) target(%dma_start3A_13 : memref<2048xi32, #tpu.memory_space<hbm>>) target_semaphore(%run_scoped3A : memref<!tpu.dma_semaphore, #tpu.memory_space<semaphore_mem>>)
      %dma_wait3A = tpu.memref_slice %arg4[%mul3A_12] : memref<65536xi32, #tpu.memory_space<hbm>> -> memref<2048xi32, #tpu.memory_space<hbm>>
      %dma_wait3A_14 = tpu.memref_slice %arg4[%mul3A_12] : memref<65536xi32, #tpu.memory_space<hbm>> -> memref<2048xi32, #tpu.memory_space<hbm>>
      tpu.wait_dma2 semaphore(%run_scoped3A : memref<!tpu.dma_semaphore, #tpu.memory_space<semaphore_mem>>) src(%arg7 : memref<2048xi32, #tpu.memory_space<vmem>>) dst(%dma_wait3A_14 : memref<2048xi32, #tpu.memory_space<hbm>>)
      tpu.yield
    }) : () -> ()
    return
  }
}

module attributes {stable_mosaic.version = 14 : i64} {
  func.func @_logits_body(%arg0: i32, %arg1: memref<64x4096xf32, #tpu.memory_space<vmem>>, %arg2: memref<512x4096xf32, #tpu.memory_space<vmem>>, %arg3: memref<64x512xf32, #tpu.memory_space<vmem>>) attributes {dimension_semantics = [#tpu.dimension_semantics<parallel>], iteration_bounds = array<i64: 16>, scalar_prefetch = 0 : i64, scratch_operands = 0 : i64, tpu.core_type = #tpu.core_type<tc>, window_params = [{pipeline_mode = #tpu.pipeline_mode<synchronous>, transform_indices = @transform_0, window_bounds = array<i64: 64, 4096>}, {transform_indices = @transform_1, window_bounds = array<i64: 512, 4096>}, {transform_indices = @transform_2, window_bounds = array<i64: 64, 512>}]} {
    %get3A = arith.constant 0 : index
    %get3A_0 = arith.constant 0 : index
    %get3A_1 = vector.load %arg1[%get3A, %get3A_0] : memref<64x4096xf32, #tpu.memory_space<vmem>>, vector<64x4096xf32>
    %get3A_2 = arith.constant 0 : index
    %get3A_3 = arith.constant 0 : index
    %get3A_4 = vector.load %arg2[%get3A_2, %get3A_3] : memref<512x4096xf32, #tpu.memory_space<vmem>>, vector<512x4096xf32>
    %dot_general3A = arith.constant dense<0.000000e+00> : vector<64x512xf32>
    %dot_general3A_5 = tpu.matmul %get3A_1, %get3A_4, %dot_general3A {dimension_numbers = #tpu.dot_dimension_numbers<[1], [1], [0], [0], [0, 0, 1, 0], [], []>, transpose_lhs_hint = false} : vector<64x4096xf32>, vector<512x4096xf32>, vector<64x512xf32> -> vector<64x512xf32>
    %swap3A = arith.constant 0 : index
    %swap3A_6 = arith.constant 0 : index
    %swap3A_7 = vector.load %arg3[%swap3A, %swap3A_6] : memref<64x512xf32, #tpu.memory_space<vmem>>, vector<64x512xf32>
    tpu.vector_store %arg3[%swap3A, %swap3A_6], %dot_general3A_5 {strides = array<i32>} : memref<64x512xf32, #tpu.memory_space<vmem>>, vector<64x512xf32>,
    return
  }
  func.func @transform_0(%arg0: i32) -> (i32, i32) {
    %c0_i32 = arith.constant 0 : i32
    %c0_i32_0 = arith.constant 0 : i32
    %c0_i32_1 = arith.constant 0 : i32
    return %c0_i32, %c0_i32_0 : i32, i32
  }
  func.func @transform_1(%arg0: i32) -> (i32, i32) {
    %add3A = arith.constant 16 : i32
    %add3A_0 = arith.addi %add3A, %arg0 : i32
    %c0_i32 = arith.constant 0 : i32
    %c0_i32_1 = arith.constant 0 : i32
    return %add3A_0, %c0_i32 : i32, i32
  }
  func.func @transform_2(%arg0: i32) -> (i32, i32) {
    %c0_i32 = arith.constant 0 : i32
    %c0_i32_0 = arith.constant 0 : i32
    return %c0_i32, %arg0 : i32, i32
  }
}

module attributes {stable_mosaic.version = 14 : i64} {
  func.func @_logits_body(%arg0: i32, %arg1: memref<64x4096xf32, #tpu.memory_space<vmem>>, %arg2: memref<512x4096xf32, #tpu.memory_space<vmem>>, %arg3: memref<64x512xf32, #tpu.memory_space<vmem>>) attributes {dimension_semantics = [#tpu.dimension_semantics<parallel>], iteration_bounds = array<i64: 16>, scalar_prefetch = 0 : i64, scratch_operands = 0 : i64, tpu.core_type = #tpu.core_type<tc>, window_params = [{pipeline_mode = #tpu.pipeline_mode<synchronous>, transform_indices = @transform_0, window_bounds = array<i64: 64, 4096>}, {transform_indices = @transform_1, window_bounds = array<i64: 512, 4096>}, {transform_indices = @transform_2, window_bounds = array<i64: 64, 512>}]} {
    %get3A = arith.constant 0 : index
    %get3A_0 = arith.constant 0 : index
    %get3A_1 = vector.load %arg1[%get3A, %get3A_0] : memref<64x4096xf32, #tpu.memory_space<vmem>>, vector<64x4096xf32>
    %get3A_2 = arith.constant 0 : index
    %get3A_3 = arith.constant 0 : index
    %get3A_4 = vector.load %arg2[%get3A_2, %get3A_3] : memref<512x4096xf32, #tpu.memory_space<vmem>>, vector<512x4096xf32>
    %dot_general3A = arith.constant dense<0.000000e+00> : vector<64x512xf32>
    %dot_general3A_5 = tpu.matmul %get3A_1, %get3A_4, %dot_general3A {dimension_numbers = #tpu.dot_dimension_numbers<[1], [1], [0], [0], [0, 0, 1, 0], [], []>, transpose_lhs_hint = false} : vector<64x4096xf32>, vector<512x4096xf32>, vector<64x512xf32> -> vector<64x512xf32>
    %swap3A = arith.constant 0 : index
    %swap3A_6 = arith.constant 0 : index
    %swap3A_7 = vector.load %arg3[%swap3A, %swap3A_6] : memref<64x512xf32, #tpu.memory_space<vmem>>, vector<64x512xf32>
    tpu.vector_store %arg3[%swap3A, %swap3A_6], %dot_general3A_5 {strides = array<i32>} : memref<64x512xf32, #tpu.memory_space<vmem>>, vector<64x512xf32>,
    return
  }
  func.func @transform_0(%arg0: i32) -> (i32, i32) {
    %c0_i32 = arith.constant 0 : i32
    %c0_i32_0 = arith.constant 0 : i32
    %c0_i32_1 = arith.constant 0 : i32
    return %c0_i32, %c0_i32_0 : i32, i32
  }
  func.func @transform_1(%arg0: i32) -> (i32, i32) {
    %add3A = arith.constant 0 : i32
    %add3A_0 = arith.addi %add3A, %arg0 : i32
    %c0_i32 = arith.constant 0 : i32
    %c0_i32_1 = arith.constant 0 : i32
    return %add3A_0, %c0_i32 : i32, i32
  }
  func.func @transform_2(%arg0: i32) -> (i32, i32) {
    %c0_i32 = arith.constant 0 : i32
    %c0_i32_0 = arith.constant 0 : i32
    return %c0_i32, %arg0 : i32, i32
  }
}

</mosaic_0001>

<sc_bundles>
// kernel: kernel.6.cloned.1.call-start
scs
__scs_entry_jumppad:
0x0: {  	(pc) =	sbr.rel $0x88, $3  }
0x1: {  	(tag) =	ssettag $0x0;
	lr =	simm.s32 $0x1  }
0x2: {  	[smem:$0x3F9F] =	sst lr;
	_ =	strace $0xD0000000  }
0x3: {  	_ = 	snop  }
0x4: {  	_ = 	snop  }
0x5: {  	_ = 	snop  }
0x6: {  	_ = 	snop  }
0x7: {  	_ = 	snop  }
__scs_overlays_trampoline_lowered:
0x8: {  	[smem:$0x3FAE] =	sst s0  }
0x9: {  	[smem:$0x3FAF] =	sst s1  }
0xa: {  	[smem:$0x3FB0] =	sst s2  }
0xb: {  	[smem:$0x3FB1] =	sst s3  }
0xc: {  	[smem:$0x3FB2] =	sst s4  }
0xd: {  	[smem:$0x3FB3] =	sst s5  }
0xe: {  	[smem:$0x3FB4] =	sst s6  }
0xf: {  	[smem:$0x3FB5] =	sst s7  }
0x10: {  	[smem:$0x3FB6] =	sst s8  }
0x11: {  	[smem:$0x3FB7] =	sst s9;
	s0 =	simm.s32 @!p0 $0x0  }
0x12: {  	s1 =	sld [smem:$0x3F9D];
	s0 =	simm.s32 @p0 $0x1  }
0x13: {  	[smem:$0x3FB8] =	sst s0;
	s0 =	simm.s32 @!p1 $0x0  }
0x14: {  	s2 =	sld [smem:$0x3F9C];
	s0 =	simm.s32 @p1 $0x1  }
0x15: {  	[smem:$0x3FB9] =	sst s0;
	s0 =	simm.s32 @!p2 $0x0  }
0x16: {  	s3 =	sld [smem:$0x3FDB];
	s0 =	simm.s32 @p2 $0x1  }
0x17: {  	s4 =	simm.s32 $0x1BF5;
	[smem:$0x3FBB] =	sst s0  }
0x18: {  	s0 =	sld [smem:$0x3F9E];
	_ =	swait.ge [sflag:s4], $0x0  }
0x19: {  	s7 =	sld [smem:$0x3F9F]  }
0x1a: {  	s8 =	sadd.s32 $0xFFFFE003, lr  }
0x1b: {  	s9 =	sadd.s32 $0xFFFFFEF7, lr;
	s5 =	simm.s32 $0xFFFFFFFF;
	p2 =	slt.u32 s8, $0xFFFFF086  }
0x1c: {  	p1 =	slt.u32 s9, $0xF7A;
	s5 =	simm.s32 @!p2 $0x0  }
0x1d: {  	s5 =	simm.s32 @p1 $0x1;
	p0 =	seq.s32 s7, s2  }
0x1e: {  	s7 =	smul.u32 @!p0 $0xF7A, s2;
	p2 =	seq.s32 @!p0 s5, $0x0  }
0x1f: {  	s9 =	smul.u32 $0xF7A, s1;
	s8 =	simm.s32 @!p0 $0x1BF5;
	p2 =	por !p2, p0  }
0x20: {  	[sflag:s8] =	ssyncset.s32 @!p0 $0xFFFFF086;
	s6 =	sadd.s32 @!p0 s3, s7;
	s7 =	simm.s32 @!p0 $0x108  }
0x21: {  	s3 =	sadd.s32 s3, s9;
	s6 =	sadd.s32 @!p0 $0x88, s6;
	s7 =	simm.s32 @p2 $0x1082  }
0x22: {  	[simem:s7], [sflag:s8] =	dma.local @!p0 [hbm:s6], $0xF7A  }
0x23: {  	s9 =	sor.u32 $0xD0000000, s2;
	s6 =	simm.s32 $0x108;
	_ =	swait.ge @!p0 [sflag:s8], $0x0  }
0x24: {  	s3 =	sadd.s32 $0x88, s3;
	s6 =	simm.s32 @!p1 $0x1082;
	[sflag:s4] =	ssyncset.s32 $0xFFFFF086  }
0x25: {  	[simem:s6], [sflag:s4] =	dma.local [hbm:s3], $0xF7A  }
0x26: {  	[smem:$0x3F9F] =	sst s1;
	(tag) =	ssettag s2;
	_ =	strace s9  }
0x27: {  	s1 =	sld [smem:$0x3FAF]  }
0x28: {  	s2 =	sld [smem:$0x3FB0]  }
0x29: {  	s4 =	sld [smem:$0x3FB2]  }
0x2a: {  	p0 =	seq.s32 s5, $0x0;
	s5 =	sld [smem:$0x3FB3]  }
0x2b: {  	s6 =	sld [smem:$0x3FB4]  }
0x2c: {  	s7 =	sld [smem:$0x3FB5]  }
0x2d: {  	s3 =	simm.s32 $0x108;
	s8 =	sld [smem:$0x3FB6]  }
0x2e: {  	s3 =	simm.s32 @!p0 $0x1082;
	s9 =	sld [smem:$0x3FB7]  }
0x2f: {  	lr =	sadd.s32 s0, s3;
	s0 =	sld [smem:$0x3FAE]  }
0x30: {  	s3 =	sld [smem:$0x3FB1]  }
0x31: {  	[smem:$0x3FBA] =	sst s10  }
0x32: {  	s10 =	sld [smem:$0x3FB8];
	_ =	sdelay $0x3  }
0x33: {  	p0 =	seq.s32 s10, $0x1;
	s10 =	sld [smem:$0x3FBA];
	_ =	sdelay $0x3  }
0x34: {  	[smem:$0x3FBA] =	sst s10  }
0x35: {  	s10 =	sld [smem:$0x3FB9];
	_ =	sdelay $0x3  }
0x36: {  	p1 =	seq.s32 s10, $0x1;
	s10 =	sld [smem:$0x3FBA];
	_ =	sdelay $0x3  }
0x37: {  	[smem:$0x3FBA] =	sst s10  }
0x38: {  	s10 =	sld [smem:$0x3FBB]  }
0x39: {  	_ = 	snop;
	(pc) =	sbr.ind lr, $3  }
0x3a: {  	_ = 	snop  }
0x3b: {  	_ = 	snop  }
0x3c: {  	p2 =	seq.s32 s10, $0x1;
	s10 =	sld [smem:$0x3FBA]  }
0x3d: {  	_ =	shalt  }
0x3e: {  	_ =	shalt  }
0x3f: {  	_ =	shalt  }
0x40: {  	_ =	shalt  }
0x41: {  	_ =	shalt  }
0x42: {  	_ =	shalt  }
0x43: {  	_ =	shalt  }
0x44: {  	_ =	shalt  }
0x45: {  	_ =	shalt  }
0x46: {  	_ =	shalt  }
0x47: {  	_ =	shalt  }
0x48: {  	_ =	shalt  }
0x49: {  	_ =	shalt  }
0x4a: {  	_ =	shalt  }
0x4b: {  	_ =	shalt  }
0x4c: {  	_ =	shalt  }
0x4d: {  	_ =	shalt  }
0x4e: {  	_ =	shalt  }
0x4f: {  	_ =	shalt  }
0x50: {  	_ =	shalt  }
0x51: {  	_ =	shalt  }
0x52: {  	_ =	shalt  }
0x53: {  	_ =	shalt  }
0x54: {  	_ =	shalt  }
0x55: {  	_ =	shalt  }
0x56: {  	_ =	shalt  }
0x57: {  	_ =	shalt  }
0x58: {  	_ =	shalt  }
0x59: {  	_ =	shalt  }
0x5a: {  	_ =	shalt  }
0x5b: {  	_ =	shalt  }
0x5c: {  	_ =	shalt  }
0x5d: {  	_ =	shalt  }
0x5e: {  	_ =	shalt  }
0x5f: {  	_ =	shalt  }
0x60: {  	_ =	shalt  }
0x61: {  	_ =	shalt  }
0x62: {  	_ =	shalt  }
0x63: {  	_ =	shalt  }
0x64: {  	_ =	shalt  }
0x65: {  	_ =	shalt  }
0x66: {  	_ =	shalt  }
0x67: {  	_ =	shalt  }
0x68: {  	_ =	shalt  }
0x69: {  	_ =	shalt  }
0x6a: {  	_ =	shalt  }
0x6b: {  	_ =	shalt  }
0x6c: {  	_ =	shalt  }
0x6d: {  	_ =	shalt  }
0x6e: {  	_ =	shalt  }
0x6f: {  	_ =	shalt  }
0x70: {  	_ =	shalt  }
0x71: {  	_ =	shalt  }
0x72: {  	_ =	shalt  }
0x73: {  	_ =	shalt  }
0x74: {  	_ =	shalt  }
0x75: {  	_ =	shalt  }
0x76: {  	_ =	shalt  }
0x77: {  	_ =	shalt  }
0x78: {  	_ =	shalt  }
0x79: {  	_ =	shalt  }
0x7a: {  	_ =	shalt  }
0x7b: {  	_ =	shalt  }
0x7c: {  	_ =	shalt  }
0x7d: {  	_ =	shalt  }
0x7e: {  	_ =	shalt  }
0x7f: {  	_ =	shalt  }
0x80: {  	_ =	shalt  }
0x81: {  	_ =	shalt  }
0x82: {  	_ =	shalt  }
0x83: {  	_ =	shalt  }
0x84: {  	_ =	shalt  }
0x85: {  	_ =	shalt  }
0x86: {  	_ =	shalt  }
0x87: {  	_ =	shalt  }
.Lfunc_end0:
.L_simem_size_0:
called_computation_lowered:
.L_overlay_start_0:
0x88: {  	s2 =	sld [smem:$0x3FD9]  }
0x89: {  	s3 =	sld [smem:$0x3FFE];
	_ =	sdelay $0x1  }
0x8a: {  	s1 =	srdreg.scid  }
0x8b: {  	s0 =	sand.u32 $0x1, s1  }
0x8c: {  	s16 =	sshll.u32 s0, $0xA;
	s2 =	sadd.s32 s3, s2  }
0x8d: {  	s2 =	sadd.s32 s2, s16  }
0x8e: {  	[smem:$0x3FC6] =	sst s2  }
0x8f: {  	_ = 	snop  }
0x90: {  	(tm) =	ssettm $0x1  }
0x91: {  	s17 =	sld [smem:$0x3FFB];
	_ =	sdelay $0x3  }
0x92: {  	_ =	strace s17  }
0x93: {  	s2 =	sld [smem:$0x3FFC];
	_ =	sdelay $0x3  }
0x94: {  	_ =	strace s2  }
0x95: {  	s2 =	sld [smem:$0x3FFD];
	_ =	sdelay $0x3  }
0x96: {  	_ =	strace s2  }
0x97: {  	_ =	strace $0x8FFFFFFF  }
0x98: {  	s18 =	sld [smem:$0x3FDB];
	_ =	sdelay $0x1  }
0x99: {  	s19 =	simm.s32 $_scs_section_size  }
0x9a: {  	s4 =	simm.s32 $_size__tile_overlayer_lowered;
	s5 =	simm.s32 $_tile_overlayer_lowered  }
0x9b: {  	s22 =	simm.s32 $0x1BFF;
	s21 =	sshll.u32 s5, $0x1;
	s2 =	sadd.s32 s19, s18  }
0x9c: {  	s6 =	simm.s32 $0x0;
	s20 =	sshll.u32 s4, $0x1;
	s4 =	sadd.s32 s21, s2  }
0x9d: {  	[timem:s6], [sflag:s22] =	dma.local [hbm:s4], s20  }
0x9e: {  	_ =	swait.ge [sflag:s22], s20  }
0x9f: {  	s3 =	ssub.s32 $0x0, s20;
	[sflag:s22] =	ssyncset.done $0x0  }
0xa0: {  	[sflag:s22] =	ssyncadd.s32 s3;
	_ =	sdelay $0x1  }
0xa1: {  	s23 =	simm.s32 $0x1B8B  }
0xa2: {  	_ =	swait.ge [sflag:s23], $0x1  }
0xa3: {  	[sflag:s23] =	ssyncset.done $0x0  }
0xa4: {  	s25 =	simm.s32 $0x1B8E;
	s24 =	sld [smem:$0x3FFE];
	[sflag:s23] =	ssyncadd.s32 $0xFFFFFFFF  }
0xa5: {  	s26 =	simm.s32 $execute0_lowered;
	[smem:$0x3FD2] =	sst s25  }
0xa6: {  	s4 =	sshll.u32 s26, $0x1;
	_ =	strace $0x80000046;
	[dreg:$0x1] =	wrdreg $0xFFFFFFFF  }
0xa7: {  	s28 =	simm.s32 $_size_execute0_lowered;
	s2 =	sadd.s32 s2, s4;
	[dreg:$0x0] =	wrdreg $0x0  }
0xa8: {  	s4 =	sshll.u32 s28, $0x1;
	[dreg:$0x2] =	wrdreg s2  }
0xa9: {  	[dreg:$0x3] =	wrdreg s4  }
0xaa: {  	[dreg:$0x4] =	wrdreg $0xC0  }
0xab: {  	_ =	task [dreg:s6], $0x5FFFF  }
0xac: {  	[dreg:$0x1] =	wrdreg $0xFFFFFFFF  }
0xad: {  	[dreg:$0x0] =	wrdreg $0x60  }
0xae: {  	[dreg:$0x2] =	wrdreg s24  }
0xaf: {  	[dreg:$0x3] =	wrdreg $0x9  }
0xb0: {  	_ =	task.clear_ibuf [dreg:s6], $0x4FFFF;
	_ =	strace $0x90000046  }
0xb1: {  	s29 =	simm.s32 $0x9;
	_ =	strace $0x80000048  }
0xb2: {  	_ =	swait.ge [sflag:s29], $0x1  }
0xb3: {  	[sflag:s29] =	ssyncadd.s32 $0xFFFFFFFF  }
0xb4: {  	_ =	strace $0x90000048  }
0xb5: {  	_ =	sfence  }
0xb6: {  	s30 =	sld [smem:$0x0];
	_ =	sdelay $0x2  }
0xb7: {  	s31 =	sshll.u32 s1, $0xD;
	s1 =	sshrl.u32 s1, $0x2  }
0xb8: {  	s3 =	sand.u32 $0x4000, s31;
	s1 =	sadd.s32 s1, s30  }
0xb9: {  	s0 =	sor.u32 s3, s0;
	s1 =	sshll.u32 s1, $0x11  }
0xba: {  	s0 =	sor.u32 s1, s0  }
0xbb: {  	s0 =	sadd.s32 $0x8F2B, s0  }
0xbc: {  	[sflag:s0] =	ssyncadd.remote.s32 $0x1  }
0xbd: {  	_ =	sfence.sel $0xFFFF  }
0xbe: {  	[dreg:$0x0] =	wrdreg $0xFFFFFFFF;
	(pc) =	sbr.abs _section_cstart, $3  }
0xbf: {  	[dreg:$0x1] =	wrdreg $0xFFFFFFFF  }
0xc0: {  	_ =	task.clear_ibuf [dreg:s6], $0x2FFFF;
	_ =	strace $0x9FFFFFFF  }
0xc1: {  	(tm) =	ssettm $0x7FFFFFFF  }
tec
execute0_lowered:
.L_overlay_start_1:
0x0: {  	(tag) =	ssettag $0x1  }
0x1: {  	v0 =	vlaneseq.u32  }
0x2: {  	v1 =	vimm.s32 $0x0;
	v2 =	vimm.s32 $0x3;
	v3 =	vimm.s32 $0x5  }
0x3: {  	v4 =	vimm.s32 $0x7;
	v5 =	vimm.s32 $0x9;
	v6 =	vimm.s32 $0xB  }
0x4: {  	s1 =	srdreg.scid;
	v7 =	vimm.s32 $0xD;
	v8 =	vimm.s32 $0xF;
	v9 =	vimm.s32 $0x11  }
0x5: {  	s3 =	rddreg [dreg:$0x0];
	s0 =	stileid.u32;
	v10 =	vimm.s32 $0x13;
	v11 =	vimm.s32 $0x15;
	v12 =	vimm.s32 $0x17;
	s2 =	simm.s32 $0x0  }
0x6: {  	v13 =	vimm.s32 $0x19;
	v14 =	vimm.s32 $0x1B;
	v15 =	vimm.s32 $0x1D;
	s7 =	simm.s32 $0x800;
	s8 =	simm.s32 $0x10000;
	s9 =	simm.s32 $0x1  }
0x7: {  	v16 =	vimm.s32 $0x1F;
	v17 =	vimm.s32 $0x21;
	v18 =	vimm.s32 $0x23;
	s10 =	simm.s32 $0x4000;
	s11 =	simm.s32 $0x4800;
	s4 =	sand.u32 $0x1, s1  }
0x8: {  	v19 =	vimm.s32 $0x25;
	v20 =	vimm.s32 $0x27;
	v21 =	vimm.s32 $0x29;
	s12 =	simm.s32 $0x0;
	s5 =	sshll.u32 s0, $0x9;
	s6 =	sshll.u32 s4, $0x8  }
0x9: {  	v22 =	vimm.s32 $0x2B;
	v23 =	vimm.s32 $0x2D;
	v24 =	vimm.s32 $0x2F;
	s1 =	rddreg [dreg:$0x1];
	s4 =	ssub.s32 $0x2, s4;
	s5 =	sor.u32 s6, s5  }
0xa: {  	v25 =	vimm.s32 $0x31;
	v26 =	vimm.s32 $0x33;
	v27 =	vimm.s32 $0x35;
	[smem:$0x7FF] =	sst s2;
	s30 =	sshrl.u32 s4, $0x1;
	s5 =	sadd.s32 s5, s3  }
0xb: {  	v28 =	vimm.s32 $0x37;
	v29 =	vimm.s32 $0x39;
	v30 =	vimm.s32 $0x3B;
	_ =	strace $0x80000047;
	s31 =	ssub.s32 s4, s30;
	s3 =	sadd.s32 $0x1A00, s5  }
0xc: {  	v31 =	vimm.s32 $0x3D;
	v32 =	vimm.s32 $0x3F;
	v33 =	vimm.f32 $-Inf;
	s4 =	sadd.s32 $0x11A00, s5;
	s5 =	sadd.s32 $0x13A00, s5;
	s6 =	smax.u32 s31, $0x1  }
.LBB2_1:
0xd: {  	[tilespmem:s2], [sflag:$0x1] =	stream.strided.gather [hbm4b:s3+s7], $0x4000, s8, s7, $0x38;
	[tilespmem:$0x5000] =	vst v63  }
0xe: {  	_ =	swait.ge [sflag:s9], $0x4000  }
0xf: {  	[sflag:s9] =	ssyncset.done $0x0  }
0x10: {  	s13 =	simm.s32 $0x0;
	s14 =	simm.s32 $0x0;
	[sflag:s9] =	ssyncadd.s32 $0xFFFFC000  }
.LBB2_2:
0x11: {  	s15 =	sand.u32 $0x70, s14;
	s16 =	sand.u32 $0x400, s13  }
0x12: {  	s15 =	sor.u32 s15, s16  }
0x13: {  	v34 =	vld [tilespmem:s15+$0x0]  }
0x14: {  	v35 =	vld [tilespmem:s15+$0x80]  }
0x15: {  	v36 =	vld [tilespmem:s15+$0x100]  }
0x16: {  	v37 =	vld [tilespmem:s15+$0x180]  }
0x17: {  	v38 =	vld [tilespmem:s15+$0x200]  }
0x18: {  	s31 =	sor.u32 s13, s14;
	v39 =	vld [tilespmem:s15+$0x280]  }
0x19: {  	s16 =	sor.u32 $0x380, s31;
	v40 =	vld [tilespmem:s15+$0x300]  }
0x1a: {  	v41 =	vld [tilespmem:s16+$0x0]  }
0x1b: {  	v42 =	vld [tilespmem:s15+$0x800]  }
0x1c: {  	v43 =	vld [tilespmem:s15+$0x880]  }
0x1d: {  	v44 =	vld [tilespmem:s15+$0x900]  }
0x1e: {  	v45 =	vld [tilespmem:s15+$0x980]  }
0x1f: {  	v46 =	vld [tilespmem:s15+$0xA00]  }
0x20: {  	v47 =	vld [tilespmem:s15+$0xA80]  }
0x21: {  	v48 =	vld [tilespmem:s15+$0xB00]  }
0x22: {  	v49 =	vld [tilespmem:s15+$0xB80]  }
0x23: {  	v50 =	vld [tilespmem:s15+$0x1000]  }
0x24: {  	v51 =	vld [tilespmem:s15+$0x1080];
	_ =	sdelay $0x1  }
0x25: {  	vm0 =	vge.f32 v34, v35;
	vm15 =	vge.f32 v36, v37  }
0x26: {  	v52 =	vld [tilespmem:s15+$0x1100];
	vm1 =	vge.f32 v38, v39;
	vm2 =	vge.f32 v40, v41;
	vm7 =	vge.f32 v42, v43  }
0x27: {  	v54 =	vld [tilespmem:s15+$0x1280];
	vm8 =	vge.f32 v44, v45;
	vm9 =	vge.f32 v46, v47;
	vm10 =	vge.f32 v48, v49  }
0x28: {  	v56 =	vld [tilespmem:s15+$0x1900];
	vm14 =	vge.f32 v50, v51;
	vm0 =	vmneg vm0;
	v36 =	vsel vm15, v36, v37  }
0x29: {  	v57 =	vld [tilespmem:s15+$0x1A80];
	v53 =	vsel vm15, $0x2, v2;
	v38 =	vsel vm1, v38, v39;
	v60 =	vsel vm2, v40, v41  }
0x2a: {  	v37 =	vld [tilespmem:s15+$0x1180];
	v61 =	vsel vm1, $0x4, v3;
	v55 =	vsel vm2, $0x6, v4;
	v63 =	vsel vm8, v44, v45  }
0x2b: {  	v40 =	vld [tilespmem:s15+$0x1200];
	v58 =	vsel vm14, v50, v51;
	v34 =	vsel vm0, v35, v34;
	vm5 =	vge.f32 v38, v60  }
0x2c: {  	v39 =	vld [tilespmem:s15+$0x1300];
	v59 =	vsel vm0, $0x1, v1;
	vm4 =	vge.f32 v34, v36;
	v62 =	vsel vm5, v38, v60  }
0x2d: {  	v50 =	vld [tilespmem:s15+$0x2080];
	v41 =	vsel vm5, v61, v55;
	v60 =	vsel vm10, v48, v49;
	v61 =	vsel vm9, $0xC, v7  }
0x2e: {  	v51 =	vld [tilespmem:s15+$0x2100];
	v34 =	vsel vm4, v34, v36;
	v35 =	vsel vm4, v59, v53;
	v59 =	vsel vm9, v46, v47  }
0x2f: {  	v55 =	vld [tilespmem:s15+$0x1880];
	v36 =	vsel vm7, $0x8, v5;
	vm6 =	vge.f32 v34, v62;
	vm12 =	vge.f32 v59, v60  }
0x30: {  	v48 =	vld [tilespmem:s15+$0x1A00];
	v38 =	vsel vm6, v34, v62;
	v41 =	vsel vm6, v35, v41;
	v35 =	vsel vm7, v42, v43  }
0x31: {  	v53 =	vld [tilespmem:s15+$0x1380];
	v43 =	vsel vm8, $0xA, v6;
	v62 =	vsel vm10, $0xE, v8;
	vm15 =	vge.f32 v52, v37  }
0x32: {  	v46 =	vld [tilespmem:s15+$0x1980];
	vm4 =	vge.f32 v40, v54;
	vm11 =	vge.f32 v35, v63;
	v49 =	vsel vm12, v61, v62  }
0x33: {  	v47 =	vld [tilespmem:s15+$0x1B00];
	v37 =	vsel vm15, v52, v37;
	v40 =	vsel vm4, v40, v54;
	v61 =	vsel vm4, $0x14, v11  }
0x34: {  	v34 =	vld [tilespmem:s15+$0x1800];
	v35 =	vsel vm11, v35, v63;
	v63 =	vsel vm12, v59, v60;
	v36 =	vsel vm11, v36, v43  }
0x35: {  	v52 =	vld [tilespmem:s15+$0x2280];
	v59 =	vsel vm14, $0x10, v9;
	v60 =	vsel vm15, $0x12, v10;
	vm6 =	vge.f32 v58, v37  }
0x36: {  	v54 =	vld [tilespmem:s15+$0x2800];
	vm11 =	vge.f32 v48, v57;
	vm13 =	vge.f32 v35, v63;
	vm5 =	vge.f32 v39, v53  }
0x37: {  	vm10 =	vge.f32 v56, v46;
	v48 =	vsel vm11, v48, v57;
	v42 =	vsel vm13, v35, v63;
	v35 =	vld [tilespmem:s15+$0x1B80]  }
0x38: {  	v43 =	vsel vm13, v36, v49;
	v49 =	vld [tilespmem:s15+$0x2000];
	v39 =	vsel vm5, v39, v53;
	v62 =	vsel vm5, $0x16, v12  }
0x39: {  	v53 =	vld [tilespmem:s15+$0x2180];
	v36 =	vsel vm6, v58, v37;
	v58 =	vsel vm6, v59, v60;
	vm7 =	vge.f32 v40, v39  }
0x3a: {  	v46 =	vsel vm10, v56, v46;
	v56 =	vld [tilespmem:s15+$0x2880];
	vm9 =	vge.f32 v34, v55;
	v63 =	vsel vm7, v40, v39  }
0x3b: {  	v57 =	vld [tilespmem:s15+$0x2900];
	v59 =	vsel vm7, v61, v62;
	v34 =	vsel vm9, v34, v55;
	v60 =	vsel vm9, $0x18, v13  }
0x3c: {  	v39 =	vld [tilespmem:s15+$0x2200];
	v61 =	vsel vm10, $0x1A, v14;
	v62 =	vsel vm11, $0x1C, v15;
	vm8 =	vge.f32 v36, v63  }
0x3d: {  	v40 =	vld [tilespmem:s15+$0x2380];
	vm13 =	vge.f32 v34, v46;
	v44 =	vsel vm8, v36, v63;
	v45 =	vsel vm8, v58, v59  }
0x3e: {  	v36 =	vld [tilespmem:s15+$0x2300];
	v34 =	vsel vm13, v34, v46;
	v37 =	vsel vm13, v60, v61;
	vm12 =	vge.f32 v47, v35  }
0x3f: {  	v59 =	vld [tilespmem:s15+$0x2980];
	vm4 =	vge.f32 v49, v50;
	vm5 =	vge.f32 v51, v53;
	vm11 =	vge.f32 v54, v56  }
0x40: {  	v35 =	vsel vm12, v47, v35;
	v58 =	vsel vm12, $0x1E, v16;
	v63 =	vsel vm5, v51, v53  }
0x41: {  	v55 =	vld [tilespmem:s15+$0x2A00];
	v60 =	vsel vm5, $0x22, v18;
	vm14 =	vge.f32 v48, v35;
	vm6 =	vge.f32 v39, v52  }
0x42: {  	v51 =	vld [tilespmem:s15+$0x2B80];
	v35 =	vsel vm14, v48, v35;
	v47 =	vsel vm14, v62, v58;
	v39 =	vsel vm6, v39, v52  }
0x43: {  	v53 =	vld [tilespmem:s15+$0x3080];
	v61 =	vsel vm6, $0x24, v19;
	vm15 =	vge.f32 v34, v35;
	vm7 =	vge.f32 v36, v40  }
0x44: {  	vm12 =	vge.f32 v57, v59;
	v46 =	vsel vm15, v34, v35;
	v47 =	vsel vm15, v37, v47;
	v34 =	vld [tilespmem:s15+$0x2A80]  }
0x45: {  	v35 =	vsel vm4, v49, v50;
	v37 =	vsel vm4, $0x20, v17;
	v50 =	vld [tilespmem:s15+$0x2B00];
	v36 =	vsel vm7, v36, v40  }
0x46: {  	v40 =	vld [tilespmem:s15+$0x3000];
	v62 =	vsel vm7, $0x26, v20;
	vm8 =	vge.f32 v35, v63;
	vm9 =	vge.f32 v39, v36  }
0x47: {  	v52 =	vld [tilespmem:s15+$0x3180];
	v58 =	vsel vm12, $0x2A, v22;
	v35 =	vsel vm8, v35, v63;
	v36 =	vsel vm9, v39, v36  }
0x48: {  	v39 =	vld [tilespmem:s15+$0x3100];
	v37 =	vsel vm8, v37, v60;
	v63 =	vsel vm9, v61, v62;
	vm10 =	vge.f32 v35, v36  }
0x49: {  	v48 =	vsel vm10, v35, v36;
	v49 =	vsel vm10, v37, v63;
	v35 =	vld [tilespmem:s15+$0x3200];
	v36 =	vsel vm11, v54, v56  }
0x4a: {  	v37 =	vsel vm11, $0x28, v21;
	v54 =	vld [tilespmem:s15+$0x3280];
	v56 =	vsel vm12, v57, v59;
	vm13 =	vge.f32 v55, v34  }
0x4b: {  	v57 =	vld [tilespmem:s15+$0x3300];
	vm14 =	vge.f32 v50, v51;
	vm15 =	vge.f32 v36, v56;
	vm6 =	vge.f32 v40, v53  }
0x4c: {  	v59 =	vld [tilespmem:s15+$0x3800];
	v34 =	vsel vm13, v55, v34;
	v50 =	vsel vm14, v50, v51;
	v51 =	vsel vm13, $0x2C, v23  }
0x4d: {  	v55 =	vld [tilespmem:s15+$0x3380];
	v60 =	vsel vm14, $0x2E, v24;
	v36 =	vsel vm15, v36, v56;
	vm4 =	vge.f32 v34, v50  }
0x4e: {  	v56 =	vld [tilespmem:s15+$0x3880];
	v37 =	vsel vm15, v37, v58;
	vm7 =	vge.f32 v39, v52;
	v34 =	vsel vm4, v34, v50  }
0x4f: {  	v58 =	vld [tilespmem:s15+$0x3900];
	v51 =	vsel vm4, v51, v60;
	v39 =	vsel vm7, v39, v52;
	vm5 =	vge.f32 v36, v34  }
0x50: {  	v52 =	vld [tilespmem:s15+$0x3A80];
	vm8 =	vge.f32 v35, v54;
	v50 =	vsel vm5, v36, v34;
	v51 =	vsel vm5, v37, v51  }
0x51: {  	v60 =	vld [tilespmem:s15+$0x3B80];
	v36 =	vsel vm6, v40, v53;
	v37 =	vsel vm6, $0x30, v25;
	v53 =	vsel vm7, $0x32, v26  }
0x52: {  	v34 =	vld [tilespmem:s15+$0x3980];
	v35 =	vsel vm8, v35, v54;
	vm9 =	vge.f32 v57, v55;
	vm10 =	vge.f32 v36, v39  }
0x53: {  	v40 =	vld [tilespmem:s15+$0x3A00];
	vm13 =	vge.f32 v59, v56;
	v54 =	vsel vm9, v57, v55;
	v57 =	vsel vm8, $0x34, v27  }
0x54: {  	v55 =	vld [tilespmem:s15+$0x3B00];
	v61 =	vsel vm9, $0x36, v28;
	v36 =	vsel vm10, v36, v39;
	v37 =	vsel vm10, v37, v53  }
0x55: {  	vm8 =	vge.f32 v38, v42;
	vm9 =	vge.f32 v44, v46;
	vm11 =	vge.f32 v35, v54  }
0x56: {  	vm10 =	vge.f32 v48, v50;
	v39 =	vsel vm9, v45, v47;
	v35 =	vsel vm11, v35, v54  }
0x57: {  	v57 =	vsel vm11, v57, v61;
	vm12 =	vge.f32 v36, v35;
	vm14 =	vge.f32 v58, v34  }
0x58: {  	vm15 =	vge.f32 v40, v52;
	v53 =	vsel vm12, v36, v35;
	v54 =	vsel vm12, v37, v57  }
0x59: {  	v35 =	vsel vm13, v59, v56;
	v36 =	vsel vm13, $0x38, v29;
	vm4 =	vge.f32 v55, v60  }
0x5a: {  	v34 =	vsel vm14, v58, v34;
	v61 =	vsel vm15, v40, v52;
	v62 =	vsel vm4, v55, v60  }
0x5b: {  	v59 =	vsel vm14, $0x3A, v30;
	vm5 =	vge.f32 v35, v34;
	vm6 =	vge.f32 v61, v62  }
0x5c: {  	v63 =	vsel vm15, $0x3C, v31;
	v34 =	vsel vm5, v35, v34;
	v58 =	vsel vm6, v61, v62  }
0x5d: {  	v57 =	vsel vm4, $0x3E, v32;
	v36 =	vsel vm5, v36, v59;
	vm7 =	vge.f32 v34, v58  }
0x5e: {  	v35 =	vsel vm8, v41, v43;
	v59 =	vsel vm6, v63, v57;
	v52 =	vsel vm7, v34, v58  }
0x5f: {  	v60 =	vsel vm10, v48, v50;
	v55 =	vsel vm7, v36, v59;
	vm11 =	vge.f32 v53, v52  }
0x60: {  	v34 =	vsel vm8, v38, v42;
	v36 =	vsel vm9, v44, v46;
	v61 =	vsel vm11, v53, v52  }
0x61: {  	v62 =	vsel vm10, v49, v51;
	vm12 =	vge.f32 v34, v36;
	vm13 =	vge.f32 v60, v61  }
0x62: {  	v63 =	vsel vm11, v54, v55;
	v36 =	vsel vm12, v34, v36;
	v37 =	vsel vm13, v60, v61  }
0x63: {  	v58 =	vsel vm12, v35, v39;
	v59 =	vsel vm13, v62, v63;
	vm0 =	vge.f32 v36, v37  }
0x64: {  	v60 =	vmov s14;
	v34 =	vsel vm0, v58, v59  }
0x65: {  	v39 =	vshll.u32 v60, $0x3;
	v61 =	vshll.u32 v34, $0x7  }
0x66: {  	v35 =	vor.u32 s14, v0;
	v39 =	vand.u32 $0x400, v39;
	v62 =	vand.u32 $0x380, v61  }
0x67: {  	v40 =	vand.u32 $0x7F, v35;
	v63 =	vshll.u32 v34, $0x8;
	v56 =	vor.u32 v62, v39  }
0x68: {  	v57 =	vand.u32 $0x7FFFF800, v63;
	v56 =	vor.u32 v40, v56  }
0x69: {  	v56 =	vor.u32 v57, v56;
	v57 =	vor.u32 v39, v57  }
0x6a: {  	v57 =	vor.u32 v40, v57  }
0x6b: {  	v58 =	vor.u32 $0x80, v57  }
0x6c: {  	v59 =	vor.u32 $0x100, v57  }
0x6d: {  	v60 =	vor.u32 $0x180, v57  }
0x6e: {  	v62 =	vor.u32 $0x280, v57;
	[tilespmem:v56+s2+$0x0] =	vst.idx.msk $0xffff, v33  }
0x6f: {  	v63 =	vor.u32 $0x300, v57;
	v61 =	vld.idx.msk [tilespmem:v57+s2+$0x0], $0xffff  }
0x70: {  	v56 =	vor.u32 $0x200, v57;
	v58 =	vld.idx.msk [tilespmem:v58+s2+$0x0], $0xffff  }
0x71: {  	v57 =	vor.u32 $0x380, v57;
	v59 =	vld.idx.msk [tilespmem:v59+s2+$0x0], $0xffff  }
0x72: {  	v60 =	vld.idx.msk [tilespmem:v60+s2+$0x0], $0xffff  }
0x73: {  	v62 =	vld.idx.msk [tilespmem:v62+s2+$0x0], $0xffff  }
0x74: {  	v63 =	vld.idx.msk [tilespmem:v63+s2+$0x0], $0xffff  }
0x75: {  	v0 =	vand.u32 $0xFFFFFFF8, v34;
	v56 =	vld.idx.msk [tilespmem:v56+s2+$0x0], $0xffff  }
0x76: {  	v5 =	vor.u32 $0x7, v34;
	v4 =	vor.u32 $0x6, v0;
	vm9 =	veq.s32 v0, $0x0;
	v57 =	vld.idx.msk [tilespmem:v57+s2+$0x0], $0xffff  }
0x77: {  	vm10 =	veq.s32 v0, $0x8;
	vm11 =	veq.s32 v0, $0x10;
	vm12 =	veq.s32 v0, $0x18  }
0x78: {  	vm13 =	veq.s32 v0, $0x20;
	vm14 =	vge.f32 v61, v58;
	vm15 =	vge.f32 v59, v60  }
0x79: {  	vm1 =	vmneg vm14;
	v59 =	vsel vm15, v59, v60;
	v60 =	vsel vm15, $0x2, v2  }
0x7a: {  	vm14 =	veq.s32 v0, $0x28;
	v58 =	vsel vm1, v58, v61;
	v61 =	vsel vm1, $0x1, v1  }
0x7b: {  	vm4 =	vge.f32 v56, v62;
	vm6 =	vge.f32 v58, v59;
	vm5 =	vge.f32 v63, v57  }
0x7c: {  	v6 =	vsel vm4, $0x4, v3;
	v56 =	vsel vm4, v56, v62;
	v57 =	vsel vm5, v63, v57  }
0x7d: {  	v60 =	vsel vm6, v61, v60;
	v6 =	vor.u32 v6, v0;
	vm7 =	vge.f32 v56, v57  }
0x7e: {  	v4 =	vsel vm5, v4, v5;
	v5 =	vsel vm6, v58, v59;
	v56 =	vsel vm7, v56, v57  }
0x7f: {  	v61 =	vor.u32 v60, v0;
	v4 =	vsel vm7, v6, v4;
	vm8 =	vge.f32 v5, v56  }
0x80: {  	vm15 =	veq.s32 v0, $0x30;
	v5 =	vsel vm8, v5, v56;
	v4 =	vsel vm8, v61, v4  }
0x81: {  	vm4 =	veq.s32 v0, $0x38;
	v6 =	vsel vm9, v5, v38;
	v41 =	vsel vm9, v4, v41  }
0x82: {  	v56 =	vsel vm10, v5, v42;
	v57 =	vsel vm10, v4, v43;
	v44 =	vsel vm11, v5, v44  }
0x83: {  	v45 =	vsel vm11, v4, v45;
	v46 =	vsel vm12, v5, v46;
	v47 =	vsel vm12, v4, v47  }
0x84: {  	v48 =	vsel vm13, v5, v48;
	v49 =	vsel vm13, v4, v49;
	v50 =	vsel vm14, v5, v50  }
0x85: {  	v51 =	vsel vm14, v4, v51;
	v53 =	vsel vm15, v5, v53;
	v54 =	vsel vm15, v4, v54  }
0x86: {  	v0 =	vsel vm4, v5, v52;
	v4 =	vsel vm4, v4, v55;
	vm5 =	vge.f32 v6, v56  }
0x87: {  	vm6 =	vge.f32 v44, v46;
	vm7 =	vge.f32 v48, v50;
	vm3 =	vge.f32 v53, v0  }
0x88: {  	v5 =	vsel vm5, v6, v56;
	v38 =	vsel vm5, v41, v57;
	v42 =	vsel vm6, v44, v46  }
0x89: {  	v52 =	vsel vm6, v45, v47;
	v62 =	vsel vm7, v48, v50;
	v63 =	vsel vm3, v53, v0  }
0x8a: {  	v60 =	vsel vm7, v49, v51;
	vm8 =	vge.f32 v5, v42;
	vm9 =	vge.f32 v62, v63  }
0x8b: {  	v61 =	vsel vm3, v54, v4;
	v42 =	vsel vm8, v5, v42;
	v43 =	vsel vm9, v62, v63  }
0x8c: {  	v5 =	vsel vm8, v38, v52;
	v62 =	vsel vm9, v60, v61;
	vm1 =	vge.f32 v42, v43  }
0x8d: {  	v38 =	vsel vm1, v5, v62  }
0x8e: {  	v5 =	vshll.u32 v38, $0x7  }
0x8f: {  	v5 =	vand.u32 $0x380, v5  }
0x90: {  	v63 =	vshll.u32 v38, $0x8;
	v5 =	vor.u32 v5, v39  }
0x91: {  	v52 =	vand.u32 $0x7FFFF800, v63;
	v5 =	vor.u32 v40, v5  }
0x92: {  	v5 =	vor.u32 v52, v5;
	v52 =	vor.u32 v39, v52  }
0x93: {  	v52 =	vor.u32 v40, v52  }
0x94: {  	v55 =	vor.u32 $0x80, v52  }
0x95: {  	v58 =	vor.u32 $0x100, v52  }
0x96: {  	v59 =	vor.u32 $0x180, v52  }
0x97: {  	v61 =	vor.u32 $0x280, v52;
	[tilespmem:v5+s2+$0x0] =	vst.idx.msk $0xffff, v33  }
0x98: {  	v62 =	vor.u32 $0x300, v52;
	v60 =	vld.idx.msk [tilespmem:v52+s2+$0x0], $0xffff  }
0x99: {  	v5 =	vor.u32 $0x200, v52;
	v55 =	vld.idx.msk [tilespmem:v55+s2+$0x0], $0xffff  }
0x9a: {  	v52 =	vor.u32 $0x380, v52;
	v58 =	vld.idx.msk [tilespmem:v58+s2+$0x0], $0xffff  }
0x9b: {  	v59 =	vld.idx.msk [tilespmem:v59+s2+$0x0], $0xffff  }
0x9c: {  	v61 =	vld.idx.msk [tilespmem:v61+s2+$0x0], $0xffff  }
0x9d: {  	v62 =	vld.idx.msk [tilespmem:v62+s2+$0x0], $0xffff  }
0x9e: {  	v63 =	vand.u32 $0xFFFFFFF8, v38;
	v5 =	vld.idx.msk [tilespmem:v5+s2+$0x0], $0xffff  }
0x9f: {  	v8 =	vor.u32 $0x7, v38;
	v7 =	vor.u32 $0x6, v63;
	vm6 =	veq.s32 v63, $0x0;
	v52 =	vld.idx.msk [tilespmem:v52+s2+$0x0], $0xffff  }
0xa0: {  	vm7 =	veq.s32 v63, $0x8;
	vm8 =	veq.s32 v63, $0x10;
	vm10 =	vge.f32 v60, v55  }
0xa1: {  	vm9 =	veq.s32 v63, $0x18;
	vm11 =	vge.f32 v58, v59;
	vm2 =	vmneg vm10  }
0xa2: {  	v58 =	vsel vm11, v58, v59;
	v59 =	vsel vm11, $0x2, v2;
	vm10 =	veq.s32 v63, $0x20  }
0xa3: {  	vm11 =	veq.s32 v63, $0x28;
	v55 =	vsel vm2, v55, v60;
	v60 =	vsel vm2, $0x1, v1  }
0xa4: {  	vm12 =	vge.f32 v5, v61;
	vm14 =	vge.f32 v55, v58;
	vm13 =	vge.f32 v62, v52  }
0xa5: {  	v9 =	vsel vm12, $0x4, v3;
	v5 =	vsel vm12, v5, v61;
	v52 =	vsel vm13, v62, v52  }
0xa6: {  	v9 =	vor.u32 v9, v63;
	v7 =	vsel vm13, v7, v8;
	vm15 =	vge.f32 v5, v52  }
0xa7: {  	v8 =	vsel vm14, v55, v58;
	v58 =	vsel vm14, v60, v59;
	v5 =	vsel vm15, v5, v52  }
0xa8: {  	v59 =	vor.u32 v58, v63;
	v7 =	vsel vm15, v9, v7;
	vm5 =	vge.f32 v8, v5  }
0xa9: {  	vm12 =	veq.s32 v63, $0x30;
	v5 =	vsel vm5, v8, v5;
	v7 =	vsel vm5, v59, v7  }
0xaa: {  	vm13 =	veq.s32 v63, $0x38;
	v6 =	vsel vm6, v5, v6;
	v8 =	vsel vm6, v7, v41  }
0xab: {  	v9 =	vsel vm7, v5, v56;
	v52 =	vsel vm7, v7, v57;
	v44 =	vsel vm8, v5, v44  }
0xac: {  	v55 =	vsel vm8, v7, v45;
	v56 =	vsel vm9, v5, v46;
	v47 =	vsel vm9, v7, v47  }
0xad: {  	v48 =	vsel vm10, v5, v48;
	v49 =	vsel vm10, v7, v49;
	v50 =	vsel vm11, v5, v50  }
0xae: {  	v51 =	vsel vm11, v7, v51;
	v53 =	vsel vm12, v5, v53;
	v54 =	vsel vm12, v7, v54  }
0xaf: {  	v0 =	vsel vm13, v5, v0;
	v4 =	vsel vm13, v7, v4;
	vm14 =	vge.f32 v6, v9  }
0xb0: {  	vm15 =	vge.f32 v44, v56;
	vm8 =	vge.f32 v48, v50;
	vm4 =	vge.f32 v53, v0  }
0xb1: {  	v5 =	vsel vm14, v6, v9;
	v7 =	vsel vm14, v8, v52;
	v41 =	vsel vm15, v44, v56  }
0xb2: {  	v57 =	vsel vm15, v55, v47;
	v46 =	vsel vm8, v48, v50;
	v58 =	vsel vm4, v53, v0  }
0xb3: {  	v59 =	vsel vm8, v49, v51;
	vm9 =	vge.f32 v5, v41;
	vm10 =	vge.f32 v46, v58  }
0xb4: {  	v60 =	vsel vm4, v54, v4;
	v45 =	vsel vm9, v5, v41;
	v46 =	vsel vm10, v46, v58  }
0xb5: {  	v5 =	vsel vm9, v7, v57;
	v7 =	vsel vm10, v59, v60;
	vm2 =	vge.f32 v45, v46  }
0xb6: {  	v41 =	vsel vm2, v5, v7  }
0xb7: {  	v5 =	vshll.u32 v41, $0x7  }
0xb8: {  	v5 =	vand.u32 $0x380, v5  }
0xb9: {  	v7 =	vshll.u32 v41, $0x8;
	v5 =	vor.u32 v5, v39  }
0xba: {  	v7 =	vand.u32 $0x7FFFF800, v7;
	v5 =	vor.u32 v40, v5  }
0xbb: {  	v5 =	vor.u32 v7, v5;
	v7 =	vor.u32 v39, v7  }
0xbc: {  	v7 =	vor.u32 v40, v7  }
0xbd: {  	v57 =	vor.u32 $0x80, v7  }
0xbe: {  	v58 =	vor.u32 $0x100, v7  }
0xbf: {  	v59 =	vor.u32 $0x180, v7  }
0xc0: {  	v61 =	vor.u32 $0x280, v7;
	[tilespmem:v5+s2+$0x0] =	vst.idx.msk $0xffff, v33  }
0xc1: {  	v62 =	vor.u32 $0x300, v7;
	v60 =	vld.idx.msk [tilespmem:v7+s2+$0x0], $0xffff  }
0xc2: {  	v5 =	vor.u32 $0x200, v7;
	v57 =	vld.idx.msk [tilespmem:v57+s2+$0x0], $0xffff  }
0xc3: {  	v7 =	vor.u32 $0x380, v7;
	v58 =	vld.idx.msk [tilespmem:v58+s2+$0x0], $0xffff  }
0xc4: {  	v59 =	vld.idx.msk [tilespmem:v59+s2+$0x0], $0xffff  }
0xc5: {  	v61 =	vld.idx.msk [tilespmem:v61+s2+$0x0], $0xffff  }
0xc6: {  	v62 =	vld.idx.msk [tilespmem:v62+s2+$0x0], $0xffff  }
0xc7: {  	v63 =	vand.u32 $0xFFFFFFF8, v41;
	v5 =	vld.idx.msk [tilespmem:v5+s2+$0x0], $0xffff  }
0xc8: {  	v11 =	vor.u32 $0x7, v41;
	v10 =	vor.u32 $0x6, v63;
	vm10 =	veq.s32 v63, $0x0;
	v7 =	vld.idx.msk [tilespmem:v7+s2+$0x0], $0xffff  }
0xc9: {  	vm6 =	veq.s32 v63, $0x30;
	vm11 =	vge.f32 v60, v57;
	vm12 =	vge.f32 v58, v59  }
0xca: {  	vm7 =	veq.s32 v63, $0x38;
	vm3 =	vmneg vm11;
	v58 =	vsel vm12, v58, v59  }
0xcb: {  	v59 =	vsel vm12, $0x2, v2;
	vm11 =	veq.s32 v63, $0x8;
	vm12 =	veq.s32 v63, $0x10  }
0xcc: {  	v57 =	vsel vm3, v57, v60;
	v60 =	vsel vm3, $0x1, v1;
	vm13 =	vge.f32 v5, v61  }
0xcd: {  	vm15 =	vge.f32 v57, v58;
	v12 =	vsel vm13, $0x4, v3;
	vm14 =	vge.f32 v62, v7  }
0xce: {  	v5 =	vsel vm13, v5, v61;
	v60 =	vsel vm15, v60, v59;
	v7 =	vsel vm14, v62, v7  }
0xcf: {  	vm13 =	veq.s32 v63, $0x18;
	v12 =	vor.u32 v12, v63;
	vm8 =	vge.f32 v5, v7  }
0xd0: {  	v10 =	vsel vm14, v10, v11;
	v11 =	vsel vm15, v57, v58;
	v5 =	vsel vm8, v5, v7  }
0xd1: {  	v7 =	vor.u32 v60, v63;
	v10 =	vsel vm8, v12, v10;
	vm9 =	vge.f32 v11, v5  }
0xd2: {  	vm14 =	veq.s32 v63, $0x20;
	v5 =	vsel vm9, v11, v5;
	v7 =	vsel vm9, v7, v10  }
0xd3: {  	vm15 =	veq.s32 v63, $0x28;
	v6 =	vsel vm10, v5, v6;
	v8 =	vsel vm10, v7, v8  }
0xd4: {  	v9 =	vsel vm11, v5, v9;
	v10 =	vsel vm11, v7, v52;
	v11 =	vsel vm12, v5, v44  }
0xd5: {  	v12 =	vsel vm12, v7, v55;
	v52 =	vsel vm13, v5, v56;
	v47 =	vsel vm13, v7, v47  }
0xd6: {  	v55 =	vsel vm14, v5, v48;
	v56 =	vsel vm14, v7, v49;
	v50 =	vsel vm15, v5, v50  }
0xd7: {  	v51 =	vsel vm15, v7, v51;
	v53 =	vsel vm6, v5, v53;
	v54 =	vsel vm6, v7, v54  }
0xd8: {  	v0 =	vsel vm7, v5, v0;
	v4 =	vsel vm7, v7, v4;
	vm8 =	vge.f32 v6, v9  }
0xd9: {  	vm9 =	vge.f32 v11, v52;
	vm10 =	vge.f32 v55, v50;
	vm5 =	vge.f32 v53, v0  }
0xda: {  	v5 =	vsel vm8, v6, v9;
	v7 =	vsel vm8, v8, v10;
	v44 =	vsel vm9, v11, v52  }
0xdb: {  	v57 =	vsel vm9, v12, v47;
	v49 =	vsel vm10, v55, v50;
	v58 =	vsel vm5, v53, v0  }
0xdc: {  	v59 =	vsel vm10, v56, v51;
	vm11 =	vge.f32 v5, v44;
	vm12 =	vge.f32 v49, v58  }
0xdd: {  	v60 =	vsel vm5, v54, v4;
	v48 =	vsel vm11, v5, v44;
	v49 =	vsel vm12, v49, v58  }
0xde: {  	v5 =	vsel vm11, v7, v57;
	v7 =	vsel vm12, v59, v60;
	vm3 =	vge.f32 v48, v49  }
0xdf: {  	v44 =	vsel vm3, v5, v7  }
0xe0: {  	v5 =	vshll.u32 v44, $0x7  }
0xe1: {  	v5 =	vand.u32 $0x380, v5  }
0xe2: {  	v7 =	vshll.u32 v44, $0x8;
	v5 =	vor.u32 v5, v39  }
0xe3: {  	v7 =	vand.u32 $0x7FFFF800, v7;
	v5 =	vor.u32 v40, v5  }
0xe4: {  	v5 =	vor.u32 v7, v5;
	v7 =	vor.u32 v39, v7  }
0xe5: {  	v7 =	vor.u32 v40, v7  }
0xe6: {  	v57 =	vor.u32 $0x80, v7  }
0xe7: {  	v58 =	vor.u32 $0x100, v7  }
0xe8: {  	v59 =	vor.u32 $0x180, v7  }
0xe9: {  	v61 =	vor.u32 $0x280, v7;
	[tilespmem:v5+s2+$0x0] =	vst.idx.msk $0xffff, v33  }
0xea: {  	v5 =	vor.u32 $0x200, v7;
	v60 =	vld.idx.msk [tilespmem:v7+s2+$0x0], $0xffff  }
0xeb: {  	v62 =	vor.u32 $0x300, v7;
	v57 =	vld.idx.msk [tilespmem:v57+s2+$0x0], $0xffff  }
0xec: {  	v7 =	vor.u32 $0x380, v7;
	v58 =	vld.idx.msk [tilespmem:v58+s2+$0x0], $0xffff  }
0xed: {  	v59 =	vld.idx.msk [tilespmem:v59+s2+$0x0], $0xffff  }
0xee: {  	v61 =	vld.idx.msk [tilespmem:v61+s2+$0x0], $0xffff  }
0xef: {  	v5 =	vld.idx.msk [tilespmem:v5+s2+$0x0], $0xffff  }
0xf0: {  	v63 =	vand.u32 $0xFFFFFFF8, v44;
	v62 =	vld.idx.msk [tilespmem:v62+s2+$0x0], $0xffff  }
0xf1: {  	v14 =	vor.u32 $0x7, v44;
	v13 =	vor.u32 $0x6, v63;
	v7 =	vld.idx.msk [tilespmem:v7+s2+$0x0], $0xffff;
	vm13 =	vge.f32 v60, v57  }
0xf2: {  	vm12 =	veq.s32 v63, $0x0;
	vm14 =	vge.f32 v58, v59;
	vm4 =	vmneg vm13  }
0xf3: {  	v58 =	vsel vm14, v58, v59;
	v59 =	vsel vm14, $0x2, v2;
	vm13 =	veq.s32 v63, $0x8  }
0xf4: {  	vm14 =	veq.s32 v63, $0x10;
	v57 =	vsel vm4, v57, v60;
	vm15 =	vge.f32 v5, v61  }
0xf5: {  	v60 =	vsel vm4, $0x1, v1;
	vm9 =	vge.f32 v57, v58;
	v15 =	vsel vm15, $0x4, v3  }
0xf6: {  	vm8 =	vge.f32 v62, v7;
	v5 =	vsel vm15, v5, v61;
	v61 =	vsel vm9, v60, v59  }
0xf7: {  	vm15 =	veq.s32 v63, $0x18;
	v15 =	vor.u32 v15, v63;
	v7 =	vsel vm8, v62, v7  }
0xf8: {  	v13 =	vsel vm8, v13, v14;
	v14 =	vsel vm9, v57, v58;
	vm10 =	vge.f32 v5, v7  }
0xf9: {  	vm8 =	veq.s32 v63, $0x20;
	vm9 =	veq.s32 v63, $0x28;
	v5 =	vsel vm10, v5, v7  }
0xfa: {  	v7 =	vor.u32 v61, v63;
	v13 =	vsel vm10, v15, v13;
	vm11 =	vge.f32 v14, v5  }
0xfb: {  	vm10 =	veq.s32 v63, $0x30;
	v5 =	vsel vm11, v14, v5;
	v7 =	vsel vm11, v7, v13  }
0xfc: {  	vm11 =	veq.s32 v63, $0x38;
	v6 =	vsel vm12, v5, v6;
	v8 =	vsel vm12, v7, v8  }
0xfd: {  	v9 =	vsel vm13, v5, v9;
	v10 =	vsel vm13, v7, v10;
	v11 =	vsel vm14, v5, v11  }
0xfe: {  	v12 =	vsel vm14, v7, v12;
	v13 =	vsel vm15, v5, v52;
	v14 =	vsel vm15, v7, v47  }
0xff: {  	v15 =	vsel vm8, v5, v55;
	v55 =	vsel vm8, v7, v56;
	v50 =	vsel vm9, v5, v50  }
0x100: {  	v56 =	vsel vm9, v7, v51;
	v53 =	vsel vm10, v5, v53;
	v54 =	vsel vm10, v7, v54  }
0x101: {  	v0 =	vsel vm11, v5, v0;
	v4 =	vsel vm11, v7, v4;
	vm12 =	vge.f32 v6, v9  }
0x102: {  	vm13 =	vge.f32 v11, v13;
	vm14 =	vge.f32 v15, v50;
	vm6 =	vge.f32 v53, v0  }
0x103: {  	v5 =	vsel vm12, v6, v9;
	v7 =	vsel vm12, v8, v10;
	v47 =	vsel vm13, v11, v13  }
0x104: {  	v57 =	vsel vm13, v12, v14;
	v52 =	vsel vm14, v15, v50;
	v58 =	vsel vm6, v53, v0  }
0x105: {  	v59 =	vsel vm14, v55, v56;
	vm15 =	vge.f32 v5, v47;
	vm8 =	vge.f32 v52, v58  }
0x106: {  	v60 =	vsel vm6, v54, v4;
	v51 =	vsel vm15, v5, v47;
	v52 =	vsel vm8, v52, v58  }
0x107: {  	v5 =	vsel vm15, v7, v57;
	v7 =	vsel vm8, v59, v60;
	vm4 =	vge.f32 v51, v52  }
0x108: {  	v47 =	vsel vm4, v5, v7  }
0x109: {  	v5 =	vshll.u32 v47, $0x7  }
0x10a: {  	v5 =	vand.u32 $0x380, v5  }
0x10b: {  	v7 =	vshll.u32 v47, $0x8;
	v5 =	vor.u32 v5, v39  }
0x10c: {  	v7 =	vand.u32 $0x7FFFF800, v7;
	v5 =	vor.u32 v40, v5  }
0x10d: {  	v5 =	vor.u32 v7, v5;
	v7 =	vor.u32 v39, v7  }
0x10e: {  	v7 =	vor.u32 v40, v7  }
0x10f: {  	v57 =	vor.u32 $0x80, v7  }
0x110: {  	v58 =	vor.u32 $0x100, v7  }
0x111: {  	v59 =	vor.u32 $0x180, v7  }
0x112: {  	v61 =	vor.u32 $0x280, v7;
	[tilespmem:v5+s2+$0x0] =	vst.idx.msk $0xffff, v33  }
0x113: {  	v5 =	vor.u32 $0x200, v7;
	v60 =	vld.idx.msk [tilespmem:v7+s2+$0x0], $0xffff  }
0x114: {  	v62 =	vor.u32 $0x300, v7;
	v57 =	vld.idx.msk [tilespmem:v57+s2+$0x0], $0xffff  }
0x115: {  	v7 =	vor.u32 $0x380, v7;
	v58 =	vld.idx.msk [tilespmem:v58+s2+$0x0], $0xffff  }
0x116: {  	v59 =	vld.idx.msk [tilespmem:v59+s2+$0x0], $0xffff  }
0x117: {  	v61 =	vld.idx.msk [tilespmem:v61+s2+$0x0], $0xffff  }
0x118: {  	v5 =	vld.idx.msk [tilespmem:v5+s2+$0x0], $0xffff  }
0x119: {  	v63 =	vand.u32 $0xFFFFFFF8, v47;
	v62 =	vld.idx.msk [tilespmem:v62+s2+$0x0], $0xffff  }
0x11a: {  	v17 =	vor.u32 $0x7, v47;
	v16 =	vor.u32 $0x6, v63;
	v7 =	vld.idx.msk [tilespmem:v7+s2+$0x0], $0xffff;
	vm9 =	vge.f32 v60, v57  }
0x11b: {  	vm8 =	veq.s32 v63, $0x0;
	vm10 =	vge.f32 v58, v59;
	vm5 =	vmneg vm9  }
0x11c: {  	v58 =	vsel vm10, v58, v59;
	v59 =	vsel vm10, $0x2, v2;
	vm9 =	veq.s32 v63, $0x8  }
0x11d: {  	vm10 =	veq.s32 v63, $0x10;
	v57 =	vsel vm5, v57, v60;
	vm11 =	vge.f32 v5, v61  }
0x11e: {  	v60 =	vsel vm5, $0x1, v1;
	vm13 =	vge.f32 v57, v58;
	v18 =	vsel vm11, $0x4, v3  }
0x11f: {  	vm12 =	vge.f32 v62, v7;
	v5 =	vsel vm11, v5, v61;
	vm11 =	veq.s32 v63, $0x18  }
0x120: {  	v18 =	vor.u32 v18, v63;
	v7 =	vsel vm12, v62, v7;
	v16 =	vsel vm12, v16, v17  }
0x121: {  	v17 =	vsel vm13, v57, v58;
	v62 =	vsel vm13, v60, v59;
	vm14 =	vge.f32 v5, v7  }
0x122: {  	vm12 =	veq.s32 v63, $0x20;
	vm13 =	veq.s32 v63, $0x28;
	v5 =	vsel vm14, v5, v7  }
0x123: {  	v7 =	vor.u32 v62, v63;
	v16 =	vsel vm14, v18, v16;
	vm15 =	vge.f32 v17, v5  }
0x124: {  	vm14 =	veq.s32 v63, $0x30;
	v5 =	vsel vm15, v17, v5;
	v7 =	vsel vm15, v7, v16  }
0x125: {  	vm15 =	veq.s32 v63, $0x38;
	v6 =	vsel vm8, v5, v6;
	v8 =	vsel vm8, v7, v8  }
0x126: {  	v9 =	vsel vm9, v5, v9;
	v10 =	vsel vm9, v7, v10;
	v11 =	vsel vm10, v5, v11  }
0x127: {  	v12 =	vsel vm10, v7, v12;
	v13 =	vsel vm11, v5, v13;
	v14 =	vsel vm11, v7, v14  }
0x128: {  	v15 =	vsel vm12, v5, v15;
	v16 =	vsel vm12, v7, v55;
	v17 =	vsel vm13, v5, v50  }
0x129: {  	v18 =	vsel vm13, v7, v56;
	v59 =	vsel vm14, v5, v53;
	v60 =	vsel vm14, v7, v54  }
0x12a: {  	v0 =	vsel vm15, v5, v0;
	v4 =	vsel vm15, v7, v4;
	vm8 =	vge.f32 v6, v9  }
0x12b: {  	vm9 =	vge.f32 v11, v13;
	vm10 =	vge.f32 v15, v17;
	vm7 =	vge.f32 v59, v0  }
0x12c: {  	v5 =	vsel vm8, v6, v9;
	v7 =	vsel vm8, v8, v10;
	v63 =	vsel vm9, v11, v13  }
0x12d: {  	v53 =	vsel vm9, v12, v14;
	v54 =	vsel vm10, v15, v17;
	v55 =	vsel vm7, v59, v0  }
0x12e: {  	v56 =	vsel vm10, v16, v18;
	vm11 =	vge.f32 v5, v63;
	vm12 =	vge.f32 v54, v55  }
0x12f: {  	v57 =	vsel vm7, v60, v4;
	v62 =	vsel vm11, v5, v63;
	v63 =	vsel vm12, v54, v55  }
0x130: {  	v5 =	vsel vm11, v7, v53;
	v7 =	vsel vm12, v56, v57;
	vm5 =	vge.f32 v62, v63  }
0x131: {  	v50 =	vsel vm5, v5, v7  }
0x132: {  	v5 =	vshll.u32 v50, $0x7  }
0x133: {  	v5 =	vand.u32 $0x380, v5  }
0x134: {  	v7 =	vshll.u32 v50, $0x8;
	v5 =	vor.u32 v5, v39  }
0x135: {  	v7 =	vand.u32 $0x7FFFF800, v7;
	v5 =	vor.u32 v40, v5  }
0x136: {  	v5 =	vor.u32 v7, v5;
	v7 =	vor.u32 v39, v7  }
0x137: {  	v7 =	vor.u32 v40, v7  }
0x138: {  	v61 =	vor.u32 $0x80, v7  }
0x139: {  	v54 =	vor.u32 $0x100, v7  }
0x13a: {  	v55 =	vor.u32 $0x180, v7  }
0x13b: {  	v57 =	vor.u32 $0x280, v7;
	[tilespmem:v5+s2+$0x0] =	vst.idx.msk $0xffff, v33  }
0x13c: {  	v5 =	vor.u32 $0x200, v7;
	v56 =	vld.idx.msk [tilespmem:v7+s2+$0x0], $0xffff  }
0x13d: {  	v53 =	vld.idx.msk [tilespmem:v61+s2+$0x0], $0xffff;
	v61 =	vor.u32 $0x300, v7  }
0x13e: {  	v54 =	vld.idx.msk [tilespmem:v54+s2+$0x0], $0xffff;
	v7 =	vor.u32 $0x380, v7  }
0x13f: {  	v55 =	vld.idx.msk [tilespmem:v55+s2+$0x0], $0xffff  }
0x140: {  	v57 =	vld.idx.msk [tilespmem:v57+s2+$0x0], $0xffff  }
0x141: {  	v5 =	vld.idx.msk [tilespmem:v5+s2+$0x0], $0xffff  }
0x142: {  	v58 =	vld.idx.msk [tilespmem:v61+s2+$0x0], $0xffff  }
0x143: {  	v7 =	vld.idx.msk [tilespmem:v7+s2+$0x0], $0xffff;
	vm13 =	vge.f32 v56, v53  }
0x144: {  	v61 =	vand.u32 $0xFFFFFFF8, v50;
	vm14 =	vge.f32 v54, v55;
	vm6 =	vmneg vm13  }
0x145: {  	v54 =	vsel vm14, v54, v55;
	v55 =	vor.u32 $0x6, v61;
	vm11 =	veq.s32 v61, $0x0  }
0x146: {  	vm12 =	veq.s32 v61, $0x8;
	vm13 =	veq.s32 v61, $0x10;
	v53 =	vsel vm6, v53, v56  }
0x147: {  	v56 =	vor.u32 $0x7, v50;
	vm8 =	vge.f32 v5, v57;
	vm15 =	vge.f32 v53, v54  }
0x148: {  	v5 =	vsel vm8, v5, v57;
	v57 =	vsel vm6, $0x1, v1;
	vm9 =	vge.f32 v58, v7  }
0x149: {  	v53 =	vsel vm15, v53, v54;
	v7 =	vsel vm9, v58, v7;
	v58 =	vsel vm14, $0x2, v2  }
0x14a: {  	v55 =	vsel vm9, v55, v56;
	v56 =	vsel vm8, $0x4, v3;
	vm14 =	veq.s32 v61, $0x18  }
0x14b: {  	v56 =	vor.u32 v56, v61;
	vm9 =	vge.f32 v5, v7;
	v57 =	vsel vm15, v57, v58  }
0x14c: {  	vm15 =	veq.s32 v61, $0x20;
	v5 =	vsel vm9, v5, v7;
	v7 =	vor.u32 v57, v61  }
0x14d: {  	v58 =	vsel vm9, v56, v55;
	vm9 =	veq.s32 v61, $0x28;
	vm10 =	vge.f32 v53, v5  }
0x14e: {  	v5 =	vsel vm10, v53, v5;
	v7 =	vsel vm10, v7, v58;
	vm10 =	veq.s32 v61, $0x30  }
0x14f: {  	v6 =	vsel vm11, v5, v6;
	v53 =	vsel vm11, v7, v8;
	v8 =	vsel vm12, v5, v9  }
0x150: {  	v54 =	vsel vm12, v7, v10;
	v9 =	vsel vm13, v5, v11;
	v55 =	vsel vm13, v7, v12  }
0x151: {  	v10 =	vsel vm14, v5, v13;
	v56 =	vsel vm14, v7, v14;
	v11 =	vsel vm15, v5, v15  }
0x152: {  	v57 =	vsel vm15, v7, v16;
	v12 =	vsel vm9, v5, v17;
	v58 =	vsel vm9, v7, v18  }
0x153: {  	v13 =	vsel vm10, v5, v59;
	v59 =	vsel vm10, v7, v60;
	vm11 =	veq.s32 v61, $0x38  }
0x154: {  	v0 =	vsel vm11, v5, v0;
	v60 =	vsel vm11, v7, v4;
	vm12 =	vge.f32 v6, v8  }
0x155: {  	vm13 =	vge.f32 v9, v10;
	vm14 =	vge.f32 v11, v12;
	v4 =	vsel vm12, v6, v8  }
0x156: {  	v5 =	vsel vm12, v53, v54;
	v7 =	vsel vm13, v9, v10;
	vm15 =	vge.f32 v13, v0  }
0x157: {  	v14 =	vsel vm13, v55, v56;
	v15 =	vsel vm14, v11, v12;
	v16 =	vsel vm15, v13, v0  }
0x158: {  	v17 =	vsel vm14, v57, v58;
	vm12 =	vge.f32 v4, v7;
	vm13 =	vge.f32 v15, v16  }
0x159: {  	v18 =	vsel vm15, v59, v60;
	v4 =	vsel vm12, v4, v7;
	v7 =	vsel vm13, v15, v16  }
0x15a: {  	v5 =	vsel vm12, v5, v14;
	v14 =	vsel vm13, v17, v18;
	vm7 =	vge.f32 v4, v7  }
0x15b: {  	v61 =	vsel vm7, v5, v14  }
0x15c: {  	v5 =	vshll.u32 v61, $0x7  }
0x15d: {  	v5 =	vand.u32 $0x380, v5  }
0x15e: {  	v14 =	vshll.u32 v61, $0x8;
	v5 =	vor.u32 v5, v39  }
0x15f: {  	v14 =	vand.u32 $0x7FFFF800, v14;
	v5 =	vor.u32 v40, v5  }
0x160: {  	v5 =	vor.u32 v14, v5;
	v14 =	vor.u32 v39, v14  }
0x161: {  	v14 =	vor.u32 v40, v14  }
0x162: {  	v15 =	vor.u32 $0x80, v14  }
0x163: {  	v16 =	vor.u32 $0x100, v14  }
0x164: {  	v17 =	vor.u32 $0x180, v14  }
0x165: {  	v39 =	vor.u32 $0x280, v14;
	[tilespmem:v5+s2+$0x0] =	vst.idx.msk $0xffff, v33  }
0x166: {  	v40 =	vor.u32 $0x300, v14;
	v18 =	vld.idx.msk [tilespmem:v14+s2+$0x0], $0xffff  }
0x167: {  	v5 =	vor.u32 $0x200, v14;
	v15 =	vld.idx.msk [tilespmem:v15+s2+$0x0], $0xffff  }
0x168: {  	v14 =	vor.u32 $0x380, v14;
	v16 =	vld.idx.msk [tilespmem:v16+s2+$0x0], $0xffff  }
0x169: {  	v17 =	vld.idx.msk [tilespmem:v17+s2+$0x0], $0xffff  }
0x16a: {  	v39 =	vld.idx.msk [tilespmem:v39+s2+$0x0], $0xffff  }
0x16b: {  	v40 =	vld.idx.msk [tilespmem:v40+s2+$0x0], $0xffff  }
0x16c: {  	v36 =	vsel vm0, v36, v37;
	v37 =	vsel vm1, v42, v43;
	v5 =	vld.idx.msk [tilespmem:v5+s2+$0x0], $0xffff  }
0x16d: {  	v46 =	vsel vm2, v45, v46;
	v4 =	vsel vm7, v4, v7;
	v7 =	vand.u32 $0xFFFFFFF8, v61;
	v14 =	vld.idx.msk [tilespmem:v14+s2+$0x0], $0xffff  }
0x16e: {  	v49 =	vsel vm3, v48, v49;
	vm8 =	veq.s32 v7, $0x0;
	vm14 =	vge.f32 v18, v15  }
0x16f: {  	vm9 =	veq.s32 v7, $0x8;
	vm7 =	veq.s32 v7, $0x10;
	vm13 =	vmneg vm14  }
0x170: {  	vm15 =	vge.f32 v16, v17;
	v15 =	vsel vm13, v15, v18;
	v18 =	vimm.s32 $0x0  }
0x171: {  	vm11 =	veq.s32 v7, $0x28;
	v16 =	vsel vm15, v16, v17;
	v18 =	vsel vm15, $0xFFFFFFFF, v18  }
0x172: {  	vm6 =	vge.f32 v5, v39;
	vm0 =	vge.f32 v15, v16;
	vm10 =	vge.f32 v40, v14  }
0x173: {  	[tilespmem:$0x1FFA0] =	vst v18;
	v5 =	vsel vm6, v5, v39;
	v18 =	vimm.s32 $0x0;
	v14 =	vsel vm10, v40, v14  }
0x174: {  	v17 =	vsel vm4, v51, v52;
	v18 =	vsel vm0, $0xFFFFFFFF, v18;
	vm4 =	vge.f32 v5, v14  }
0x175: {  	v15 =	vsel vm0, v15, v16;
	[tilespmem:$0x1FFB0] =	vst v18;
	v18 =	vimm.s32 $0x0;
	v5 =	vsel vm4, v5, v14  }
0x176: {  	v18 =	vsel vm4, $0xFFFFFFFF, v18;
	v14 =	vimm.s32 $0x0;
	vm0 =	vge.f32 v15, v5  }
0x177: {  	vm12 =	veq.s32 v7, $0x30;
	vm14 =	veq.s32 v7, $0x38;
	[tilespmem:$0x1FFC0] =	vst v18;
	v14 =	vsel vm0, $0xFFFFFFFF, v14  }
0x178: {  	v18 =	vsel vm5, v62, v63;
	v5 =	vsel vm0, v15, v5;
	[tilespmem:$0x1FFD0] =	vst v14;
	v14 =	vimm.s32 $0x0  }
0x179: {  	v15 =	vsub.f32 v37, v36;
	v6 =	vsel vm8, v5, v6;
	v14 =	vsel vm8, $0xFFFFFFFF, v14  }
0x17a: {  	v8 =	vsel vm9, v5, v8;
	v9 =	vsel vm7, v5, v9;
	[tilespmem:$0x1FFE0] =	vst v14;
	v14 =	vimm.s32 $0x0  }
0x17b: {  	v12 =	vsel vm11, v5, v12;
	v13 =	vsel vm12, v5, v13;
	v14 =	vsel vm9, $0xFFFFFFFF, v14  }
0x17c: {  	v0 =	vsel vm14, v5, v0;
	vm8 =	veq.s32 v7, $0x20;
	[tilespmem:$0x1FFF0] =	vst v14;
	v14 =	vsub.f32 v36, v36  }
0x17d: {  	vm15 =	vge.f32 v6, v8;
	vm3 =	vge.f32 v13, v0;
	vm9 =	veq.s32 v7, $0x18  }
0x17e: {  	v11 =	vsel vm8, v5, v11;
	v10 =	vsel vm9, v5, v10;
	v5 =	vmul.f32 $1.442695020e+00, v14  }
0x17f: {  	v6 =	vsel vm15, v6, v8;
	v8 =	vmul.f32 $1.442695020e+00, v15;
	v14 =	vsub.f32 v46, v36  }
0x180: {  	vm4 =	vge.f32 v11, v12;
	(erf) = vpow2.f32 v5;
	v5 =	vsub.f32 v49, v36  }
0x181: {  	vm5 =	vge.f32 v9, v10;
	(erf) = vpow2.f32 v8;
	v8 =	vmul.f32 $1.442695020e+00, v14  }
0x182: {  	v9 =	vsel vm5, v9, v10;
	v10 =	vsub.f32 v17, v36;
	v5 =	vmul.f32 $1.442695020e+00, v5  }
0x183: {  	v0 =	vsel vm3, v13, v0;
	v11 =	vsel vm4, v11, v12;
	(erf) = vpow2.f32 v8  }
0x184: {  	v8 =	vsub.f32 v18, v36;
	(erf) = vpow2.f32 v5;
	v5 =	vmul.f32 $1.442695020e+00, v10  }
0x185: {  	vm1 =	vge.f32 v11, v0;
	vm2 =	vge.f32 v6, v9  }
0x186: {  	v6 =	vsel vm2, v6, v9;
	(erf) = vpow2.f32 v5;
	v5 =	vmul.f32 $1.442695020e+00, v8  }
0x187: {  	v4 =	vsub.f32 v4, v36;
	v0 =	vsel vm1, v11, v0  }
0x188: {  	vm0 =	vge.f32 v6, v0  }
0x189: {  	v4 =	vmul.f32 $1.442695020e+00, v4;
	v0 =	vsel vm0, v6, v0;
	v6 =	vpop (erf)  }
0x18a: {  	v0 =	vsub.f32 v0, v36;
	(erf) = vpow2.f32 v5;
	v5 =	vpop (erf)  }
0x18b: {  	(erf) = vpow2.f32 v4;
	v4 =	vadd.f32 v5, v6  }
0x18c: {  	v0 =	vmul.f32 $1.442695020e+00, v0  }
0x18d: {  	v8 =	vpop (erf)  }
0x18e: {  	(erf) = vpow2.f32 v0;
	v0 =	vadd.f32 v8, v4  }
0x18f: {  	v4 =	vpop (erf)  }
0x190: {  	v0 =	vadd.f32 v4, v0  }
0x191: {  	v9 =	vpop (erf)  }
0x192: {  	v0 =	vadd.f32 v9, v0  }
0x193: {  	v10 =	vpop (erf)  }
0x194: {  	v0 =	vadd.f32 v10, v0  }
0x195: {  	v11 =	vpop (erf)  }
0x196: {  	v0 =	vadd.f32 v11, v0  }
0x197: {  	v12 =	vpop (erf)  }
0x198: {  	v0 =	vadd.f32 v12, v0;
	_ =	sdelay $0x1  }
0x199: {  	(erf) = vrcp.f32 v0;
	_ =	sdelay $0x6  }
0x19a: {  	v0 =	vshll.u32 v35, $0x3;
	_ =	sdelay $0x1  }
0x19b: {  	v14 =	vor.u32 $0x1, v0;
	v13 =	vpop (erf)  }
0x19c: {  	v6 =	vmul.f32 v13, v6  }
0x19d: {  	v15 =	vor.u32 $0x2, v0  }
0x19e: {  	v17 =	vld [tilespmem:$0x1FFA0];
	v5 =	vmul.f32 v13, v5;
	[tilespmem:v0+s10+$0x0] =	vst.idx.msk $0xffff, v6  }
0x19f: {  	v62 =	vld [tilespmem:$0x1FFB0];
	[tilespmem:v0+s11+$0x0] =	vst.idx.msk $0xffff, v34  }
0x1a0: {  	v63 =	vld [tilespmem:$0x1FFC0];
	v6 =	vor.u32 $0x3, v0;
	[tilespmem:v14+s10+$0x0] =	vst.idx.msk $0xffff, v5;
	v5 =	vmul.f32 v13, v8  }
0x1a1: {  	[tilespmem:v14+s11+$0x0] =	vst.idx.msk $0xffff, v38  }
0x1a2: {  	v16 =	vor.u32 $0x6, v7;
	v4 =	vmul.f32 v13, v4;
	[tilespmem:v15+s10+$0x0] =	vst.idx.msk $0xffff, v5;
	v5 =	vor.u32 $0x7, v61  }
0x1a3: {  	v8 =	vsel vm13, $0x1, v1;
	v5 =	vsel vm10, v16, v5;
	vm10 =	vnez.u8 v17  }
0x1a4: {  	vm13 =	vnez.u8 v62;
	v16 =	vsel vm6, $0x4, v3;
	[tilespmem:v15+s11+$0x0] =	vst.idx.msk $0xffff, v41;
	v17 =	vsel vm10, $0x2, v2  }
0x1a5: {  	[tilespmem:v6+s10+$0x0] =	vst.idx.msk $0xffff, v4;
	v4 =	vor.u32 v16, v7;
	vm10 =	vnez.u8 v63;
	v8 =	vsel vm13, v8, v17  }
0x1a6: {  	v14 =	vor.u32 $0x4, v0;
	v4 =	vsel vm10, v4, v5;
	v5 =	vor.u32 v8, v7;
	v7 =	vld [tilespmem:$0x1FFD0];
	_ =	sdelay $0x1  }
0x1a7: {  	v15 =	vor.u32 $0x5, v0  }
0x1a8: {  	v9 =	vmul.f32 v13, v9  }
0x1a9: {  	[tilespmem:v6+s11+$0x0] =	vst.idx.msk $0xffff, v44  }
0x1aa: {  	v6 =	vmul.f32 v13, v10;
	[tilespmem:v14+s10+$0x0] =	vst.idx.msk $0xffff, v9;
	vm13 =	vnez.u8 v7;
	v7 =	vld [tilespmem:$0x1FFF0]  }
0x1ab: {  	[tilespmem:v14+s11+$0x0] =	vst.idx.msk $0xffff, v47;
	v4 =	vsel vm13, v5, v4;
	v5 =	vld [tilespmem:$0x1FFE0]  }
0x1ac: {  	[tilespmem:v15+s10+$0x0] =	vst.idx.msk $0xffff, v6;
	v6 =	vor.u32 $0x6, v0  }
0x1ad: {  	v18 =	vimm.s32 $0x23;
	v11 =	vmul.f32 v13, v11;
	v16 =	vimm.s32 $0x1F  }
0x1ae: {  	v17 =	vimm.s32 $0x21;
	v0 =	vor.u32 $0x7, v0;
	v8 =	vsel vm7, v4, v55  }
0x1af: {  	v9 =	vsel vm9, v4, v56;
	v10 =	vsel vm8, v4, v57;
	v14 =	vsel vm11, v4, v58  }
0x1b0: {  	[tilespmem:v15+s11+$0x0] =	vst.idx.msk $0xffff, v50;
	v15 =	vsel vm12, v4, v59;
	vm13 =	vnez.u8 v7;
	vm10 =	vnez.u8 v5  }
0x1b1: {  	[tilespmem:v6+s10+$0x0] =	vst.idx.msk $0xffff, v11;
	v11 =	vimm.s32 $0x15;
	v7 =	vsel vm13, v4, v54;
	v5 =	vsel vm10, v4, v53  }
0x1b2: {  	[tilespmem:v6+s11+$0x0] =	vst.idx.msk $0xffff, v61;
	v6 =	vimm.s32 $0xB;
	v4 =	vsel vm14, v4, v60;
	v5 =	vsel vm15, v5, v7  }
0x1b3: {  	p0 =	sne.s32 s14, $0xF0;
	v7 =	vsel vm5, v8, v9;
	v8 =	vsel vm4, v10, v14;
	v14 =	vimm.s32 $0x1B  }
.Ltmp0:
0x1b4: {  	v10 =	vimm.s32 $0x13;
	v4 =	vsel vm3, v15, v4;
	v15 =	vimm.s32 $0x1D;
	(pc) =	sbr.rel @p0 .LBB2_2-.Ltmp0, $4  }
0x1b5: {  	v9 =	vmul.f32 v13, v12;
	v13 =	vimm.s32 $0x19;
	v12 =	vimm.s32 $0x17  }
0x1b6: {  	v5 =	vsel vm2, v5, v7;
	v7 =	vimm.s32 $0xD;
	v4 =	vsel vm1, v8, v4  }
0x1b7: {  	v8 =	vimm.s32 $0xF;
	v4 =	vsel vm0, v5, v4;
	v5 =	vimm.s32 $0x9;
	[tilespmem:v0+s10+$0x0] =	vst.idx.msk $0xffff, v9  }
0x1b8: {  	s13 =	sadd.s32 $0x80, s13;
	s14 =	sadd.s32 $0x10, s14;
	v9 =	vimm.s32 $0x11;
	[tilespmem:v0+s11+$0x0] =	vst.idx.msk $0xffff, v4;
	v4 =	vimm.s32 $0x7;
	v0 =	vlaneseq.u32  }
0x1b9: {  	[hbm4b:s4+s2] =	stream.linear.scatter [tilespmem:s10], [sflag:$0x1], $0x800, $0x38;
	[tilespmem:$0x5000] =	vst v63  }
0x1ba: {  	s12 =	sadd.s32 $0x1, s12;
	_ =	swait.ge [sflag:s9], $0x800  }
0x1bb: {  	p0 =	sne.s32 s12, s6;
	[sflag:s9] =	ssyncset.done $0x0  }
.Ltmp1:
0x1bc: {  	[sflag:s9] =	ssyncadd.s32 $0xFFFFF800;
	(pc) =	sbr.rel @p0 .LBB2_1-.Ltmp1, $4  }
0x1bd: {  	[hbm4b:s5+s2] =	stream.linear.scatter [tilespmem:s11], [sflag:$0x1], $0x800, $0x38;
	[tilespmem:$0x5000] =	vst v63  }
0x1be: {  	_ =	swait.ge [sflag:s9], $0x800  }
0x1bf: {  	[sflag:s9] =	ssyncset.done $0x0  }
0x1c0: {  	[sflag:s9] =	ssyncadd.s32 $0xFFFFF800  }
0x1c1: {  	_ =	sfence.sel $0x180000  }
0x1c2: {  	[bflag:$0x0] =	sbarrier.arrive $0xFFFF  }
0x1c3: {  	p0 =	sne.s32 s0, $0x0;
	_ =	strace $0x90000047  }
0x1c4: {  	s0 =	sadd.s32 @!p0 $0x100000, s1;
	[bflag:$0x2] =	sbarrier.arrive $0xFFFF  }
0x1c5: {  	[sflag:s0] =	ssyncadd.tile.s32 @!p0 $0x1;
	_ =	shalt  }
.Lfunc_end2:
_tile_overlayer_lowered:
.L_overlay_start_2:
0x1c6: {  	(tag) =	ssettag $0x2  }
0x1c7: {  	s0 =	rddreg [dreg:$0x0];
	s2 =	stileid.u32  }
0x1c8: {  	s1 =	rddreg [dreg:$0x1];
	p0 =	sne.s32 s2, $0x0  }
0x1c9: {  	s3 =	rddreg [dreg:$0x2];
	[bflag:$0x3] =	sbarrier.arrive $0xFFFF;
	s2 =	simm.s32 @!p0 $0x1C01  }
0x1ca: {  	[timem:s3], [sflag:s2] =	dma.local @!p0 [hbm:s0], s1  }
0x1cb: {  	s0 =	simm.s32 @!p0 $0x1  }
0x1cc: {  	_ =	swait.ge @!p0 [sflag:s0], s1  }
0x1cd: {  	s1 =	ssub.s32 @!p0 $0x0, s1;
	[sflag:s0] =	ssyncset.done @!p0 $0x0  }
0x1ce: {  	[sflag:s0] =	ssyncadd.s32 @!p0 s1  }
0x1cf: {  	[bflag:$0x3] =	sbarrier.arrive $0xFFFF  }
0x1d0: {  	_ =	shalt  }

// kernel: kernel.9.cloned.1.call-start
scs
__scs_entry_jumppad:
0x0: {  	(pc) =	sbr.rel $0x88, $3  }
0x1: {  	(tag) =	ssettag $0x0;
	lr =	simm.s32 $0x1  }
0x2: {  	[smem:$0x3F9F] =	sst lr;
	_ =	strace $0xD0000000  }
0x3: {  	_ = 	snop  }
0x4: {  	_ = 	snop  }
0x5: {  	_ = 	snop  }
0x6: {  	_ = 	snop  }
0x7: {  	_ = 	snop  }
__scs_overlays_trampoline_lowered:
0x8: {  	[smem:$0x3FAE] =	sst s0  }
0x9: {  	[smem:$0x3FAF] =	sst s1  }
0xa: {  	[smem:$0x3FB0] =	sst s2  }
0xb: {  	[smem:$0x3FB1] =	sst s3  }
0xc: {  	[smem:$0x3FB2] =	sst s4  }
0xd: {  	[smem:$0x3FB3] =	sst s5  }
0xe: {  	[smem:$0x3FB4] =	sst s6  }
0xf: {  	[smem:$0x3FB5] =	sst s7  }
0x10: {  	[smem:$0x3FB6] =	sst s8  }
0x11: {  	[smem:$0x3FB7] =	sst s9;
	s0 =	simm.s32 @!p0 $0x0  }
0x12: {  	s1 =	sld [smem:$0x3F9D];
	s0 =	simm.s32 @p0 $0x1  }
0x13: {  	[smem:$0x3FB8] =	sst s0;
	s0 =	simm.s32 @!p1 $0x0  }
0x14: {  	s2 =	sld [smem:$0x3F9C];
	s0 =	simm.s32 @p1 $0x1  }
0x15: {  	[smem:$0x3FB9] =	sst s0;
	s0 =	simm.s32 @!p2 $0x0  }
0x16: {  	s3 =	sld [smem:$0x3FDB];
	s0 =	simm.s32 @p2 $0x1  }
0x17: {  	s4 =	simm.s32 $0x1BF5;
	[smem:$0x3FBB] =	sst s0  }
0x18: {  	s0 =	sld [smem:$0x3F9E];
	_ =	swait.ge [sflag:s4], $0x0  }
0x19: {  	s7 =	sld [smem:$0x3F9F]  }
0x1a: {  	s8 =	sadd.s32 $0xFFFFE003, lr  }
0x1b: {  	s9 =	sadd.s32 $0xFFFFFEF7, lr;
	s5 =	simm.s32 $0xFFFFFFFF;
	p2 =	slt.u32 s8, $0xFFFFF086  }
0x1c: {  	p1 =	slt.u32 s9, $0xF7A;
	s5 =	simm.s32 @!p2 $0x0  }
0x1d: {  	s5 =	simm.s32 @p1 $0x1;
	p0 =	seq.s32 s7, s2  }
0x1e: {  	s7 =	smul.u32 @!p0 $0xF7A, s2;
	p2 =	seq.s32 @!p0 s5, $0x0  }
0x1f: {  	s9 =	smul.u32 $0xF7A, s1;
	s8 =	simm.s32 @!p0 $0x1BF5;
	p2 =	por !p2, p0  }
0x20: {  	[sflag:s8] =	ssyncset.s32 @!p0 $0xFFFFF086;
	s6 =	sadd.s32 @!p0 s3, s7;
	s7 =	simm.s32 @!p0 $0x108  }
0x21: {  	s3 =	sadd.s32 s3, s9;
	s6 =	sadd.s32 @!p0 $0x88, s6;
	s7 =	simm.s32 @p2 $0x1082  }
0x22: {  	[simem:s7], [sflag:s8] =	dma.local @!p0 [hbm:s6], $0xF7A  }
0x23: {  	s9 =	sor.u32 $0xD0000000, s2;
	s6 =	simm.s32 $0x108;
	_ =	swait.ge @!p0 [sflag:s8], $0x0  }
0x24: {  	s3 =	sadd.s32 $0x88, s3;
	s6 =	simm.s32 @!p1 $0x1082;
	[sflag:s4] =	ssyncset.s32 $0xFFFFF086  }
0x25: {  	[simem:s6], [sflag:s4] =	dma.local [hbm:s3], $0xF7A  }
0x26: {  	[smem:$0x3F9F] =	sst s1;
	(tag) =	ssettag s2;
	_ =	strace s9  }
0x27: {  	s1 =	sld [smem:$0x3FAF]  }
0x28: {  	s2 =	sld [smem:$0x3FB0]  }
0x29: {  	s4 =	sld [smem:$0x3FB2]  }
0x2a: {  	p0 =	seq.s32 s5, $0x0;
	s5 =	sld [smem:$0x3FB3]  }
0x2b: {  	s6 =	sld [smem:$0x3FB4]  }
0x2c: {  	s7 =	sld [smem:$0x3FB5]  }
0x2d: {  	s3 =	simm.s32 $0x108;
	s8 =	sld [smem:$0x3FB6]  }
0x2e: {  	s3 =	simm.s32 @!p0 $0x1082;
	s9 =	sld [smem:$0x3FB7]  }
0x2f: {  	lr =	sadd.s32 s0, s3;
	s0 =	sld [smem:$0x3FAE]  }
0x30: {  	s3 =	sld [smem:$0x3FB1]  }
0x31: {  	[smem:$0x3FBA] =	sst s10  }
0x32: {  	s10 =	sld [smem:$0x3FB8];
	_ =	sdelay $0x3  }
0x33: {  	p0 =	seq.s32 s10, $0x1;
	s10 =	sld [smem:$0x3FBA];
	_ =	sdelay $0x3  }
0x34: {  	[smem:$0x3FBA] =	sst s10  }
0x35: {  	s10 =	sld [smem:$0x3FB9];
	_ =	sdelay $0x3  }
0x36: {  	p1 =	seq.s32 s10, $0x1;
	s10 =	sld [smem:$0x3FBA];
	_ =	sdelay $0x3  }
0x37: {  	[smem:$0x3FBA] =	sst s10  }
0x38: {  	s10 =	sld [smem:$0x3FBB]  }
0x39: {  	_ = 	snop;
	(pc) =	sbr.ind lr, $3  }
0x3a: {  	_ = 	snop  }
0x3b: {  	_ = 	snop  }
0x3c: {  	p2 =	seq.s32 s10, $0x1;
	s10 =	sld [smem:$0x3FBA]  }
0x3d: {  	_ =	shalt  }
0x3e: {  	_ =	shalt  }
0x3f: {  	_ =	shalt  }
0x40: {  	_ =	shalt  }
0x41: {  	_ =	shalt  }
0x42: {  	_ =	shalt  }
0x43: {  	_ =	shalt  }
0x44: {  	_ =	shalt  }
0x45: {  	_ =	shalt  }
0x46: {  	_ =	shalt  }
0x47: {  	_ =	shalt  }
0x48: {  	_ =	shalt  }
0x49: {  	_ =	shalt  }
0x4a: {  	_ =	shalt  }
0x4b: {  	_ =	shalt  }
0x4c: {  	_ =	shalt  }
0x4d: {  	_ =	shalt  }
0x4e: {  	_ =	shalt  }
0x4f: {  	_ =	shalt  }
0x50: {  	_ =	shalt  }
0x51: {  	_ =	shalt  }
0x52: {  	_ =	shalt  }
0x53: {  	_ =	shalt  }
0x54: {  	_ =	shalt  }
0x55: {  	_ =	shalt  }
0x56: {  	_ =	shalt  }
0x57: {  	_ =	shalt  }
0x58: {  	_ =	shalt  }
0x59: {  	_ =	shalt  }
0x5a: {  	_ =	shalt  }
0x5b: {  	_ =	shalt  }
0x5c: {  	_ =	shalt  }
0x5d: {  	_ =	shalt  }
0x5e: {  	_ =	shalt  }
0x5f: {  	_ =	shalt  }
0x60: {  	_ =	shalt  }
0x61: {  	_ =	shalt  }
0x62: {  	_ =	shalt  }
0x63: {  	_ =	shalt  }
0x64: {  	_ =	shalt  }
0x65: {  	_ =	shalt  }
0x66: {  	_ =	shalt  }
0x67: {  	_ =	shalt  }
0x68: {  	_ =	shalt  }
0x69: {  	_ =	shalt  }
0x6a: {  	_ =	shalt  }
0x6b: {  	_ =	shalt  }
0x6c: {  	_ =	shalt  }
0x6d: {  	_ =	shalt  }
0x6e: {  	_ =	shalt  }
0x6f: {  	_ =	shalt  }
0x70: {  	_ =	shalt  }
0x71: {  	_ =	shalt  }
0x72: {  	_ =	shalt  }
0x73: {  	_ =	shalt  }
0x74: {  	_ =	shalt  }
0x75: {  	_ =	shalt  }
0x76: {  	_ =	shalt  }
0x77: {  	_ =	shalt  }
0x78: {  	_ =	shalt  }
0x79: {  	_ =	shalt  }
0x7a: {  	_ =	shalt  }
0x7b: {  	_ =	shalt  }
0x7c: {  	_ =	shalt  }
0x7d: {  	_ =	shalt  }
0x7e: {  	_ =	shalt  }
0x7f: {  	_ =	shalt  }
0x80: {  	_ =	shalt  }
0x81: {  	_ =	shalt  }
0x82: {  	_ =	shalt  }
0x83: {  	_ =	shalt  }
0x84: {  	_ =	shalt  }
0x85: {  	_ =	shalt  }
0x86: {  	_ =	shalt  }
0x87: {  	_ =	shalt  }
.Lfunc_end0:
.L_simem_size_0:
called_computation.1_lowered:
.L_overlay_start_0:
0x88: {  	s2 =	sld [smem:$0x3FD9]  }
0x89: {  	s3 =	sld [smem:$0x3FFE];
	_ =	sdelay $0x1  }
0x8a: {  	s1 =	srdreg.scid  }
0x8b: {  	s0 =	sand.u32 $0x1, s1  }
0x8c: {  	s15 =	sshll.u32 s0, $0xA;
	s2 =	sadd.s32 s3, s2  }
0x8d: {  	s2 =	sadd.s32 s2, s15  }
0x8e: {  	[smem:$0x3FC6] =	sst s2  }
0x8f: {  	_ = 	snop  }
0x90: {  	s2 =	sld [smem:$0x3FD0];
	_ =	sdelay $0x2  }
0x91: {  	s4 =	simm.s32 $0xB;
	s16 =	simm.s32 $0x10  }
0x92: {  	[smem:s16], [sflag:s4] =	dma.local [hbm:s2], $0x1  }
0x93: {  	_ =	swait.eq [sflag:s4], $0x1  }
0x94: {  	[sflag:s4] =	ssyncset.done $0x0  }
0x95: {  	s17 =	sld [smem:$0x10];
	[sflag:s4] =	ssyncadd.s32 $0xFFFFFFFF  }
0x96: {  	s18 =	sld [smem:$0x11];
	(tm) =	ssettm $0x1  }
0x97: {  	s19 =	sld [smem:$0x3FFB];
	_ =	sdelay $0x3  }
0x98: {  	_ =	strace s19  }
0x99: {  	s2 =	sld [smem:$0x3FFC];
	_ =	sdelay $0x3  }
0x9a: {  	_ =	strace s2  }
0x9b: {  	s2 =	sld [smem:$0x3FFD];
	_ =	sdelay $0x3  }
0x9c: {  	_ =	strace s2  }
0x9d: {  	_ =	strace $0x8FFFFFFF  }
0x9e: {  	s20 =	sld [smem:$0x3FDB];
	_ =	sdelay $0x1  }
0x9f: {  	s5 =	simm.s32 $_scs_section_size  }
0xa0: {  	s6 =	simm.s32 $_size__tile_overlayer_lowered;
	s7 =	simm.s32 $_tile_overlayer_lowered  }
0xa1: {  	s8 =	simm.s32 $0x1BFF;
	s21 =	sshll.u32 s7, $0x1;
	s5 =	sadd.s32 s5, s20  }
0xa2: {  	s22 =	simm.s32 $0x0;
	s6 =	sshll.u32 s6, $0x1;
	s7 =	sadd.s32 s21, s5  }
0xa3: {  	[timem:s22], [sflag:s8] =	dma.local [hbm:s7], s6  }
0xa4: {  	_ =	swait.ge [sflag:s8], s6  }
0xa5: {  	s6 =	ssub.s32 $0x0, s6;
	[sflag:s8] =	ssyncset.done $0x0  }
0xa6: {  	[sflag:s8] =	ssyncadd.s32 s6;
	_ =	sdelay $0x1  }
0xa7: {  	s23 =	simm.s32 $0x1B8B  }
0xa8: {  	_ =	swait.ge [sflag:s23], $0x1  }
0xa9: {  	[sflag:s23] =	ssyncset.done $0x0  }
0xaa: {  	[sflag:s23] =	ssyncadd.s32 $0xFFFFFFFF  }
0xab: {  	s6 =	sld [smem:$0x0]  }
0xac: {  	s7 =	sand.u32 $0xFFFFFFFE, s1  }
0xad: {  	p0 =	sne.s32 s1, s7  }
0xae: {  	s7 =	sshll.u32 @p0 s7, $0xE  }
0xaf: {  	s7 =	sadd.s32 @p0 $0x11B8D, s7;
	s8 =	sshll.u32 @p0 s6, $0x11  }
0xb0: {  	s7 =	sor.u32 @p0 s8, s7  }
0xb1: {  	[sflag:s7] =	ssyncadd.remote.s32 @p0 $0x1;
	_ =	sdelay $0x1  }
0xb2: {  	s7 =	simm.s32 @p0 $0x1B8D  }
0xb3: {  	_ =	swait.eq @p0 [sflag:s7], $0x1  }
0xb4: {  	[sflag:s7] =	ssyncadd.s32 @p0 $0xFFFFFFFF  }
0xb5: {  	s8 =	sshll.u32 @!p0 s1, $0xE  }
0xb6: {  	s8 =	sor.u32 @!p0 $0x4000, s8;
	s7 =	simm.s32 @!p0 $0x1B8D  }
0xb7: {  	s6 =	sshll.u32 @!p0 s6, $0x11;
	s8 =	sadd.s32 @!p0 $0x11B8D, s8;
	_ =	swait.eq @!p0 [sflag:s7], $0x1  }
0xb8: {  	s6 =	sor.u32 @!p0 s6, s8;
	[sflag:s7] =	ssyncadd.s32 @!p0 $0xFFFFFFFF  }
0xb9: {  	s25 =	simm.s32 $0x1B8E;
	s24 =	sld [smem:$0x3FFE];
	[sflag:s6] =	ssyncadd.remote.s32 @!p0 $0x1  }
0xba: {  	s26 =	simm.s32 $execute0_lowered;
	[smem:$0x3FD2] =	sst s25  }
0xbb: {  	s7 =	sshll.u32 s26, $0x1;
	_ =	strace $0x80000049;
	[dreg:$0x1] =	wrdreg $0xFFFFFFFF  }
0xbc: {  	s28 =	simm.s32 $_size_execute0_lowered;
	s5 =	sadd.s32 s5, s7;
	[dreg:$0x0] =	wrdreg $0x0  }
0xbd: {  	s7 =	sshll.u32 s28, $0x1;
	[dreg:$0x2] =	wrdreg s5  }
0xbe: {  	[dreg:$0x3] =	wrdreg s7  }
0xbf: {  	[dreg:$0x4] =	wrdreg $0xC0  }
0xc0: {  	_ =	task [dreg:s22], $0x5FFFF  }
0xc1: {  	[dreg:$0x1] =	wrdreg $0xFFFFFFFF  }
0xc2: {  	[dreg:$0x0] =	wrdreg $0x60  }
0xc3: {  	[dreg:$0x2] =	wrdreg s24  }
0xc4: {  	[dreg:$0x3] =	wrdreg s18  }
0xc5: {  	[dreg:$0x4] =	wrdreg s17  }
0xc6: {  	[dreg:$0x5] =	wrdreg $0xA  }
0xc7: {  	_ =	task.clear_ibuf [dreg:s22], $0x6FFFF;
	_ =	strace $0x90000049  }
0xc8: {  	s29 =	simm.s32 $0xA;
	_ =	strace $0x8000004B  }
0xc9: {  	_ =	swait.ge [sflag:s29], $0x1  }
0xca: {  	[sflag:s29] =	ssyncadd.s32 $0xFFFFFFFF  }
0xcb: {  	_ =	strace $0x9000004B  }
0xcc: {  	_ =	sfence  }
0xcd: {  	s30 =	sld [smem:$0x0];
	_ =	sdelay $0x2  }
0xce: {  	s31 =	sshll.u32 s1, $0xD;
	s1 =	sshrl.u32 s1, $0x2  }
0xcf: {  	s4 =	sand.u32 $0x4000, s31;
	s1 =	sadd.s32 s1, s30  }
0xd0: {  	s0 =	sor.u32 s4, s0;
	s1 =	sshll.u32 s1, $0x11  }
0xd1: {  	s0 =	sor.u32 s1, s0  }
0xd2: {  	s0 =	sadd.s32 $0x8F2B, s0  }
0xd3: {  	[sflag:s0] =	ssyncadd.remote.s32 $0x1  }
0xd4: {  	_ =	sfence.sel $0xFFFF  }
0xd5: {  	[dreg:$0x0] =	wrdreg $0xFFFFFFFF;
	(pc) =	sbr.abs _section_cstart, $3  }
0xd6: {  	[dreg:$0x1] =	wrdreg $0xFFFFFFFF  }
0xd7: {  	_ =	task.clear_ibuf [dreg:s22], $0x2FFFF;
	_ =	strace $0x9FFFFFFF  }
0xd8: {  	(tm) =	ssettm $0x7FFFFFFF  }
0xd9: {  	_ =	shalt  }
tec
execute0_lowered:
.L_overlay_start_1:
0x0: {  	(tag) =	ssettag $0x1  }
0x1: {  	v0 =	vlaneseq.u32  }
0x2: {  	v1 =	vimm.s32 $0x0;
	v2 =	vimm.s32 $0x3;
	v3 =	vimm.s32 $0x5  }
0x3: {  	s3 =	rddreg [dreg:$0x0];
	v4 =	vimm.s32 $0x7;
	v5 =	vimm.s32 $0x9;
	v6 =	vimm.s32 $0xB  }
0x4: {  	s4 =	rddreg [dreg:$0x1];
	s1 =	srdreg.scid;
	v7 =	vimm.s32 $0xD;
	v8 =	vimm.s32 $0xF;
	v9 =	vimm.s32 $0x11  }
0x5: {  	s5 =	rddreg [dreg:$0x2];
	s0 =	stileid.u32;
	v10 =	vimm.s32 $0x13;
	v11 =	vimm.s32 $0x15;
	v12 =	vimm.s32 $0x17;
	s2 =	simm.s32 $0x0  }
0x6: {  	v13 =	vimm.s32 $0x19;
	v14 =	vimm.s32 $0x1B;
	v15 =	vimm.s32 $0x1D;
	s9 =	simm.s32 $0x1;
	s10 =	simm.s32 $0x4000;
	s11 =	simm.s32 $0x4800  }
0x7: {  	v16 =	vimm.s32 $0x1F;
	v17 =	vimm.s32 $0x21;
	v18 =	vimm.s32 $0x23;
	s12 =	simm.s32 $0x0;
	s6 =	sand.u32 $0x1, s1;
	s1 =	rddreg [dreg:$0x3]  }
0x8: {  	v19 =	vimm.s32 $0x25;
	v20 =	vimm.s32 $0x27;
	v21 =	vimm.s32 $0x29;
	s7 =	sshll.u32 s0, $0x9;
	[smem:$0x7FF] =	sst s2;
	s8 =	sshll.u32 s6, $0x8  }
0x9: {  	v22 =	vimm.s32 $0x2B;
	v23 =	vimm.s32 $0x2D;
	v24 =	vimm.s32 $0x2F;
	s6 =	ssub.s32 $0x2, s6;
	_ =	strace $0x8000004A;
	s7 =	sor.u32 s8, s7  }
0xa: {  	v25 =	vimm.s32 $0x31;
	v26 =	vimm.s32 $0x33;
	v27 =	vimm.s32 $0x35;
	s31 =	sshrl.u32 s6, $0x1;
	s8 =	simm.s32 $0x10000;
	s3 =	sadd.s32 s7, s3  }
0xb: {  	v28 =	vimm.s32 $0x37;
	v29 =	vimm.s32 $0x39;
	v30 =	vimm.s32 $0x3B;
	s6 =	ssub.s32 s6, s31;
	s4 =	sadd.s32 s4, s7;
	s5 =	sadd.s32 s5, s7  }
0xc: {  	v31 =	vimm.s32 $0x3D;
	v32 =	vimm.s32 $0x3F;
	v33 =	vimm.f32 $-Inf;
	s7 =	simm.s32 $0x800;
	s3 =	sadd.s32 $0x15A00, s3;
	s6 =	smax.u32 s6, $0x1  }
.LBB2_1:
0xd: {  	[tilespmem:s2], [sflag:$0x1] =	stream.strided.gather [hbm4b:s3+s7], $0x4000, s8, s7, $0x38;
	[tilespmem:$0x5000] =	vst v63  }
0xe: {  	_ =	swait.ge [sflag:s9], $0x4000  }
0xf: {  	[sflag:s9] =	ssyncset.done $0x0  }
0x10: {  	s13 =	simm.s32 $0x0;
	s14 =	simm.s32 $0x0;
	[sflag:s9] =	ssyncadd.s32 $0xFFFFC000  }
.LBB2_2:
0x11: {  	s15 =	sand.u32 $0x70, s14;
	s16 =	sand.u32 $0x400, s13  }
0x12: {  	s15 =	sor.u32 s15, s16  }
0x13: {  	v34 =	vld [tilespmem:s15+$0x0]  }
0x14: {  	v35 =	vld [tilespmem:s15+$0x80]  }
0x15: {  	v36 =	vld [tilespmem:s15+$0x100]  }
0x16: {  	v37 =	vld [tilespmem:s15+$0x180]  }
0x17: {  	v38 =	vld [tilespmem:s15+$0x200]  }
0x18: {  	s31 =	sor.u32 s13, s14;
	v39 =	vld [tilespmem:s15+$0x280]  }
0x19: {  	s16 =	sor.u32 $0x380, s31;
	v40 =	vld [tilespmem:s15+$0x300]  }
0x1a: {  	v41 =	vld [tilespmem:s16+$0x0]  }
0x1b: {  	v42 =	vld [tilespmem:s15+$0x800]  }
0x1c: {  	v43 =	vld [tilespmem:s15+$0x880]  }
0x1d: {  	v44 =	vld [tilespmem:s15+$0x900]  }
0x1e: {  	v45 =	vld [tilespmem:s15+$0x980]  }
0x1f: {  	v46 =	vld [tilespmem:s15+$0xA00]  }
0x20: {  	v47 =	vld [tilespmem:s15+$0xA80]  }
0x21: {  	v48 =	vld [tilespmem:s15+$0xB00]  }
0x22: {  	v49 =	vld [tilespmem:s15+$0xB80]  }
0x23: {  	v50 =	vld [tilespmem:s15+$0x1000]  }
0x24: {  	v51 =	vld [tilespmem:s15+$0x1080];
	_ =	sdelay $0x1  }
0x25: {  	vm0 =	vge.f32 v34, v35;
	vm15 =	vge.f32 v36, v37  }
0x26: {  	v52 =	vld [tilespmem:s15+$0x1100];
	vm1 =	vge.f32 v38, v39;
	vm2 =	vge.f32 v40, v41;
	vm7 =	vge.f32 v42, v43  }
0x27: {  	v54 =	vld [tilespmem:s15+$0x1280];
	vm8 =	vge.f32 v44, v45;
	vm9 =	vge.f32 v46, v47;
	vm10 =	vge.f32 v48, v49  }
0x28: {  	v56 =	vld [tilespmem:s15+$0x1900];
	vm14 =	vge.f32 v50, v51;
	vm0 =	vmneg vm0;
	v36 =	vsel vm15, v36, v37  }
0x29: {  	v57 =	vld [tilespmem:s15+$0x1A80];
	v53 =	vsel vm15, $0x2, v2;
	v38 =	vsel vm1, v38, v39;
	v60 =	vsel vm2, v40, v41  }
0x2a: {  	v37 =	vld [tilespmem:s15+$0x1180];
	v61 =	vsel vm1, $0x4, v3;
	v55 =	vsel vm2, $0x6, v4;
	v63 =	vsel vm8, v44, v45  }
0x2b: {  	v40 =	vld [tilespmem:s15+$0x1200];
	v58 =	vsel vm14, v50, v51;
	v34 =	vsel vm0, v35, v34;
	vm5 =	vge.f32 v38, v60  }
0x2c: {  	v39 =	vld [tilespmem:s15+$0x1300];
	v59 =	vsel vm0, $0x1, v1;
	vm4 =	vge.f32 v34, v36;
	v62 =	vsel vm5, v38, v60  }
0x2d: {  	v50 =	vld [tilespmem:s15+$0x2080];
	v41 =	vsel vm5, v61, v55;
	v60 =	vsel vm10, v48, v49;
	v61 =	vsel vm9, $0xC, v7  }
0x2e: {  	v51 =	vld [tilespmem:s15+$0x2100];
	v34 =	vsel vm4, v34, v36;
	v35 =	vsel vm4, v59, v53;
	v59 =	vsel vm9, v46, v47  }
0x2f: {  	v55 =	vld [tilespmem:s15+$0x1880];
	v36 =	vsel vm7, $0x8, v5;
	vm6 =	vge.f32 v34, v62;
	vm12 =	vge.f32 v59, v60  }
0x30: {  	v48 =	vld [tilespmem:s15+$0x1A00];
	v38 =	vsel vm6, v34, v62;
	v41 =	vsel vm6, v35, v41;
	v35 =	vsel vm7, v42, v43  }
0x31: {  	v53 =	vld [tilespmem:s15+$0x1380];
	v43 =	vsel vm8, $0xA, v6;
	v62 =	vsel vm10, $0xE, v8;
	vm15 =	vge.f32 v52, v37  }
0x32: {  	v46 =	vld [tilespmem:s15+$0x1980];
	vm4 =	vge.f32 v40, v54;
	vm11 =	vge.f32 v35, v63;
	v49 =	vsel vm12, v61, v62  }
0x33: {  	v47 =	vld [tilespmem:s15+$0x1B00];
	v37 =	vsel vm15, v52, v37;
	v40 =	vsel vm4, v40, v54;
	v61 =	vsel vm4, $0x14, v11  }
0x34: {  	v34 =	vld [tilespmem:s15+$0x1800];
	v35 =	vsel vm11, v35, v63;
	v63 =	vsel vm12, v59, v60;
	v36 =	vsel vm11, v36, v43  }
0x35: {  	v52 =	vld [tilespmem:s15+$0x2280];
	v59 =	vsel vm14, $0x10, v9;
	v60 =	vsel vm15, $0x12, v10;
	vm6 =	vge.f32 v58, v37  }
0x36: {  	v54 =	vld [tilespmem:s15+$0x2800];
	vm11 =	vge.f32 v48, v57;
	vm13 =	vge.f32 v35, v63;
	vm5 =	vge.f32 v39, v53  }
0x37: {  	vm10 =	vge.f32 v56, v46;
	v48 =	vsel vm11, v48, v57;
	v42 =	vsel vm13, v35, v63;
	v35 =	vld [tilespmem:s15+$0x1B80]  }
0x38: {  	v43 =	vsel vm13, v36, v49;
	v49 =	vld [tilespmem:s15+$0x2000];
	v39 =	vsel vm5, v39, v53;
	v62 =	vsel vm5, $0x16, v12  }
0x39: {  	v53 =	vld [tilespmem:s15+$0x2180];
	v36 =	vsel vm6, v58, v37;
	v58 =	vsel vm6, v59, v60;
	vm7 =	vge.f32 v40, v39  }
0x3a: {  	v46 =	vsel vm10, v56, v46;
	v56 =	vld [tilespmem:s15+$0x2880];
	vm9 =	vge.f32 v34, v55;
	v63 =	vsel vm7, v40, v39  }
0x3b: {  	v57 =	vld [tilespmem:s15+$0x2900];
	v59 =	vsel vm7, v61, v62;
	v34 =	vsel vm9, v34, v55;
	v60 =	vsel vm9, $0x18, v13  }
0x3c: {  	v39 =	vld [tilespmem:s15+$0x2200];
	v61 =	vsel vm10, $0x1A, v14;
	v62 =	vsel vm11, $0x1C, v15;
	vm8 =	vge.f32 v36, v63  }
0x3d: {  	v40 =	vld [tilespmem:s15+$0x2380];
	vm13 =	vge.f32 v34, v46;
	v44 =	vsel vm8, v36, v63;
	v45 =	vsel vm8, v58, v59  }
0x3e: {  	v36 =	vld [tilespmem:s15+$0x2300];
	v34 =	vsel vm13, v34, v46;
	v37 =	vsel vm13, v60, v61;
	vm12 =	vge.f32 v47, v35  }
0x3f: {  	v59 =	vld [tilespmem:s15+$0x2980];
	vm4 =	vge.f32 v49, v50;
	vm5 =	vge.f32 v51, v53;
	vm11 =	vge.f32 v54, v56  }
0x40: {  	v35 =	vsel vm12, v47, v35;
	v58 =	vsel vm12, $0x1E, v16;
	v63 =	vsel vm5, v51, v53  }
0x41: {  	v55 =	vld [tilespmem:s15+$0x2A00];
	v60 =	vsel vm5, $0x22, v18;
	vm14 =	vge.f32 v48, v35;
	vm6 =	vge.f32 v39, v52  }
0x42: {  	v51 =	vld [tilespmem:s15+$0x2B80];
	v35 =	vsel vm14, v48, v35;
	v47 =	vsel vm14, v62, v58;
	v39 =	vsel vm6, v39, v52  }
0x43: {  	v53 =	vld [tilespmem:s15+$0x3080];
	v61 =	vsel vm6, $0x24, v19;
	vm15 =	vge.f32 v34, v35;
	vm7 =	vge.f32 v36, v40  }
0x44: {  	vm12 =	vge.f32 v57, v59;
	v46 =	vsel vm15, v34, v35;
	v47 =	vsel vm15, v37, v47;
	v34 =	vld [tilespmem:s15+$0x2A80]  }
0x45: {  	v35 =	vsel vm4, v49, v50;
	v37 =	vsel vm4, $0x20, v17;
	v50 =	vld [tilespmem:s15+$0x2B00];
	v36 =	vsel vm7, v36, v40  }
0x46: {  	v40 =	vld [tilespmem:s15+$0x3000];
	v62 =	vsel vm7, $0x26, v20;
	vm8 =	vge.f32 v35, v63;
	vm9 =	vge.f32 v39, v36  }
0x47: {  	v52 =	vld [tilespmem:s15+$0x3180];
	v58 =	vsel vm12, $0x2A, v22;
	v35 =	vsel vm8, v35, v63;
	v36 =	vsel vm9, v39, v36  }
0x48: {  	v39 =	vld [tilespmem:s15+$0x3100];
	v37 =	vsel vm8, v37, v60;
	v63 =	vsel vm9, v61, v62;
	vm10 =	vge.f32 v35, v36  }
0x49: {  	v48 =	vsel vm10, v35, v36;
	v49 =	vsel vm10, v37, v63;
	v35 =	vld [tilespmem:s15+$0x3200];
	v36 =	vsel vm11, v54, v56  }
0x4a: {  	v37 =	vsel vm11, $0x28, v21;
	v54 =	vld [tilespmem:s15+$0x3280];
	v56 =	vsel vm12, v57, v59;
	vm13 =	vge.f32 v55, v34  }
0x4b: {  	v57 =	vld [tilespmem:s15+$0x3300];
	vm14 =	vge.f32 v50, v51;
	vm15 =	vge.f32 v36, v56;
	vm6 =	vge.f32 v40, v53  }
0x4c: {  	v59 =	vld [tilespmem:s15+$0x3800];
	v34 =	vsel vm13, v55, v34;
	v50 =	vsel vm14, v50, v51;
	v51 =	vsel vm13, $0x2C, v23  }
0x4d: {  	v55 =	vld [tilespmem:s15+$0x3380];
	v60 =	vsel vm14, $0x2E, v24;
	v36 =	vsel vm15, v36, v56;
	vm4 =	vge.f32 v34, v50  }
0x4e: {  	v56 =	vld [tilespmem:s15+$0x3880];
	v37 =	vsel vm15, v37, v58;
	vm7 =	vge.f32 v39, v52;
	v34 =	vsel vm4, v34, v50  }
0x4f: {  	v58 =	vld [tilespmem:s15+$0x3900];
	v51 =	vsel vm4, v51, v60;
	v39 =	vsel vm7, v39, v52;
	vm5 =	vge.f32 v36, v34  }
0x50: {  	v52 =	vld [tilespmem:s15+$0x3A80];
	vm8 =	vge.f32 v35, v54;
	v50 =	vsel vm5, v36, v34;
	v51 =	vsel vm5, v37, v51  }
0x51: {  	v60 =	vld [tilespmem:s15+$0x3B80];
	v36 =	vsel vm6, v40, v53;
	v37 =	vsel vm6, $0x30, v25;
	v53 =	vsel vm7, $0x32, v26  }
0x52: {  	v34 =	vld [tilespmem:s15+$0x3980];
	v35 =	vsel vm8, v35, v54;
	vm9 =	vge.f32 v57, v55;
	vm10 =	vge.f32 v36, v39  }
0x53: {  	v40 =	vld [tilespmem:s15+$0x3A00];
	vm13 =	vge.f32 v59, v56;
	v54 =	vsel vm9, v57, v55;
	v57 =	vsel vm8, $0x34, v27  }
0x54: {  	v55 =	vld [tilespmem:s15+$0x3B00];
	v61 =	vsel vm9, $0x36, v28;
	v36 =	vsel vm10, v36, v39;
	v37 =	vsel vm10, v37, v53  }
0x55: {  	vm8 =	vge.f32 v38, v42;
	vm9 =	vge.f32 v44, v46;
	vm11 =	vge.f32 v35, v54  }
0x56: {  	vm10 =	vge.f32 v48, v50;
	v39 =	vsel vm9, v45, v47;
	v35 =	vsel vm11, v35, v54  }
0x57: {  	v57 =	vsel vm11, v57, v61;
	vm12 =	vge.f32 v36, v35;
	vm14 =	vge.f32 v58, v34  }
0x58: {  	vm15 =	vge.f32 v40, v52;
	v53 =	vsel vm12, v36, v35;
	v54 =	vsel vm12, v37, v57  }
0x59: {  	v35 =	vsel vm13, v59, v56;
	v36 =	vsel vm13, $0x38, v29;
	vm4 =	vge.f32 v55, v60  }
0x5a: {  	v34 =	vsel vm14, v58, v34;
	v61 =	vsel vm15, v40, v52;
	v62 =	vsel vm4, v55, v60  }
0x5b: {  	v59 =	vsel vm14, $0x3A, v30;
	vm5 =	vge.f32 v35, v34;
	vm6 =	vge.f32 v61, v62  }
0x5c: {  	v63 =	vsel vm15, $0x3C, v31;
	v34 =	vsel vm5, v35, v34;
	v58 =	vsel vm6, v61, v62  }
0x5d: {  	v57 =	vsel vm4, $0x3E, v32;
	v36 =	vsel vm5, v36, v59;
	vm7 =	vge.f32 v34, v58  }
0x5e: {  	v35 =	vsel vm8, v41, v43;
	v59 =	vsel vm6, v63, v57;
	v52 =	vsel vm7, v34, v58  }
0x5f: {  	v60 =	vsel vm10, v48, v50;
	v55 =	vsel vm7, v36, v59;
	vm11 =	vge.f32 v53, v52  }
0x60: {  	v34 =	vsel vm8, v38, v42;
	v36 =	vsel vm9, v44, v46;
	v61 =	vsel vm11, v53, v52  }
0x61: {  	v62 =	vsel vm10, v49, v51;
	vm12 =	vge.f32 v34, v36;
	vm13 =	vge.f32 v60, v61  }
0x62: {  	v63 =	vsel vm11, v54, v55;
	v36 =	vsel vm12, v34, v36;
	v37 =	vsel vm13, v60, v61  }
0x63: {  	v58 =	vsel vm12, v35, v39;
	v59 =	vsel vm13, v62, v63;
	vm0 =	vge.f32 v36, v37  }
0x64: {  	v60 =	vmov s14;
	v34 =	vsel vm0, v58, v59  }
0x65: {  	v39 =	vshll.u32 v60, $0x3;
	v61 =	vshll.u32 v34, $0x7  }
0x66: {  	v35 =	vor.u32 s14, v0;
	v39 =	vand.u32 $0x400, v39;
	v62 =	vand.u32 $0x380, v61  }
0x67: {  	v40 =	vand.u32 $0x7F, v35;
	v63 =	vshll.u32 v34, $0x8;
	v56 =	vor.u32 v62, v39  }
0x68: {  	v57 =	vand.u32 $0x7FFFF800, v63;
	v56 =	vor.u32 v40, v56  }
0x69: {  	v56 =	vor.u32 v57, v56;
	v57 =	vor.u32 v39, v57  }
0x6a: {  	v57 =	vor.u32 v40, v57  }
0x6b: {  	v58 =	vor.u32 $0x80, v57  }
0x6c: {  	v59 =	vor.u32 $0x100, v57  }
0x6d: {  	v60 =	vor.u32 $0x180, v57  }
0x6e: {  	v62 =	vor.u32 $0x280, v57;
	[tilespmem:v56+s2+$0x0] =	vst.idx.msk $0xffff, v33  }
0x6f: {  	v63 =	vor.u32 $0x300, v57;
	v61 =	vld.idx.msk [tilespmem:v57+s2+$0x0], $0xffff  }
0x70: {  	v56 =	vor.u32 $0x200, v57;
	v58 =	vld.idx.msk [tilespmem:v58+s2+$0x0], $0xffff  }
0x71: {  	v57 =	vor.u32 $0x380, v57;
	v59 =	vld.idx.msk [tilespmem:v59+s2+$0x0], $0xffff  }
0x72: {  	v60 =	vld.idx.msk [tilespmem:v60+s2+$0x0], $0xffff  }
0x73: {  	v62 =	vld.idx.msk [tilespmem:v62+s2+$0x0], $0xffff  }
0x74: {  	v63 =	vld.idx.msk [tilespmem:v63+s2+$0x0], $0xffff  }
0x75: {  	v0 =	vand.u32 $0xFFFFFFF8, v34;
	v56 =	vld.idx.msk [tilespmem:v56+s2+$0x0], $0xffff  }
0x76: {  	v5 =	vor.u32 $0x7, v34;
	v4 =	vor.u32 $0x6, v0;
	vm9 =	veq.s32 v0, $0x0;
	v57 =	vld.idx.msk [tilespmem:v57+s2+$0x0], $0xffff  }
0x77: {  	vm10 =	veq.s32 v0, $0x8;
	vm11 =	veq.s32 v0, $0x10;
	vm12 =	veq.s32 v0, $0x18  }
0x78: {  	vm13 =	veq.s32 v0, $0x20;
	vm14 =	vge.f32 v61, v58;
	vm15 =	vge.f32 v59, v60  }
0x79: {  	vm1 =	vmneg vm14;
	v59 =	vsel vm15, v59, v60;
	v60 =	vsel vm15, $0x2, v2  }
0x7a: {  	vm14 =	veq.s32 v0, $0x28;
	v58 =	vsel vm1, v58, v61;
	v61 =	vsel vm1, $0x1, v1  }
0x7b: {  	vm4 =	vge.f32 v56, v62;
	vm6 =	vge.f32 v58, v59;
	vm5 =	vge.f32 v63, v57  }
0x7c: {  	v6 =	vsel vm4, $0x4, v3;
	v56 =	vsel vm4, v56, v62;
	v57 =	vsel vm5, v63, v57  }
0x7d: {  	v60 =	vsel vm6, v61, v60;
	v6 =	vor.u32 v6, v0;
	vm7 =	vge.f32 v56, v57  }
0x7e: {  	v4 =	vsel vm5, v4, v5;
	v5 =	vsel vm6, v58, v59;
	v56 =	vsel vm7, v56, v57  }
0x7f: {  	v61 =	vor.u32 v60, v0;
	v4 =	vsel vm7, v6, v4;
	vm8 =	vge.f32 v5, v56  }
0x80: {  	vm15 =	veq.s32 v0, $0x30;
	v5 =	vsel vm8, v5, v56;
	v4 =	vsel vm8, v61, v4  }
0x81: {  	vm4 =	veq.s32 v0, $0x38;
	v6 =	vsel vm9, v5, v38;
	v41 =	vsel vm9, v4, v41  }
0x82: {  	v56 =	vsel vm10, v5, v42;
	v57 =	vsel vm10, v4, v43;
	v44 =	vsel vm11, v5, v44  }
0x83: {  	v45 =	vsel vm11, v4, v45;
	v46 =	vsel vm12, v5, v46;
	v47 =	vsel vm12, v4, v47  }
0x84: {  	v48 =	vsel vm13, v5, v48;
	v49 =	vsel vm13, v4, v49;
	v50 =	vsel vm14, v5, v50  }
0x85: {  	v51 =	vsel vm14, v4, v51;
	v53 =	vsel vm15, v5, v53;
	v54 =	vsel vm15, v4, v54  }
0x86: {  	v0 =	vsel vm4, v5, v52;
	v4 =	vsel vm4, v4, v55;
	vm5 =	vge.f32 v6, v56  }
0x87: {  	vm6 =	vge.f32 v44, v46;
	vm7 =	vge.f32 v48, v50;
	vm3 =	vge.f32 v53, v0  }
0x88: {  	v5 =	vsel vm5, v6, v56;
	v38 =	vsel vm5, v41, v57;
	v42 =	vsel vm6, v44, v46  }
0x89: {  	v52 =	vsel vm6, v45, v47;
	v62 =	vsel vm7, v48, v50;
	v63 =	vsel vm3, v53, v0  }
0x8a: {  	v60 =	vsel vm7, v49, v51;
	vm8 =	vge.f32 v5, v42;
	vm9 =	vge.f32 v62, v63  }
0x8b: {  	v61 =	vsel vm3, v54, v4;
	v42 =	vsel vm8, v5, v42;
	v43 =	vsel vm9, v62, v63  }
0x8c: {  	v5 =	vsel vm8, v38, v52;
	v62 =	vsel vm9, v60, v61;
	vm1 =	vge.f32 v42, v43  }
0x8d: {  	v38 =	vsel vm1, v5, v62  }
0x8e: {  	v5 =	vshll.u32 v38, $0x7  }
0x8f: {  	v5 =	vand.u32 $0x380, v5  }
0x90: {  	v63 =	vshll.u32 v38, $0x8;
	v5 =	vor.u32 v5, v39  }
0x91: {  	v52 =	vand.u32 $0x7FFFF800, v63;
	v5 =	vor.u32 v40, v5  }
0x92: {  	v5 =	vor.u32 v52, v5;
	v52 =	vor.u32 v39, v52  }
0x93: {  	v52 =	vor.u32 v40, v52  }
0x94: {  	v55 =	vor.u32 $0x80, v52  }
0x95: {  	v58 =	vor.u32 $0x100, v52  }
0x96: {  	v59 =	vor.u32 $0x180, v52  }
0x97: {  	v61 =	vor.u32 $0x280, v52;
	[tilespmem:v5+s2+$0x0] =	vst.idx.msk $0xffff, v33  }
0x98: {  	v62 =	vor.u32 $0x300, v52;
	v60 =	vld.idx.msk [tilespmem:v52+s2+$0x0], $0xffff  }
0x99: {  	v5 =	vor.u32 $0x200, v52;
	v55 =	vld.idx.msk [tilespmem:v55+s2+$0x0], $0xffff  }
0x9a: {  	v52 =	vor.u32 $0x380, v52;
	v58 =	vld.idx.msk [tilespmem:v58+s2+$0x0], $0xffff  }
0x9b: {  	v59 =	vld.idx.msk [tilespmem:v59+s2+$0x0], $0xffff  }
0x9c: {  	v61 =	vld.idx.msk [tilespmem:v61+s2+$0x0], $0xffff  }
0x9d: {  	v62 =	vld.idx.msk [tilespmem:v62+s2+$0x0], $0xffff  }
0x9e: {  	v63 =	vand.u32 $0xFFFFFFF8, v38;
	v5 =	vld.idx.msk [tilespmem:v5+s2+$0x0], $0xffff  }
0x9f: {  	v8 =	vor.u32 $0x7, v38;
	v7 =	vor.u32 $0x6, v63;
	vm6 =	veq.s32 v63, $0x0;
	v52 =	vld.idx.msk [tilespmem:v52+s2+$0x0], $0xffff  }
0xa0: {  	vm7 =	veq.s32 v63, $0x8;
	vm8 =	veq.s32 v63, $0x10;
	vm10 =	vge.f32 v60, v55  }
0xa1: {  	vm9 =	veq.s32 v63, $0x18;
	vm11 =	vge.f32 v58, v59;
	vm2 =	vmneg vm10  }
0xa2: {  	v58 =	vsel vm11, v58, v59;
	v59 =	vsel vm11, $0x2, v2;
	vm10 =	veq.s32 v63, $0x20  }
0xa3: {  	vm11 =	veq.s32 v63, $0x28;
	v55 =	vsel vm2, v55, v60;
	v60 =	vsel vm2, $0x1, v1  }
0xa4: {  	vm12 =	vge.f32 v5, v61;
	vm14 =	vge.f32 v55, v58;
	vm13 =	vge.f32 v62, v52  }
0xa5: {  	v9 =	vsel vm12, $0x4, v3;
	v5 =	vsel vm12, v5, v61;
	v52 =	vsel vm13, v62, v52  }
0xa6: {  	v9 =	vor.u32 v9, v63;
	v7 =	vsel vm13, v7, v8;
	vm15 =	vge.f32 v5, v52  }
0xa7: {  	v8 =	vsel vm14, v55, v58;
	v58 =	vsel vm14, v60, v59;
	v5 =	vsel vm15, v5, v52  }
0xa8: {  	v59 =	vor.u32 v58, v63;
	v7 =	vsel vm15, v9, v7;
	vm5 =	vge.f32 v8, v5  }
0xa9: {  	vm12 =	veq.s32 v63, $0x30;
	v5 =	vsel vm5, v8, v5;
	v7 =	vsel vm5, v59, v7  }
0xaa: {  	vm13 =	veq.s32 v63, $0x38;
	v6 =	vsel vm6, v5, v6;
	v8 =	vsel vm6, v7, v41  }
0xab: {  	v9 =	vsel vm7, v5, v56;
	v52 =	vsel vm7, v7, v57;
	v44 =	vsel vm8, v5, v44  }
0xac: {  	v55 =	vsel vm8, v7, v45;
	v56 =	vsel vm9, v5, v46;
	v47 =	vsel vm9, v7, v47  }
0xad: {  	v48 =	vsel vm10, v5, v48;
	v49 =	vsel vm10, v7, v49;
	v50 =	vsel vm11, v5, v50  }
0xae: {  	v51 =	vsel vm11, v7, v51;
	v53 =	vsel vm12, v5, v53;
	v54 =	vsel vm12, v7, v54  }
0xaf: {  	v0 =	vsel vm13, v5, v0;
	v4 =	vsel vm13, v7, v4;
	vm14 =	vge.f32 v6, v9  }
0xb0: {  	vm15 =	vge.f32 v44, v56;
	vm8 =	vge.f32 v48, v50;
	vm4 =	vge.f32 v53, v0  }
0xb1: {  	v5 =	vsel vm14, v6, v9;
	v7 =	vsel vm14, v8, v52;
	v41 =	vsel vm15, v44, v56  }
0xb2: {  	v57 =	vsel vm15, v55, v47;
	v46 =	vsel vm8, v48, v50;
	v58 =	vsel vm4, v53, v0  }
0xb3: {  	v59 =	vsel vm8, v49, v51;
	vm9 =	vge.f32 v5, v41;
	vm10 =	vge.f32 v46, v58  }
0xb4: {  	v60 =	vsel vm4, v54, v4;
	v45 =	vsel vm9, v5, v41;
	v46 =	vsel vm10, v46, v58  }
0xb5: {  	v5 =	vsel vm9, v7, v57;
	v7 =	vsel vm10, v59, v60;
	vm2 =	vge.f32 v45, v46  }
0xb6: {  	v41 =	vsel vm2, v5, v7  }
0xb7: {  	v5 =	vshll.u32 v41, $0x7  }
0xb8: {  	v5 =	vand.u32 $0x380, v5  }
0xb9: {  	v7 =	vshll.u32 v41, $0x8;
	v5 =	vor.u32 v5, v39  }
0xba: {  	v7 =	vand.u32 $0x7FFFF800, v7;
	v5 =	vor.u32 v40, v5  }
0xbb: {  	v5 =	vor.u32 v7, v5;
	v7 =	vor.u32 v39, v7  }
0xbc: {  	v7 =	vor.u32 v40, v7  }
0xbd: {  	v57 =	vor.u32 $0x80, v7  }
0xbe: {  	v58 =	vor.u32 $0x100, v7  }
0xbf: {  	v59 =	vor.u32 $0x180, v7  }
0xc0: {  	v61 =	vor.u32 $0x280, v7;
	[tilespmem:v5+s2+$0x0] =	vst.idx.msk $0xffff, v33  }
0xc1: {  	v62 =	vor.u32 $0x300, v7;
	v60 =	vld.idx.msk [tilespmem:v7+s2+$0x0], $0xffff  }
0xc2: {  	v5 =	vor.u32 $0x200, v7;
	v57 =	vld.idx.msk [tilespmem:v57+s2+$0x0], $0xffff  }
0xc3: {  	v7 =	vor.u32 $0x380, v7;
	v58 =	vld.idx.msk [tilespmem:v58+s2+$0x0], $0xffff  }
0xc4: {  	v59 =	vld.idx.msk [tilespmem:v59+s2+$0x0], $0xffff  }
0xc5: {  	v61 =	vld.idx.msk [tilespmem:v61+s2+$0x0], $0xffff  }
0xc6: {  	v62 =	vld.idx.msk [tilespmem:v62+s2+$0x0], $0xffff  }
0xc7: {  	v63 =	vand.u32 $0xFFFFFFF8, v41;
	v5 =	vld.idx.msk [tilespmem:v5+s2+$0x0], $0xffff  }
0xc8: {  	v11 =	vor.u32 $0x7, v41;
	v10 =	vor.u32 $0x6, v63;
	vm10 =	veq.s32 v63, $0x0;
	v7 =	vld.idx.msk [tilespmem:v7+s2+$0x0], $0xffff  }
0xc9: {  	vm6 =	veq.s32 v63, $0x30;
	vm11 =	vge.f32 v60, v57;
	vm12 =	vge.f32 v58, v59  }
0xca: {  	vm7 =	veq.s32 v63, $0x38;
	vm3 =	vmneg vm11;
	v58 =	vsel vm12, v58, v59  }
0xcb: {  	v59 =	vsel vm12, $0x2, v2;
	vm11 =	veq.s32 v63, $0x8;
	vm12 =	veq.s32 v63, $0x10  }
0xcc: {  	v57 =	vsel vm3, v57, v60;
	v60 =	vsel vm3, $0x1, v1;
	vm13 =	vge.f32 v5, v61  }
0xcd: {  	vm15 =	vge.f32 v57, v58;
	v12 =	vsel vm13, $0x4, v3;
	vm14 =	vge.f32 v62, v7  }
0xce: {  	v5 =	vsel vm13, v5, v61;
	v60 =	vsel vm15, v60, v59;
	v7 =	vsel vm14, v62, v7  }
0xcf: {  	vm13 =	veq.s32 v63, $0x18;
	v12 =	vor.u32 v12, v63;
	vm8 =	vge.f32 v5, v7  }
0xd0: {  	v10 =	vsel vm14, v10, v11;
	v11 =	vsel vm15, v57, v58;
	v5 =	vsel vm8, v5, v7  }
0xd1: {  	v7 =	vor.u32 v60, v63;
	v10 =	vsel vm8, v12, v10;
	vm9 =	vge.f32 v11, v5  }
0xd2: {  	vm14 =	veq.s32 v63, $0x20;
	v5 =	vsel vm9, v11, v5;
	v7 =	vsel vm9, v7, v10  }
0xd3: {  	vm15 =	veq.s32 v63, $0x28;
	v6 =	vsel vm10, v5, v6;
	v8 =	vsel vm10, v7, v8  }
0xd4: {  	v9 =	vsel vm11, v5, v9;
	v10 =	vsel vm11, v7, v52;
	v11 =	vsel vm12, v5, v44  }
0xd5: {  	v12 =	vsel vm12, v7, v55;
	v52 =	vsel vm13, v5, v56;
	v47 =	vsel vm13, v7, v47  }
0xd6: {  	v55 =	vsel vm14, v5, v48;
	v56 =	vsel vm14, v7, v49;
	v50 =	vsel vm15, v5, v50  }
0xd7: {  	v51 =	vsel vm15, v7, v51;
	v53 =	vsel vm6, v5, v53;
	v54 =	vsel vm6, v7, v54  }
0xd8: {  	v0 =	vsel vm7, v5, v0;
	v4 =	vsel vm7, v7, v4;
	vm8 =	vge.f32 v6, v9  }
0xd9: {  	vm9 =	vge.f32 v11, v52;
	vm10 =	vge.f32 v55, v50;
	vm5 =	vge.f32 v53, v0  }
0xda: {  	v5 =	vsel vm8, v6, v9;
	v7 =	vsel vm8, v8, v10;
	v44 =	vsel vm9, v11, v52  }
0xdb: {  	v57 =	vsel vm9, v12, v47;
	v49 =	vsel vm10, v55, v50;
	v58 =	vsel vm5, v53, v0  }
0xdc: {  	v59 =	vsel vm10, v56, v51;
	vm11 =	vge.f32 v5, v44;
	vm12 =	vge.f32 v49, v58  }
0xdd: {  	v60 =	vsel vm5, v54, v4;
	v48 =	vsel vm11, v5, v44;
	v49 =	vsel vm12, v49, v58  }
0xde: {  	v5 =	vsel vm11, v7, v57;
	v7 =	vsel vm12, v59, v60;
	vm3 =	vge.f32 v48, v49  }
0xdf: {  	v44 =	vsel vm3, v5, v7  }
0xe0: {  	v5 =	vshll.u32 v44, $0x7  }
0xe1: {  	v5 =	vand.u32 $0x380, v5  }
0xe2: {  	v7 =	vshll.u32 v44, $0x8;
	v5 =	vor.u32 v5, v39  }
0xe3: {  	v7 =	vand.u32 $0x7FFFF800, v7;
	v5 =	vor.u32 v40, v5  }
0xe4: {  	v5 =	vor.u32 v7, v5;
	v7 =	vor.u32 v39, v7  }
0xe5: {  	v7 =	vor.u32 v40, v7  }
0xe6: {  	v57 =	vor.u32 $0x80, v7  }
0xe7: {  	v58 =	vor.u32 $0x100, v7  }
0xe8: {  	v59 =	vor.u32 $0x180, v7  }
0xe9: {  	v61 =	vor.u32 $0x280, v7;
	[tilespmem:v5+s2+$0x0] =	vst.idx.msk $0xffff, v33  }
0xea: {  	v5 =	vor.u32 $0x200, v7;
	v60 =	vld.idx.msk [tilespmem:v7+s2+$0x0], $0xffff  }
0xeb: {  	v62 =	vor.u32 $0x300, v7;
	v57 =	vld.idx.msk [tilespmem:v57+s2+$0x0], $0xffff  }
0xec: {  	v7 =	vor.u32 $0x380, v7;
	v58 =	vld.idx.msk [tilespmem:v58+s2+$0x0], $0xffff  }
0xed: {  	v59 =	vld.idx.msk [tilespmem:v59+s2+$0x0], $0xffff  }
0xee: {  	v61 =	vld.idx.msk [tilespmem:v61+s2+$0x0], $0xffff  }
0xef: {  	v5 =	vld.idx.msk [tilespmem:v5+s2+$0x0], $0xffff  }
0xf0: {  	v63 =	vand.u32 $0xFFFFFFF8, v44;
	v62 =	vld.idx.msk [tilespmem:v62+s2+$0x0], $0xffff  }
0xf1: {  	v14 =	vor.u32 $0x7, v44;
	v13 =	vor.u32 $0x6, v63;
	v7 =	vld.idx.msk [tilespmem:v7+s2+$0x0], $0xffff;
	vm13 =	vge.f32 v60, v57  }
0xf2: {  	vm12 =	veq.s32 v63, $0x0;
	vm14 =	vge.f32 v58, v59;
	vm4 =	vmneg vm13  }
0xf3: {  	v58 =	vsel vm14, v58, v59;
	v59 =	vsel vm14, $0x2, v2;
	vm13 =	veq.s32 v63, $0x8  }
0xf4: {  	vm14 =	veq.s32 v63, $0x10;
	v57 =	vsel vm4, v57, v60;
	vm15 =	vge.f32 v5, v61  }
0xf5: {  	v60 =	vsel vm4, $0x1, v1;
	vm9 =	vge.f32 v57, v58;
	v15 =	vsel vm15, $0x4, v3  }
0xf6: {  	vm8 =	vge.f32 v62, v7;
	v5 =	vsel vm15, v5, v61;
	v61 =	vsel vm9, v60, v59  }
0xf7: {  	vm15 =	veq.s32 v63, $0x18;
	v15 =	vor.u32 v15, v63;
	v7 =	vsel vm8, v62, v7  }
0xf8: {  	v13 =	vsel vm8, v13, v14;
	v14 =	vsel vm9, v57, v58;
	vm10 =	vge.f32 v5, v7  }
0xf9: {  	vm8 =	veq.s32 v63, $0x20;
	vm9 =	veq.s32 v63, $0x28;
	v5 =	vsel vm10, v5, v7  }
0xfa: {  	v7 =	vor.u32 v61, v63;
	v13 =	vsel vm10, v15, v13;
	vm11 =	vge.f32 v14, v5  }
0xfb: {  	vm10 =	veq.s32 v63, $0x30;
	v5 =	vsel vm11, v14, v5;
	v7 =	vsel vm11, v7, v13  }
0xfc: {  	vm11 =	veq.s32 v63, $0x38;
	v6 =	vsel vm12, v5, v6;
	v8 =	vsel vm12, v7, v8  }
0xfd: {  	v9 =	vsel vm13, v5, v9;
	v10 =	vsel vm13, v7, v10;
	v11 =	vsel vm14, v5, v11  }
0xfe: {  	v12 =	vsel vm14, v7, v12;
	v13 =	vsel vm15, v5, v52;
	v14 =	vsel vm15, v7, v47  }
0xff: {  	v15 =	vsel vm8, v5, v55;
	v55 =	vsel vm8, v7, v56;
	v50 =	vsel vm9, v5, v50  }
0x100: {  	v56 =	vsel vm9, v7, v51;
	v53 =	vsel vm10, v5, v53;
	v54 =	vsel vm10, v7, v54  }
0x101: {  	v0 =	vsel vm11, v5, v0;
	v4 =	vsel vm11, v7, v4;
	vm12 =	vge.f32 v6, v9  }
0x102: {  	vm13 =	vge.f32 v11, v13;
	vm14 =	vge.f32 v15, v50;
	vm6 =	vge.f32 v53, v0  }
0x103: {  	v5 =	vsel vm12, v6, v9;
	v7 =	vsel vm12, v8, v10;
	v47 =	vsel vm13, v11, v13  }
0x104: {  	v57 =	vsel vm13, v12, v14;
	v52 =	vsel vm14, v15, v50;
	v58 =	vsel vm6, v53, v0  }
0x105: {  	v59 =	vsel vm14, v55, v56;
	vm15 =	vge.f32 v5, v47;
	vm8 =	vge.f32 v52, v58  }
0x106: {  	v60 =	vsel vm6, v54, v4;
	v51 =	vsel vm15, v5, v47;
	v52 =	vsel vm8, v52, v58  }
0x107: {  	v5 =	vsel vm15, v7, v57;
	v7 =	vsel vm8, v59, v60;
	vm4 =	vge.f32 v51, v52  }
0x108: {  	v47 =	vsel vm4, v5, v7  }
0x109: {  	v5 =	vshll.u32 v47, $0x7  }
0x10a: {  	v5 =	vand.u32 $0x380, v5  }
0x10b: {  	v7 =	vshll.u32 v47, $0x8;
	v5 =	vor.u32 v5, v39  }
0x10c: {  	v7 =	vand.u32 $0x7FFFF800, v7;
	v5 =	vor.u32 v40, v5  }
0x10d: {  	v5 =	vor.u32 v7, v5;
	v7 =	vor.u32 v39, v7  }
0x10e: {  	v7 =	vor.u32 v40, v7  }
0x10f: {  	v57 =	vor.u32 $0x80, v7  }
0x110: {  	v58 =	vor.u32 $0x100, v7  }
0x111: {  	v59 =	vor.u32 $0x180, v7  }
0x112: {  	v61 =	vor.u32 $0x280, v7;
	[tilespmem:v5+s2+$0x0] =	vst.idx.msk $0xffff, v33  }
0x113: {  	v5 =	vor.u32 $0x200, v7;
	v60 =	vld.idx.msk [tilespmem:v7+s2+$0x0], $0xffff  }
0x114: {  	v62 =	vor.u32 $0x300, v7;
	v57 =	vld.idx.msk [tilespmem:v57+s2+$0x0], $0xffff  }
0x115: {  	v7 =	vor.u32 $0x380, v7;
	v58 =	vld.idx.msk [tilespmem:v58+s2+$0x0], $0xffff  }
0x116: {  	v59 =	vld.idx.msk [tilespmem:v59+s2+$0x0], $0xffff  }
0x117: {  	v61 =	vld.idx.msk [tilespmem:v61+s2+$0x0], $0xffff  }
0x118: {  	v5 =	vld.idx.msk [tilespmem:v5+s2+$0x0], $0xffff  }
0x119: {  	v63 =	vand.u32 $0xFFFFFFF8, v47;
	v62 =	vld.idx.msk [tilespmem:v62+s2+$0x0], $0xffff  }
0x11a: {  	v17 =	vor.u32 $0x7, v47;
	v16 =	vor.u32 $0x6, v63;
	v7 =	vld.idx.msk [tilespmem:v7+s2+$0x0], $0xffff;
	vm9 =	vge.f32 v60, v57  }
0x11b: {  	vm8 =	veq.s32 v63, $0x0;
	vm10 =	vge.f32 v58, v59;
	vm5 =	vmneg vm9  }
0x11c: {  	v58 =	vsel vm10, v58, v59;
	v59 =	vsel vm10, $0x2, v2;
	vm9 =	veq.s32 v63, $0x8  }
0x11d: {  	vm10 =	veq.s32 v63, $0x10;
	v57 =	vsel vm5, v57, v60;
	vm11 =	vge.f32 v5, v61  }
0x11e: {  	v60 =	vsel vm5, $0x1, v1;
	vm13 =	vge.f32 v57, v58;
	v18 =	vsel vm11, $0x4, v3  }
0x11f: {  	vm12 =	vge.f32 v62, v7;
	v5 =	vsel vm11, v5, v61;
	vm11 =	veq.s32 v63, $0x18  }
0x120: {  	v18 =	vor.u32 v18, v63;
	v7 =	vsel vm12, v62, v7;
	v16 =	vsel vm12, v16, v17  }
0x121: {  	v17 =	vsel vm13, v57, v58;
	v62 =	vsel vm13, v60, v59;
	vm14 =	vge.f32 v5, v7  }
0x122: {  	vm12 =	veq.s32 v63, $0x20;
	vm13 =	veq.s32 v63, $0x28;
	v5 =	vsel vm14, v5, v7  }
0x123: {  	v7 =	vor.u32 v62, v63;
	v16 =	vsel vm14, v18, v16;
	vm15 =	vge.f32 v17, v5  }
0x124: {  	vm14 =	veq.s32 v63, $0x30;
	v5 =	vsel vm15, v17, v5;
	v7 =	vsel vm15, v7, v16  }
0x125: {  	vm15 =	veq.s32 v63, $0x38;
	v6 =	vsel vm8, v5, v6;
	v8 =	vsel vm8, v7, v8  }
0x126: {  	v9 =	vsel vm9, v5, v9;
	v10 =	vsel vm9, v7, v10;
	v11 =	vsel vm10, v5, v11  }
0x127: {  	v12 =	vsel vm10, v7, v12;
	v13 =	vsel vm11, v5, v13;
	v14 =	vsel vm11, v7, v14  }
0x128: {  	v15 =	vsel vm12, v5, v15;
	v16 =	vsel vm12, v7, v55;
	v17 =	vsel vm13, v5, v50  }
0x129: {  	v18 =	vsel vm13, v7, v56;
	v59 =	vsel vm14, v5, v53;
	v60 =	vsel vm14, v7, v54  }
0x12a: {  	v0 =	vsel vm15, v5, v0;
	v4 =	vsel vm15, v7, v4;
	vm8 =	vge.f32 v6, v9  }
0x12b: {  	vm9 =	vge.f32 v11, v13;
	vm10 =	vge.f32 v15, v17;
	vm7 =	vge.f32 v59, v0  }
0x12c: {  	v5 =	vsel vm8, v6, v9;
	v7 =	vsel vm8, v8, v10;
	v63 =	vsel vm9, v11, v13  }
0x12d: {  	v53 =	vsel vm9, v12, v14;
	v54 =	vsel vm10, v15, v17;
	v55 =	vsel vm7, v59, v0  }
0x12e: {  	v56 =	vsel vm10, v16, v18;
	vm11 =	vge.f32 v5, v63;
	vm12 =	vge.f32 v54, v55  }
0x12f: {  	v57 =	vsel vm7, v60, v4;
	v62 =	vsel vm11, v5, v63;
	v63 =	vsel vm12, v54, v55  }
0x130: {  	v5 =	vsel vm11, v7, v53;
	v7 =	vsel vm12, v56, v57;
	vm5 =	vge.f32 v62, v63  }
0x131: {  	v50 =	vsel vm5, v5, v7  }
0x132: {  	v5 =	vshll.u32 v50, $0x7  }
0x133: {  	v5 =	vand.u32 $0x380, v5  }
0x134: {  	v7 =	vshll.u32 v50, $0x8;
	v5 =	vor.u32 v5, v39  }
0x135: {  	v7 =	vand.u32 $0x7FFFF800, v7;
	v5 =	vor.u32 v40, v5  }
0x136: {  	v5 =	vor.u32 v7, v5;
	v7 =	vor.u32 v39, v7  }
0x137: {  	v7 =	vor.u32 v40, v7  }
0x138: {  	v61 =	vor.u32 $0x80, v7  }
0x139: {  	v54 =	vor.u32 $0x100, v7  }
0x13a: {  	v55 =	vor.u32 $0x180, v7  }
0x13b: {  	v57 =	vor.u32 $0x280, v7;
	[tilespmem:v5+s2+$0x0] =	vst.idx.msk $0xffff, v33  }
0x13c: {  	v5 =	vor.u32 $0x200, v7;
	v56 =	vld.idx.msk [tilespmem:v7+s2+$0x0], $0xffff  }
0x13d: {  	v53 =	vld.idx.msk [tilespmem:v61+s2+$0x0], $0xffff;
	v61 =	vor.u32 $0x300, v7  }
0x13e: {  	v54 =	vld.idx.msk [tilespmem:v54+s2+$0x0], $0xffff;
	v7 =	vor.u32 $0x380, v7  }
0x13f: {  	v55 =	vld.idx.msk [tilespmem:v55+s2+$0x0], $0xffff  }
0x140: {  	v57 =	vld.idx.msk [tilespmem:v57+s2+$0x0], $0xffff  }
0x141: {  	v5 =	vld.idx.msk [tilespmem:v5+s2+$0x0], $0xffff  }
0x142: {  	v58 =	vld.idx.msk [tilespmem:v61+s2+$0x0], $0xffff  }
0x143: {  	v7 =	vld.idx.msk [tilespmem:v7+s2+$0x0], $0xffff;
	vm13 =	vge.f32 v56, v53  }
0x144: {  	v61 =	vand.u32 $0xFFFFFFF8, v50;
	vm14 =	vge.f32 v54, v55;
	vm6 =	vmneg vm13  }
0x145: {  	v54 =	vsel vm14, v54, v55;
	v55 =	vor.u32 $0x6, v61;
	vm11 =	veq.s32 v61, $0x0  }
0x146: {  	vm12 =	veq.s32 v61, $0x8;
	vm13 =	veq.s32 v61, $0x10;
	v53 =	vsel vm6, v53, v56  }
0x147: {  	v56 =	vor.u32 $0x7, v50;
	vm8 =	vge.f32 v5, v57;
	vm15 =	vge.f32 v53, v54  }
0x148: {  	v5 =	vsel vm8, v5, v57;
	v57 =	vsel vm6, $0x1, v1;
	vm9 =	vge.f32 v58, v7  }
0x149: {  	v53 =	vsel vm15, v53, v54;
	v7 =	vsel vm9, v58, v7;
	v58 =	vsel vm14, $0x2, v2  }
0x14a: {  	v55 =	vsel vm9, v55, v56;
	v56 =	vsel vm8, $0x4, v3;
	vm14 =	veq.s32 v61, $0x18  }
0x14b: {  	v56 =	vor.u32 v56, v61;
	vm9 =	vge.f32 v5, v7;
	v57 =	vsel vm15, v57, v58  }
0x14c: {  	vm15 =	veq.s32 v61, $0x20;
	v5 =	vsel vm9, v5, v7;
	v7 =	vor.u32 v57, v61  }
0x14d: {  	v58 =	vsel vm9, v56, v55;
	vm9 =	veq.s32 v61, $0x28;
	vm10 =	vge.f32 v53, v5  }
0x14e: {  	v5 =	vsel vm10, v53, v5;
	v7 =	vsel vm10, v7, v58;
	vm10 =	veq.s32 v61, $0x30  }
0x14f: {  	v6 =	vsel vm11, v5, v6;
	v53 =	vsel vm11, v7, v8;
	v8 =	vsel vm12, v5, v9  }
0x150: {  	v54 =	vsel vm12, v7, v10;
	v9 =	vsel vm13, v5, v11;
	v55 =	vsel vm13, v7, v12  }
0x151: {  	v10 =	vsel vm14, v5, v13;
	v56 =	vsel vm14, v7, v14;
	v11 =	vsel vm15, v5, v15  }
0x152: {  	v57 =	vsel vm15, v7, v16;
	v12 =	vsel vm9, v5, v17;
	v58 =	vsel vm9, v7, v18  }
0x153: {  	v13 =	vsel vm10, v5, v59;
	v59 =	vsel vm10, v7, v60;
	vm11 =	veq.s32 v61, $0x38  }
0x154: {  	v0 =	vsel vm11, v5, v0;
	v60 =	vsel vm11, v7, v4;
	vm12 =	vge.f32 v6, v8  }
0x155: {  	vm13 =	vge.f32 v9, v10;
	vm14 =	vge.f32 v11, v12;
	v4 =	vsel vm12, v6, v8  }
0x156: {  	v5 =	vsel vm12, v53, v54;
	v7 =	vsel vm13, v9, v10;
	vm15 =	vge.f32 v13, v0  }
0x157: {  	v14 =	vsel vm13, v55, v56;
	v15 =	vsel vm14, v11, v12;
	v16 =	vsel vm15, v13, v0  }
0x158: {  	v17 =	vsel vm14, v57, v58;
	vm12 =	vge.f32 v4, v7;
	vm13 =	vge.f32 v15, v16  }
0x159: {  	v18 =	vsel vm15, v59, v60;
	v4 =	vsel vm12, v4, v7;
	v7 =	vsel vm13, v15, v16  }
0x15a: {  	v5 =	vsel vm12, v5, v14;
	v14 =	vsel vm13, v17, v18;
	vm7 =	vge.f32 v4, v7  }
0x15b: {  	v61 =	vsel vm7, v5, v14  }
0x15c: {  	v5 =	vshll.u32 v61, $0x7  }
0x15d: {  	v5 =	vand.u32 $0x380, v5  }
0x15e: {  	v14 =	vshll.u32 v61, $0x8;
	v5 =	vor.u32 v5, v39  }
0x15f: {  	v14 =	vand.u32 $0x7FFFF800, v14;
	v5 =	vor.u32 v40, v5  }
0x160: {  	v5 =	vor.u32 v14, v5;
	v14 =	vor.u32 v39, v14  }
0x161: {  	v14 =	vor.u32 v40, v14  }
0x162: {  	v15 =	vor.u32 $0x80, v14  }
0x163: {  	v16 =	vor.u32 $0x100, v14  }
0x164: {  	v17 =	vor.u32 $0x180, v14  }
0x165: {  	v39 =	vor.u32 $0x280, v14;
	[tilespmem:v5+s2+$0x0] =	vst.idx.msk $0xffff, v33  }
0x166: {  	v40 =	vor.u32 $0x300, v14;
	v18 =	vld.idx.msk [tilespmem:v14+s2+$0x0], $0xffff  }
0x167: {  	v5 =	vor.u32 $0x200, v14;
	v15 =	vld.idx.msk [tilespmem:v15+s2+$0x0], $0xffff  }
0x168: {  	v14 =	vor.u32 $0x380, v14;
	v16 =	vld.idx.msk [tilespmem:v16+s2+$0x0], $0xffff  }
0x169: {  	v17 =	vld.idx.msk [tilespmem:v17+s2+$0x0], $0xffff  }
0x16a: {  	v39 =	vld.idx.msk [tilespmem:v39+s2+$0x0], $0xffff  }
0x16b: {  	v40 =	vld.idx.msk [tilespmem:v40+s2+$0x0], $0xffff  }
0x16c: {  	v36 =	vsel vm0, v36, v37;
	v37 =	vsel vm1, v42, v43;
	v5 =	vld.idx.msk [tilespmem:v5+s2+$0x0], $0xffff  }
0x16d: {  	v46 =	vsel vm2, v45, v46;
	v4 =	vsel vm7, v4, v7;
	v7 =	vand.u32 $0xFFFFFFF8, v61;
	v14 =	vld.idx.msk [tilespmem:v14+s2+$0x0], $0xffff  }
0x16e: {  	v49 =	vsel vm3, v48, v49;
	vm8 =	veq.s32 v7, $0x0;
	vm14 =	vge.f32 v18, v15  }
0x16f: {  	vm9 =	veq.s32 v7, $0x8;
	vm7 =	veq.s32 v7, $0x10;
	vm13 =	vmneg vm14  }
0x170: {  	vm15 =	vge.f32 v16, v17;
	v15 =	vsel vm13, v15, v18;
	v18 =	vimm.s32 $0x0  }
0x171: {  	vm11 =	veq.s32 v7, $0x28;
	v16 =	vsel vm15, v16, v17;
	v18 =	vsel vm15, $0xFFFFFFFF, v18  }
0x172: {  	vm6 =	vge.f32 v5, v39;
	vm0 =	vge.f32 v15, v16;
	vm10 =	vge.f32 v40, v14  }
0x173: {  	[tilespmem:$0x1FFA0] =	vst v18;
	v5 =	vsel vm6, v5, v39;
	v18 =	vimm.s32 $0x0;
	v14 =	vsel vm10, v40, v14  }
0x174: {  	v17 =	vsel vm4, v51, v52;
	v18 =	vsel vm0, $0xFFFFFFFF, v18;
	vm4 =	vge.f32 v5, v14  }
0x175: {  	v15 =	vsel vm0, v15, v16;
	[tilespmem:$0x1FFB0] =	vst v18;
	v18 =	vimm.s32 $0x0;
	v5 =	vsel vm4, v5, v14  }
0x176: {  	v18 =	vsel vm4, $0xFFFFFFFF, v18;
	v14 =	vimm.s32 $0x0;
	vm0 =	vge.f32 v15, v5  }
0x177: {  	vm12 =	veq.s32 v7, $0x30;
	vm14 =	veq.s32 v7, $0x38;
	[tilespmem:$0x1FFC0] =	vst v18;
	v14 =	vsel vm0, $0xFFFFFFFF, v14  }
0x178: {  	v18 =	vsel vm5, v62, v63;
	v5 =	vsel vm0, v15, v5;
	[tilespmem:$0x1FFD0] =	vst v14;
	v14 =	vimm.s32 $0x0  }
0x179: {  	v15 =	vsub.f32 v37, v36;
	v6 =	vsel vm8, v5, v6;
	v14 =	vsel vm8, $0xFFFFFFFF, v14  }
0x17a: {  	v8 =	vsel vm9, v5, v8;
	v9 =	vsel vm7, v5, v9;
	[tilespmem:$0x1FFE0] =	vst v14;
	v14 =	vimm.s32 $0x0  }
0x17b: {  	v12 =	vsel vm11, v5, v12;
	v13 =	vsel vm12, v5, v13;
	v14 =	vsel vm9, $0xFFFFFFFF, v14  }
0x17c: {  	v0 =	vsel vm14, v5, v0;
	vm8 =	veq.s32 v7, $0x20;
	[tilespmem:$0x1FFF0] =	vst v14;
	v14 =	vsub.f32 v36, v36  }
0x17d: {  	vm15 =	vge.f32 v6, v8;
	vm3 =	vge.f32 v13, v0;
	vm9 =	veq.s32 v7, $0x18  }
0x17e: {  	v11 =	vsel vm8, v5, v11;
	v10 =	vsel vm9, v5, v10;
	v5 =	vmul.f32 $1.442695020e+00, v14  }
0x17f: {  	v6 =	vsel vm15, v6, v8;
	v8 =	vmul.f32 $1.442695020e+00, v15;
	v14 =	vsub.f32 v46, v36  }
0x180: {  	vm4 =	vge.f32 v11, v12;
	(erf) = vpow2.f32 v5;
	v5 =	vsub.f32 v49, v36  }
0x181: {  	vm5 =	vge.f32 v9, v10;
	(erf) = vpow2.f32 v8;
	v8 =	vmul.f32 $1.442695020e+00, v14  }
0x182: {  	v9 =	vsel vm5, v9, v10;
	v10 =	vsub.f32 v17, v36;
	v5 =	vmul.f32 $1.442695020e+00, v5  }
0x183: {  	v0 =	vsel vm3, v13, v0;
	v11 =	vsel vm4, v11, v12;
	(erf) = vpow2.f32 v8  }
0x184: {  	v8 =	vsub.f32 v18, v36;
	(erf) = vpow2.f32 v5;
	v5 =	vmul.f32 $1.442695020e+00, v10  }
0x185: {  	vm1 =	vge.f32 v11, v0;
	vm2 =	vge.f32 v6, v9  }
0x186: {  	v6 =	vsel vm2, v6, v9;
	(erf) = vpow2.f32 v5;
	v5 =	vmul.f32 $1.442695020e+00, v8  }
0x187: {  	v4 =	vsub.f32 v4, v36;
	v0 =	vsel vm1, v11, v0  }
0x188: {  	vm0 =	vge.f32 v6, v0  }
0x189: {  	v4 =	vmul.f32 $1.442695020e+00, v4;
	v0 =	vsel vm0, v6, v0;
	v6 =	vpop (erf)  }
0x18a: {  	v0 =	vsub.f32 v0, v36;
	(erf) = vpow2.f32 v5;
	v5 =	vpop (erf)  }
0x18b: {  	(erf) = vpow2.f32 v4;
	v4 =	vadd.f32 v5, v6  }
0x18c: {  	v0 =	vmul.f32 $1.442695020e+00, v0  }
0x18d: {  	v8 =	vpop (erf)  }
0x18e: {  	(erf) = vpow2.f32 v0;
	v0 =	vadd.f32 v8, v4  }
0x18f: {  	v4 =	vpop (erf)  }
0x190: {  	v0 =	vadd.f32 v4, v0  }
0x191: {  	v9 =	vpop (erf)  }
0x192: {  	v0 =	vadd.f32 v9, v0  }
0x193: {  	v10 =	vpop (erf)  }
0x194: {  	v0 =	vadd.f32 v10, v0  }
0x195: {  	v11 =	vpop (erf)  }
0x196: {  	v0 =	vadd.f32 v11, v0  }
0x197: {  	v12 =	vpop (erf)  }
0x198: {  	v0 =	vadd.f32 v12, v0;
	_ =	sdelay $0x1  }
0x199: {  	(erf) = vrcp.f32 v0;
	_ =	sdelay $0x6  }
0x19a: {  	v0 =	vshll.u32 v35, $0x3;
	_ =	sdelay $0x1  }
0x19b: {  	v14 =	vor.u32 $0x1, v0;
	v13 =	vpop (erf)  }
0x19c: {  	v6 =	vmul.f32 v13, v6  }
0x19d: {  	v15 =	vor.u32 $0x2, v0  }
0x19e: {  	v17 =	vld [tilespmem:$0x1FFA0];
	v5 =	vmul.f32 v13, v5;
	[tilespmem:v0+s10+$0x0] =	vst.idx.msk $0xffff, v6  }
0x19f: {  	v62 =	vld [tilespmem:$0x1FFB0];
	[tilespmem:v0+s11+$0x0] =	vst.idx.msk $0xffff, v34  }
0x1a0: {  	v63 =	vld [tilespmem:$0x1FFC0];
	v6 =	vor.u32 $0x3, v0;
	[tilespmem:v14+s10+$0x0] =	vst.idx.msk $0xffff, v5;
	v5 =	vmul.f32 v13, v8  }
0x1a1: {  	[tilespmem:v14+s11+$0x0] =	vst.idx.msk $0xffff, v38  }
0x1a2: {  	v16 =	vor.u32 $0x6, v7;
	v4 =	vmul.f32 v13, v4;
	[tilespmem:v15+s10+$0x0] =	vst.idx.msk $0xffff, v5;
	v5 =	vor.u32 $0x7, v61  }
0x1a3: {  	v8 =	vsel vm13, $0x1, v1;
	v5 =	vsel vm10, v16, v5;
	vm10 =	vnez.u8 v17  }
0x1a4: {  	vm13 =	vnez.u8 v62;
	v16 =	vsel vm6, $0x4, v3;
	[tilespmem:v15+s11+$0x0] =	vst.idx.msk $0xffff, v41;
	v17 =	vsel vm10, $0x2, v2  }
0x1a5: {  	[tilespmem:v6+s10+$0x0] =	vst.idx.msk $0xffff, v4;
	v4 =	vor.u32 v16, v7;
	vm10 =	vnez.u8 v63;
	v8 =	vsel vm13, v8, v17  }
0x1a6: {  	v14 =	vor.u32 $0x4, v0;
	v4 =	vsel vm10, v4, v5;
	v5 =	vor.u32 v8, v7;
	v7 =	vld [tilespmem:$0x1FFD0];
	_ =	sdelay $0x1  }
0x1a7: {  	v15 =	vor.u32 $0x5, v0  }
0x1a8: {  	v9 =	vmul.f32 v13, v9  }
0x1a9: {  	[tilespmem:v6+s11+$0x0] =	vst.idx.msk $0xffff, v44  }
0x1aa: {  	v6 =	vmul.f32 v13, v10;
	[tilespmem:v14+s10+$0x0] =	vst.idx.msk $0xffff, v9;
	vm13 =	vnez.u8 v7;
	v7 =	vld [tilespmem:$0x1FFF0]  }
0x1ab: {  	[tilespmem:v14+s11+$0x0] =	vst.idx.msk $0xffff, v47;
	v4 =	vsel vm13, v5, v4;
	v5 =	vld [tilespmem:$0x1FFE0]  }
0x1ac: {  	[tilespmem:v15+s10+$0x0] =	vst.idx.msk $0xffff, v6;
	v6 =	vor.u32 $0x6, v0  }
0x1ad: {  	v18 =	vimm.s32 $0x23;
	v11 =	vmul.f32 v13, v11;
	v16 =	vimm.s32 $0x1F  }
0x1ae: {  	v17 =	vimm.s32 $0x21;
	v0 =	vor.u32 $0x7, v0;
	v8 =	vsel vm7, v4, v55  }
0x1af: {  	v9 =	vsel vm9, v4, v56;
	v10 =	vsel vm8, v4, v57;
	v14 =	vsel vm11, v4, v58  }
0x1b0: {  	[tilespmem:v15+s11+$0x0] =	vst.idx.msk $0xffff, v50;
	v15 =	vsel vm12, v4, v59;
	vm13 =	vnez.u8 v7;
	vm10 =	vnez.u8 v5  }
0x1b1: {  	[tilespmem:v6+s10+$0x0] =	vst.idx.msk $0xffff, v11;
	v11 =	vimm.s32 $0x15;
	v7 =	vsel vm13, v4, v54;
	v5 =	vsel vm10, v4, v53  }
0x1b2: {  	[tilespmem:v6+s11+$0x0] =	vst.idx.msk $0xffff, v61;
	v6 =	vimm.s32 $0xB;
	v4 =	vsel vm14, v4, v60;
	v5 =	vsel vm15, v5, v7  }
0x1b3: {  	p0 =	sne.s32 s14, $0xF0;
	v7 =	vsel vm5, v8, v9;
	v8 =	vsel vm4, v10, v14;
	v14 =	vimm.s32 $0x1B  }
.Ltmp0:
0x1b4: {  	v10 =	vimm.s32 $0x13;
	v4 =	vsel vm3, v15, v4;
	v15 =	vimm.s32 $0x1D;
	(pc) =	sbr.rel @p0 .LBB2_2-.Ltmp0, $4  }
0x1b5: {  	v9 =	vmul.f32 v13, v12;
	v13 =	vimm.s32 $0x19;
	v12 =	vimm.s32 $0x17  }
0x1b6: {  	v5 =	vsel vm2, v5, v7;
	v7 =	vimm.s32 $0xD;
	v4 =	vsel vm1, v8, v4  }
0x1b7: {  	v8 =	vimm.s32 $0xF;
	v4 =	vsel vm0, v5, v4;
	v5 =	vimm.s32 $0x9;
	[tilespmem:v0+s10+$0x0] =	vst.idx.msk $0xffff, v9  }
0x1b8: {  	s13 =	sadd.s32 $0x80, s13;
	s14 =	sadd.s32 $0x10, s14;
	v9 =	vimm.s32 $0x11;
	[tilespmem:v0+s11+$0x0] =	vst.idx.msk $0xffff, v4;
	v4 =	vimm.s32 $0x7;
	v0 =	vlaneseq.u32  }
0x1b9: {  	[hbm4b:s4+s2] =	stream.linear.scatter [tilespmem:s10], [sflag:$0x1], $0x800, $0x38;
	[tilespmem:$0x5000] =	vst v63  }
0x1ba: {  	s12 =	sadd.s32 $0x1, s12;
	_ =	swait.ge [sflag:s9], $0x800  }
0x1bb: {  	p0 =	sne.s32 s12, s6;
	[sflag:s9] =	ssyncset.done $0x0  }
.Ltmp1:
0x1bc: {  	[sflag:s9] =	ssyncadd.s32 $0xFFFFF800;
	(pc) =	sbr.rel @p0 .LBB2_1-.Ltmp1, $4  }
0x1bd: {  	[hbm4b:s5+s2] =	stream.linear.scatter [tilespmem:s11], [sflag:$0x1], $0x800, $0x38;
	[tilespmem:$0x5000] =	vst v63  }
0x1be: {  	_ =	swait.ge [sflag:s9], $0x800  }
0x1bf: {  	[sflag:s9] =	ssyncset.done $0x0  }
0x1c0: {  	[sflag:s9] =	ssyncadd.s32 $0xFFFFF800  }
0x1c1: {  	_ =	sfence.sel $0x180000  }
0x1c2: {  	[bflag:$0x0] =	sbarrier.arrive $0xFFFF  }
0x1c3: {  	p0 =	sne.s32 s0, $0x0;
	_ =	strace $0x9000004A  }
0x1c4: {  	s0 =	sadd.s32 @!p0 $0x100000, s1;
	[bflag:$0x2] =	sbarrier.arrive $0xFFFF  }
0x1c5: {  	[sflag:s0] =	ssyncadd.tile.s32 @!p0 $0x1;
	_ =	shalt  }
.Lfunc_end2:
_tile_overlayer_lowered:
.L_overlay_start_2:
0x1c6: {  	(tag) =	ssettag $0x2  }
0x1c7: {  	s0 =	rddreg [dreg:$0x0];
	s2 =	stileid.u32  }
0x1c8: {  	s1 =	rddreg [dreg:$0x1];
	p0 =	sne.s32 s2, $0x0  }
0x1c9: {  	s3 =	rddreg [dreg:$0x2];
	[bflag:$0x3] =	sbarrier.arrive $0xFFFF;
	s2 =	simm.s32 @!p0 $0x1C01  }
0x1ca: {  	[timem:s3], [sflag:s2] =	dma.local @!p0 [hbm:s0], s1  }
0x1cb: {  	s0 =	simm.s32 @!p0 $0x1  }
0x1cc: {  	_ =	swait.ge @!p0 [sflag:s0], s1  }
0x1cd: {  	s1 =	ssub.s32 @!p0 $0x0, s1;
	[sflag:s0] =	ssyncset.done @!p0 $0x0  }
0x1ce: {  	[sflag:s0] =	ssyncadd.s32 @!p0 s1  }
0x1cf: {  	[bflag:$0x3] =	sbarrier.arrive $0xFFFF  }
0x1d0: {  	_ =	shalt  }

</sc_bundles>
